<compile_context>
chip_gen: v7x
topology: tpu7x:2x2x1
jax: 0.10.2.dev20260603
libtpu: 0.0.44.dev20260713+nightly
codegen_flags: <defaults>
</compile_context>

<pallas_src>
import functools
import jax
import jax.numpy as jnp
from jax import lax
from jax.experimental import pallas as pl
from jax.experimental.pallas import tpu as pltpu
from jax.experimental.pallas import tpu_sc as plsc

_B, _S, _D = 2, 2048, 1024
_E = 8
_F = 1024
_ACTIVE_K = 8
_BS = _B * _S
_NSEL = _B * _ACTIVE_K

_TSG = 1024
_NGG = _BS // _TSG
_HC = 512
_CPE = 4
_NES = _E * _CPE
_TSO = 512
_NSC = _BS // _TSO
_RING = 8
_LEAD = 4
_NW = 16
_CHUNK = _BS // _NW
_BIG = 1 << 30


def _top2_gs(logits):
    m = jnp.max(logits, axis=-1, keepdims=True)
    p = jnp.exp(logits - m)
    p = p / jnp.sum(p, axis=-1, keepdims=True)
    eidx = jax.lax.broadcasted_iota(jnp.int32, p.shape, 1)
    m1 = jnp.max(p, axis=-1, keepdims=True)
    i1 = jnp.min(jnp.where(p == m1, eidx, _E), axis=-1, keepdims=True)
    p2 = jnp.where(eidx == i1, -jnp.inf, p)
    m2 = jnp.max(p2, axis=-1, keepdims=True)
    i2 = jnp.min(jnp.where(p2 == m2, eidx, _E), axis=-1, keepdims=True)
    mask = (eidx == i1) | (eidx == i2)
    gs = jnp.where(mask, p, 0.0)
    return gs / (m1 + m2 + 1e-9)



def _gate_body(x_ref, gw_ref, gb_ref, lw_ref, lb_ref, gs_ref, ls_ref):
    xt = x_ref[...]
    logits = jnp.dot(xt, gw_ref[...], preferred_element_type=jnp.float32)
    gs_ref[...] = _top2_gs(logits + gb_ref[...])
    ls = jnp.dot(xt, lw_ref[...], preferred_element_type=jnp.float32)
    ls_ref[...] = ls + lb_ref[...]



_sc_mesh = plsc.VectorSubcoreMesh(core_axis_name="c", subcore_axis_name="s")

_GDIMS = lax.GatherDimensionNumbers(
    offset_dims=(), collapsed_slice_dims=(0,), start_index_map=(0,))


def _shuf(v, perm):
    return lax.gather(v, perm[:, None], _GDIMS, (1,),
                      mode=lax.GatherScatterMode.PROMISE_IN_BOUNDS)


def _bmax(v):
    lane = lax.iota(jnp.int32, 16)
    for sh in (8, 4, 2, 1):
        v = jnp.maximum(v, _shuf(v, lane ^ sh))
    return v


def _bmin_i32(v):
    return -_bmax(-v)


@functools.partial(
    pl.kernel,
    mesh=_sc_mesh,
    out_type=[
        jax.ShapeDtypeStruct((_NSEL,), jnp.int32),
        jax.ShapeDtypeStruct((_NSEL, _D), jnp.float32),
    ],
    scratch_types=[
        pltpu.VMEM((_CHUNK,), jnp.float32),
        pltpu.VMEM((16,), jnp.float32),
        pltpu.VMEM((16,), jnp.int32),
        pltpu.VMEM((8 * 16,), jnp.float32),
        pltpu.VMEM((8 * 16,), jnp.int32),
        pltpu.VMEM((16,), jnp.int32),
        pltpu.VMEM((16,), jnp.int32),
        pltpu.VMEM((16,), jnp.int32),
        pltpu.VMEM((_NSEL, _D), jnp.float32),
        pltpu.VMEM_SHARED((_NW * 16,), jnp.float32),
        pltpu.VMEM_SHARED((_NW * 16,), jnp.int32),
        pltpu.VMEM_SHARED((2 * 16,), jnp.int32),
        pltpu.SemaphoreType.DMA,
    ],
)
def _sc_route(ls_hbm, x_hbm, gidx_out, xsel_out,
              ls_loc, lval_v, lidx_v, mvals, midx, iv0_v, iv1_v, fidx_v,
              xsel_v, sval, sidxs, sres, sem):
    cid = lax.axis_index("c")
    wid = lax.axis_index("s")
    lane = lax.iota(jnp.int32, 16)
    base = wid * _CHUNK

    @pl.when(cid == 0)
    def _core0():
        pltpu.sync_copy(ls_hbm.at[pl.ds(base, _CHUNK)], ls_loc)
        valv = jnp.full((16,), -jnp.inf, jnp.float32)
        idxv = jnp.full((16,), _BIG, jnp.int32)
        for k in range(_ACTIVE_K):
            def sbody(j, carry):
                m16, i16 = carry
                v = ls_loc[pl.ds(j * 16, 16)]
                gi = base + j * 16 + lane
                upd = v > m16
                return jnp.where(upd, v, m16), jnp.where(upd, gi, i16)
            m16, i16 = lax.fori_loop(
                0, _CHUNK // 16, sbody,
                (jnp.full((16,), -jnp.inf, jnp.float32),
                 jnp.full((16,), _BIG, jnp.int32)))
            m_b = _bmax(m16)
            gsel_b = _bmin_i32(jnp.where(m16 == m_b, i16, _BIG))
            valv = jnp.where(lane == k, m_b, valv)
            idxv = jnp.where(lane == k, gsel_b, idxv)

            def clr(j, carry):
                v = ls_loc[pl.ds(j * 16, 16)]
                gi = base + j * 16 + lane
                ls_loc[pl.ds(j * 16, 16)] = jnp.where(gi == gsel_b,
                                                      -jnp.inf, v)
                return carry
            lax.fori_loop(0, _CHUNK // 16, clr, 0)
        lval_v[...] = valv
        lidx_v[...] = idxv
        pltpu.sync_copy(lval_v, sval.at[pl.ds(wid * 16, 16)])
        pltpu.sync_copy(lidx_v, sidxs.at[pl.ds(wid * 16, 16)])
        plsc.subcore_barrier()

        @pl.when(wid < _B)
        def _():
            pltpu.sync_copy(sval.at[pl.ds(wid * 128, 128)], mvals)
            pltpu.sync_copy(sidxs.at[pl.ds(wid * 128, 128)], midx)
            res = jnp.full((16,), _BIG, jnp.int32)
            for k in range(_ACTIVE_K):
                def mbody(r, carry):
                    m16, i16 = carry
                    v = mvals[pl.ds(r * 16, 16)]
                    vi = midx[pl.ds(r * 16, 16)]
                    upd = (v > m16) | ((v == m16) & (vi < i16))
                    return jnp.where(upd, v, m16), jnp.where(upd, vi, i16)
                m16, i16 = lax.fori_loop(
                    0, 8, mbody,
                    (jnp.full((16,), -jnp.inf, jnp.float32),
                     jnp.full((16,), _BIG, jnp.int32)))
                m_b = _bmax(m16)
                gsel_b = _bmin_i32(jnp.where(m16 == m_b, i16, _BIG))
                res = jnp.where(lane == wid * _ACTIVE_K + k, gsel_b, res)

                def rbody(r, carry):
                    v = mvals[pl.ds(r * 16, 16)]
                    vi = midx[pl.ds(r * 16, 16)]
                    mvals[pl.ds(r * 16, 16)] = jnp.where(vi == gsel_b,
                                                         -jnp.inf, v)
                    return carry
                lax.fori_loop(0, 8, rbody, 0)
            lidx_v[...] = res
            pltpu.sync_copy(lidx_v, sres.at[pl.ds(wid * 16, 16)])
        plsc.subcore_barrier()

        @pl.when(wid == 0)
        def _():
            pltpu.sync_copy(sres.at[pl.ds(0, 16)], iv0_v)
            pltpu.sync_copy(sres.at[pl.ds(16, 16)], iv1_v)
            fidx_v[...] = jnp.where(lane < _ACTIVE_K, iv0_v[...], iv1_v[...])
            pltpu.sync_copy(fidx_v, gidx_out)
            pltpu.async_copy(x_hbm.at[fidx_v], xsel_v, sem).wait()
            pltpu.sync_copy(xsel_v, xsel_out)



def _issue(i, op, w1_hbm, w2_hbm, wring, sem):
    e = i // _CPE
    c = jax.lax.rem(i, _CPE)
    slot = jax.lax.rem(i, _RING)

    @pl.when(c < 2)
    def _():
        cp = pltpu.make_async_copy(
            w1_hbm.at[e, pl.ds(c * _HC, _HC), :], wring.at[slot], sem.at[slot])
        cp.start() if op == "start" else cp.wait()

    @pl.when(c >= 2)
    def _():
        cp = pltpu.make_async_copy(
            w2_hbm.at[e, pl.ds((c - 2) * _HC, _HC), :], wring.at[slot],
            sem.at[slot])
        cp.start() if op == "start" else cp.wait()


def _exp_body(xsel_ref, gidx_ref, gw_ref, gb_ref,
              w1_hbm, b1_ref, w2_hbm, b2_ref,
              out_ref, gsel_s, osel_s, hpre_s, hrelu_s, wring, sem):
    g = pl.program_id(0)

    @pl.when(g == 0)
    def _prime():
        for i in range(_LEAD):
            _issue(i, "start", w1_hbm, w2_hbm, wring, sem)
        lg = jnp.dot(xsel_ref[...], gw_ref[...],
                     preferred_element_type=jnp.float32)
        gsel_s[...] = _top2_gs(lg + gb_ref[...])

    @pl.when((g >= 1) & (g + _LEAD - 1 < _NES))
    def _prefetch():
        _issue(g + _LEAD - 1, "start", w1_hbm, w2_hbm, wring, sem)

    @pl.when(g < _NES)
    def _expert():
        j = g
        e = j // _CPE
        c = jax.lax.rem(j, _CPE)
        slot = jax.lax.rem(j, _RING)
        _issue(j, "wait", w1_hbm, w2_hbm, wring, sem)
        wv = wring[pl.ds(slot, 1)][0]

        @pl.when(c == 0)
        def _():
            hpre_s[...] = jnp.dot(xsel_ref[:, 0:_HC], wv,
                                  preferred_element_type=jnp.float32)

        @pl.when(c == 1)
        def _():
            hpre_s[...] += jnp.dot(xsel_ref[:, _HC:_D], wv,
                                   preferred_element_type=jnp.float32)

        gss = gsel_s[...]
        eidx = jax.lax.broadcasted_iota(jnp.int32, gss.shape, 1)
        gcol = jnp.sum(jnp.where(eidx == e, gss, 0.0), axis=1, keepdims=True)

        @pl.when(c == 2)
        def _():
            b1v = b1_ref[pl.ds(e, 1)][0]
            hr = jnp.maximum(hpre_s[...] + b1v, 0.0)
            hrelu_s[...] = hr

            @pl.when(j == 2)
            def _():
                osel_s[...] = jnp.zeros_like(osel_s)

            b2v = b2_ref[pl.ds(e, 1)][0]
            osel_s[...] += gcol * (
                jnp.dot(hr[:, 0:_HC], wv, preferred_element_type=jnp.float32)
                + b2v)

        @pl.when(c == 3)
        def _():
            osel_s[...] += gcol * jnp.dot(
                hrelu_s[:, _HC:_F], wv, preferred_element_type=jnp.float32)

    @pl.when(g >= _NES)
    def _scatter():
        t = g - _NES
        row = (t * _TSO
               + jax.lax.broadcasted_iota(jnp.int32, (_TSO, _NSEL), 0))
        onehot = (row == gidx_ref[...]).astype(jnp.float32)
        out_ref[...] = jnp.dot(onehot, osel_s[...],
                               preferred_element_type=jnp.float32)


@jax.jit
def kernel(x, gate_w, gate_b, local_w, local_b, W1, b1, W2, b2):
    xf = x.reshape(_BS, _D)
    gb2 = gate_b.reshape(1, _E)
    lb2 = local_b.reshape(1, 1)

    gs_flat, ls_flat = pl.pallas_call(
        _gate_body,
        grid=(_NGG,),
        in_specs=[
            pl.BlockSpec((_TSG, _D), lambda g: (g, 0)),
            pl.BlockSpec((_D, _E), lambda g: (0, 0)),
            pl.BlockSpec((1, _E), lambda g: (0, 0)),
            pl.BlockSpec((_D, 1), lambda g: (0, 0)),
            pl.BlockSpec((1, 1), lambda g: (0, 0)),
        ],
        out_specs=[
            pl.BlockSpec((_TSG, _E), lambda g: (g, 0)),
            pl.BlockSpec((_TSG, 1), lambda g: (g, 0)),
        ],
        out_shape=[
            jax.ShapeDtypeStruct((_BS, _E), jnp.float32),
            jax.ShapeDtypeStruct((_BS, 1), jnp.float32),
        ],
    )(xf, gate_w, gb2, local_w, lb2)

    gidx, x_sel = _sc_route(ls_flat.reshape(_BS), xf)

    out_flat = pl.pallas_call(
        _exp_body,
        grid=(_NES + _NSC,),
        in_specs=[
            pl.BlockSpec((_NSEL, _D), lambda g: (0, 0)),
            pl.BlockSpec((1, _NSEL), lambda g: (0, 0)),
            pl.BlockSpec((_D, _E), lambda g: (0, 0)),
            pl.BlockSpec((1, _E), lambda g: (0, 0)),
            pl.BlockSpec(memory_space=pl.ANY),
            pl.BlockSpec((_E, 1, _F), lambda g: (0, 0, 0)),
            pl.BlockSpec(memory_space=pl.ANY),
            pl.BlockSpec((_E, 1, _F), lambda g: (0, 0, 0)),
        ],
        out_specs=pl.BlockSpec((_TSO, _F),
                               lambda g: (jnp.clip(g - _NES, 0, _NSC - 1), 0)),
        out_shape=jax.ShapeDtypeStruct((_BS, _F), jnp.float32),
        scratch_shapes=[
            pltpu.VMEM((_NSEL, _E), jnp.float32),
            pltpu.VMEM((_NSEL, _F), jnp.float32),
            pltpu.VMEM((_NSEL, _F), jnp.float32),
            pltpu.VMEM((_NSEL, _F), jnp.float32),
            pltpu.VMEM((_RING, _HC, _F), jnp.float32),
            pltpu.SemaphoreType.DMA((_RING,)),
        ],
    )(x_sel, gidx.reshape(1, _NSEL), gate_w, gb2,
      W1, b1.reshape(_E, 1, _F), W2, b2.reshape(_E, 1, _F))

    return out_flat.reshape(_B, _S, _F), gs_flat.reshape(_B, _S, _E)

# --- scband reference (transcript-rebuilt; emitter-appended) ---
"""Pipeline reference for scband-mo-e-hard-61040075210967 (READ-ONLY COPY).

The authoritative reference and input builder live on the scoring server;
editing this copy changes nothing except your own understanding.
"""

import jax, jax.numpy as jnp
import numpy as np

B, S, D = 2, 2048, 1024
E = 8
F = 1024  # expert_dim
TOP_K = 2
ACTIVE_K = 8


def setup_inputs(seed: int = 0) -> dict:
    key = jax.random.key(seed)
    ks = jax.random.split(key, 10)
    x = jax.random.normal(ks[0], (B, S, D), dtype=jnp.float32)
    s_d = 1.0 / np.sqrt(D)
    s_f = 1.0 / np.sqrt(F)
    gate_w = jax.random.uniform(ks[1], (D, E), minval=-s_d, maxval=s_d, dtype=jnp.float32)
    gate_b = jax.random.uniform(ks[2], (E,), minval=-s_d, maxval=s_d, dtype=jnp.float32)
    local_w = jax.random.uniform(ks[3], (D, 1), minval=-s_d, maxval=s_d, dtype=jnp.float32)
    local_b = jax.random.uniform(ks[4], (1,), minval=-s_d, maxval=s_d, dtype=jnp.float32)
    W1 = jax.random.uniform(ks[5], (E, D, F), minval=-s_d, maxval=s_d, dtype=jnp.float32)
    b1 = jax.random.uniform(ks[6], (E, F), minval=-s_d, maxval=s_d, dtype=jnp.float32)
    W2 = jax.random.uniform(ks[7], (E, F, F), minval=-s_f, maxval=s_f, dtype=jnp.float32)
    b2 = jax.random.uniform(ks[8], (E, F), minval=-s_f, maxval=s_f, dtype=jnp.float32)
    return {"x": x, "gate_w": gate_w, "gate_b": gate_b, "local_w": local_w,
            "local_b": local_b, "W1": W1, "b1": b1, "W2": W2, "b2": b2}


def reference(x, gate_w, gate_b, local_w, local_b, W1, b1, W2, b2):
    # gate scores over experts
    gate_logits = x @ gate_w + gate_b  # [B, S, E]
    gate_scores = jax.nn.softmax(gate_logits, axis=-1)
    # top-k mask over experts (scatter 1.0 at topk indices)
    _, topk_idx = jax.lax.top_k(gate_scores, TOP_K)  # [B, S, TOP_K]
    topk_mask = jnp.sum(jax.nn.one_hot(topk_idx, E, dtype=gate_scores.dtype), axis=-2)  # [B, S, E]
    gs = gate_scores * topk_mask
    gs = gs / (jnp.sum(gs, axis=-1, keepdims=True) + 1e-9)
    # dense expert computation (every expert on every token)
    h = jax.nn.relu(jnp.einsum('bsd,edf->bsef', x, W1) + b1[None, None, :, :])  # [B, S, E, F]
    eo = jnp.einsum('bsef,efg->bseg', h, W2) + b2[None, None, :, :]  # [B, S, E, F]
    eo = jnp.transpose(eo, (0, 1, 3, 2))  # [B, S, F, E]
    output = jnp.sum(gs[:, :, None, :] * eo, axis=-1)  # [B, S, F]
    # local (per-sequence-position) hard gate
    local_scores = (x @ local_w + local_b)[..., 0]  # [B, S]
    _, tl_idx = jax.lax.top_k(local_scores, ACTIVE_K)  # [B, ACTIVE_K]
    local_mask = jnp.sum(jax.nn.one_hot(tl_idx, S, dtype=x.dtype), axis=-2)[..., None]  # [B, S, 1]
    output = output * local_mask
    return (output, gs)

if __name__ == "__main__":
    import jax
    _d = setup_inputs()
    print(jax.jit(kernel)(*tuple(_d.values())))

</pallas_src>

<mosaic_0001>
#map = affine_map<(d0, d1) -> (0)>
#map1 = affine_map<(d0, d1) -> (0, 0)>
module attributes {stable_mosaic.version = 14 : i64} {
  func.func @_sc_route(%arg0: i32, %arg1: i32, %arg2: memref<4096xf32, #tpu.memory_space<hbm>>, %arg3: memref<4096x1024xf32, #tpu.memory_space<hbm>>, %arg4: memref<16xi32, #tpu.memory_space<hbm>>, %arg5: memref<16x1024xf32, #tpu.memory_space<hbm>>, %arg6: memref<256xf32, #tpu.memory_space<vmem>>, %arg7: memref<16xf32, #tpu.memory_space<vmem>>, %arg8: memref<16xi32, #tpu.memory_space<vmem>>, %arg9: memref<128xf32, #tpu.memory_space<vmem>>, %arg10: memref<128xi32, #tpu.memory_space<vmem>>, %arg11: memref<16xi32, #tpu.memory_space<vmem>>, %arg12: memref<16xi32, #tpu.memory_space<vmem>>, %arg13: memref<16xi32, #tpu.memory_space<vmem>>, %arg14: memref<16x1024xf32, #tpu.memory_space<vmem>>, %arg15: memref<256xf32, #tpu.memory_space<vmem_shared>>, %arg16: memref<256xi32, #tpu.memory_space<vmem_shared>>, %arg17: memref<32xi32, #tpu.memory_space<vmem_shared>>, %arg18: memref<!tpu.dma_semaphore, #tpu.memory_space<semaphore_mem>>) attributes {dimension_semantics = [#tpu.dimension_semantics<core_parallel>, #tpu.dimension_semantics<subcore_parallel>], iteration_bounds = array<i64: 2, 16>, scalar_prefetch = 0 : i64, scratch_operands = 13 : i64, tpu.core_type = #tpu.core_type<sc_vector_subcore>, window_params = [{transform_indices = #map}, {transform_indices = #map1}, {transform_indices = #map}, {transform_indices = #map1}]} {
    %iota3A = tpu.iota {dimensions = array<i32: 0>} : vector<16xi32>
    %mul3A = arith.constant 256 : i32
    %mul3A_0 = arith.muli %arg1, %mul3A : i32
    %eq3A = arith.constant 0 : i32
    %eq3A_1 = arith.cmpi eq, %arg0, %eq3A : i32
    %convert_element_type3A = arith.extui %eq3A_1 : i1 to i32
    %cond3A = arith.constant 0 : i32
    %cond3A_2 = arith.cmpi ne, %convert_element_type3A, %cond3A : i32
    scf.if %cond3A_2 {
      "tpu.region"() ({
        %run_scoped3A = tpu.sem_alloc : memref<!tpu.dma_semaphore, #tpu.memory_space<semaphore_mem>>
        %dma_start3A = tpu.memref_slice %arg2[%mul3A_0] : memref<4096xf32, #tpu.memory_space<hbm>> -> memref<256xf32, #tpu.memory_space<hbm>>
        %dma_start3A_756 = tpu.memref_slice %arg2[%mul3A_0] : memref<4096xf32, #tpu.memory_space<hbm>> -> memref<256xf32, #tpu.memory_space<hbm>>
        tpu.enqueue_dma source(%dma_start3A_756 : memref<256xf32, #tpu.memory_space<hbm>>) target(%arg6 : memref<256xf32, #tpu.memory_space<vmem>>) target_semaphore(%run_scoped3A : memref<!tpu.dma_semaphore, #tpu.memory_space<semaphore_mem>>)
        %dma_wait3A = tpu.memref_slice %arg2[%mul3A_0] : memref<4096xf32, #tpu.memory_space<hbm>> -> memref<256xf32, #tpu.memory_space<hbm>>
        %dma_wait3A_757 = tpu.memref_slice %arg2[%mul3A_0] : memref<4096xf32, #tpu.memory_space<hbm>> -> memref<256xf32, #tpu.memory_space<hbm>>
        tpu.wait_dma2 semaphore(%run_scoped3A : memref<!tpu.dma_semaphore, #tpu.memory_space<semaphore_mem>>) src(%dma_wait3A_757 : memref<256xf32, #tpu.memory_space<hbm>>) dst(%arg6 : memref<256xf32, #tpu.memory_space<vmem>>)
        tpu.yield
      }) : () -> ()
      %broadcast_in_dim3A = arith.constant 0xFF800000 : f32
      %broadcast_in_dim3A_3 = vector.broadcast %broadcast_in_dim3A : f32 to vector<16xf32>
      %broadcast_in_dim3A_4 = arith.constant 1073741824 : i32
      %broadcast_in_dim3A_5 = vector.broadcast %broadcast_in_dim3A_4 : i32 to vector<16xi32>
      %broadcast_in_dim3A_6 = arith.constant 0xFF800000 : f32
      %broadcast_in_dim3A_7 = vector.broadcast %broadcast_in_dim3A_6 : f32 to vector<16xf32>
      %broadcast_in_dim3A_8 = arith.constant 1073741824 : i32
      %broadcast_in_dim3A_9 = vector.broadcast %broadcast_in_dim3A_8 : i32 to vector<16xi32>
      %scan3A = arith.constant 0 : i32
      %scan3A_10 = arith.constant 16 : i32
      %scan3A_11 = arith.addi %scan3A, %scan3A_10 : i32
      %scan3A_12 = arith.constant 1 : i32
      %scan3A_13:2 = scf.for %scan3A_756 = %scan3A to %scan3A_11 step %scan3A_12 iter_args(%scan3A_757 = %broadcast_in_dim3A_7, %scan3A_758 = %broadcast_in_dim3A_9) -> (vector<16xf32>, vector<16xi32>)  : i32 {
        %mul3A_759 = arith.constant 16 : i32
        %mul3A_760 = arith.muli %scan3A_756, %mul3A_759 : i32
        %get3A = arith.index_cast %mul3A_760 : i32 to index
        %get3A_761 = tpu.vector_load %arg6[%get3A] {strides = array<i32>} : memref<256xf32, #tpu.memory_space<vmem>>, vector<16xf32>,
        %get3A_762 = vector.shape_cast %get3A_761 : vector<16xf32> to vector<16xf32>
        %mul3A_763 = arith.constant 16 : i32
        %mul3A_764 = arith.muli %scan3A_756, %mul3A_763 : i32
        %add3A = arith.addi %mul3A_0, %mul3A_764 : i32
        %add3A_765 = vector.broadcast %add3A : i32 to vector<16xi32>
        %add3A_766 = arith.addi %add3A_765, %iota3A : vector<16xi32>
        %gt3A = arith.cmpf ogt, %get3A_762, %scan3A_757 : vector<16xf32>
        %select_n3A_767 = arith.select %gt3A, %get3A_762, %scan3A_757 : vector<16xi1>, vector<16xf32>
        %select_n3A_768 = arith.select %gt3A, %add3A_766, %scan3A_758 : vector<16xi1>, vector<16xi32>
        scf.yield %select_n3A_767, %select_n3A_768 : vector<16xf32>, vector<16xi32>
      }
      %scan3A_14 = arith.constant 16 : i32
      %iota3A_15 = tpu.iota {dimensions = array<i32: 0>} : vector<16xi32>
      %xor3A = arith.constant 8 : i32
      %xor3A_16 = vector.broadcast %xor3A : i32 to vector<16xi32>
      %xor3A_17 = arith.xori %iota3A_15, %xor3A_16 : vector<16xi32>
      %broadcast_in_dim3A_18 = vector.shape_cast %xor3A_17 : vector<16xi32> to vector<16x1xi32>
      %gather3A = vector.shape_cast %broadcast_in_dim3A_18 : vector<16x1xi32> to vector<16xi32>
      %gather3A_19 = tpu.dynamic_gather %scan3A_13#0[%gather3A] in [0] : vector<16xf32>, vector<16xi32> -> vector<16xf32>
      %max3A = arith.maximumf %scan3A_13#0, %gather3A_19 : vector<16xf32>
      %xor3A_20 = arith.constant 4 : i32
      %xor3A_21 = vector.broadcast %xor3A_20 : i32 to vector<16xi32>
      %xor3A_22 = arith.xori %iota3A_15, %xor3A_21 : vector<16xi32>
      %broadcast_in_dim3A_23 = vector.shape_cast %xor3A_22 : vector<16xi32> to vector<16x1xi32>
      %gather3A_24 = vector.shape_cast %broadcast_in_dim3A_23 : vector<16x1xi32> to vector<16xi32>
      %gather3A_25 = tpu.dynamic_gather %max3A[%gather3A_24] in [0] : vector<16xf32>, vector<16xi32> -> vector<16xf32>
      %max3A_26 = arith.maximumf %max3A, %gather3A_25 : vector<16xf32>
      %xor3A_27 = arith.constant 2 : i32
      %xor3A_28 = vector.broadcast %xor3A_27 : i32 to vector<16xi32>
      %xor3A_29 = arith.xori %iota3A_15, %xor3A_28 : vector<16xi32>
      %broadcast_in_dim3A_30 = vector.shape_cast %xor3A_29 : vector<16xi32> to vector<16x1xi32>
      %gather3A_31 = vector.shape_cast %broadcast_in_dim3A_30 : vector<16x1xi32> to vector<16xi32>
      %gather3A_32 = tpu.dynamic_gather %max3A_26[%gather3A_31] in [0] : vector<16xf32>, vector<16xi32> -> vector<16xf32>
      %max3A_33 = arith.maximumf %max3A_26, %gather3A_32 : vector<16xf32>
      %xor3A_34 = arith.constant 1 : i32
      %xor3A_35 = vector.broadcast %xor3A_34 : i32 to vector<16xi32>
      %xor3A_36 = arith.xori %iota3A_15, %xor3A_35 : vector<16xi32>
      %broadcast_in_dim3A_37 = vector.shape_cast %xor3A_36 : vector<16xi32> to vector<16x1xi32>
      %gather3A_38 = vector.shape_cast %broadcast_in_dim3A_37 : vector<16x1xi32> to vector<16xi32>
      %gather3A_39 = tpu.dynamic_gather %max3A_33[%gather3A_38] in [0] : vector<16xf32>, vector<16xi32> -> vector<16xf32>
      %max3A_40 = arith.maximumf %max3A_33, %gather3A_39 : vector<16xf32>
      %eq3A_41 = arith.cmpf oeq, %scan3A_13#0, %max3A_40 : vector<16xf32>
      %jit3A = arith.constant 1073741824 : i32
      %broadcast_in_dim3A_42 = vector.broadcast %jit3A : i32 to vector<16xi32>
      %select_n3A = arith.select %eq3A_41, %scan3A_13#1, %broadcast_in_dim3A_42 : vector<16xi1>, vector<16xi32>
      %neg3A = arith.constant 0 : i32
      %neg3A_43 = vector.broadcast %neg3A : i32 to vector<16xi32>
      %neg3A_44 = arith.subi %neg3A_43, %select_n3A : vector<16xi32>
      %iota3A_45 = tpu.iota {dimensions = array<i32: 0>} : vector<16xi32>
      %xor3A_46 = arith.constant 8 : i32
      %xor3A_47 = vector.broadcast %xor3A_46 : i32 to vector<16xi32>
      %xor3A_48 = arith.xori %iota3A_45, %xor3A_47 : vector<16xi32>
      %broadcast_in_dim3A_49 = vector.shape_cast %xor3A_48 : vector<16xi32> to vector<16x1xi32>
      %gather3A_50 = vector.shape_cast %broadcast_in_dim3A_49 : vector<16x1xi32> to vector<16xi32>
      %gather3A_51 = tpu.dynamic_gather %neg3A_44[%gather3A_50] in [0] : vector<16xi32>, vector<16xi32> -> vector<16xi32>
      %max3A_52 = arith.maxsi %neg3A_44, %gather3A_51 : vector<16xi32>
      %xor3A_53 = arith.constant 4 : i32
      %xor3A_54 = vector.broadcast %xor3A_53 : i32 to vector<16xi32>
      %xor3A_55 = arith.xori %iota3A_45, %xor3A_54 : vector<16xi32>
      %broadcast_in_dim3A_56 = vector.shape_cast %xor3A_55 : vector<16xi32> to vector<16x1xi32>
      %gather3A_57 = vector.shape_cast %broadcast_in_dim3A_56 : vector<16x1xi32> to vector<16xi32>
      %gather3A_58 = tpu.dynamic_gather %max3A_52[%gather3A_57] in [0] : vector<16xi32>, vector<16xi32> -> vector<16xi32>
      %max3A_59 = arith.maxsi %max3A_52, %gather3A_58 : vector<16xi32>
      %xor3A_60 = arith.constant 2 : i32
      %xor3A_61 = vector.broadcast %xor3A_60 : i32 to vector<16xi32>
      %xor3A_62 = arith.xori %iota3A_45, %xor3A_61 : vector<16xi32>
      %broadcast_in_dim3A_63 = vector.shape_cast %xor3A_62 : vector<16xi32> to vector<16x1xi32>
      %gather3A_64 = vector.shape_cast %broadcast_in_dim3A_63 : vector<16x1xi32> to vector<16xi32>
      %gather3A_65 = tpu.dynamic_gather %max3A_59[%gather3A_64] in [0] : vector<16xi32>, vector<16xi32> -> vector<16xi32>
      %max3A_66 = arith.maxsi %max3A_59, %gather3A_65 : vector<16xi32>
      %xor3A_67 = arith.constant 1 : i32
      %xor3A_68 = vector.broadcast %xor3A_67 : i32 to vector<16xi32>
      %xor3A_69 = arith.xori %iota3A_45, %xor3A_68 : vector<16xi32>
      %broadcast_in_dim3A_70 = vector.shape_cast %xor3A_69 : vector<16xi32> to vector<16x1xi32>
      %gather3A_71 = vector.shape_cast %broadcast_in_dim3A_70 : vector<16x1xi32> to vector<16xi32>
      %gather3A_72 = tpu.dynamic_gather %max3A_66[%gather3A_71] in [0] : vector<16xi32>, vector<16xi32> -> vector<16xi32>
      %max3A_73 = arith.maxsi %max3A_66, %gather3A_72 : vector<16xi32>
      %neg3A_74 = arith.constant 0 : i32
      %neg3A_75 = vector.broadcast %neg3A_74 : i32 to vector<16xi32>
      %neg3A_76 = arith.subi %neg3A_75, %max3A_73 : vector<16xi32>
      %eq3A_77 = arith.constant 0 : i32
      %eq3A_78 = vector.broadcast %eq3A_77 : i32 to vector<16xi32>
      %eq3A_79 = arith.cmpi eq, %iota3A, %eq3A_78 : vector<16xi32>
      %select_n3A_80 = arith.select %eq3A_79, %max3A_40, %broadcast_in_dim3A_3 : vector<16xi1>, vector<16xf32>
      %eq3A_81 = arith.constant 0 : i32
      %eq3A_82 = vector.broadcast %eq3A_81 : i32 to vector<16xi32>
      %eq3A_83 = arith.cmpi eq, %iota3A, %eq3A_82 : vector<16xi32>
      %select_n3A_84 = arith.select %eq3A_83, %neg3A_76, %broadcast_in_dim3A_5 : vector<16xi1>, vector<16xi32>
      %scan3A_85 = arith.constant 0 : i32
      %scan3A_86 = arith.constant 0 : i32
      %scan3A_87 = arith.constant 16 : i32
      %scan3A_88 = arith.addi %scan3A_86, %scan3A_87 : i32
      %scan3A_89 = arith.constant 1 : i32
      scf.for %scan3A_756 = %scan3A_86 to %scan3A_88 step %scan3A_89  : i32 {
        %mul3A_757 = arith.constant 16 : i32
        %mul3A_758 = arith.muli %scan3A_756, %mul3A_757 : i32
        %get3A = arith.index_cast %mul3A_758 : i32 to index
        %get3A_759 = tpu.vector_load %arg6[%get3A] {strides = array<i32>} : memref<256xf32, #tpu.memory_space<vmem>>, vector<16xf32>,
        %get3A_760 = vector.shape_cast %get3A_759 : vector<16xf32> to vector<16xf32>
        %mul3A_761 = arith.constant 16 : i32
        %mul3A_762 = arith.muli %scan3A_756, %mul3A_761 : i32
        %add3A = arith.addi %mul3A_0, %mul3A_762 : i32
        %add3A_763 = vector.broadcast %add3A : i32 to vector<16xi32>
        %add3A_764 = arith.addi %add3A_763, %iota3A : vector<16xi32>
        %eq3A_765 = arith.cmpi eq, %add3A_764, %neg3A_76 : vector<16xi32>
        %jit3A_766 = arith.constant 0xFF800000 : f32
        %broadcast_in_dim3A_767 = vector.broadcast %jit3A_766 : f32 to vector<16xf32>
        %select_n3A_768 = arith.select %eq3A_765, %broadcast_in_dim3A_767, %get3A_760 : vector<16xi1>, vector<16xf32>
        %mul3A_769 = arith.constant 16 : i32
        %mul3A_770 = arith.muli %scan3A_756, %mul3A_769 : i32
        %swap3A_771 = arith.index_cast %mul3A_770 : i32 to index
        %swap3A_772 = tpu.vector_load %arg6[%swap3A_771] {strides = array<i32>} : memref<256xf32, #tpu.memory_space<vmem>>, vector<16xf32>,
        %swap3A_773 = vector.shape_cast %swap3A_772 : vector<16xf32> to vector<16xf32>
        %swap3A_774 = vector.shape_cast %select_n3A_768 : vector<16xf32> to vector<16xf32>
        tpu.vector_store %arg6[%swap3A_771], %swap3A_774 {strides = array<i32>} : memref<256xf32, #tpu.memory_space<vmem>>, vector<16xf32>,
      }
      %scan3A_90 = arith.constant 16 : i32
      %broadcast_in_dim3A_91 = arith.constant 0xFF800000 : f32
      %broadcast_in_dim3A_92 = vector.broadcast %broadcast_in_dim3A_91 : f32 to vector<16xf32>
      %broadcast_in_dim3A_93 = arith.constant 1073741824 : i32
      %broadcast_in_dim3A_94 = vector.broadcast %broadcast_in_dim3A_93 : i32 to vector<16xi32>
      %scan3A_95 = arith.constant 0 : i32
      %scan3A_96 = arith.constant 16 : i32
      %scan3A_97 = arith.addi %scan3A_95, %scan3A_96 : i32
      %scan3A_98 = arith.constant 1 : i32
      %scan3A_99:2 = scf.for %scan3A_756 = %scan3A_95 to %scan3A_97 step %scan3A_98 iter_args(%scan3A_757 = %broadcast_in_dim3A_92, %scan3A_758 = %broadcast_in_dim3A_94) -> (vector<16xf32>, vector<16xi32>)  : i32 {
        %mul3A_759 = arith.constant 16 : i32
        %mul3A_760 = arith.muli %scan3A_756, %mul3A_759 : i32
        %get3A = arith.index_cast %mul3A_760 : i32 to index
        %get3A_761 = tpu.vector_load %arg6[%get3A] {strides = array<i32>} : memref<256xf32, #tpu.memory_space<vmem>>, vector<16xf32>,
        %get3A_762 = vector.shape_cast %get3A_761 : vector<16xf32> to vector<16xf32>
        %mul3A_763 = arith.constant 16 : i32
        %mul3A_764 = arith.muli %scan3A_756, %mul3A_763 : i32
        %add3A = arith.addi %mul3A_0, %mul3A_764 : i32
        %add3A_765 = vector.broadcast %add3A : i32 to vector<16xi32>
        %add3A_766 = arith.addi %add3A_765, %iota3A : vector<16xi32>
        %gt3A = arith.cmpf ogt, %get3A_762, %scan3A_757 : vector<16xf32>
        %select_n3A_767 = arith.select %gt3A, %get3A_762, %scan3A_757 : vector<16xi1>, vector<16xf32>
        %select_n3A_768 = arith.select %gt3A, %add3A_766, %scan3A_758 : vector<16xi1>, vector<16xi32>
        scf.yield %select_n3A_767, %select_n3A_768 : vector<16xf32>, vector<16xi32>
      }
      %scan3A_100 = arith.constant 16 : i32
      %iota3A_101 = tpu.iota {dimensions = array<i32: 0>} : vector<16xi32>
      %xor3A_102 = arith.constant 8 : i32
      %xor3A_103 = vector.broadcast %xor3A_102 : i32 to vector<16xi32>
      %xor3A_104 = arith.xori %iota3A_101, %xor3A_103 : vector<16xi32>
      %broadcast_in_dim3A_105 = vector.shape_cast %xor3A_104 : vector<16xi32> to vector<16x1xi32>
      %gather3A_106 = vector.shape_cast %broadcast_in_dim3A_105 : vector<16x1xi32> to vector<16xi32>
      %gather3A_107 = tpu.dynamic_gather %scan3A_99#0[%gather3A_106] in [0] : vector<16xf32>, vector<16xi32> -> vector<16xf32>
      %max3A_108 = arith.maximumf %scan3A_99#0, %gather3A_107 : vector<16xf32>
      %xor3A_109 = arith.constant 4 : i32
      %xor3A_110 = vector.broadcast %xor3A_109 : i32 to vector<16xi32>
      %xor3A_111 = arith.xori %iota3A_101, %xor3A_110 : vector<16xi32>
      %broadcast_in_dim3A_112 = vector.shape_cast %xor3A_111 : vector<16xi32> to vector<16x1xi32>
      %gather3A_113 = vector.shape_cast %broadcast_in_dim3A_112 : vector<16x1xi32> to vector<16xi32>
      %gather3A_114 = tpu.dynamic_gather %max3A_108[%gather3A_113] in [0] : vector<16xf32>, vector<16xi32> -> vector<16xf32>
      %max3A_115 = arith.maximumf %max3A_108, %gather3A_114 : vector<16xf32>
      %xor3A_116 = arith.constant 2 : i32
      %xor3A_117 = vector.broadcast %xor3A_116 : i32 to vector<16xi32>
      %xor3A_118 = arith.xori %iota3A_101, %xor3A_117 : vector<16xi32>
      %broadcast_in_dim3A_119 = vector.shape_cast %xor3A_118 : vector<16xi32> to vector<16x1xi32>
      %gather3A_120 = vector.shape_cast %broadcast_in_dim3A_119 : vector<16x1xi32> to vector<16xi32>
      %gather3A_121 = tpu.dynamic_gather %max3A_115[%gather3A_120] in [0] : vector<16xf32>, vector<16xi32> -> vector<16xf32>
      %max3A_122 = arith.maximumf %max3A_115, %gather3A_121 : vector<16xf32>
      %xor3A_123 = arith.constant 1 : i32
      %xor3A_124 = vector.broadcast %xor3A_123 : i32 to vector<16xi32>
      %xor3A_125 = arith.xori %iota3A_101, %xor3A_124 : vector<16xi32>
      %broadcast_in_dim3A_126 = vector.shape_cast %xor3A_125 : vector<16xi32> to vector<16x1xi32>
      %gather3A_127 = vector.shape_cast %broadcast_in_dim3A_126 : vector<16x1xi32> to vector<16xi32>
      %gather3A_128 = tpu.dynamic_gather %max3A_122[%gather3A_127] in [0] : vector<16xf32>, vector<16xi32> -> vector<16xf32>
      %max3A_129 = arith.maximumf %max3A_122, %gather3A_128 : vector<16xf32>
      %eq3A_130 = arith.cmpf oeq, %scan3A_99#0, %max3A_129 : vector<16xf32>
      %jit3A_131 = arith.constant 1073741824 : i32
      %broadcast_in_dim3A_132 = vector.broadcast %jit3A_131 : i32 to vector<16xi32>
      %select_n3A_133 = arith.select %eq3A_130, %scan3A_99#1, %broadcast_in_dim3A_132 : vector<16xi1>, vector<16xi32>
      %neg3A_134 = arith.constant 0 : i32
      %neg3A_135 = vector.broadcast %neg3A_134 : i32 to vector<16xi32>
      %neg3A_136 = arith.subi %neg3A_135, %select_n3A_133 : vector<16xi32>
      %iota3A_137 = tpu.iota {dimensions = array<i32: 0>} : vector<16xi32>
      %xor3A_138 = arith.constant 8 : i32
      %xor3A_139 = vector.broadcast %xor3A_138 : i32 to vector<16xi32>
      %xor3A_140 = arith.xori %iota3A_137, %xor3A_139 : vector<16xi32>
      %broadcast_in_dim3A_141 = vector.shape_cast %xor3A_140 : vector<16xi32> to vector<16x1xi32>
      %gather3A_142 = vector.shape_cast %broadcast_in_dim3A_141 : vector<16x1xi32> to vector<16xi32>
      %gather3A_143 = tpu.dynamic_gather %neg3A_136[%gather3A_142] in [0] : vector<16xi32>, vector<16xi32> -> vector<16xi32>
      %max3A_144 = arith.maxsi %neg3A_136, %gather3A_143 : vector<16xi32>
      %xor3A_145 = arith.constant 4 : i32
      %xor3A_146 = vector.broadcast %xor3A_145 : i32 to vector<16xi32>
      %xor3A_147 = arith.xori %iota3A_137, %xor3A_146 : vector<16xi32>
      %broadcast_in_dim3A_148 = vector.shape_cast %xor3A_147 : vector<16xi32> to vector<16x1xi32>
      %gather3A_149 = vector.shape_cast %broadcast_in_dim3A_148 : vector<16x1xi32> to vector<16xi32>
      %gather3A_150 = tpu.dynamic_gather %max3A_144[%gather3A_149] in [0] : vector<16xi32>, vector<16xi32> -> vector<16xi32>
      %max3A_151 = arith.maxsi %max3A_144, %gather3A_150 : vector<16xi32>
      %xor3A_152 = arith.constant 2 : i32
      %xor3A_153 = vector.broadcast %xor3A_152 : i32 to vector<16xi32>
      %xor3A_154 = arith.xori %iota3A_137, %xor3A_153 : vector<16xi32>
      %broadcast_in_dim3A_155 = vector.shape_cast %xor3A_154 : vector<16xi32> to vector<16x1xi32>
      %gather3A_156 = vector.shape_cast %broadcast_in_dim3A_155 : vector<16x1xi32> to vector<16xi32>
      %gather3A_157 = tpu.dynamic_gather %max3A_151[%gather3A_156] in [0] : vector<16xi32>, vector<16xi32> -> vector<16xi32>
      %max3A_158 = arith.maxsi %max3A_151, %gather3A_157 : vector<16xi32>
      %xor3A_159 = arith.constant 1 : i32
      %xor3A_160 = vector.broadcast %xor3A_159 : i32 to vector<16xi32>
      %xor3A_161 = arith.xori %iota3A_137, %xor3A_160 : vector<16xi32>
      %broadcast_in_dim3A_162 = vector.shape_cast %xor3A_161 : vector<16xi32> to vector<16x1xi32>
      %gather3A_163 = vector.shape_cast %broadcast_in_dim3A_162 : vector<16x1xi32> to vector<16xi32>
      %gather3A_164 = tpu.dynamic_gather %max3A_158[%gather3A_163] in [0] : vector<16xi32>, vector<16xi32> -> vector<16xi32>
      %max3A_165 = arith.maxsi %max3A_158, %gather3A_164 : vector<16xi32>
      %neg3A_166 = arith.constant 0 : i32
      %neg3A_167 = vector.broadcast %neg3A_166 : i32 to vector<16xi32>
      %neg3A_168 = arith.subi %neg3A_167, %max3A_165 : vector<16xi32>
      %eq3A_169 = arith.constant 1 : i32
      %eq3A_170 = vector.broadcast %eq3A_169 : i32 to vector<16xi32>
      %eq3A_171 = arith.cmpi eq, %iota3A, %eq3A_170 : vector<16xi32>
      %select_n3A_172 = arith.select %eq3A_171, %max3A_129, %select_n3A_80 : vector<16xi1>, vector<16xf32>
      %eq3A_173 = arith.constant 1 : i32
      %eq3A_174 = vector.broadcast %eq3A_173 : i32 to vector<16xi32>
      %eq3A_175 = arith.cmpi eq, %iota3A, %eq3A_174 : vector<16xi32>
      %select_n3A_176 = arith.select %eq3A_175, %neg3A_168, %select_n3A_84 : vector<16xi1>, vector<16xi32>
      %scan3A_177 = arith.constant 0 : i32
      %scan3A_178 = arith.constant 0 : i32
      %scan3A_179 = arith.constant 16 : i32
      %scan3A_180 = arith.addi %scan3A_178, %scan3A_179 : i32
      %scan3A_181 = arith.constant 1 : i32
      scf.for %scan3A_756 = %scan3A_178 to %scan3A_180 step %scan3A_181  : i32 {
        %mul3A_757 = arith.constant 16 : i32
        %mul3A_758 = arith.muli %scan3A_756, %mul3A_757 : i32
        %get3A = arith.index_cast %mul3A_758 : i32 to index
        %get3A_759 = tpu.vector_load %arg6[%get3A] {strides = array<i32>} : memref<256xf32, #tpu.memory_space<vmem>>, vector<16xf32>,
        %get3A_760 = vector.shape_cast %get3A_759 : vector<16xf32> to vector<16xf32>
        %mul3A_761 = arith.constant 16 : i32
        %mul3A_762 = arith.muli %scan3A_756, %mul3A_761 : i32
        %add3A = arith.addi %mul3A_0, %mul3A_762 : i32
        %add3A_763 = vector.broadcast %add3A : i32 to vector<16xi32>
        %add3A_764 = arith.addi %add3A_763, %iota3A : vector<16xi32>
        %eq3A_765 = arith.cmpi eq, %add3A_764, %neg3A_168 : vector<16xi32>
        %jit3A_766 = arith.constant 0xFF800000 : f32
        %broadcast_in_dim3A_767 = vector.broadcast %jit3A_766 : f32 to vector<16xf32>
        %select_n3A_768 = arith.select %eq3A_765, %broadcast_in_dim3A_767, %get3A_760 : vector<16xi1>, vector<16xf32>
        %mul3A_769 = arith.constant 16 : i32
        %mul3A_770 = arith.muli %scan3A_756, %mul3A_769 : i32
        %swap3A_771 = arith.index_cast %mul3A_770 : i32 to index
        %swap3A_772 = tpu.vector_load %arg6[%swap3A_771] {strides = array<i32>} : memref<256xf32, #tpu.memory_space<vmem>>, vector<16xf32>,
        %swap3A_773 = vector.shape_cast %swap3A_772 : vector<16xf32> to vector<16xf32>
        %swap3A_774 = vector.shape_cast %select_n3A_768 : vector<16xf32> to vector<16xf32>
        tpu.vector_store %arg6[%swap3A_771], %swap3A_774 {strides = array<i32>} : memref<256xf32, #tpu.memory_space<vmem>>, vector<16xf32>,
      }
      %scan3A_182 = arith.constant 16 : i32
      %broadcast_in_dim3A_183 = arith.constant 0xFF800000 : f32
      %broadcast_in_dim3A_184 = vector.broadcast %broadcast_in_dim3A_183 : f32 to vector<16xf32>
      %broadcast_in_dim3A_185 = arith.constant 1073741824 : i32
      %broadcast_in_dim3A_186 = vector.broadcast %broadcast_in_dim3A_185 : i32 to vector<16xi32>
      %scan3A_187 = arith.constant 0 : i32
      %scan3A_188 = arith.constant 16 : i32
      %scan3A_189 = arith.addi %scan3A_187, %scan3A_188 : i32
      %scan3A_190 = arith.constant 1 : i32
      %scan3A_191:2 = scf.for %scan3A_756 = %scan3A_187 to %scan3A_189 step %scan3A_190 iter_args(%scan3A_757 = %broadcast_in_dim3A_184, %scan3A_758 = %broadcast_in_dim3A_186) -> (vector<16xf32>, vector<16xi32>)  : i32 {
        %mul3A_759 = arith.constant 16 : i32
        %mul3A_760 = arith.muli %scan3A_756, %mul3A_759 : i32
        %get3A = arith.index_cast %mul3A_760 : i32 to index
        %get3A_761 = tpu.vector_load %arg6[%get3A] {strides = array<i32>} : memref<256xf32, #tpu.memory_space<vmem>>, vector<16xf32>,
        %get3A_762 = vector.shape_cast %get3A_761 : vector<16xf32> to vector<16xf32>
        %mul3A_763 = arith.constant 16 : i32
        %mul3A_764 = arith.muli %scan3A_756, %mul3A_763 : i32
        %add3A = arith.addi %mul3A_0, %mul3A_764 : i32
        %add3A_765 = vector.broadcast %add3A : i32 to vector<16xi32>
        %add3A_766 = arith.addi %add3A_765, %iota3A : vector<16xi32>
        %gt3A = arith.cmpf ogt, %get3A_762, %scan3A_757 : vector<16xf32>
        %select_n3A_767 = arith.select %gt3A, %get3A_762, %scan3A_757 : vector<16xi1>, vector<16xf32>
        %select_n3A_768 = arith.select %gt3A, %add3A_766, %scan3A_758 : vector<16xi1>, vector<16xi32>
        scf.yield %select_n3A_767, %select_n3A_768 : vector<16xf32>, vector<16xi32>
      }
      %scan3A_192 = arith.constant 16 : i32
      %iota3A_193 = tpu.iota {dimensions = array<i32: 0>} : vector<16xi32>
      %xor3A_194 = arith.constant 8 : i32
      %xor3A_195 = vector.broadcast %xor3A_194 : i32 to vector<16xi32>
      %xor3A_196 = arith.xori %iota3A_193, %xor3A_195 : vector<16xi32>
      %broadcast_in_dim3A_197 = vector.shape_cast %xor3A_196 : vector<16xi32> to vector<16x1xi32>
      %gather3A_198 = vector.shape_cast %broadcast_in_dim3A_197 : vector<16x1xi32> to vector<16xi32>
      %gather3A_199 = tpu.dynamic_gather %scan3A_191#0[%gather3A_198] in [0] : vector<16xf32>, vector<16xi32> -> vector<16xf32>
      %max3A_200 = arith.maximumf %scan3A_191#0, %gather3A_199 : vector<16xf32>
      %xor3A_201 = arith.constant 4 : i32
      %xor3A_202 = vector.broadcast %xor3A_201 : i32 to vector<16xi32>
      %xor3A_203 = arith.xori %iota3A_193, %xor3A_202 : vector<16xi32>
      %broadcast_in_dim3A_204 = vector.shape_cast %xor3A_203 : vector<16xi32> to vector<16x1xi32>
      %gather3A_205 = vector.shape_cast %broadcast_in_dim3A_204 : vector<16x1xi32> to vector<16xi32>
      %gather3A_206 = tpu.dynamic_gather %max3A_200[%gather3A_205] in [0] : vector<16xf32>, vector<16xi32> -> vector<16xf32>
      %max3A_207 = arith.maximumf %max3A_200, %gather3A_206 : vector<16xf32>
      %xor3A_208 = arith.constant 2 : i32
      %xor3A_209 = vector.broadcast %xor3A_208 : i32 to vector<16xi32>
      %xor3A_210 = arith.xori %iota3A_193, %xor3A_209 : vector<16xi32>
      %broadcast_in_dim3A_211 = vector.shape_cast %xor3A_210 : vector<16xi32> to vector<16x1xi32>
      %gather3A_212 = vector.shape_cast %broadcast_in_dim3A_211 : vector<16x1xi32> to vector<16xi32>
      %gather3A_213 = tpu.dynamic_gather %max3A_207[%gather3A_212] in [0] : vector<16xf32>, vector<16xi32> -> vector<16xf32>
      %max3A_214 = arith.maximumf %max3A_207, %gather3A_213 : vector<16xf32>
      %xor3A_215 = arith.constant 1 : i32
      %xor3A_216 = vector.broadcast %xor3A_215 : i32 to vector<16xi32>
      %xor3A_217 = arith.xori %iota3A_193, %xor3A_216 : vector<16xi32>
      %broadcast_in_dim3A_218 = vector.shape_cast %xor3A_217 : vector<16xi32> to vector<16x1xi32>
      %gather3A_219 = vector.shape_cast %broadcast_in_dim3A_218 : vector<16x1xi32> to vector<16xi32>
      %gather3A_220 = tpu.dynamic_gather %max3A_214[%gather3A_219] in [0] : vector<16xf32>, vector<16xi32> -> vector<16xf32>
      %max3A_221 = arith.maximumf %max3A_214, %gather3A_220 : vector<16xf32>
      %eq3A_222 = arith.cmpf oeq, %scan3A_191#0, %max3A_221 : vector<16xf32>
      %jit3A_223 = arith.constant 1073741824 : i32
      %broadcast_in_dim3A_224 = vector.broadcast %jit3A_223 : i32 to vector<16xi32>
      %select_n3A_225 = arith.select %eq3A_222, %scan3A_191#1, %broadcast_in_dim3A_224 : vector<16xi1>, vector<16xi32>
      %neg3A_226 = arith.constant 0 : i32
      %neg3A_227 = vector.broadcast %neg3A_226 : i32 to vector<16xi32>
      %neg3A_228 = arith.subi %neg3A_227, %select_n3A_225 : vector<16xi32>
      %iota3A_229 = tpu.iota {dimensions = array<i32: 0>} : vector<16xi32>
      %xor3A_230 = arith.constant 8 : i32
      %xor3A_231 = vector.broadcast %xor3A_230 : i32 to vector<16xi32>
      %xor3A_232 = arith.xori %iota3A_229, %xor3A_231 : vector<16xi32>
      %broadcast_in_dim3A_233 = vector.shape_cast %xor3A_232 : vector<16xi32> to vector<16x1xi32>
      %gather3A_234 = vector.shape_cast %broadcast_in_dim3A_233 : vector<16x1xi32> to vector<16xi32>
      %gather3A_235 = tpu.dynamic_gather %neg3A_228[%gather3A_234] in [0] : vector<16xi32>, vector<16xi32> -> vector<16xi32>
      %max3A_236 = arith.maxsi %neg3A_228, %gather3A_235 : vector<16xi32>
      %xor3A_237 = arith.constant 4 : i32
      %xor3A_238 = vector.broadcast %xor3A_237 : i32 to vector<16xi32>
      %xor3A_239 = arith.xori %iota3A_229, %xor3A_238 : vector<16xi32>
      %broadcast_in_dim3A_240 = vector.shape_cast %xor3A_239 : vector<16xi32> to vector<16x1xi32>
      %gather3A_241 = vector.shape_cast %broadcast_in_dim3A_240 : vector<16x1xi32> to vector<16xi32>
      %gather3A_242 = tpu.dynamic_gather %max3A_236[%gather3A_241] in [0] : vector<16xi32>, vector<16xi32> -> vector<16xi32>
      %max3A_243 = arith.maxsi %max3A_236, %gather3A_242 : vector<16xi32>
      %xor3A_244 = arith.constant 2 : i32
      %xor3A_245 = vector.broadcast %xor3A_244 : i32 to vector<16xi32>
      %xor3A_246 = arith.xori %iota3A_229, %xor3A_245 : vector<16xi32>
      %broadcast_in_dim3A_247 = vector.shape_cast %xor3A_246 : vector<16xi32> to vector<16x1xi32>
      %gather3A_248 = vector.shape_cast %broadcast_in_dim3A_247 : vector<16x1xi32> to vector<16xi32>
      %gather3A_249 = tpu.dynamic_gather %max3A_243[%gather3A_248] in [0] : vector<16xi32>, vector<16xi32> -> vector<16xi32>
      %max3A_250 = arith.maxsi %max3A_243, %gather3A_249 : vector<16xi32>
      %xor3A_251 = arith.constant 1 : i32
      %xor3A_252 = vector.broadcast %xor3A_251 : i32 to vector<16xi32>
      %xor3A_253 = arith.xori %iota3A_229, %xor3A_252 : vector<16xi32>
      %broadcast_in_dim3A_254 = vector.shape_cast %xor3A_253 : vector<16xi32> to vector<16x1xi32>
      %gather3A_255 = vector.shape_cast %broadcast_in_dim3A_254 : vector<16x1xi32> to vector<16xi32>
      %gather3A_256 = tpu.dynamic_gather %max3A_250[%gather3A_255] in [0] : vector<16xi32>, vector<16xi32> -> vector<16xi32>
      %max3A_257 = arith.maxsi %max3A_250, %gather3A_256 : vector<16xi32>
      %neg3A_258 = arith.constant 0 : i32
      %neg3A_259 = vector.broadcast %neg3A_258 : i32 to vector<16xi32>
      %neg3A_260 = arith.subi %neg3A_259, %max3A_257 : vector<16xi32>
      %eq3A_261 = arith.constant 2 : i32
      %eq3A_262 = vector.broadcast %eq3A_261 : i32 to vector<16xi32>
      %eq3A_263 = arith.cmpi eq, %iota3A, %eq3A_262 : vector<16xi32>
      %select_n3A_264 = arith.select %eq3A_263, %max3A_221, %select_n3A_172 : vector<16xi1>, vector<16xf32>
      %eq3A_265 = arith.constant 2 : i32
      %eq3A_266 = vector.broadcast %eq3A_265 : i32 to vector<16xi32>
      %eq3A_267 = arith.cmpi eq, %iota3A, %eq3A_266 : vector<16xi32>
      %select_n3A_268 = arith.select %eq3A_267, %neg3A_260, %select_n3A_176 : vector<16xi1>, vector<16xi32>
      %scan3A_269 = arith.constant 0 : i32
      %scan3A_270 = arith.constant 0 : i32
      %scan3A_271 = arith.constant 16 : i32
      %scan3A_272 = arith.addi %scan3A_270, %scan3A_271 : i32
      %scan3A_273 = arith.constant 1 : i32
      scf.for %scan3A_756 = %scan3A_270 to %scan3A_272 step %scan3A_273  : i32 {
        %mul3A_757 = arith.constant 16 : i32
        %mul3A_758 = arith.muli %scan3A_756, %mul3A_757 : i32
        %get3A = arith.index_cast %mul3A_758 : i32 to index
        %get3A_759 = tpu.vector_load %arg6[%get3A] {strides = array<i32>} : memref<256xf32, #tpu.memory_space<vmem>>, vector<16xf32>,
        %get3A_760 = vector.shape_cast %get3A_759 : vector<16xf32> to vector<16xf32>
        %mul3A_761 = arith.constant 16 : i32
        %mul3A_762 = arith.muli %scan3A_756, %mul3A_761 : i32
        %add3A = arith.addi %mul3A_0, %mul3A_762 : i32
        %add3A_763 = vector.broadcast %add3A : i32 to vector<16xi32>
        %add3A_764 = arith.addi %add3A_763, %iota3A : vector<16xi32>
        %eq3A_765 = arith.cmpi eq, %add3A_764, %neg3A_260 : vector<16xi32>
        %jit3A_766 = arith.constant 0xFF800000 : f32
        %broadcast_in_dim3A_767 = vector.broadcast %jit3A_766 : f32 to vector<16xf32>
        %select_n3A_768 = arith.select %eq3A_765, %broadcast_in_dim3A_767, %get3A_760 : vector<16xi1>, vector<16xf32>
        %mul3A_769 = arith.constant 16 : i32
        %mul3A_770 = arith.muli %scan3A_756, %mul3A_769 : i32
        %swap3A_771 = arith.index_cast %mul3A_770 : i32 to index
        %swap3A_772 = tpu.vector_load %arg6[%swap3A_771] {strides = array<i32>} : memref<256xf32, #tpu.memory_space<vmem>>, vector<16xf32>,
        %swap3A_773 = vector.shape_cast %swap3A_772 : vector<16xf32> to vector<16xf32>
        %swap3A_774 = vector.shape_cast %select_n3A_768 : vector<16xf32> to vector<16xf32>
        tpu.vector_store %arg6[%swap3A_771], %swap3A_774 {strides = array<i32>} : memref<256xf32, #tpu.memory_space<vmem>>, vector<16xf32>,
      }
      %scan3A_274 = arith.constant 16 : i32
      %broadcast_in_dim3A_275 = arith.constant 0xFF800000 : f32
      %broadcast_in_dim3A_276 = vector.broadcast %broadcast_in_dim3A_275 : f32 to vector<16xf32>
      %broadcast_in_dim3A_277 = arith.constant 1073741824 : i32
      %broadcast_in_dim3A_278 = vector.broadcast %broadcast_in_dim3A_277 : i32 to vector<16xi32>
      %scan3A_279 = arith.constant 0 : i32
      %scan3A_280 = arith.constant 16 : i32
      %scan3A_281 = arith.addi %scan3A_279, %scan3A_280 : i32
      %scan3A_282 = arith.constant 1 : i32
      %scan3A_283:2 = scf.for %scan3A_756 = %scan3A_279 to %scan3A_281 step %scan3A_282 iter_args(%scan3A_757 = %broadcast_in_dim3A_276, %scan3A_758 = %broadcast_in_dim3A_278) -> (vector<16xf32>, vector<16xi32>)  : i32 {
        %mul3A_759 = arith.constant 16 : i32
        %mul3A_760 = arith.muli %scan3A_756, %mul3A_759 : i32
        %get3A = arith.index_cast %mul3A_760 : i32 to index
        %get3A_761 = tpu.vector_load %arg6[%get3A] {strides = array<i32>} : memref<256xf32, #tpu.memory_space<vmem>>, vector<16xf32>,
        %get3A_762 = vector.shape_cast %get3A_761 : vector<16xf32> to vector<16xf32>
        %mul3A_763 = arith.constant 16 : i32
        %mul3A_764 = arith.muli %scan3A_756, %mul3A_763 : i32
        %add3A = arith.addi %mul3A_0, %mul3A_764 : i32
        %add3A_765 = vector.broadcast %add3A : i32 to vector<16xi32>
        %add3A_766 = arith.addi %add3A_765, %iota3A : vector<16xi32>
        %gt3A = arith.cmpf ogt, %get3A_762, %scan3A_757 : vector<16xf32>
        %select_n3A_767 = arith.select %gt3A, %get3A_762, %scan3A_757 : vector<16xi1>, vector<16xf32>
        %select_n3A_768 = arith.select %gt3A, %add3A_766, %scan3A_758 : vector<16xi1>, vector<16xi32>
        scf.yield %select_n3A_767, %select_n3A_768 : vector<16xf32>, vector<16xi32>
      }
      %scan3A_284 = arith.constant 16 : i32
      %iota3A_285 = tpu.iota {dimensions = array<i32: 0>} : vector<16xi32>
      %xor3A_286 = arith.constant 8 : i32
      %xor3A_287 = vector.broadcast %xor3A_286 : i32 to vector<16xi32>
      %xor3A_288 = arith.xori %iota3A_285, %xor3A_287 : vector<16xi32>
      %broadcast_in_dim3A_289 = vector.shape_cast %xor3A_288 : vector<16xi32> to vector<16x1xi32>
      %gather3A_290 = vector.shape_cast %broadcast_in_dim3A_289 : vector<16x1xi32> to vector<16xi32>
      %gather3A_291 = tpu.dynamic_gather %scan3A_283#0[%gather3A_290] in [0] : vector<16xf32>, vector<16xi32> -> vector<16xf32>
      %max3A_292 = arith.maximumf %scan3A_283#0, %gather3A_291 : vector<16xf32>
      %xor3A_293 = arith.constant 4 : i32
      %xor3A_294 = vector.broadcast %xor3A_293 : i32 to vector<16xi32>
      %xor3A_295 = arith.xori %iota3A_285, %xor3A_294 : vector<16xi32>
      %broadcast_in_dim3A_296 = vector.shape_cast %xor3A_295 : vector<16xi32> to vector<16x1xi32>
      %gather3A_297 = vector.shape_cast %broadcast_in_dim3A_296 : vector<16x1xi32> to vector<16xi32>
      %gather3A_298 = tpu.dynamic_gather %max3A_292[%gather3A_297] in [0] : vector<16xf32>, vector<16xi32> -> vector<16xf32>
      %max3A_299 = arith.maximumf %max3A_292, %gather3A_298 : vector<16xf32>
      %xor3A_300 = arith.constant 2 : i32
      %xor3A_301 = vector.broadcast %xor3A_300 : i32 to vector<16xi32>
      %xor3A_302 = arith.xori %iota3A_285, %xor3A_301 : vector<16xi32>
      %broadcast_in_dim3A_303 = vector.shape_cast %xor3A_302 : vector<16xi32> to vector<16x1xi32>
      %gather3A_304 = vector.shape_cast %broadcast_in_dim3A_303 : vector<16x1xi32> to vector<16xi32>
      %gather3A_305 = tpu.dynamic_gather %max3A_299[%gather3A_304] in [0] : vector<16xf32>, vector<16xi32> -> vector<16xf32>
      %max3A_306 = arith.maximumf %max3A_299, %gather3A_305 : vector<16xf32>
      %xor3A_307 = arith.constant 1 : i32
      %xor3A_308 = vector.broadcast %xor3A_307 : i32 to vector<16xi32>
      %xor3A_309 = arith.xori %iota3A_285, %xor3A_308 : vector<16xi32>
      %broadcast_in_dim3A_310 = vector.shape_cast %xor3A_309 : vector<16xi32> to vector<16x1xi32>
      %gather3A_311 = vector.shape_cast %broadcast_in_dim3A_310 : vector<16x1xi32> to vector<16xi32>
      %gather3A_312 = tpu.dynamic_gather %max3A_306[%gather3A_311] in [0] : vector<16xf32>, vector<16xi32> -> vector<16xf32>
      %max3A_313 = arith.maximumf %max3A_306, %gather3A_312 : vector<16xf32>
      %eq3A_314 = arith.cmpf oeq, %scan3A_283#0, %max3A_313 : vector<16xf32>
      %jit3A_315 = arith.constant 1073741824 : i32
      %broadcast_in_dim3A_316 = vector.broadcast %jit3A_315 : i32 to vector<16xi32>
      %select_n3A_317 = arith.select %eq3A_314, %scan3A_283#1, %broadcast_in_dim3A_316 : vector<16xi1>, vector<16xi32>
      %neg3A_318 = arith.constant 0 : i32
      %neg3A_319 = vector.broadcast %neg3A_318 : i32 to vector<16xi32>
      %neg3A_320 = arith.subi %neg3A_319, %select_n3A_317 : vector<16xi32>
      %iota3A_321 = tpu.iota {dimensions = array<i32: 0>} : vector<16xi32>
      %xor3A_322 = arith.constant 8 : i32
      %xor3A_323 = vector.broadcast %xor3A_322 : i32 to vector<16xi32>
      %xor3A_324 = arith.xori %iota3A_321, %xor3A_323 : vector<16xi32>
      %broadcast_in_dim3A_325 = vector.shape_cast %xor3A_324 : vector<16xi32> to vector<16x1xi32>
      %gather3A_326 = vector.shape_cast %broadcast_in_dim3A_325 : vector<16x1xi32> to vector<16xi32>
      %gather3A_327 = tpu.dynamic_gather %neg3A_320[%gather3A_326] in [0] : vector<16xi32>, vector<16xi32> -> vector<16xi32>
      %max3A_328 = arith.maxsi %neg3A_320, %gather3A_327 : vector<16xi32>
      %xor3A_329 = arith.constant 4 : i32
      %xor3A_330 = vector.broadcast %xor3A_329 : i32 to vector<16xi32>
      %xor3A_331 = arith.xori %iota3A_321, %xor3A_330 : vector<16xi32>
      %broadcast_in_dim3A_332 = vector.shape_cast %xor3A_331 : vector<16xi32> to vector<16x1xi32>
      %gather3A_333 = vector.shape_cast %broadcast_in_dim3A_332 : vector<16x1xi32> to vector<16xi32>
      %gather3A_334 = tpu.dynamic_gather %max3A_328[%gather3A_333] in [0] : vector<16xi32>, vector<16xi32> -> vector<16xi32>
      %max3A_335 = arith.maxsi %max3A_328, %gather3A_334 : vector<16xi32>
      %xor3A_336 = arith.constant 2 : i32
      %xor3A_337 = vector.broadcast %xor3A_336 : i32 to vector<16xi32>
      %xor3A_338 = arith.xori %iota3A_321, %xor3A_337 : vector<16xi32>
      %broadcast_in_dim3A_339 = vector.shape_cast %xor3A_338 : vector<16xi32> to vector<16x1xi32>
      %gather3A_340 = vector.shape_cast %broadcast_in_dim3A_339 : vector<16x1xi32> to vector<16xi32>
      %gather3A_341 = tpu.dynamic_gather %max3A_335[%gather3A_340] in [0] : vector<16xi32>, vector<16xi32> -> vector<16xi32>
      %max3A_342 = arith.maxsi %max3A_335, %gather3A_341 : vector<16xi32>
      %xor3A_343 = arith.constant 1 : i32
      %xor3A_344 = vector.broadcast %xor3A_343 : i32 to vector<16xi32>
      %xor3A_345 = arith.xori %iota3A_321, %xor3A_344 : vector<16xi32>
      %broadcast_in_dim3A_346 = vector.shape_cast %xor3A_345 : vector<16xi32> to vector<16x1xi32>
      %gather3A_347 = vector.shape_cast %broadcast_in_dim3A_346 : vector<16x1xi32> to vector<16xi32>
      %gather3A_348 = tpu.dynamic_gather %max3A_342[%gather3A_347] in [0] : vector<16xi32>, vector<16xi32> -> vector<16xi32>
      %max3A_349 = arith.maxsi %max3A_342, %gather3A_348 : vector<16xi32>
      %neg3A_350 = arith.constant 0 : i32
      %neg3A_351 = vector.broadcast %neg3A_350 : i32 to vector<16xi32>
      %neg3A_352 = arith.subi %neg3A_351, %max3A_349 : vector<16xi32>
      %eq3A_353 = arith.constant 3 : i32
      %eq3A_354 = vector.broadcast %eq3A_353 : i32 to vector<16xi32>
      %eq3A_355 = arith.cmpi eq, %iota3A, %eq3A_354 : vector<16xi32>
      %select_n3A_356 = arith.select %eq3A_355, %max3A_313, %select_n3A_264 : vector<16xi1>, vector<16xf32>
      %eq3A_357 = arith.constant 3 : i32
      %eq3A_358 = vector.broadcast %eq3A_357 : i32 to vector<16xi32>
      %eq3A_359 = arith.cmpi eq, %iota3A, %eq3A_358 : vector<16xi32>
      %select_n3A_360 = arith.select %eq3A_359, %neg3A_352, %select_n3A_268 : vector<16xi1>, vector<16xi32>
      %scan3A_361 = arith.constant 0 : i32
      %scan3A_362 = arith.constant 0 : i32
      %scan3A_363 = arith.constant 16 : i32
      %scan3A_364 = arith.addi %scan3A_362, %scan3A_363 : i32
      %scan3A_365 = arith.constant 1 : i32
      scf.for %scan3A_756 = %scan3A_362 to %scan3A_364 step %scan3A_365  : i32 {
        %mul3A_757 = arith.constant 16 : i32
        %mul3A_758 = arith.muli %scan3A_756, %mul3A_757 : i32
        %get3A = arith.index_cast %mul3A_758 : i32 to index
        %get3A_759 = tpu.vector_load %arg6[%get3A] {strides = array<i32>} : memref<256xf32, #tpu.memory_space<vmem>>, vector<16xf32>,
        %get3A_760 = vector.shape_cast %get3A_759 : vector<16xf32> to vector<16xf32>
        %mul3A_761 = arith.constant 16 : i32
        %mul3A_762 = arith.muli %scan3A_756, %mul3A_761 : i32
        %add3A = arith.addi %mul3A_0, %mul3A_762 : i32
        %add3A_763 = vector.broadcast %add3A : i32 to vector<16xi32>
        %add3A_764 = arith.addi %add3A_763, %iota3A : vector<16xi32>
        %eq3A_765 = arith.cmpi eq, %add3A_764, %neg3A_352 : vector<16xi32>
        %jit3A_766 = arith.constant 0xFF800000 : f32
        %broadcast_in_dim3A_767 = vector.broadcast %jit3A_766 : f32 to vector<16xf32>
        %select_n3A_768 = arith.select %eq3A_765, %broadcast_in_dim3A_767, %get3A_760 : vector<16xi1>, vector<16xf32>
        %mul3A_769 = arith.constant 16 : i32
        %mul3A_770 = arith.muli %scan3A_756, %mul3A_769 : i32
        %swap3A_771 = arith.index_cast %mul3A_770 : i32 to index
        %swap3A_772 = tpu.vector_load %arg6[%swap3A_771] {strides = array<i32>} : memref<256xf32, #tpu.memory_space<vmem>>, vector<16xf32>,
        %swap3A_773 = vector.shape_cast %swap3A_772 : vector<16xf32> to vector<16xf32>
        %swap3A_774 = vector.shape_cast %select_n3A_768 : vector<16xf32> to vector<16xf32>
        tpu.vector_store %arg6[%swap3A_771], %swap3A_774 {strides = array<i32>} : memref<256xf32, #tpu.memory_space<vmem>>, vector<16xf32>,
      }
      %scan3A_366 = arith.constant 16 : i32
      %broadcast_in_dim3A_367 = arith.constant 0xFF800000 : f32
      %broadcast_in_dim3A_368 = vector.broadcast %broadcast_in_dim3A_367 : f32 to vector<16xf32>
      %broadcast_in_dim3A_369 = arith.constant 1073741824 : i32
      %broadcast_in_dim3A_370 = vector.broadcast %broadcast_in_dim3A_369 : i32 to vector<16xi32>
      %scan3A_371 = arith.constant 0 : i32
      %scan3A_372 = arith.constant 16 : i32
      %scan3A_373 = arith.addi %scan3A_371, %scan3A_372 : i32
      %scan3A_374 = arith.constant 1 : i32
      %scan3A_375:2 = scf.for %scan3A_756 = %scan3A_371 to %scan3A_373 step %scan3A_374 iter_args(%scan3A_757 = %broadcast_in_dim3A_368, %scan3A_758 = %broadcast_in_dim3A_370) -> (vector<16xf32>, vector<16xi32>)  : i32 {
        %mul3A_759 = arith.constant 16 : i32
        %mul3A_760 = arith.muli %scan3A_756, %mul3A_759 : i32
        %get3A = arith.index_cast %mul3A_760 : i32 to index
        %get3A_761 = tpu.vector_load %arg6[%get3A] {strides = array<i32>} : memref<256xf32, #tpu.memory_space<vmem>>, vector<16xf32>,
        %get3A_762 = vector.shape_cast %get3A_761 : vector<16xf32> to vector<16xf32>
        %mul3A_763 = arith.constant 16 : i32
        %mul3A_764 = arith.muli %scan3A_756, %mul3A_763 : i32
        %add3A = arith.addi %mul3A_0, %mul3A_764 : i32
        %add3A_765 = vector.broadcast %add3A : i32 to vector<16xi32>
        %add3A_766 = arith.addi %add3A_765, %iota3A : vector<16xi32>
        %gt3A = arith.cmpf ogt, %get3A_762, %scan3A_757 : vector<16xf32>
        %select_n3A_767 = arith.select %gt3A, %get3A_762, %scan3A_757 : vector<16xi1>, vector<16xf32>
        %select_n3A_768 = arith.select %gt3A, %add3A_766, %scan3A_758 : vector<16xi1>, vector<16xi32>
        scf.yield %select_n3A_767, %select_n3A_768 : vector<16xf32>, vector<16xi32>
      }
      %scan3A_376 = arith.constant 16 : i32
      %iota3A_377 = tpu.iota {dimensions = array<i32: 0>} : vector<16xi32>
      %xor3A_378 = arith.constant 8 : i32
      %xor3A_379 = vector.broadcast %xor3A_378 : i32 to vector<16xi32>
      %xor3A_380 = arith.xori %iota3A_377, %xor3A_379 : vector<16xi32>
      %broadcast_in_dim3A_381 = vector.shape_cast %xor3A_380 : vector<16xi32> to vector<16x1xi32>
      %gather3A_382 = vector.shape_cast %broadcast_in_dim3A_381 : vector<16x1xi32> to vector<16xi32>
      %gather3A_383 = tpu.dynamic_gather %scan3A_375#0[%gather3A_382] in [0] : vector<16xf32>, vector<16xi32> -> vector<16xf32>
      %max3A_384 = arith.maximumf %scan3A_375#0, %gather3A_383 : vector<16xf32>
      %xor3A_385 = arith.constant 4 : i32
      %xor3A_386 = vector.broadcast %xor3A_385 : i32 to vector<16xi32>
      %xor3A_387 = arith.xori %iota3A_377, %xor3A_386 : vector<16xi32>
      %broadcast_in_dim3A_388 = vector.shape_cast %xor3A_387 : vector<16xi32> to vector<16x1xi32>
      %gather3A_389 = vector.shape_cast %broadcast_in_dim3A_388 : vector<16x1xi32> to vector<16xi32>
      %gather3A_390 = tpu.dynamic_gather %max3A_384[%gather3A_389] in [0] : vector<16xf32>, vector<16xi32> -> vector<16xf32>
      %max3A_391 = arith.maximumf %max3A_384, %gather3A_390 : vector<16xf32>
      %xor3A_392 = arith.constant 2 : i32
      %xor3A_393 = vector.broadcast %xor3A_392 : i32 to vector<16xi32>
      %xor3A_394 = arith.xori %iota3A_377, %xor3A_393 : vector<16xi32>
      %broadcast_in_dim3A_395 = vector.shape_cast %xor3A_394 : vector<16xi32> to vector<16x1xi32>
      %gather3A_396 = vector.shape_cast %broadcast_in_dim3A_395 : vector<16x1xi32> to vector<16xi32>
      %gather3A_397 = tpu.dynamic_gather %max3A_391[%gather3A_396] in [0] : vector<16xf32>, vector<16xi32> -> vector<16xf32>
      %max3A_398 = arith.maximumf %max3A_391, %gather3A_397 : vector<16xf32>
      %xor3A_399 = arith.constant 1 : i32
      %xor3A_400 = vector.broadcast %xor3A_399 : i32 to vector<16xi32>
      %xor3A_401 = arith.xori %iota3A_377, %xor3A_400 : vector<16xi32>
      %broadcast_in_dim3A_402 = vector.shape_cast %xor3A_401 : vector<16xi32> to vector<16x1xi32>
      %gather3A_403 = vector.shape_cast %broadcast_in_dim3A_402 : vector<16x1xi32> to vector<16xi32>
      %gather3A_404 = tpu.dynamic_gather %max3A_398[%gather3A_403] in [0] : vector<16xf32>, vector<16xi32> -> vector<16xf32>
      %max3A_405 = arith.maximumf %max3A_398, %gather3A_404 : vector<16xf32>
      %eq3A_406 = arith.cmpf oeq, %scan3A_375#0, %max3A_405 : vector<16xf32>
      %jit3A_407 = arith.constant 1073741824 : i32
      %broadcast_in_dim3A_408 = vector.broadcast %jit3A_407 : i32 to vector<16xi32>
      %select_n3A_409 = arith.select %eq3A_406, %scan3A_375#1, %broadcast_in_dim3A_408 : vector<16xi1>, vector<16xi32>
      %neg3A_410 = arith.constant 0 : i32
      %neg3A_411 = vector.broadcast %neg3A_410 : i32 to vector<16xi32>
      %neg3A_412 = arith.subi %neg3A_411, %select_n3A_409 : vector<16xi32>
      %iota3A_413 = tpu.iota {dimensions = array<i32: 0>} : vector<16xi32>
      %xor3A_414 = arith.constant 8 : i32
      %xor3A_415 = vector.broadcast %xor3A_414 : i32 to vector<16xi32>
      %xor3A_416 = arith.xori %iota3A_413, %xor3A_415 : vector<16xi32>
      %broadcast_in_dim3A_417 = vector.shape_cast %xor3A_416 : vector<16xi32> to vector<16x1xi32>
      %gather3A_418 = vector.shape_cast %broadcast_in_dim3A_417 : vector<16x1xi32> to vector<16xi32>
      %gather3A_419 = tpu.dynamic_gather %neg3A_412[%gather3A_418] in [0] : vector<16xi32>, vector<16xi32> -> vector<16xi32>
      %max3A_420 = arith.maxsi %neg3A_412, %gather3A_419 : vector<16xi32>
      %xor3A_421 = arith.constant 4 : i32
      %xor3A_422 = vector.broadcast %xor3A_421 : i32 to vector<16xi32>
      %xor3A_423 = arith.xori %iota3A_413, %xor3A_422 : vector<16xi32>
      %broadcast_in_dim3A_424 = vector.shape_cast %xor3A_423 : vector<16xi32> to vector<16x1xi32>
      %gather3A_425 = vector.shape_cast %broadcast_in_dim3A_424 : vector<16x1xi32> to vector<16xi32>
      %gather3A_426 = tpu.dynamic_gather %max3A_420[%gather3A_425] in [0] : vector<16xi32>, vector<16xi32> -> vector<16xi32>
      %max3A_427 = arith.maxsi %max3A_420, %gather3A_426 : vector<16xi32>
      %xor3A_428 = arith.constant 2 : i32
      %xor3A_429 = vector.broadcast %xor3A_428 : i32 to vector<16xi32>
      %xor3A_430 = arith.xori %iota3A_413, %xor3A_429 : vector<16xi32>
      %broadcast_in_dim3A_431 = vector.shape_cast %xor3A_430 : vector<16xi32> to vector<16x1xi32>
      %gather3A_432 = vector.shape_cast %broadcast_in_dim3A_431 : vector<16x1xi32> to vector<16xi32>
      %gather3A_433 = tpu.dynamic_gather %max3A_427[%gather3A_432] in [0] : vector<16xi32>, vector<16xi32> -> vector<16xi32>
      %max3A_434 = arith.maxsi %max3A_427, %gather3A_433 : vector<16xi32>
      %xor3A_435 = arith.constant 1 : i32
      %xor3A_436 = vector.broadcast %xor3A_435 : i32 to vector<16xi32>
      %xor3A_437 = arith.xori %iota3A_413, %xor3A_436 : vector<16xi32>
      %broadcast_in_dim3A_438 = vector.shape_cast %xor3A_437 : vector<16xi32> to vector<16x1xi32>
      %gather3A_439 = vector.shape_cast %broadcast_in_dim3A_438 : vector<16x1xi32> to vector<16xi32>
      %gather3A_440 = tpu.dynamic_gather %max3A_434[%gather3A_439] in [0] : vector<16xi32>, vector<16xi32> -> vector<16xi32>
      %max3A_441 = arith.maxsi %max3A_434, %gather3A_440 : vector<16xi32>
      %neg3A_442 = arith.constant 0 : i32
      %neg3A_443 = vector.broadcast %neg3A_442 : i32 to vector<16xi32>
      %neg3A_444 = arith.subi %neg3A_443, %max3A_441 : vector<16xi32>
      %eq3A_445 = arith.constant 4 : i32
      %eq3A_446 = vector.broadcast %eq3A_445 : i32 to vector<16xi32>
      %eq3A_447 = arith.cmpi eq, %iota3A, %eq3A_446 : vector<16xi32>
      %select_n3A_448 = arith.select %eq3A_447, %max3A_405, %select_n3A_356 : vector<16xi1>, vector<16xf32>
      %eq3A_449 = arith.constant 4 : i32
      %eq3A_450 = vector.broadcast %eq3A_449 : i32 to vector<16xi32>
      %eq3A_451 = arith.cmpi eq, %iota3A, %eq3A_450 : vector<16xi32>
      %select_n3A_452 = arith.select %eq3A_451, %neg3A_444, %select_n3A_360 : vector<16xi1>, vector<16xi32>
      %scan3A_453 = arith.constant 0 : i32
      %scan3A_454 = arith.constant 0 : i32
      %scan3A_455 = arith.constant 16 : i32
      %scan3A_456 = arith.addi %scan3A_454, %scan3A_455 : i32
      %scan3A_457 = arith.constant 1 : i32
      scf.for %scan3A_756 = %scan3A_454 to %scan3A_456 step %scan3A_457  : i32 {
        %mul3A_757 = arith.constant 16 : i32
        %mul3A_758 = arith.muli %scan3A_756, %mul3A_757 : i32
        %get3A = arith.index_cast %mul3A_758 : i32 to index
        %get3A_759 = tpu.vector_load %arg6[%get3A] {strides = array<i32>} : memref<256xf32, #tpu.memory_space<vmem>>, vector<16xf32>,
        %get3A_760 = vector.shape_cast %get3A_759 : vector<16xf32> to vector<16xf32>
        %mul3A_761 = arith.constant 16 : i32
        %mul3A_762 = arith.muli %scan3A_756, %mul3A_761 : i32
        %add3A = arith.addi %mul3A_0, %mul3A_762 : i32
        %add3A_763 = vector.broadcast %add3A : i32 to vector<16xi32>
        %add3A_764 = arith.addi %add3A_763, %iota3A : vector<16xi32>
        %eq3A_765 = arith.cmpi eq, %add3A_764, %neg3A_444 : vector<16xi32>
        %jit3A_766 = arith.constant 0xFF800000 : f32
        %broadcast_in_dim3A_767 = vector.broadcast %jit3A_766 : f32 to vector<16xf32>
        %select_n3A_768 = arith.select %eq3A_765, %broadcast_in_dim3A_767, %get3A_760 : vector<16xi1>, vector<16xf32>
        %mul3A_769 = arith.constant 16 : i32
        %mul3A_770 = arith.muli %scan3A_756, %mul3A_769 : i32
        %swap3A_771 = arith.index_cast %mul3A_770 : i32 to index
        %swap3A_772 = tpu.vector_load %arg6[%swap3A_771] {strides = array<i32>} : memref<256xf32, #tpu.memory_space<vmem>>, vector<16xf32>,
        %swap3A_773 = vector.shape_cast %swap3A_772 : vector<16xf32> to vector<16xf32>
        %swap3A_774 = vector.shape_cast %select_n3A_768 : vector<16xf32> to vector<16xf32>
        tpu.vector_store %arg6[%swap3A_771], %swap3A_774 {strides = array<i32>} : memref<256xf32, #tpu.memory_space<vmem>>, vector<16xf32>,
      }
      %scan3A_458 = arith.constant 16 : i32
      %broadcast_in_dim3A_459 = arith.constant 0xFF800000 : f32
      %broadcast_in_dim3A_460 = vector.broadcast %broadcast_in_dim3A_459 : f32 to vector<16xf32>
      %broadcast_in_dim3A_461 = arith.constant 1073741824 : i32
      %broadcast_in_dim3A_462 = vector.broadcast %broadcast_in_dim3A_461 : i32 to vector<16xi32>
      %scan3A_463 = arith.constant 0 : i32
      %scan3A_464 = arith.constant 16 : i32
      %scan3A_465 = arith.addi %scan3A_463, %scan3A_464 : i32
      %scan3A_466 = arith.constant 1 : i32
      %scan3A_467:2 = scf.for %scan3A_756 = %scan3A_463 to %scan3A_465 step %scan3A_466 iter_args(%scan3A_757 = %broadcast_in_dim3A_460, %scan3A_758 = %broadcast_in_dim3A_462) -> (vector<16xf32>, vector<16xi32>)  : i32 {
        %mul3A_759 = arith.constant 16 : i32
        %mul3A_760 = arith.muli %scan3A_756, %mul3A_759 : i32
        %get3A = arith.index_cast %mul3A_760 : i32 to index
        %get3A_761 = tpu.vector_load %arg6[%get3A] {strides = array<i32>} : memref<256xf32, #tpu.memory_space<vmem>>, vector<16xf32>,
        %get3A_762 = vector.shape_cast %get3A_761 : vector<16xf32> to vector<16xf32>
        %mul3A_763 = arith.constant 16 : i32
        %mul3A_764 = arith.muli %scan3A_756, %mul3A_763 : i32
        %add3A = arith.addi %mul3A_0, %mul3A_764 : i32
        %add3A_765 = vector.broadcast %add3A : i32 to vector<16xi32>
        %add3A_766 = arith.addi %add3A_765, %iota3A : vector<16xi32>
        %gt3A = arith.cmpf ogt, %get3A_762, %scan3A_757 : vector<16xf32>
        %select_n3A_767 = arith.select %gt3A, %get3A_762, %scan3A_757 : vector<16xi1>, vector<16xf32>
        %select_n3A_768 = arith.select %gt3A, %add3A_766, %scan3A_758 : vector<16xi1>, vector<16xi32>
        scf.yield %select_n3A_767, %select_n3A_768 : vector<16xf32>, vector<16xi32>
      }
      %scan3A_468 = arith.constant 16 : i32
      %iota3A_469 = tpu.iota {dimensions = array<i32: 0>} : vector<16xi32>
      %xor3A_470 = arith.constant 8 : i32
      %xor3A_471 = vector.broadcast %xor3A_470 : i32 to vector<16xi32>
      %xor3A_472 = arith.xori %iota3A_469, %xor3A_471 : vector<16xi32>
      %broadcast_in_dim3A_473 = vector.shape_cast %xor3A_472 : vector<16xi32> to vector<16x1xi32>
      %gather3A_474 = vector.shape_cast %broadcast_in_dim3A_473 : vector<16x1xi32> to vector<16xi32>
      %gather3A_475 = tpu.dynamic_gather %scan3A_467#0[%gather3A_474] in [0] : vector<16xf32>, vector<16xi32> -> vector<16xf32>
      %max3A_476 = arith.maximumf %scan3A_467#0, %gather3A_475 : vector<16xf32>
      %xor3A_477 = arith.constant 4 : i32
      %xor3A_478 = vector.broadcast %xor3A_477 : i32 to vector<16xi32>
      %xor3A_479 = arith.xori %iota3A_469, %xor3A_478 : vector<16xi32>
      %broadcast_in_dim3A_480 = vector.shape_cast %xor3A_479 : vector<16xi32> to vector<16x1xi32>
      %gather3A_481 = vector.shape_cast %broadcast_in_dim3A_480 : vector<16x1xi32> to vector<16xi32>
      %gather3A_482 = tpu.dynamic_gather %max3A_476[%gather3A_481] in [0] : vector<16xf32>, vector<16xi32> -> vector<16xf32>
      %max3A_483 = arith.maximumf %max3A_476, %gather3A_482 : vector<16xf32>
      %xor3A_484 = arith.constant 2 : i32
      %xor3A_485 = vector.broadcast %xor3A_484 : i32 to vector<16xi32>
      %xor3A_486 = arith.xori %iota3A_469, %xor3A_485 : vector<16xi32>
      %broadcast_in_dim3A_487 = vector.shape_cast %xor3A_486 : vector<16xi32> to vector<16x1xi32>
      %gather3A_488 = vector.shape_cast %broadcast_in_dim3A_487 : vector<16x1xi32> to vector<16xi32>
      %gather3A_489 = tpu.dynamic_gather %max3A_483[%gather3A_488] in [0] : vector<16xf32>, vector<16xi32> -> vector<16xf32>
      %max3A_490 = arith.maximumf %max3A_483, %gather3A_489 : vector<16xf32>
      %xor3A_491 = arith.constant 1 : i32
      %xor3A_492 = vector.broadcast %xor3A_491 : i32 to vector<16xi32>
      %xor3A_493 = arith.xori %iota3A_469, %xor3A_492 : vector<16xi32>
      %broadcast_in_dim3A_494 = vector.shape_cast %xor3A_493 : vector<16xi32> to vector<16x1xi32>
      %gather3A_495 = vector.shape_cast %broadcast_in_dim3A_494 : vector<16x1xi32> to vector<16xi32>
      %gather3A_496 = tpu.dynamic_gather %max3A_490[%gather3A_495] in [0] : vector<16xf32>, vector<16xi32> -> vector<16xf32>
      %max3A_497 = arith.maximumf %max3A_490, %gather3A_496 : vector<16xf32>
      %eq3A_498 = arith.cmpf oeq, %scan3A_467#0, %max3A_497 : vector<16xf32>
      %jit3A_499 = arith.constant 1073741824 : i32
      %broadcast_in_dim3A_500 = vector.broadcast %jit3A_499 : i32 to vector<16xi32>
      %select_n3A_501 = arith.select %eq3A_498, %scan3A_467#1, %broadcast_in_dim3A_500 : vector<16xi1>, vector<16xi32>
      %neg3A_502 = arith.constant 0 : i32
      %neg3A_503 = vector.broadcast %neg3A_502 : i32 to vector<16xi32>
      %neg3A_504 = arith.subi %neg3A_503, %select_n3A_501 : vector<16xi32>
      %iota3A_505 = tpu.iota {dimensions = array<i32: 0>} : vector<16xi32>
      %xor3A_506 = arith.constant 8 : i32
      %xor3A_507 = vector.broadcast %xor3A_506 : i32 to vector<16xi32>
      %xor3A_508 = arith.xori %iota3A_505, %xor3A_507 : vector<16xi32>
      %broadcast_in_dim3A_509 = vector.shape_cast %xor3A_508 : vector<16xi32> to vector<16x1xi32>
      %gather3A_510 = vector.shape_cast %broadcast_in_dim3A_509 : vector<16x1xi32> to vector<16xi32>
      %gather3A_511 = tpu.dynamic_gather %neg3A_504[%gather3A_510] in [0] : vector<16xi32>, vector<16xi32> -> vector<16xi32>
      %max3A_512 = arith.maxsi %neg3A_504, %gather3A_511 : vector<16xi32>
      %xor3A_513 = arith.constant 4 : i32
      %xor3A_514 = vector.broadcast %xor3A_513 : i32 to vector<16xi32>
      %xor3A_515 = arith.xori %iota3A_505, %xor3A_514 : vector<16xi32>
      %broadcast_in_dim3A_516 = vector.shape_cast %xor3A_515 : vector<16xi32> to vector<16x1xi32>
      %gather3A_517 = vector.shape_cast %broadcast_in_dim3A_516 : vector<16x1xi32> to vector<16xi32>
      %gather3A_518 = tpu.dynamic_gather %max3A_512[%gather3A_517] in [0] : vector<16xi32>, vector<16xi32> -> vector<16xi32>
      %max3A_519 = arith.maxsi %max3A_512, %gather3A_518 : vector<16xi32>
      %xor3A_520 = arith.constant 2 : i32
      %xor3A_521 = vector.broadcast %xor3A_520 : i32 to vector<16xi32>
      %xor3A_522 = arith.xori %iota3A_505, %xor3A_521 : vector<16xi32>
      %broadcast_in_dim3A_523 = vector.shape_cast %xor3A_522 : vector<16xi32> to vector<16x1xi32>
      %gather3A_524 = vector.shape_cast %broadcast_in_dim3A_523 : vector<16x1xi32> to vector<16xi32>
      %gather3A_525 = tpu.dynamic_gather %max3A_519[%gather3A_524] in [0] : vector<16xi32>, vector<16xi32> -> vector<16xi32>
      %max3A_526 = arith.maxsi %max3A_519, %gather3A_525 : vector<16xi32>
      %xor3A_527 = arith.constant 1 : i32
      %xor3A_528 = vector.broadcast %xor3A_527 : i32 to vector<16xi32>
      %xor3A_529 = arith.xori %iota3A_505, %xor3A_528 : vector<16xi32>
      %broadcast_in_dim3A_530 = vector.shape_cast %xor3A_529 : vector<16xi32> to vector<16x1xi32>
      %gather3A_531 = vector.shape_cast %broadcast_in_dim3A_530 : vector<16x1xi32> to vector<16xi32>
      %gather3A_532 = tpu.dynamic_gather %max3A_526[%gather3A_531] in [0] : vector<16xi32>, vector<16xi32> -> vector<16xi32>
      %max3A_533 = arith.maxsi %max3A_526, %gather3A_532 : vector<16xi32>
      %neg3A_534 = arith.constant 0 : i32
      %neg3A_535 = vector.broadcast %neg3A_534 : i32 to vector<16xi32>
      %neg3A_536 = arith.subi %neg3A_535, %max3A_533 : vector<16xi32>
      %eq3A_537 = arith.constant 5 : i32
      %eq3A_538 = vector.broadcast %eq3A_537 : i32 to vector<16xi32>
      %eq3A_539 = arith.cmpi eq, %iota3A, %eq3A_538 : vector<16xi32>
      %select_n3A_540 = arith.select %eq3A_539, %max3A_497, %select_n3A_448 : vector<16xi1>, vector<16xf32>
      %eq3A_541 = arith.constant 5 : i32
      %eq3A_542 = vector.broadcast %eq3A_541 : i32 to vector<16xi32>
      %eq3A_543 = arith.cmpi eq, %iota3A, %eq3A_542 : vector<16xi32>
      %select_n3A_544 = arith.select %eq3A_543, %neg3A_536, %select_n3A_452 : vector<16xi1>, vector<16xi32>
      %scan3A_545 = arith.constant 0 : i32
      %scan3A_546 = arith.constant 0 : i32
      %scan3A_547 = arith.constant 16 : i32
      %scan3A_548 = arith.addi %scan3A_546, %scan3A_547 : i32
      %scan3A_549 = arith.constant 1 : i32
      scf.for %scan3A_756 = %scan3A_546 to %scan3A_548 step %scan3A_549  : i32 {
        %mul3A_757 = arith.constant 16 : i32
        %mul3A_758 = arith.muli %scan3A_756, %mul3A_757 : i32
        %get3A = arith.index_cast %mul3A_758 : i32 to index
        %get3A_759 = tpu.vector_load %arg6[%get3A] {strides = array<i32>} : memref<256xf32, #tpu.memory_space<vmem>>, vector<16xf32>,
        %get3A_760 = vector.shape_cast %get3A_759 : vector<16xf32> to vector<16xf32>
        %mul3A_761 = arith.constant 16 : i32
        %mul3A_762 = arith.muli %scan3A_756, %mul3A_761 : i32
        %add3A = arith.addi %mul3A_0, %mul3A_762 : i32
        %add3A_763 = vector.broadcast %add3A : i32 to vector<16xi32>
        %add3A_764 = arith.addi %add3A_763, %iota3A : vector<16xi32>
        %eq3A_765 = arith.cmpi eq, %add3A_764, %neg3A_536 : vector<16xi32>
        %jit3A_766 = arith.constant 0xFF800000 : f32
        %broadcast_in_dim3A_767 = vector.broadcast %jit3A_766 : f32 to vector<16xf32>
        %select_n3A_768 = arith.select %eq3A_765, %broadcast_in_dim3A_767, %get3A_760 : vector<16xi1>, vector<16xf32>
        %mul3A_769 = arith.constant 16 : i32
        %mul3A_770 = arith.muli %scan3A_756, %mul3A_769 : i32
        %swap3A_771 = arith.index_cast %mul3A_770 : i32 to index
        %swap3A_772 = tpu.vector_load %arg6[%swap3A_771] {strides = array<i32>} : memref<256xf32, #tpu.memory_space<vmem>>, vector<16xf32>,
        %swap3A_773 = vector.shape_cast %swap3A_772 : vector<16xf32> to vector<16xf32>
        %swap3A_774 = vector.shape_cast %select_n3A_768 : vector<16xf32> to vector<16xf32>
        tpu.vector_store %arg6[%swap3A_771], %swap3A_774 {strides = array<i32>} : memref<256xf32, #tpu.memory_space<vmem>>, vector<16xf32>,
      }
      %scan3A_550 = arith.constant 16 : i32
      %broadcast_in_dim3A_551 = arith.constant 0xFF800000 : f32
      %broadcast_in_dim3A_552 = vector.broadcast %broadcast_in_dim3A_551 : f32 to vector<16xf32>
      %broadcast_in_dim3A_553 = arith.constant 1073741824 : i32
      %broadcast_in_dim3A_554 = vector.broadcast %broadcast_in_dim3A_553 : i32 to vector<16xi32>
      %scan3A_555 = arith.constant 0 : i32
      %scan3A_556 = arith.constant 16 : i32
      %scan3A_557 = arith.addi %scan3A_555, %scan3A_556 : i32
      %scan3A_558 = arith.constant 1 : i32
      %scan3A_559:2 = scf.for %scan3A_756 = %scan3A_555 to %scan3A_557 step %scan3A_558 iter_args(%scan3A_757 = %broadcast_in_dim3A_552, %scan3A_758 = %broadcast_in_dim3A_554) -> (vector<16xf32>, vector<16xi32>)  : i32 {
        %mul3A_759 = arith.constant 16 : i32
        %mul3A_760 = arith.muli %scan3A_756, %mul3A_759 : i32
        %get3A = arith.index_cast %mul3A_760 : i32 to index
        %get3A_761 = tpu.vector_load %arg6[%get3A] {strides = array<i32>} : memref<256xf32, #tpu.memory_space<vmem>>, vector<16xf32>,
        %get3A_762 = vector.shape_cast %get3A_761 : vector<16xf32> to vector<16xf32>
        %mul3A_763 = arith.constant 16 : i32
        %mul3A_764 = arith.muli %scan3A_756, %mul3A_763 : i32
        %add3A = arith.addi %mul3A_0, %mul3A_764 : i32
        %add3A_765 = vector.broadcast %add3A : i32 to vector<16xi32>
        %add3A_766 = arith.addi %add3A_765, %iota3A : vector<16xi32>
        %gt3A = arith.cmpf ogt, %get3A_762, %scan3A_757 : vector<16xf32>
        %select_n3A_767 = arith.select %gt3A, %get3A_762, %scan3A_757 : vector<16xi1>, vector<16xf32>
        %select_n3A_768 = arith.select %gt3A, %add3A_766, %scan3A_758 : vector<16xi1>, vector<16xi32>
        scf.yield %select_n3A_767, %select_n3A_768 : vector<16xf32>, vector<16xi32>
      }
      %scan3A_560 = arith.constant 16 : i32
      %iota3A_561 = tpu.iota {dimensions = array<i32: 0>} : vector<16xi32>
      %xor3A_562 = arith.constant 8 : i32
      %xor3A_563 = vector.broadcast %xor3A_562 : i32 to vector<16xi32>
      %xor3A_564 = arith.xori %iota3A_561, %xor3A_563 : vector<16xi32>
      %broadcast_in_dim3A_565 = vector.shape_cast %xor3A_564 : vector<16xi32> to vector<16x1xi32>
      %gather3A_566 = vector.shape_cast %broadcast_in_dim3A_565 : vector<16x1xi32> to vector<16xi32>
      %gather3A_567 = tpu.dynamic_gather %scan3A_559#0[%gather3A_566] in [0] : vector<16xf32>, vector<16xi32> -> vector<16xf32>
      %max3A_568 = arith.maximumf %scan3A_559#0, %gather3A_567 : vector<16xf32>
      %xor3A_569 = arith.constant 4 : i32
      %xor3A_570 = vector.broadcast %xor3A_569 : i32 to vector<16xi32>
      %xor3A_571 = arith.xori %iota3A_561, %xor3A_570 : vector<16xi32>
      %broadcast_in_dim3A_572 = vector.shape_cast %xor3A_571 : vector<16xi32> to vector<16x1xi32>
      %gather3A_573 = vector.shape_cast %broadcast_in_dim3A_572 : vector<16x1xi32> to vector<16xi32>
      %gather3A_574 = tpu.dynamic_gather %max3A_568[%gather3A_573] in [0] : vector<16xf32>, vector<16xi32> -> vector<16xf32>
      %max3A_575 = arith.maximumf %max3A_568, %gather3A_574 : vector<16xf32>
      %xor3A_576 = arith.constant 2 : i32
      %xor3A_577 = vector.broadcast %xor3A_576 : i32 to vector<16xi32>
      %xor3A_578 = arith.xori %iota3A_561, %xor3A_577 : vector<16xi32>
      %broadcast_in_dim3A_579 = vector.shape_cast %xor3A_578 : vector<16xi32> to vector<16x1xi32>
      %gather3A_580 = vector.shape_cast %broadcast_in_dim3A_579 : vector<16x1xi32> to vector<16xi32>
      %gather3A_581 = tpu.dynamic_gather %max3A_575[%gather3A_580] in [0] : vector<16xf32>, vector<16xi32> -> vector<16xf32>
      %max3A_582 = arith.maximumf %max3A_575, %gather3A_581 : vector<16xf32>
      %xor3A_583 = arith.constant 1 : i32
      %xor3A_584 = vector.broadcast %xor3A_583 : i32 to vector<16xi32>
      %xor3A_585 = arith.xori %iota3A_561, %xor3A_584 : vector<16xi32>
      %broadcast_in_dim3A_586 = vector.shape_cast %xor3A_585 : vector<16xi32> to vector<16x1xi32>
      %gather3A_587 = vector.shape_cast %broadcast_in_dim3A_586 : vector<16x1xi32> to vector<16xi32>
      %gather3A_588 = tpu.dynamic_gather %max3A_582[%gather3A_587] in [0] : vector<16xf32>, vector<16xi32> -> vector<16xf32>
      %max3A_589 = arith.maximumf %max3A_582, %gather3A_588 : vector<16xf32>
      %eq3A_590 = arith.cmpf oeq, %scan3A_559#0, %max3A_589 : vector<16xf32>
      %jit3A_591 = arith.constant 1073741824 : i32
      %broadcast_in_dim3A_592 = vector.broadcast %jit3A_591 : i32 to vector<16xi32>
      %select_n3A_593 = arith.select %eq3A_590, %scan3A_559#1, %broadcast_in_dim3A_592 : vector<16xi1>, vector<16xi32>
      %neg3A_594 = arith.constant 0 : i32
      %neg3A_595 = vector.broadcast %neg3A_594 : i32 to vector<16xi32>
      %neg3A_596 = arith.subi %neg3A_595, %select_n3A_593 : vector<16xi32>
      %iota3A_597 = tpu.iota {dimensions = array<i32: 0>} : vector<16xi32>
      %xor3A_598 = arith.constant 8 : i32
      %xor3A_599 = vector.broadcast %xor3A_598 : i32 to vector<16xi32>
      %xor3A_600 = arith.xori %iota3A_597, %xor3A_599 : vector<16xi32>
      %broadcast_in_dim3A_601 = vector.shape_cast %xor3A_600 : vector<16xi32> to vector<16x1xi32>
      %gather3A_602 = vector.shape_cast %broadcast_in_dim3A_601 : vector<16x1xi32> to vector<16xi32>
      %gather3A_603 = tpu.dynamic_gather %neg3A_596[%gather3A_602] in [0] : vector<16xi32>, vector<16xi32> -> vector<16xi32>
      %max3A_604 = arith.maxsi %neg3A_596, %gather3A_603 : vector<16xi32>
      %xor3A_605 = arith.constant 4 : i32
      %xor3A_606 = vector.broadcast %xor3A_605 : i32 to vector<16xi32>
      %xor3A_607 = arith.xori %iota3A_597, %xor3A_606 : vector<16xi32>
      %broadcast_in_dim3A_608 = vector.shape_cast %xor3A_607 : vector<16xi32> to vector<16x1xi32>
      %gather3A_609 = vector.shape_cast %broadcast_in_dim3A_608 : vector<16x1xi32> to vector<16xi32>
      %gather3A_610 = tpu.dynamic_gather %max3A_604[%gather3A_609] in [0] : vector<16xi32>, vector<16xi32> -> vector<16xi32>
      %max3A_611 = arith.maxsi %max3A_604, %gather3A_610 : vector<16xi32>
      %xor3A_612 = arith.constant 2 : i32
      %xor3A_613 = vector.broadcast %xor3A_612 : i32 to vector<16xi32>
      %xor3A_614 = arith.xori %iota3A_597, %xor3A_613 : vector<16xi32>
      %broadcast_in_dim3A_615 = vector.shape_cast %xor3A_614 : vector<16xi32> to vector<16x1xi32>
      %gather3A_616 = vector.shape_cast %broadcast_in_dim3A_615 : vector<16x1xi32> to vector<16xi32>
      %gather3A_617 = tpu.dynamic_gather %max3A_611[%gather3A_616] in [0] : vector<16xi32>, vector<16xi32> -> vector<16xi32>
      %max3A_618 = arith.maxsi %max3A_611, %gather3A_617 : vector<16xi32>
      %xor3A_619 = arith.constant 1 : i32
      %xor3A_620 = vector.broadcast %xor3A_619 : i32 to vector<16xi32>
      %xor3A_621 = arith.xori %iota3A_597, %xor3A_620 : vector<16xi32>
      %broadcast_in_dim3A_622 = vector.shape_cast %xor3A_621 : vector<16xi32> to vector<16x1xi32>
      %gather3A_623 = vector.shape_cast %broadcast_in_dim3A_622 : vector<16x1xi32> to vector<16xi32>
      %gather3A_624 = tpu.dynamic_gather %max3A_618[%gather3A_623] in [0] : vector<16xi32>, vector<16xi32> -> vector<16xi32>
      %max3A_625 = arith.maxsi %max3A_618, %gather3A_624 : vector<16xi32>
      %neg3A_626 = arith.constant 0 : i32
      %neg3A_627 = vector.broadcast %neg3A_626 : i32 to vector<16xi32>
      %neg3A_628 = arith.subi %neg3A_627, %max3A_625 : vector<16xi32>
      %eq3A_629 = arith.constant 6 : i32
      %eq3A_630 = vector.broadcast %eq3A_629 : i32 to vector<16xi32>
      %eq3A_631 = arith.cmpi eq, %iota3A, %eq3A_630 : vector<16xi32>
      %select_n3A_632 = arith.select %eq3A_631, %max3A_589, %select_n3A_540 : vector<16xi1>, vector<16xf32>
      %eq3A_633 = arith.constant 6 : i32
      %eq3A_634 = vector.broadcast %eq3A_633 : i32 to vector<16xi32>
      %eq3A_635 = arith.cmpi eq, %iota3A, %eq3A_634 : vector<16xi32>
      %select_n3A_636 = arith.select %eq3A_635, %neg3A_628, %select_n3A_544 : vector<16xi1>, vector<16xi32>
      %scan3A_637 = arith.constant 0 : i32
      %scan3A_638 = arith.constant 0 : i32
      %scan3A_639 = arith.constant 16 : i32
      %scan3A_640 = arith.addi %scan3A_638, %scan3A_639 : i32
      %scan3A_641 = arith.constant 1 : i32
      scf.for %scan3A_756 = %scan3A_638 to %scan3A_640 step %scan3A_641  : i32 {
        %mul3A_757 = arith.constant 16 : i32
        %mul3A_758 = arith.muli %scan3A_756, %mul3A_757 : i32
        %get3A = arith.index_cast %mul3A_758 : i32 to index
        %get3A_759 = tpu.vector_load %arg6[%get3A] {strides = array<i32>} : memref<256xf32, #tpu.memory_space<vmem>>, vector<16xf32>,
        %get3A_760 = vector.shape_cast %get3A_759 : vector<16xf32> to vector<16xf32>
        %mul3A_761 = arith.constant 16 : i32
        %mul3A_762 = arith.muli %scan3A_756, %mul3A_761 : i32
        %add3A = arith.addi %mul3A_0, %mul3A_762 : i32
        %add3A_763 = vector.broadcast %add3A : i32 to vector<16xi32>
        %add3A_764 = arith.addi %add3A_763, %iota3A : vector<16xi32>
        %eq3A_765 = arith.cmpi eq, %add3A_764, %neg3A_628 : vector<16xi32>
        %jit3A_766 = arith.constant 0xFF800000 : f32
        %broadcast_in_dim3A_767 = vector.broadcast %jit3A_766 : f32 to vector<16xf32>
        %select_n3A_768 = arith.select %eq3A_765, %broadcast_in_dim3A_767, %get3A_760 : vector<16xi1>, vector<16xf32>
        %mul3A_769 = arith.constant 16 : i32
        %mul3A_770 = arith.muli %scan3A_756, %mul3A_769 : i32
        %swap3A_771 = arith.index_cast %mul3A_770 : i32 to index
        %swap3A_772 = tpu.vector_load %arg6[%swap3A_771] {strides = array<i32>} : memref<256xf32, #tpu.memory_space<vmem>>, vector<16xf32>,
        %swap3A_773 = vector.shape_cast %swap3A_772 : vector<16xf32> to vector<16xf32>
        %swap3A_774 = vector.shape_cast %select_n3A_768 : vector<16xf32> to vector<16xf32>
        tpu.vector_store %arg6[%swap3A_771], %swap3A_774 {strides = array<i32>} : memref<256xf32, #tpu.memory_space<vmem>>, vector<16xf32>,
      }
      %scan3A_642 = arith.constant 16 : i32
      %broadcast_in_dim3A_643 = arith.constant 0xFF800000 : f32
      %broadcast_in_dim3A_644 = vector.broadcast %broadcast_in_dim3A_643 : f32 to vector<16xf32>
      %broadcast_in_dim3A_645 = arith.constant 1073741824 : i32
      %broadcast_in_dim3A_646 = vector.broadcast %broadcast_in_dim3A_645 : i32 to vector<16xi32>
      %scan3A_647 = arith.constant 0 : i32
      %scan3A_648 = arith.constant 16 : i32
      %scan3A_649 = arith.addi %scan3A_647, %scan3A_648 : i32
      %scan3A_650 = arith.constant 1 : i32
      %scan3A_651:2 = scf.for %scan3A_756 = %scan3A_647 to %scan3A_649 step %scan3A_650 iter_args(%scan3A_757 = %broadcast_in_dim3A_644, %scan3A_758 = %broadcast_in_dim3A_646) -> (vector<16xf32>, vector<16xi32>)  : i32 {
        %mul3A_759 = arith.constant 16 : i32
        %mul3A_760 = arith.muli %scan3A_756, %mul3A_759 : i32
        %get3A = arith.index_cast %mul3A_760 : i32 to index
        %get3A_761 = tpu.vector_load %arg6[%get3A] {strides = array<i32>} : memref<256xf32, #tpu.memory_space<vmem>>, vector<16xf32>,
        %get3A_762 = vector.shape_cast %get3A_761 : vector<16xf32> to vector<16xf32>
        %mul3A_763 = arith.constant 16 : i32
        %mul3A_764 = arith.muli %scan3A_756, %mul3A_763 : i32
        %add3A = arith.addi %mul3A_0, %mul3A_764 : i32
        %add3A_765 = vector.broadcast %add3A : i32 to vector<16xi32>
        %add3A_766 = arith.addi %add3A_765, %iota3A : vector<16xi32>
        %gt3A = arith.cmpf ogt, %get3A_762, %scan3A_757 : vector<16xf32>
        %select_n3A_767 = arith.select %gt3A, %get3A_762, %scan3A_757 : vector<16xi1>, vector<16xf32>
        %select_n3A_768 = arith.select %gt3A, %add3A_766, %scan3A_758 : vector<16xi1>, vector<16xi32>
        scf.yield %select_n3A_767, %select_n3A_768 : vector<16xf32>, vector<16xi32>
      }
      %scan3A_652 = arith.constant 16 : i32
      %iota3A_653 = tpu.iota {dimensions = array<i32: 0>} : vector<16xi32>
      %xor3A_654 = arith.constant 8 : i32
      %xor3A_655 = vector.broadcast %xor3A_654 : i32 to vector<16xi32>
      %xor3A_656 = arith.xori %iota3A_653, %xor3A_655 : vector<16xi32>
      %broadcast_in_dim3A_657 = vector.shape_cast %xor3A_656 : vector<16xi32> to vector<16x1xi32>
      %gather3A_658 = vector.shape_cast %broadcast_in_dim3A_657 : vector<16x1xi32> to vector<16xi32>
      %gather3A_659 = tpu.dynamic_gather %scan3A_651#0[%gather3A_658] in [0] : vector<16xf32>, vector<16xi32> -> vector<16xf32>
      %max3A_660 = arith.maximumf %scan3A_651#0, %gather3A_659 : vector<16xf32>
      %xor3A_661 = arith.constant 4 : i32
      %xor3A_662 = vector.broadcast %xor3A_661 : i32 to vector<16xi32>
      %xor3A_663 = arith.xori %iota3A_653, %xor3A_662 : vector<16xi32>
      %broadcast_in_dim3A_664 = vector.shape_cast %xor3A_663 : vector<16xi32> to vector<16x1xi32>
      %gather3A_665 = vector.shape_cast %broadcast_in_dim3A_664 : vector<16x1xi32> to vector<16xi32>
      %gather3A_666 = tpu.dynamic_gather %max3A_660[%gather3A_665] in [0] : vector<16xf32>, vector<16xi32> -> vector<16xf32>
      %max3A_667 = arith.maximumf %max3A_660, %gather3A_666 : vector<16xf32>
      %xor3A_668 = arith.constant 2 : i32
      %xor3A_669 = vector.broadcast %xor3A_668 : i32 to vector<16xi32>
      %xor3A_670 = arith.xori %iota3A_653, %xor3A_669 : vector<16xi32>
      %broadcast_in_dim3A_671 = vector.shape_cast %xor3A_670 : vector<16xi32> to vector<16x1xi32>
      %gather3A_672 = vector.shape_cast %broadcast_in_dim3A_671 : vector<16x1xi32> to vector<16xi32>
      %gather3A_673 = tpu.dynamic_gather %max3A_667[%gather3A_672] in [0] : vector<16xf32>, vector<16xi32> -> vector<16xf32>
      %max3A_674 = arith.maximumf %max3A_667, %gather3A_673 : vector<16xf32>
      %xor3A_675 = arith.constant 1 : i32
      %xor3A_676 = vector.broadcast %xor3A_675 : i32 to vector<16xi32>
      %xor3A_677 = arith.xori %iota3A_653, %xor3A_676 : vector<16xi32>
      %broadcast_in_dim3A_678 = vector.shape_cast %xor3A_677 : vector<16xi32> to vector<16x1xi32>
      %gather3A_679 = vector.shape_cast %broadcast_in_dim3A_678 : vector<16x1xi32> to vector<16xi32>
      %gather3A_680 = tpu.dynamic_gather %max3A_674[%gather3A_679] in [0] : vector<16xf32>, vector<16xi32> -> vector<16xf32>
      %max3A_681 = arith.maximumf %max3A_674, %gather3A_680 : vector<16xf32>
      %eq3A_682 = arith.cmpf oeq, %scan3A_651#0, %max3A_681 : vector<16xf32>
      %jit3A_683 = arith.constant 1073741824 : i32
      %broadcast_in_dim3A_684 = vector.broadcast %jit3A_683 : i32 to vector<16xi32>
      %select_n3A_685 = arith.select %eq3A_682, %scan3A_651#1, %broadcast_in_dim3A_684 : vector<16xi1>, vector<16xi32>
      %neg3A_686 = arith.constant 0 : i32
      %neg3A_687 = vector.broadcast %neg3A_686 : i32 to vector<16xi32>
      %neg3A_688 = arith.subi %neg3A_687, %select_n3A_685 : vector<16xi32>
      %iota3A_689 = tpu.iota {dimensions = array<i32: 0>} : vector<16xi32>
      %xor3A_690 = arith.constant 8 : i32
      %xor3A_691 = vector.broadcast %xor3A_690 : i32 to vector<16xi32>
      %xor3A_692 = arith.xori %iota3A_689, %xor3A_691 : vector<16xi32>
      %broadcast_in_dim3A_693 = vector.shape_cast %xor3A_692 : vector<16xi32> to vector<16x1xi32>
      %gather3A_694 = vector.shape_cast %broadcast_in_dim3A_693 : vector<16x1xi32> to vector<16xi32>
      %gather3A_695 = tpu.dynamic_gather %neg3A_688[%gather3A_694] in [0] : vector<16xi32>, vector<16xi32> -> vector<16xi32>
      %max3A_696 = arith.maxsi %neg3A_688, %gather3A_695 : vector<16xi32>
      %xor3A_697 = arith.constant 4 : i32
      %xor3A_698 = vector.broadcast %xor3A_697 : i32 to vector<16xi32>
      %xor3A_699 = arith.xori %iota3A_689, %xor3A_698 : vector<16xi32>
      %broadcast_in_dim3A_700 = vector.shape_cast %xor3A_699 : vector<16xi32> to vector<16x1xi32>
      %gather3A_701 = vector.shape_cast %broadcast_in_dim3A_700 : vector<16x1xi32> to vector<16xi32>
      %gather3A_702 = tpu.dynamic_gather %max3A_696[%gather3A_701] in [0] : vector<16xi32>, vector<16xi32> -> vector<16xi32>
      %max3A_703 = arith.maxsi %max3A_696, %gather3A_702 : vector<16xi32>
      %xor3A_704 = arith.constant 2 : i32
      %xor3A_705 = vector.broadcast %xor3A_704 : i32 to vector<16xi32>
      %xor3A_706 = arith.xori %iota3A_689, %xor3A_705 : vector<16xi32>
      %broadcast_in_dim3A_707 = vector.shape_cast %xor3A_706 : vector<16xi32> to vector<16x1xi32>
      %gather3A_708 = vector.shape_cast %broadcast_in_dim3A_707 : vector<16x1xi32> to vector<16xi32>
      %gather3A_709 = tpu.dynamic_gather %max3A_703[%gather3A_708] in [0] : vector<16xi32>, vector<16xi32> -> vector<16xi32>
      %max3A_710 = arith.maxsi %max3A_703, %gather3A_709 : vector<16xi32>
      %xor3A_711 = arith.constant 1 : i32
      %xor3A_712 = vector.broadcast %xor3A_711 : i32 to vector<16xi32>
      %xor3A_713 = arith.xori %iota3A_689, %xor3A_712 : vector<16xi32>
      %broadcast_in_dim3A_714 = vector.shape_cast %xor3A_713 : vector<16xi32> to vector<16x1xi32>
      %gather3A_715 = vector.shape_cast %broadcast_in_dim3A_714 : vector<16x1xi32> to vector<16xi32>
      %gather3A_716 = tpu.dynamic_gather %max3A_710[%gather3A_715] in [0] : vector<16xi32>, vector<16xi32> -> vector<16xi32>
      %max3A_717 = arith.maxsi %max3A_710, %gather3A_716 : vector<16xi32>
      %neg3A_718 = arith.constant 0 : i32
      %neg3A_719 = vector.broadcast %neg3A_718 : i32 to vector<16xi32>
      %neg3A_720 = arith.subi %neg3A_719, %max3A_717 : vector<16xi32>
      %eq3A_721 = arith.constant 7 : i32
      %eq3A_722 = vector.broadcast %eq3A_721 : i32 to vector<16xi32>
      %eq3A_723 = arith.cmpi eq, %iota3A, %eq3A_722 : vector<16xi32>
      %select_n3A_724 = arith.select %eq3A_723, %max3A_681, %select_n3A_632 : vector<16xi1>, vector<16xf32>
      %eq3A_725 = arith.constant 7 : i32
      %eq3A_726 = vector.broadcast %eq3A_725 : i32 to vector<16xi32>
      %eq3A_727 = arith.cmpi eq, %iota3A, %eq3A_726 : vector<16xi32>
      %select_n3A_728 = arith.select %eq3A_727, %neg3A_720, %select_n3A_636 : vector<16xi1>, vector<16xi32>
      %scan3A_729 = arith.constant 0 : i32
      %scan3A_730 = arith.constant 0 : i32
      %scan3A_731 = arith.constant 16 : i32
      %scan3A_732 = arith.addi %scan3A_730, %scan3A_731 : i32
      %scan3A_733 = arith.constant 1 : i32
      scf.for %scan3A_756 = %scan3A_730 to %scan3A_732 step %scan3A_733  : i32 {
        %mul3A_757 = arith.constant 16 : i32
        %mul3A_758 = arith.muli %scan3A_756, %mul3A_757 : i32
        %get3A = arith.index_cast %mul3A_758 : i32 to index
        %get3A_759 = tpu.vector_load %arg6[%get3A] {strides = array<i32>} : memref<256xf32, #tpu.memory_space<vmem>>, vector<16xf32>,
        %get3A_760 = vector.shape_cast %get3A_759 : vector<16xf32> to vector<16xf32>
        %mul3A_761 = arith.constant 16 : i32
        %mul3A_762 = arith.muli %scan3A_756, %mul3A_761 : i32
        %add3A = arith.addi %mul3A_0, %mul3A_762 : i32
        %add3A_763 = vector.broadcast %add3A : i32 to vector<16xi32>
        %add3A_764 = arith.addi %add3A_763, %iota3A : vector<16xi32>
        %eq3A_765 = arith.cmpi eq, %add3A_764, %neg3A_720 : vector<16xi32>
        %jit3A_766 = arith.constant 0xFF800000 : f32
        %broadcast_in_dim3A_767 = vector.broadcast %jit3A_766 : f32 to vector<16xf32>
        %select_n3A_768 = arith.select %eq3A_765, %broadcast_in_dim3A_767, %get3A_760 : vector<16xi1>, vector<16xf32>
        %mul3A_769 = arith.constant 16 : i32
        %mul3A_770 = arith.muli %scan3A_756, %mul3A_769 : i32
        %swap3A_771 = arith.index_cast %mul3A_770 : i32 to index
        %swap3A_772 = tpu.vector_load %arg6[%swap3A_771] {strides = array<i32>} : memref<256xf32, #tpu.memory_space<vmem>>, vector<16xf32>,
        %swap3A_773 = vector.shape_cast %swap3A_772 : vector<16xf32> to vector<16xf32>
        %swap3A_774 = vector.shape_cast %select_n3A_768 : vector<16xf32> to vector<16xf32>
        tpu.vector_store %arg6[%swap3A_771], %swap3A_774 {strides = array<i32>} : memref<256xf32, #tpu.memory_space<vmem>>, vector<16xf32>,
      }
      %scan3A_734 = arith.constant 16 : i32
      %swap3A = arith.constant 0 : index
      %swap3A_735 = tpu.vector_load %arg7[%swap3A] {strides = array<i32>} : memref<16xf32, #tpu.memory_space<vmem>>, vector<16xf32>,
      %swap3A_736 = vector.shape_cast %swap3A_735 : vector<16xf32> to vector<16xf32>
      %swap3A_737 = vector.shape_cast %select_n3A_724 : vector<16xf32> to vector<16xf32>
      tpu.vector_store %arg7[%swap3A], %swap3A_737 {strides = array<i32>} : memref<16xf32, #tpu.memory_space<vmem>>, vector<16xf32>,
      %swap3A_738 = arith.constant 0 : index
      %swap3A_739 = tpu.vector_load %arg8[%swap3A_738] {strides = array<i32>} : memref<16xi32, #tpu.memory_space<vmem>>, vector<16xi32>,
      %swap3A_740 = vector.shape_cast %swap3A_739 : vector<16xi32> to vector<16xi32>
      %swap3A_741 = vector.shape_cast %select_n3A_728 : vector<16xi32> to vector<16xi32>
      tpu.vector_store %arg8[%swap3A_738], %swap3A_741 {strides = array<i32>} : memref<16xi32, #tpu.memory_space<vmem>>, vector<16xi32>,
      %mul3A_742 = arith.constant 16 : i32
      %mul3A_743 = arith.muli %arg1, %mul3A_742 : i32
      "tpu.region"() ({
        %run_scoped3A = tpu.sem_alloc : memref<!tpu.dma_semaphore, #tpu.memory_space<semaphore_mem>>
        %dma_start3A = tpu.memref_slice %arg15[%mul3A_743] : memref<256xf32, #tpu.memory_space<vmem_shared>> -> memref<16xf32, #tpu.memory_space<vmem_shared>>
        %dma_start3A_756 = tpu.memref_slice %arg15[%mul3A_743] : memref<256xf32, #tpu.memory_space<vmem_shared>> -> memref<16xf32, #tpu.memory_space<vmem_shared>>
        tpu.enqueue_dma source(%arg7 : memref<16xf32, #tpu.memory_space<vmem>>) target(%dma_start3A_756 : memref<16xf32, #tpu.memory_space<vmem_shared>>) target_semaphore(%run_scoped3A : memref<!tpu.dma_semaphore, #tpu.memory_space<semaphore_mem>>)
        %dma_wait3A = tpu.memref_slice %arg15[%mul3A_743] : memref<256xf32, #tpu.memory_space<vmem_shared>> -> memref<16xf32, #tpu.memory_space<vmem_shared>>
        %dma_wait3A_757 = tpu.memref_slice %arg15[%mul3A_743] : memref<256xf32, #tpu.memory_space<vmem_shared>> -> memref<16xf32, #tpu.memory_space<vmem_shared>>
        tpu.wait_dma2 semaphore(%run_scoped3A : memref<!tpu.dma_semaphore, #tpu.memory_space<semaphore_mem>>) src(%arg7 : memref<16xf32, #tpu.memory_space<vmem>>) dst(%dma_wait3A_757 : memref<16xf32, #tpu.memory_space<vmem_shared>>)
        tpu.yield
      }) : () -> ()
      %mul3A_744 = arith.constant 16 : i32
      %mul3A_745 = arith.muli %arg1, %mul3A_744 : i32
      "tpu.region"() ({
        %run_scoped3A = tpu.sem_alloc : memref<!tpu.dma_semaphore, #tpu.memory_space<semaphore_mem>>
        %dma_start3A = tpu.memref_slice %arg16[%mul3A_745] : memref<256xi32, #tpu.memory_space<vmem_shared>> -> memref<16xi32, #tpu.memory_space<vmem_shared>>
        %dma_start3A_756 = tpu.memref_slice %arg16[%mul3A_745] : memref<256xi32, #tpu.memory_space<vmem_shared>> -> memref<16xi32, #tpu.memory_space<vmem_shared>>
        tpu.enqueue_dma source(%arg8 : memref<16xi32, #tpu.memory_space<vmem>>) target(%dma_start3A_756 : memref<16xi32, #tpu.memory_space<vmem_shared>>) target_semaphore(%run_scoped3A : memref<!tpu.dma_semaphore, #tpu.memory_space<semaphore_mem>>)
        %dma_wait3A = tpu.memref_slice %arg16[%mul3A_745] : memref<256xi32, #tpu.memory_space<vmem_shared>> -> memref<16xi32, #tpu.memory_space<vmem_shared>>
        %dma_wait3A_757 = tpu.memref_slice %arg16[%mul3A_745] : memref<256xi32, #tpu.memory_space<vmem_shared>> -> memref<16xi32, #tpu.memory_space<vmem_shared>>
        tpu.wait_dma2 semaphore(%run_scoped3A : memref<!tpu.dma_semaphore, #tpu.memory_space<semaphore_mem>>) src(%arg8 : memref<16xi32, #tpu.memory_space<vmem>>) dst(%dma_wait3A_757 : memref<16xi32, #tpu.memory_space<vmem_shared>>)
        tpu.yield
      }) : () -> ()
      %barrier3A = arith.constant 0 : index
      tpu.barrier barrier_id(%barrier3A)
      %lt3A = arith.constant 2 : i32
      %lt3A_746 = arith.cmpi slt, %arg1, %lt3A : i32
      %convert_element_type3A_747 = arith.extui %lt3A_746 : i1 to i32
      %cond3A_748 = arith.constant 0 : i32
      %cond3A_749 = arith.cmpi ne, %convert_element_type3A_747, %cond3A_748 : i32
      scf.if %cond3A_749 {
        %mul3A_756 = arith.constant 128 : i32
        %mul3A_757 = arith.muli %arg1, %mul3A_756 : i32
        "tpu.region"() ({
          %run_scoped3A = tpu.sem_alloc : memref<!tpu.dma_semaphore, #tpu.memory_space<semaphore_mem>>
          %dma_start3A = tpu.memref_slice %arg15[%mul3A_757] : memref<256xf32, #tpu.memory_space<vmem_shared>> -> memref<128xf32, #tpu.memory_space<vmem_shared>>
          %dma_start3A_1495 = tpu.memref_slice %arg15[%mul3A_757] : memref<256xf32, #tpu.memory_space<vmem_shared>> -> memref<128xf32, #tpu.memory_space<vmem_shared>>
          tpu.enqueue_dma source(%dma_start3A_1495 : memref<128xf32, #tpu.memory_space<vmem_shared>>) target(%arg9 : memref<128xf32, #tpu.memory_space<vmem>>) target_semaphore(%run_scoped3A : memref<!tpu.dma_semaphore, #tpu.memory_space<semaphore_mem>>)
          %dma_wait3A = tpu.memref_slice %arg15[%mul3A_757] : memref<256xf32, #tpu.memory_space<vmem_shared>> -> memref<128xf32, #tpu.memory_space<vmem_shared>>
          %dma_wait3A_1496 = tpu.memref_slice %arg15[%mul3A_757] : memref<256xf32, #tpu.memory_space<vmem_shared>> -> memref<128xf32, #tpu.memory_space<vmem_shared>>
          tpu.wait_dma2 semaphore(%run_scoped3A : memref<!tpu.dma_semaphore, #tpu.memory_space<semaphore_mem>>) src(%dma_wait3A_1496 : memref<128xf32, #tpu.memory_space<vmem_shared>>) dst(%arg9 : memref<128xf32, #tpu.memory_space<vmem>>)
          tpu.yield
        }) : () -> ()
        %mul3A_758 = arith.constant 128 : i32
        %mul3A_759 = arith.muli %arg1, %mul3A_758 : i32
        "tpu.region"() ({
          %run_scoped3A = tpu.sem_alloc : memref<!tpu.dma_semaphore, #tpu.memory_space<semaphore_mem>>
          %dma_start3A = tpu.memref_slice %arg16[%mul3A_759] : memref<256xi32, #tpu.memory_space<vmem_shared>> -> memref<128xi32, #tpu.memory_space<vmem_shared>>
          %dma_start3A_1495 = tpu.memref_slice %arg16[%mul3A_759] : memref<256xi32, #tpu.memory_space<vmem_shared>> -> memref<128xi32, #tpu.memory_space<vmem_shared>>
          tpu.enqueue_dma source(%dma_start3A_1495 : memref<128xi32, #tpu.memory_space<vmem_shared>>) target(%arg10 : memref<128xi32, #tpu.memory_space<vmem>>) target_semaphore(%run_scoped3A : memref<!tpu.dma_semaphore, #tpu.memory_space<semaphore_mem>>)
          %dma_wait3A = tpu.memref_slice %arg16[%mul3A_759] : memref<256xi32, #tpu.memory_space<vmem_shared>> -> memref<128xi32, #tpu.memory_space<vmem_shared>>
          %dma_wait3A_1496 = tpu.memref_slice %arg16[%mul3A_759] : memref<256xi32, #tpu.memory_space<vmem_shared>> -> memref<128xi32, #tpu.memory_space<vmem_shared>>
          tpu.wait_dma2 semaphore(%run_scoped3A : memref<!tpu.dma_semaphore, #tpu.memory_space<semaphore_mem>>) src(%dma_wait3A_1496 : memref<128xi32, #tpu.memory_space<vmem_shared>>) dst(%arg10 : memref<128xi32, #tpu.memory_space<vmem>>)
          tpu.yield
        }) : () -> ()
        %broadcast_in_dim3A_760 = arith.constant 1073741824 : i32
        %broadcast_in_dim3A_761 = vector.broadcast %broadcast_in_dim3A_760 : i32 to vector<16xi32>
        %broadcast_in_dim3A_762 = arith.constant 0xFF800000 : f32
        %broadcast_in_dim3A_763 = vector.broadcast %broadcast_in_dim3A_762 : f32 to vector<16xf32>
        %broadcast_in_dim3A_764 = arith.constant 1073741824 : i32
        %broadcast_in_dim3A_765 = vector.broadcast %broadcast_in_dim3A_764 : i32 to vector<16xi32>
        %scan3A_766 = arith.constant 0 : i32
        %scan3A_767 = arith.constant 8 : i32
        %scan3A_768 = arith.addi %scan3A_766, %scan3A_767 : i32
        %scan3A_769 = arith.constant 1 : i32
        %scan3A_770:2 = scf.for %scan3A_1495 = %scan3A_766 to %scan3A_768 step %scan3A_769 iter_args(%scan3A_1496 = %broadcast_in_dim3A_763, %scan3A_1497 = %broadcast_in_dim3A_765) -> (vector<16xf32>, vector<16xi32>)  : i32 {
          %mul3A_1498 = arith.constant 16 : i32
          %mul3A_1499 = arith.muli %scan3A_1495, %mul3A_1498 : i32
          %get3A = arith.index_cast %mul3A_1499 : i32 to index
          %get3A_1500 = tpu.vector_load %arg9[%get3A] {strides = array<i32>} : memref<128xf32, #tpu.memory_space<vmem>>, vector<16xf32>,
          %get3A_1501 = vector.shape_cast %get3A_1500 : vector<16xf32> to vector<16xf32>
          %mul3A_1502 = arith.constant 16 : i32
          %mul3A_1503 = arith.muli %scan3A_1495, %mul3A_1502 : i32
          %get3A_1504 = arith.index_cast %mul3A_1503 : i32 to index
          %get3A_1505 = tpu.vector_load %arg10[%get3A_1504] {strides = array<i32>} : memref<128xi32, #tpu.memory_space<vmem>>, vector<16xi32>,
          %get3A_1506 = vector.shape_cast %get3A_1505 : vector<16xi32> to vector<16xi32>
          %gt3A = arith.cmpf ogt, %get3A_1501, %scan3A_1496 : vector<16xf32>
          %eq3A_1507 = arith.cmpf oeq, %get3A_1501, %scan3A_1496 : vector<16xf32>
          %lt3A_1508 = arith.cmpi slt, %get3A_1506, %scan3A_1497 : vector<16xi32>
          %and3A = arith.andi %eq3A_1507, %lt3A_1508 : vector<16xi1>
          %or3A = arith.ori %gt3A, %and3A : vector<16xi1>
          %select_n3A_1509 = arith.select %or3A, %get3A_1501, %scan3A_1496 : vector<16xi1>, vector<16xf32>
          %select_n3A_1510 = arith.select %or3A, %get3A_1506, %scan3A_1497 : vector<16xi1>, vector<16xi32>
          scf.yield %select_n3A_1509, %select_n3A_1510 : vector<16xf32>, vector<16xi32>
        }
        %scan3A_771 = arith.constant 8 : i32
        %iota3A_772 = tpu.iota {dimensions = array<i32: 0>} : vector<16xi32>
        %xor3A_773 = arith.constant 8 : i32
        %xor3A_774 = vector.broadcast %xor3A_773 : i32 to vector<16xi32>
        %xor3A_775 = arith.xori %iota3A_772, %xor3A_774 : vector<16xi32>
        %broadcast_in_dim3A_776 = vector.shape_cast %xor3A_775 : vector<16xi32> to vector<16x1xi32>
        %gather3A_777 = vector.shape_cast %broadcast_in_dim3A_776 : vector<16x1xi32> to vector<16xi32>
        %gather3A_778 = tpu.dynamic_gather %scan3A_770#0[%gather3A_777] in [0] : vector<16xf32>, vector<16xi32> -> vector<16xf32>
        %max3A_779 = arith.maximumf %scan3A_770#0, %gather3A_778 : vector<16xf32>
        %xor3A_780 = arith.constant 4 : i32
        %xor3A_781 = vector.broadcast %xor3A_780 : i32 to vector<16xi32>
        %xor3A_782 = arith.xori %iota3A_772, %xor3A_781 : vector<16xi32>
        %broadcast_in_dim3A_783 = vector.shape_cast %xor3A_782 : vector<16xi32> to vector<16x1xi32>
        %gather3A_784 = vector.shape_cast %broadcast_in_dim3A_783 : vector<16x1xi32> to vector<16xi32>
        %gather3A_785 = tpu.dynamic_gather %max3A_779[%gather3A_784] in [0] : vector<16xf32>, vector<16xi32> -> vector<16xf32>
        %max3A_786 = arith.maximumf %max3A_779, %gather3A_785 : vector<16xf32>
        %xor3A_787 = arith.constant 2 : i32
        %xor3A_788 = vector.broadcast %xor3A_787 : i32 to vector<16xi32>
        %xor3A_789 = arith.xori %iota3A_772, %xor3A_788 : vector<16xi32>
        %broadcast_in_dim3A_790 = vector.shape_cast %xor3A_789 : vector<16xi32> to vector<16x1xi32>
        %gather3A_791 = vector.shape_cast %broadcast_in_dim3A_790 : vector<16x1xi32> to vector<16xi32>
        %gather3A_792 = tpu.dynamic_gather %max3A_786[%gather3A_791] in [0] : vector<16xf32>, vector<16xi32> -> vector<16xf32>
        %max3A_793 = arith.maximumf %max3A_786, %gather3A_792 : vector<16xf32>
        %xor3A_794 = arith.constant 1 : i32
        %xor3A_795 = vector.broadcast %xor3A_794 : i32 to vector<16xi32>
        %xor3A_796 = arith.xori %iota3A_772, %xor3A_795 : vector<16xi32>
        %broadcast_in_dim3A_797 = vector.shape_cast %xor3A_796 : vector<16xi32> to vector<16x1xi32>
        %gather3A_798 = vector.shape_cast %broadcast_in_dim3A_797 : vector<16x1xi32> to vector<16xi32>
        %gather3A_799 = tpu.dynamic_gather %max3A_793[%gather3A_798] in [0] : vector<16xf32>, vector<16xi32> -> vector<16xf32>
        %max3A_800 = arith.maximumf %max3A_793, %gather3A_799 : vector<16xf32>
        %eq3A_801 = arith.cmpf oeq, %scan3A_770#0, %max3A_800 : vector<16xf32>
        %jit3A_802 = arith.constant 1073741824 : i32
        %broadcast_in_dim3A_803 = vector.broadcast %jit3A_802 : i32 to vector<16xi32>
        %select_n3A_804 = arith.select %eq3A_801, %scan3A_770#1, %broadcast_in_dim3A_803 : vector<16xi1>, vector<16xi32>
        %neg3A_805 = arith.constant 0 : i32
        %neg3A_806 = vector.broadcast %neg3A_805 : i32 to vector<16xi32>
        %neg3A_807 = arith.subi %neg3A_806, %select_n3A_804 : vector<16xi32>
        %iota3A_808 = tpu.iota {dimensions = array<i32: 0>} : vector<16xi32>
        %xor3A_809 = arith.constant 8 : i32
        %xor3A_810 = vector.broadcast %xor3A_809 : i32 to vector<16xi32>
        %xor3A_811 = arith.xori %iota3A_808, %xor3A_810 : vector<16xi32>
        %broadcast_in_dim3A_812 = vector.shape_cast %xor3A_811 : vector<16xi32> to vector<16x1xi32>
        %gather3A_813 = vector.shape_cast %broadcast_in_dim3A_812 : vector<16x1xi32> to vector<16xi32>
        %gather3A_814 = tpu.dynamic_gather %neg3A_807[%gather3A_813] in [0] : vector<16xi32>, vector<16xi32> -> vector<16xi32>
        %max3A_815 = arith.maxsi %neg3A_807, %gather3A_814 : vector<16xi32>
        %xor3A_816 = arith.constant 4 : i32
        %xor3A_817 = vector.broadcast %xor3A_816 : i32 to vector<16xi32>
        %xor3A_818 = arith.xori %iota3A_808, %xor3A_817 : vector<16xi32>
        %broadcast_in_dim3A_819 = vector.shape_cast %xor3A_818 : vector<16xi32> to vector<16x1xi32>
        %gather3A_820 = vector.shape_cast %broadcast_in_dim3A_819 : vector<16x1xi32> to vector<16xi32>
        %gather3A_821 = tpu.dynamic_gather %max3A_815[%gather3A_820] in [0] : vector<16xi32>, vector<16xi32> -> vector<16xi32>
        %max3A_822 = arith.maxsi %max3A_815, %gather3A_821 : vector<16xi32>
        %xor3A_823 = arith.constant 2 : i32
        %xor3A_824 = vector.broadcast %xor3A_823 : i32 to vector<16xi32>
        %xor3A_825 = arith.xori %iota3A_808, %xor3A_824 : vector<16xi32>
        %broadcast_in_dim3A_826 = vector.shape_cast %xor3A_825 : vector<16xi32> to vector<16x1xi32>
        %gather3A_827 = vector.shape_cast %broadcast_in_dim3A_826 : vector<16x1xi32> to vector<16xi32>
        %gather3A_828 = tpu.dynamic_gather %max3A_822[%gather3A_827] in [0] : vector<16xi32>, vector<16xi32> -> vector<16xi32>
        %max3A_829 = arith.maxsi %max3A_822, %gather3A_828 : vector<16xi32>
        %xor3A_830 = arith.constant 1 : i32
        %xor3A_831 = vector.broadcast %xor3A_830 : i32 to vector<16xi32>
        %xor3A_832 = arith.xori %iota3A_808, %xor3A_831 : vector<16xi32>
        %broadcast_in_dim3A_833 = vector.shape_cast %xor3A_832 : vector<16xi32> to vector<16x1xi32>
        %gather3A_834 = vector.shape_cast %broadcast_in_dim3A_833 : vector<16x1xi32> to vector<16xi32>
        %gather3A_835 = tpu.dynamic_gather %max3A_829[%gather3A_834] in [0] : vector<16xi32>, vector<16xi32> -> vector<16xi32>
        %max3A_836 = arith.maxsi %max3A_829, %gather3A_835 : vector<16xi32>
        %neg3A_837 = arith.constant 0 : i32
        %neg3A_838 = vector.broadcast %neg3A_837 : i32 to vector<16xi32>
        %neg3A_839 = arith.subi %neg3A_838, %max3A_836 : vector<16xi32>
        %mul3A_840 = arith.constant 8 : i32
        %mul3A_841 = arith.muli %arg1, %mul3A_840 : i32
        %add3A = arith.constant 0 : i32
        %add3A_842 = arith.addi %mul3A_841, %add3A : i32
        %eq3A_843 = vector.broadcast %add3A_842 : i32 to vector<16xi32>
        %eq3A_844 = arith.cmpi eq, %iota3A, %eq3A_843 : vector<16xi32>
        %select_n3A_845 = arith.select %eq3A_844, %neg3A_839, %broadcast_in_dim3A_761 : vector<16xi1>, vector<16xi32>
        %scan3A_846 = arith.constant 0 : i32
        %scan3A_847 = arith.constant 0 : i32
        %scan3A_848 = arith.constant 8 : i32
        %scan3A_849 = arith.addi %scan3A_847, %scan3A_848 : i32
        %scan3A_850 = arith.constant 1 : i32
        scf.for %scan3A_1495 = %scan3A_847 to %scan3A_849 step %scan3A_850  : i32 {
          %mul3A_1496 = arith.constant 16 : i32
          %mul3A_1497 = arith.muli %scan3A_1495, %mul3A_1496 : i32
          %get3A = arith.index_cast %mul3A_1497 : i32 to index
          %get3A_1498 = tpu.vector_load %arg9[%get3A] {strides = array<i32>} : memref<128xf32, #tpu.memory_space<vmem>>, vector<16xf32>,
          %get3A_1499 = vector.shape_cast %get3A_1498 : vector<16xf32> to vector<16xf32>
          %mul3A_1500 = arith.constant 16 : i32
          %mul3A_1501 = arith.muli %scan3A_1495, %mul3A_1500 : i32
          %get3A_1502 = arith.index_cast %mul3A_1501 : i32 to index
          %get3A_1503 = tpu.vector_load %arg10[%get3A_1502] {strides = array<i32>} : memref<128xi32, #tpu.memory_space<vmem>>, vector<16xi32>,
          %get3A_1504 = vector.shape_cast %get3A_1503 : vector<16xi32> to vector<16xi32>
          %eq3A_1505 = arith.cmpi eq, %get3A_1504, %neg3A_839 : vector<16xi32>
          %jit3A_1506 = arith.constant 0xFF800000 : f32
          %broadcast_in_dim3A_1507 = vector.broadcast %jit3A_1506 : f32 to vector<16xf32>
          %select_n3A_1508 = arith.select %eq3A_1505, %broadcast_in_dim3A_1507, %get3A_1499 : vector<16xi1>, vector<16xf32>
          %mul3A_1509 = arith.constant 16 : i32
          %mul3A_1510 = arith.muli %scan3A_1495, %mul3A_1509 : i32
          %swap3A_1511 = arith.index_cast %mul3A_1510 : i32 to index
          %swap3A_1512 = tpu.vector_load %arg9[%swap3A_1511] {strides = array<i32>} : memref<128xf32, #tpu.memory_space<vmem>>, vector<16xf32>,
          %swap3A_1513 = vector.shape_cast %swap3A_1512 : vector<16xf32> to vector<16xf32>
          %swap3A_1514 = vector.shape_cast %select_n3A_1508 : vector<16xf32> to vector<16xf32>
          tpu.vector_store %arg9[%swap3A_1511], %swap3A_1514 {strides = array<i32>} : memref<128xf32, #tpu.memory_space<vmem>>, vector<16xf32>,
        }
        %scan3A_851 = arith.constant 8 : i32
        %broadcast_in_dim3A_852 = arith.constant 0xFF800000 : f32
        %broadcast_in_dim3A_853 = vector.broadcast %broadcast_in_dim3A_852 : f32 to vector<16xf32>
        %broadcast_in_dim3A_854 = arith.constant 1073741824 : i32
        %broadcast_in_dim3A_855 = vector.broadcast %broadcast_in_dim3A_854 : i32 to vector<16xi32>
        %scan3A_856 = arith.constant 0 : i32
        %scan3A_857 = arith.constant 8 : i32
        %scan3A_858 = arith.addi %scan3A_856, %scan3A_857 : i32
        %scan3A_859 = arith.constant 1 : i32
        %scan3A_860:2 = scf.for %scan3A_1495 = %scan3A_856 to %scan3A_858 step %scan3A_859 iter_args(%scan3A_1496 = %broadcast_in_dim3A_853, %scan3A_1497 = %broadcast_in_dim3A_855) -> (vector<16xf32>, vector<16xi32>)  : i32 {
          %mul3A_1498 = arith.constant 16 : i32
          %mul3A_1499 = arith.muli %scan3A_1495, %mul3A_1498 : i32
          %get3A = arith.index_cast %mul3A_1499 : i32 to index
          %get3A_1500 = tpu.vector_load %arg9[%get3A] {strides = array<i32>} : memref<128xf32, #tpu.memory_space<vmem>>, vector<16xf32>,
          %get3A_1501 = vector.shape_cast %get3A_1500 : vector<16xf32> to vector<16xf32>
          %mul3A_1502 = arith.constant 16 : i32
          %mul3A_1503 = arith.muli %scan3A_1495, %mul3A_1502 : i32
          %get3A_1504 = arith.index_cast %mul3A_1503 : i32 to index
          %get3A_1505 = tpu.vector_load %arg10[%get3A_1504] {strides = array<i32>} : memref<128xi32, #tpu.memory_space<vmem>>, vector<16xi32>,
          %get3A_1506 = vector.shape_cast %get3A_1505 : vector<16xi32> to vector<16xi32>
          %gt3A = arith.cmpf ogt, %get3A_1501, %scan3A_1496 : vector<16xf32>
          %eq3A_1507 = arith.cmpf oeq, %get3A_1501, %scan3A_1496 : vector<16xf32>
          %lt3A_1508 = arith.cmpi slt, %get3A_1506, %scan3A_1497 : vector<16xi32>
          %and3A = arith.andi %eq3A_1507, %lt3A_1508 : vector<16xi1>
          %or3A = arith.ori %gt3A, %and3A : vector<16xi1>
          %select_n3A_1509 = arith.select %or3A, %get3A_1501, %scan3A_1496 : vector<16xi1>, vector<16xf32>
          %select_n3A_1510 = arith.select %or3A, %get3A_1506, %scan3A_1497 : vector<16xi1>, vector<16xi32>
          scf.yield %select_n3A_1509, %select_n3A_1510 : vector<16xf32>, vector<16xi32>
        }
        %scan3A_861 = arith.constant 8 : i32
        %iota3A_862 = tpu.iota {dimensions = array<i32: 0>} : vector<16xi32>
        %xor3A_863 = arith.constant 8 : i32
        %xor3A_864 = vector.broadcast %xor3A_863 : i32 to vector<16xi32>
        %xor3A_865 = arith.xori %iota3A_862, %xor3A_864 : vector<16xi32>
        %broadcast_in_dim3A_866 = vector.shape_cast %xor3A_865 : vector<16xi32> to vector<16x1xi32>
        %gather3A_867 = vector.shape_cast %broadcast_in_dim3A_866 : vector<16x1xi32> to vector<16xi32>
        %gather3A_868 = tpu.dynamic_gather %scan3A_860#0[%gather3A_867] in [0] : vector<16xf32>, vector<16xi32> -> vector<16xf32>
        %max3A_869 = arith.maximumf %scan3A_860#0, %gather3A_868 : vector<16xf32>
        %xor3A_870 = arith.constant 4 : i32
        %xor3A_871 = vector.broadcast %xor3A_870 : i32 to vector<16xi32>
        %xor3A_872 = arith.xori %iota3A_862, %xor3A_871 : vector<16xi32>
        %broadcast_in_dim3A_873 = vector.shape_cast %xor3A_872 : vector<16xi32> to vector<16x1xi32>
        %gather3A_874 = vector.shape_cast %broadcast_in_dim3A_873 : vector<16x1xi32> to vector<16xi32>
        %gather3A_875 = tpu.dynamic_gather %max3A_869[%gather3A_874] in [0] : vector<16xf32>, vector<16xi32> -> vector<16xf32>
        %max3A_876 = arith.maximumf %max3A_869, %gather3A_875 : vector<16xf32>
        %xor3A_877 = arith.constant 2 : i32
        %xor3A_878 = vector.broadcast %xor3A_877 : i32 to vector<16xi32>
        %xor3A_879 = arith.xori %iota3A_862, %xor3A_878 : vector<16xi32>
        %broadcast_in_dim3A_880 = vector.shape_cast %xor3A_879 : vector<16xi32> to vector<16x1xi32>
        %gather3A_881 = vector.shape_cast %broadcast_in_dim3A_880 : vector<16x1xi32> to vector<16xi32>
        %gather3A_882 = tpu.dynamic_gather %max3A_876[%gather3A_881] in [0] : vector<16xf32>, vector<16xi32> -> vector<16xf32>
        %max3A_883 = arith.maximumf %max3A_876, %gather3A_882 : vector<16xf32>
        %xor3A_884 = arith.constant 1 : i32
        %xor3A_885 = vector.broadcast %xor3A_884 : i32 to vector<16xi32>
        %xor3A_886 = arith.xori %iota3A_862, %xor3A_885 : vector<16xi32>
        %broadcast_in_dim3A_887 = vector.shape_cast %xor3A_886 : vector<16xi32> to vector<16x1xi32>
        %gather3A_888 = vector.shape_cast %broadcast_in_dim3A_887 : vector<16x1xi32> to vector<16xi32>
        %gather3A_889 = tpu.dynamic_gather %max3A_883[%gather3A_888] in [0] : vector<16xf32>, vector<16xi32> -> vector<16xf32>
        %max3A_890 = arith.maximumf %max3A_883, %gather3A_889 : vector<16xf32>
        %eq3A_891 = arith.cmpf oeq, %scan3A_860#0, %max3A_890 : vector<16xf32>
        %jit3A_892 = arith.constant 1073741824 : i32
        %broadcast_in_dim3A_893 = vector.broadcast %jit3A_892 : i32 to vector<16xi32>
        %select_n3A_894 = arith.select %eq3A_891, %scan3A_860#1, %broadcast_in_dim3A_893 : vector<16xi1>, vector<16xi32>
        %neg3A_895 = arith.constant 0 : i32
        %neg3A_896 = vector.broadcast %neg3A_895 : i32 to vector<16xi32>
        %neg3A_897 = arith.subi %neg3A_896, %select_n3A_894 : vector<16xi32>
        %iota3A_898 = tpu.iota {dimensions = array<i32: 0>} : vector<16xi32>
        %xor3A_899 = arith.constant 8 : i32
        %xor3A_900 = vector.broadcast %xor3A_899 : i32 to vector<16xi32>
        %xor3A_901 = arith.xori %iota3A_898, %xor3A_900 : vector<16xi32>
        %broadcast_in_dim3A_902 = vector.shape_cast %xor3A_901 : vector<16xi32> to vector<16x1xi32>
        %gather3A_903 = vector.shape_cast %broadcast_in_dim3A_902 : vector<16x1xi32> to vector<16xi32>
        %gather3A_904 = tpu.dynamic_gather %neg3A_897[%gather3A_903] in [0] : vector<16xi32>, vector<16xi32> -> vector<16xi32>
        %max3A_905 = arith.maxsi %neg3A_897, %gather3A_904 : vector<16xi32>
        %xor3A_906 = arith.constant 4 : i32
        %xor3A_907 = vector.broadcast %xor3A_906 : i32 to vector<16xi32>
        %xor3A_908 = arith.xori %iota3A_898, %xor3A_907 : vector<16xi32>
        %broadcast_in_dim3A_909 = vector.shape_cast %xor3A_908 : vector<16xi32> to vector<16x1xi32>
        %gather3A_910 = vector.shape_cast %broadcast_in_dim3A_909 : vector<16x1xi32> to vector<16xi32>
        %gather3A_911 = tpu.dynamic_gather %max3A_905[%gather3A_910] in [0] : vector<16xi32>, vector<16xi32> -> vector<16xi32>
        %max3A_912 = arith.maxsi %max3A_905, %gather3A_911 : vector<16xi32>
        %xor3A_913 = arith.constant 2 : i32
        %xor3A_914 = vector.broadcast %xor3A_913 : i32 to vector<16xi32>
        %xor3A_915 = arith.xori %iota3A_898, %xor3A_914 : vector<16xi32>
        %broadcast_in_dim3A_916 = vector.shape_cast %xor3A_915 : vector<16xi32> to vector<16x1xi32>
        %gather3A_917 = vector.shape_cast %broadcast_in_dim3A_916 : vector<16x1xi32> to vector<16xi32>
        %gather3A_918 = tpu.dynamic_gather %max3A_912[%gather3A_917] in [0] : vector<16xi32>, vector<16xi32> -> vector<16xi32>
        %max3A_919 = arith.maxsi %max3A_912, %gather3A_918 : vector<16xi32>
        %xor3A_920 = arith.constant 1 : i32
        %xor3A_921 = vector.broadcast %xor3A_920 : i32 to vector<16xi32>
        %xor3A_922 = arith.xori %iota3A_898, %xor3A_921 : vector<16xi32>
        %broadcast_in_dim3A_923 = vector.shape_cast %xor3A_922 : vector<16xi32> to vector<16x1xi32>
        %gather3A_924 = vector.shape_cast %broadcast_in_dim3A_923 : vector<16x1xi32> to vector<16xi32>
        %gather3A_925 = tpu.dynamic_gather %max3A_919[%gather3A_924] in [0] : vector<16xi32>, vector<16xi32> -> vector<16xi32>
        %max3A_926 = arith.maxsi %max3A_919, %gather3A_925 : vector<16xi32>
        %neg3A_927 = arith.constant 0 : i32
        %neg3A_928 = vector.broadcast %neg3A_927 : i32 to vector<16xi32>
        %neg3A_929 = arith.subi %neg3A_928, %max3A_926 : vector<16xi32>
        %mul3A_930 = arith.constant 8 : i32
        %mul3A_931 = arith.muli %arg1, %mul3A_930 : i32
        %add3A_932 = arith.constant 1 : i32
        %add3A_933 = arith.addi %mul3A_931, %add3A_932 : i32
        %eq3A_934 = vector.broadcast %add3A_933 : i32 to vector<16xi32>
        %eq3A_935 = arith.cmpi eq, %iota3A, %eq3A_934 : vector<16xi32>
        %select_n3A_936 = arith.select %eq3A_935, %neg3A_929, %select_n3A_845 : vector<16xi1>, vector<16xi32>
        %scan3A_937 = arith.constant 0 : i32
        %scan3A_938 = arith.constant 0 : i32
        %scan3A_939 = arith.constant 8 : i32
        %scan3A_940 = arith.addi %scan3A_938, %scan3A_939 : i32
        %scan3A_941 = arith.constant 1 : i32
        scf.for %scan3A_1495 = %scan3A_938 to %scan3A_940 step %scan3A_941  : i32 {
          %mul3A_1496 = arith.constant 16 : i32
          %mul3A_1497 = arith.muli %scan3A_1495, %mul3A_1496 : i32
          %get3A = arith.index_cast %mul3A_1497 : i32 to index
          %get3A_1498 = tpu.vector_load %arg9[%get3A] {strides = array<i32>} : memref<128xf32, #tpu.memory_space<vmem>>, vector<16xf32>,
          %get3A_1499 = vector.shape_cast %get3A_1498 : vector<16xf32> to vector<16xf32>
          %mul3A_1500 = arith.constant 16 : i32
          %mul3A_1501 = arith.muli %scan3A_1495, %mul3A_1500 : i32
          %get3A_1502 = arith.index_cast %mul3A_1501 : i32 to index
          %get3A_1503 = tpu.vector_load %arg10[%get3A_1502] {strides = array<i32>} : memref<128xi32, #tpu.memory_space<vmem>>, vector<16xi32>,
          %get3A_1504 = vector.shape_cast %get3A_1503 : vector<16xi32> to vector<16xi32>
          %eq3A_1505 = arith.cmpi eq, %get3A_1504, %neg3A_929 : vector<16xi32>
          %jit3A_1506 = arith.constant 0xFF800000 : f32
          %broadcast_in_dim3A_1507 = vector.broadcast %jit3A_1506 : f32 to vector<16xf32>
          %select_n3A_1508 = arith.select %eq3A_1505, %broadcast_in_dim3A_1507, %get3A_1499 : vector<16xi1>, vector<16xf32>
          %mul3A_1509 = arith.constant 16 : i32
          %mul3A_1510 = arith.muli %scan3A_1495, %mul3A_1509 : i32
          %swap3A_1511 = arith.index_cast %mul3A_1510 : i32 to index
          %swap3A_1512 = tpu.vector_load %arg9[%swap3A_1511] {strides = array<i32>} : memref<128xf32, #tpu.memory_space<vmem>>, vector<16xf32>,
          %swap3A_1513 = vector.shape_cast %swap3A_1512 : vector<16xf32> to vector<16xf32>
          %swap3A_1514 = vector.shape_cast %select_n3A_1508 : vector<16xf32> to vector<16xf32>
          tpu.vector_store %arg9[%swap3A_1511], %swap3A_1514 {strides = array<i32>} : memref<128xf32, #tpu.memory_space<vmem>>, vector<16xf32>,
        }
        %scan3A_942 = arith.constant 8 : i32
        %broadcast_in_dim3A_943 = arith.constant 0xFF800000 : f32
        %broadcast_in_dim3A_944 = vector.broadcast %broadcast_in_dim3A_943 : f32 to vector<16xf32>
        %broadcast_in_dim3A_945 = arith.constant 1073741824 : i32
        %broadcast_in_dim3A_946 = vector.broadcast %broadcast_in_dim3A_945 : i32 to vector<16xi32>
        %scan3A_947 = arith.constant 0 : i32
        %scan3A_948 = arith.constant 8 : i32
        %scan3A_949 = arith.addi %scan3A_947, %scan3A_948 : i32
        %scan3A_950 = arith.constant 1 : i32
        %scan3A_951:2 = scf.for %scan3A_1495 = %scan3A_947 to %scan3A_949 step %scan3A_950 iter_args(%scan3A_1496 = %broadcast_in_dim3A_944, %scan3A_1497 = %broadcast_in_dim3A_946) -> (vector<16xf32>, vector<16xi32>)  : i32 {
          %mul3A_1498 = arith.constant 16 : i32
          %mul3A_1499 = arith.muli %scan3A_1495, %mul3A_1498 : i32
          %get3A = arith.index_cast %mul3A_1499 : i32 to index
          %get3A_1500 = tpu.vector_load %arg9[%get3A] {strides = array<i32>} : memref<128xf32, #tpu.memory_space<vmem>>, vector<16xf32>,
          %get3A_1501 = vector.shape_cast %get3A_1500 : vector<16xf32> to vector<16xf32>
          %mul3A_1502 = arith.constant 16 : i32
          %mul3A_1503 = arith.muli %scan3A_1495, %mul3A_1502 : i32
          %get3A_1504 = arith.index_cast %mul3A_1503 : i32 to index
          %get3A_1505 = tpu.vector_load %arg10[%get3A_1504] {strides = array<i32>} : memref<128xi32, #tpu.memory_space<vmem>>, vector<16xi32>,
          %get3A_1506 = vector.shape_cast %get3A_1505 : vector<16xi32> to vector<16xi32>
          %gt3A = arith.cmpf ogt, %get3A_1501, %scan3A_1496 : vector<16xf32>
          %eq3A_1507 = arith.cmpf oeq, %get3A_1501, %scan3A_1496 : vector<16xf32>
          %lt3A_1508 = arith.cmpi slt, %get3A_1506, %scan3A_1497 : vector<16xi32>
          %and3A = arith.andi %eq3A_1507, %lt3A_1508 : vector<16xi1>
          %or3A = arith.ori %gt3A, %and3A : vector<16xi1>
          %select_n3A_1509 = arith.select %or3A, %get3A_1501, %scan3A_1496 : vector<16xi1>, vector<16xf32>
          %select_n3A_1510 = arith.select %or3A, %get3A_1506, %scan3A_1497 : vector<16xi1>, vector<16xi32>
          scf.yield %select_n3A_1509, %select_n3A_1510 : vector<16xf32>, vector<16xi32>
        }
        %scan3A_952 = arith.constant 8 : i32
        %iota3A_953 = tpu.iota {dimensions = array<i32: 0>} : vector<16xi32>
        %xor3A_954 = arith.constant 8 : i32
        %xor3A_955 = vector.broadcast %xor3A_954 : i32 to vector<16xi32>
        %xor3A_956 = arith.xori %iota3A_953, %xor3A_955 : vector<16xi32>
        %broadcast_in_dim3A_957 = vector.shape_cast %xor3A_956 : vector<16xi32> to vector<16x1xi32>
        %gather3A_958 = vector.shape_cast %broadcast_in_dim3A_957 : vector<16x1xi32> to vector<16xi32>
        %gather3A_959 = tpu.dynamic_gather %scan3A_951#0[%gather3A_958] in [0] : vector<16xf32>, vector<16xi32> -> vector<16xf32>
        %max3A_960 = arith.maximumf %scan3A_951#0, %gather3A_959 : vector<16xf32>
        %xor3A_961 = arith.constant 4 : i32
        %xor3A_962 = vector.broadcast %xor3A_961 : i32 to vector<16xi32>
        %xor3A_963 = arith.xori %iota3A_953, %xor3A_962 : vector<16xi32>
        %broadcast_in_dim3A_964 = vector.shape_cast %xor3A_963 : vector<16xi32> to vector<16x1xi32>
        %gather3A_965 = vector.shape_cast %broadcast_in_dim3A_964 : vector<16x1xi32> to vector<16xi32>
        %gather3A_966 = tpu.dynamic_gather %max3A_960[%gather3A_965] in [0] : vector<16xf32>, vector<16xi32> -> vector<16xf32>
        %max3A_967 = arith.maximumf %max3A_960, %gather3A_966 : vector<16xf32>
        %xor3A_968 = arith.constant 2 : i32
        %xor3A_969 = vector.broadcast %xor3A_968 : i32 to vector<16xi32>
        %xor3A_970 = arith.xori %iota3A_953, %xor3A_969 : vector<16xi32>
        %broadcast_in_dim3A_971 = vector.shape_cast %xor3A_970 : vector<16xi32> to vector<16x1xi32>
        %gather3A_972 = vector.shape_cast %broadcast_in_dim3A_971 : vector<16x1xi32> to vector<16xi32>
        %gather3A_973 = tpu.dynamic_gather %max3A_967[%gather3A_972] in [0] : vector<16xf32>, vector<16xi32> -> vector<16xf32>
        %max3A_974 = arith.maximumf %max3A_967, %gather3A_973 : vector<16xf32>
        %xor3A_975 = arith.constant 1 : i32
        %xor3A_976 = vector.broadcast %xor3A_975 : i32 to vector<16xi32>
        %xor3A_977 = arith.xori %iota3A_953, %xor3A_976 : vector<16xi32>
        %broadcast_in_dim3A_978 = vector.shape_cast %xor3A_977 : vector<16xi32> to vector<16x1xi32>
        %gather3A_979 = vector.shape_cast %broadcast_in_dim3A_978 : vector<16x1xi32> to vector<16xi32>
        %gather3A_980 = tpu.dynamic_gather %max3A_974[%gather3A_979] in [0] : vector<16xf32>, vector<16xi32> -> vector<16xf32>
        %max3A_981 = arith.maximumf %max3A_974, %gather3A_980 : vector<16xf32>
        %eq3A_982 = arith.cmpf oeq, %scan3A_951#0, %max3A_981 : vector<16xf32>
        %jit3A_983 = arith.constant 1073741824 : i32
        %broadcast_in_dim3A_984 = vector.broadcast %jit3A_983 : i32 to vector<16xi32>
        %select_n3A_985 = arith.select %eq3A_982, %scan3A_951#1, %broadcast_in_dim3A_984 : vector<16xi1>, vector<16xi32>
        %neg3A_986 = arith.constant 0 : i32
        %neg3A_987 = vector.broadcast %neg3A_986 : i32 to vector<16xi32>
        %neg3A_988 = arith.subi %neg3A_987, %select_n3A_985 : vector<16xi32>
        %iota3A_989 = tpu.iota {dimensions = array<i32: 0>} : vector<16xi32>
        %xor3A_990 = arith.constant 8 : i32
        %xor3A_991 = vector.broadcast %xor3A_990 : i32 to vector<16xi32>
        %xor3A_992 = arith.xori %iota3A_989, %xor3A_991 : vector<16xi32>
        %broadcast_in_dim3A_993 = vector.shape_cast %xor3A_992 : vector<16xi32> to vector<16x1xi32>
        %gather3A_994 = vector.shape_cast %broadcast_in_dim3A_993 : vector<16x1xi32> to vector<16xi32>
        %gather3A_995 = tpu.dynamic_gather %neg3A_988[%gather3A_994] in [0] : vector<16xi32>, vector<16xi32> -> vector<16xi32>
        %max3A_996 = arith.maxsi %neg3A_988, %gather3A_995 : vector<16xi32>
        %xor3A_997 = arith.constant 4 : i32
        %xor3A_998 = vector.broadcast %xor3A_997 : i32 to vector<16xi32>
        %xor3A_999 = arith.xori %iota3A_989, %xor3A_998 : vector<16xi32>
        %broadcast_in_dim3A_1000 = vector.shape_cast %xor3A_999 : vector<16xi32> to vector<16x1xi32>
        %gather3A_1001 = vector.shape_cast %broadcast_in_dim3A_1000 : vector<16x1xi32> to vector<16xi32>
        %gather3A_1002 = tpu.dynamic_gather %max3A_996[%gather3A_1001] in [0] : vector<16xi32>, vector<16xi32> -> vector<16xi32>
        %max3A_1003 = arith.maxsi %max3A_996, %gather3A_1002 : vector<16xi32>
        %xor3A_1004 = arith.constant 2 : i32
        %xor3A_1005 = vector.broadcast %xor3A_1004 : i32 to vector<16xi32>
        %xor3A_1006 = arith.xori %iota3A_989, %xor3A_1005 : vector<16xi32>
        %broadcast_in_dim3A_1007 = vector.shape_cast %xor3A_1006 : vector<16xi32> to vector<16x1xi32>
        %gather3A_1008 = vector.shape_cast %broadcast_in_dim3A_1007 : vector<16x1xi32> to vector<16xi32>
        %gather3A_1009 = tpu.dynamic_gather %max3A_1003[%gather3A_1008] in [0] : vector<16xi32>, vector<16xi32> -> vector<16xi32>
        %max3A_1010 = arith.maxsi %max3A_1003, %gather3A_1009 : vector<16xi32>
        %xor3A_1011 = arith.constant 1 : i32
        %xor3A_1012 = vector.broadcast %xor3A_1011 : i32 to vector<16xi32>
        %xor3A_1013 = arith.xori %iota3A_989, %xor3A_1012 : vector<16xi32>
        %broadcast_in_dim3A_1014 = vector.shape_cast %xor3A_1013 : vector<16xi32> to vector<16x1xi32>
        %gather3A_1015 = vector.shape_cast %broadcast_in_dim3A_1014 : vector<16x1xi32> to vector<16xi32>
        %gather3A_1016 = tpu.dynamic_gather %max3A_1010[%gather3A_1015] in [0] : vector<16xi32>, vector<16xi32> -> vector<16xi32>
        %max3A_1017 = arith.maxsi %max3A_1010, %gather3A_1016 : vector<16xi32>
        %neg3A_1018 = arith.constant 0 : i32
        %neg3A_1019 = vector.broadcast %neg3A_1018 : i32 to vector<16xi32>
        %neg3A_1020 = arith.subi %neg3A_1019, %max3A_1017 : vector<16xi32>
        %mul3A_1021 = arith.constant 8 : i32
        %mul3A_1022 = arith.muli %arg1, %mul3A_1021 : i32
        %add3A_1023 = arith.constant 2 : i32
        %add3A_1024 = arith.addi %mul3A_1022, %add3A_1023 : i32
        %eq3A_1025 = vector.broadcast %add3A_1024 : i32 to vector<16xi32>
        %eq3A_1026 = arith.cmpi eq, %iota3A, %eq3A_1025 : vector<16xi32>
        %select_n3A_1027 = arith.select %eq3A_1026, %neg3A_1020, %select_n3A_936 : vector<16xi1>, vector<16xi32>
        %scan3A_1028 = arith.constant 0 : i32
        %scan3A_1029 = arith.constant 0 : i32
        %scan3A_1030 = arith.constant 8 : i32
        %scan3A_1031 = arith.addi %scan3A_1029, %scan3A_1030 : i32
        %scan3A_1032 = arith.constant 1 : i32
        scf.for %scan3A_1495 = %scan3A_1029 to %scan3A_1031 step %scan3A_1032  : i32 {
          %mul3A_1496 = arith.constant 16 : i32
          %mul3A_1497 = arith.muli %scan3A_1495, %mul3A_1496 : i32
          %get3A = arith.index_cast %mul3A_1497 : i32 to index
          %get3A_1498 = tpu.vector_load %arg9[%get3A] {strides = array<i32>} : memref<128xf32, #tpu.memory_space<vmem>>, vector<16xf32>,
          %get3A_1499 = vector.shape_cast %get3A_1498 : vector<16xf32> to vector<16xf32>
          %mul3A_1500 = arith.constant 16 : i32
          %mul3A_1501 = arith.muli %scan3A_1495, %mul3A_1500 : i32
          %get3A_1502 = arith.index_cast %mul3A_1501 : i32 to index
          %get3A_1503 = tpu.vector_load %arg10[%get3A_1502] {strides = array<i32>} : memref<128xi32, #tpu.memory_space<vmem>>, vector<16xi32>,
          %get3A_1504 = vector.shape_cast %get3A_1503 : vector<16xi32> to vector<16xi32>
          %eq3A_1505 = arith.cmpi eq, %get3A_1504, %neg3A_1020 : vector<16xi32>
          %jit3A_1506 = arith.constant 0xFF800000 : f32
          %broadcast_in_dim3A_1507 = vector.broadcast %jit3A_1506 : f32 to vector<16xf32>
          %select_n3A_1508 = arith.select %eq3A_1505, %broadcast_in_dim3A_1507, %get3A_1499 : vector<16xi1>, vector<16xf32>
          %mul3A_1509 = arith.constant 16 : i32
          %mul3A_1510 = arith.muli %scan3A_1495, %mul3A_1509 : i32
          %swap3A_1511 = arith.index_cast %mul3A_1510 : i32 to index
          %swap3A_1512 = tpu.vector_load %arg9[%swap3A_1511] {strides = array<i32>} : memref<128xf32, #tpu.memory_space<vmem>>, vector<16xf32>,
          %swap3A_1513 = vector.shape_cast %swap3A_1512 : vector<16xf32> to vector<16xf32>
          %swap3A_1514 = vector.shape_cast %select_n3A_1508 : vector<16xf32> to vector<16xf32>
          tpu.vector_store %arg9[%swap3A_1511], %swap3A_1514 {strides = array<i32>} : memref<128xf32, #tpu.memory_space<vmem>>, vector<16xf32>,
        }
        %scan3A_1033 = arith.constant 8 : i32
        %broadcast_in_dim3A_1034 = arith.constant 0xFF800000 : f32
        %broadcast_in_dim3A_1035 = vector.broadcast %broadcast_in_dim3A_1034 : f32 to vector<16xf32>
        %broadcast_in_dim3A_1036 = arith.constant 1073741824 : i32
        %broadcast_in_dim3A_1037 = vector.broadcast %broadcast_in_dim3A_1036 : i32 to vector<16xi32>
        %scan3A_1038 = arith.constant 0 : i32
        %scan3A_1039 = arith.constant 8 : i32
        %scan3A_1040 = arith.addi %scan3A_1038, %scan3A_1039 : i32
        %scan3A_1041 = arith.constant 1 : i32
        %scan3A_1042:2 = scf.for %scan3A_1495 = %scan3A_1038 to %scan3A_1040 step %scan3A_1041 iter_args(%scan3A_1496 = %broadcast_in_dim3A_1035, %scan3A_1497 = %broadcast_in_dim3A_1037) -> (vector<16xf32>, vector<16xi32>)  : i32 {
          %mul3A_1498 = arith.constant 16 : i32
          %mul3A_1499 = arith.muli %scan3A_1495, %mul3A_1498 : i32
          %get3A = arith.index_cast %mul3A_1499 : i32 to index
          %get3A_1500 = tpu.vector_load %arg9[%get3A] {strides = array<i32>} : memref<128xf32, #tpu.memory_space<vmem>>, vector<16xf32>,
          %get3A_1501 = vector.shape_cast %get3A_1500 : vector<16xf32> to vector<16xf32>
          %mul3A_1502 = arith.constant 16 : i32
          %mul3A_1503 = arith.muli %scan3A_1495, %mul3A_1502 : i32
          %get3A_1504 = arith.index_cast %mul3A_1503 : i32 to index
          %get3A_1505 = tpu.vector_load %arg10[%get3A_1504] {strides = array<i32>} : memref<128xi32, #tpu.memory_space<vmem>>, vector<16xi32>,
          %get3A_1506 = vector.shape_cast %get3A_1505 : vector<16xi32> to vector<16xi32>
          %gt3A = arith.cmpf ogt, %get3A_1501, %scan3A_1496 : vector<16xf32>
          %eq3A_1507 = arith.cmpf oeq, %get3A_1501, %scan3A_1496 : vector<16xf32>
          %lt3A_1508 = arith.cmpi slt, %get3A_1506, %scan3A_1497 : vector<16xi32>
          %and3A = arith.andi %eq3A_1507, %lt3A_1508 : vector<16xi1>
          %or3A = arith.ori %gt3A, %and3A : vector<16xi1>
          %select_n3A_1509 = arith.select %or3A, %get3A_1501, %scan3A_1496 : vector<16xi1>, vector<16xf32>
          %select_n3A_1510 = arith.select %or3A, %get3A_1506, %scan3A_1497 : vector<16xi1>, vector<16xi32>
          scf.yield %select_n3A_1509, %select_n3A_1510 : vector<16xf32>, vector<16xi32>
        }
        %scan3A_1043 = arith.constant 8 : i32
        %iota3A_1044 = tpu.iota {dimensions = array<i32: 0>} : vector<16xi32>
        %xor3A_1045 = arith.constant 8 : i32
        %xor3A_1046 = vector.broadcast %xor3A_1045 : i32 to vector<16xi32>
        %xor3A_1047 = arith.xori %iota3A_1044, %xor3A_1046 : vector<16xi32>
        %broadcast_in_dim3A_1048 = vector.shape_cast %xor3A_1047 : vector<16xi32> to vector<16x1xi32>
        %gather3A_1049 = vector.shape_cast %broadcast_in_dim3A_1048 : vector<16x1xi32> to vector<16xi32>
        %gather3A_1050 = tpu.dynamic_gather %scan3A_1042#0[%gather3A_1049] in [0] : vector<16xf32>, vector<16xi32> -> vector<16xf32>
        %max3A_1051 = arith.maximumf %scan3A_1042#0, %gather3A_1050 : vector<16xf32>
        %xor3A_1052 = arith.constant 4 : i32
        %xor3A_1053 = vector.broadcast %xor3A_1052 : i32 to vector<16xi32>
        %xor3A_1054 = arith.xori %iota3A_1044, %xor3A_1053 : vector<16xi32>
        %broadcast_in_dim3A_1055 = vector.shape_cast %xor3A_1054 : vector<16xi32> to vector<16x1xi32>
        %gather3A_1056 = vector.shape_cast %broadcast_in_dim3A_1055 : vector<16x1xi32> to vector<16xi32>
        %gather3A_1057 = tpu.dynamic_gather %max3A_1051[%gather3A_1056] in [0] : vector<16xf32>, vector<16xi32> -> vector<16xf32>
        %max3A_1058 = arith.maximumf %max3A_1051, %gather3A_1057 : vector<16xf32>
        %xor3A_1059 = arith.constant 2 : i32
        %xor3A_1060 = vector.broadcast %xor3A_1059 : i32 to vector<16xi32>
        %xor3A_1061 = arith.xori %iota3A_1044, %xor3A_1060 : vector<16xi32>
        %broadcast_in_dim3A_1062 = vector.shape_cast %xor3A_1061 : vector<16xi32> to vector<16x1xi32>
        %gather3A_1063 = vector.shape_cast %broadcast_in_dim3A_1062 : vector<16x1xi32> to vector<16xi32>
        %gather3A_1064 = tpu.dynamic_gather %max3A_1058[%gather3A_1063] in [0] : vector<16xf32>, vector<16xi32> -> vector<16xf32>
        %max3A_1065 = arith.maximumf %max3A_1058, %gather3A_1064 : vector<16xf32>
        %xor3A_1066 = arith.constant 1 : i32
        %xor3A_1067 = vector.broadcast %xor3A_1066 : i32 to vector<16xi32>
        %xor3A_1068 = arith.xori %iota3A_1044, %xor3A_1067 : vector<16xi32>
        %broadcast_in_dim3A_1069 = vector.shape_cast %xor3A_1068 : vector<16xi32> to vector<16x1xi32>
        %gather3A_1070 = vector.shape_cast %broadcast_in_dim3A_1069 : vector<16x1xi32> to vector<16xi32>
        %gather3A_1071 = tpu.dynamic_gather %max3A_1065[%gather3A_1070] in [0] : vector<16xf32>, vector<16xi32> -> vector<16xf32>
        %max3A_1072 = arith.maximumf %max3A_1065, %gather3A_1071 : vector<16xf32>
        %eq3A_1073 = arith.cmpf oeq, %scan3A_1042#0, %max3A_1072 : vector<16xf32>
        %jit3A_1074 = arith.constant 1073741824 : i32
        %broadcast_in_dim3A_1075 = vector.broadcast %jit3A_1074 : i32 to vector<16xi32>
        %select_n3A_1076 = arith.select %eq3A_1073, %scan3A_1042#1, %broadcast_in_dim3A_1075 : vector<16xi1>, vector<16xi32>
        %neg3A_1077 = arith.constant 0 : i32
        %neg3A_1078 = vector.broadcast %neg3A_1077 : i32 to vector<16xi32>
        %neg3A_1079 = arith.subi %neg3A_1078, %select_n3A_1076 : vector<16xi32>
        %iota3A_1080 = tpu.iota {dimensions = array<i32: 0>} : vector<16xi32>
        %xor3A_1081 = arith.constant 8 : i32
        %xor3A_1082 = vector.broadcast %xor3A_1081 : i32 to vector<16xi32>
        %xor3A_1083 = arith.xori %iota3A_1080, %xor3A_1082 : vector<16xi32>
        %broadcast_in_dim3A_1084 = vector.shape_cast %xor3A_1083 : vector<16xi32> to vector<16x1xi32>
        %gather3A_1085 = vector.shape_cast %broadcast_in_dim3A_1084 : vector<16x1xi32> to vector<16xi32>
        %gather3A_1086 = tpu.dynamic_gather %neg3A_1079[%gather3A_1085] in [0] : vector<16xi32>, vector<16xi32> -> vector<16xi32>
        %max3A_1087 = arith.maxsi %neg3A_1079, %gather3A_1086 : vector<16xi32>
        %xor3A_1088 = arith.constant 4 : i32
        %xor3A_1089 = vector.broadcast %xor3A_1088 : i32 to vector<16xi32>
        %xor3A_1090 = arith.xori %iota3A_1080, %xor3A_1089 : vector<16xi32>
        %broadcast_in_dim3A_1091 = vector.shape_cast %xor3A_1090 : vector<16xi32> to vector<16x1xi32>
        %gather3A_1092 = vector.shape_cast %broadcast_in_dim3A_1091 : vector<16x1xi32> to vector<16xi32>
        %gather3A_1093 = tpu.dynamic_gather %max3A_1087[%gather3A_1092] in [0] : vector<16xi32>, vector<16xi32> -> vector<16xi32>
        %max3A_1094 = arith.maxsi %max3A_1087, %gather3A_1093 : vector<16xi32>
        %xor3A_1095 = arith.constant 2 : i32
        %xor3A_1096 = vector.broadcast %xor3A_1095 : i32 to vector<16xi32>
        %xor3A_1097 = arith.xori %iota3A_1080, %xor3A_1096 : vector<16xi32>
        %broadcast_in_dim3A_1098 = vector.shape_cast %xor3A_1097 : vector<16xi32> to vector<16x1xi32>
        %gather3A_1099 = vector.shape_cast %broadcast_in_dim3A_1098 : vector<16x1xi32> to vector<16xi32>
        %gather3A_1100 = tpu.dynamic_gather %max3A_1094[%gather3A_1099] in [0] : vector<16xi32>, vector<16xi32> -> vector<16xi32>
        %max3A_1101 = arith.maxsi %max3A_1094, %gather3A_1100 : vector<16xi32>
        %xor3A_1102 = arith.constant 1 : i32
        %xor3A_1103 = vector.broadcast %xor3A_1102 : i32 to vector<16xi32>
        %xor3A_1104 = arith.xori %iota3A_1080, %xor3A_1103 : vector<16xi32>
        %broadcast_in_dim3A_1105 = vector.shape_cast %xor3A_1104 : vector<16xi32> to vector<16x1xi32>
        %gather3A_1106 = vector.shape_cast %broadcast_in_dim3A_1105 : vector<16x1xi32> to vector<16xi32>
        %gather3A_1107 = tpu.dynamic_gather %max3A_1101[%gather3A_1106] in [0] : vector<16xi32>, vector<16xi32> -> vector<16xi32>
        %max3A_1108 = arith.maxsi %max3A_1101, %gather3A_1107 : vector<16xi32>
        %neg3A_1109 = arith.constant 0 : i32
        %neg3A_1110 = vector.broadcast %neg3A_1109 : i32 to vector<16xi32>
        %neg3A_1111 = arith.subi %neg3A_1110, %max3A_1108 : vector<16xi32>
        %mul3A_1112 = arith.constant 8 : i32
        %mul3A_1113 = arith.muli %arg1, %mul3A_1112 : i32
        %add3A_1114 = arith.constant 3 : i32
        %add3A_1115 = arith.addi %mul3A_1113, %add3A_1114 : i32
        %eq3A_1116 = vector.broadcast %add3A_1115 : i32 to vector<16xi32>
        %eq3A_1117 = arith.cmpi eq, %iota3A, %eq3A_1116 : vector<16xi32>
        %select_n3A_1118 = arith.select %eq3A_1117, %neg3A_1111, %select_n3A_1027 : vector<16xi1>, vector<16xi32>
        %scan3A_1119 = arith.constant 0 : i32
        %scan3A_1120 = arith.constant 0 : i32
        %scan3A_1121 = arith.constant 8 : i32
        %scan3A_1122 = arith.addi %scan3A_1120, %scan3A_1121 : i32
        %scan3A_1123 = arith.constant 1 : i32
        scf.for %scan3A_1495 = %scan3A_1120 to %scan3A_1122 step %scan3A_1123  : i32 {
          %mul3A_1496 = arith.constant 16 : i32
          %mul3A_1497 = arith.muli %scan3A_1495, %mul3A_1496 : i32
          %get3A = arith.index_cast %mul3A_1497 : i32 to index
          %get3A_1498 = tpu.vector_load %arg9[%get3A] {strides = array<i32>} : memref<128xf32, #tpu.memory_space<vmem>>, vector<16xf32>,
          %get3A_1499 = vector.shape_cast %get3A_1498 : vector<16xf32> to vector<16xf32>
          %mul3A_1500 = arith.constant 16 : i32
          %mul3A_1501 = arith.muli %scan3A_1495, %mul3A_1500 : i32
          %get3A_1502 = arith.index_cast %mul3A_1501 : i32 to index
          %get3A_1503 = tpu.vector_load %arg10[%get3A_1502] {strides = array<i32>} : memref<128xi32, #tpu.memory_space<vmem>>, vector<16xi32>,
          %get3A_1504 = vector.shape_cast %get3A_1503 : vector<16xi32> to vector<16xi32>
          %eq3A_1505 = arith.cmpi eq, %get3A_1504, %neg3A_1111 : vector<16xi32>
          %jit3A_1506 = arith.constant 0xFF800000 : f32
          %broadcast_in_dim3A_1507 = vector.broadcast %jit3A_1506 : f32 to vector<16xf32>
          %select_n3A_1508 = arith.select %eq3A_1505, %broadcast_in_dim3A_1507, %get3A_1499 : vector<16xi1>, vector<16xf32>
          %mul3A_1509 = arith.constant 16 : i32
          %mul3A_1510 = arith.muli %scan3A_1495, %mul3A_1509 : i32
          %swap3A_1511 = arith.index_cast %mul3A_1510 : i32 to index
          %swap3A_1512 = tpu.vector_load %arg9[%swap3A_1511] {strides = array<i32>} : memref<128xf32, #tpu.memory_space<vmem>>, vector<16xf32>,
          %swap3A_1513 = vector.shape_cast %swap3A_1512 : vector<16xf32> to vector<16xf32>
          %swap3A_1514 = vector.shape_cast %select_n3A_1508 : vector<16xf32> to vector<16xf32>
          tpu.vector_store %arg9[%swap3A_1511], %swap3A_1514 {strides = array<i32>} : memref<128xf32, #tpu.memory_space<vmem>>, vector<16xf32>,
        }
        %scan3A_1124 = arith.constant 8 : i32
        %broadcast_in_dim3A_1125 = arith.constant 0xFF800000 : f32
        %broadcast_in_dim3A_1126 = vector.broadcast %broadcast_in_dim3A_1125 : f32 to vector<16xf32>
        %broadcast_in_dim3A_1127 = arith.constant 1073741824 : i32
        %broadcast_in_dim3A_1128 = vector.broadcast %broadcast_in_dim3A_1127 : i32 to vector<16xi32>
        %scan3A_1129 = arith.constant 0 : i32
        %scan3A_1130 = arith.constant 8 : i32
        %scan3A_1131 = arith.addi %scan3A_1129, %scan3A_1130 : i32
        %scan3A_1132 = arith.constant 1 : i32
        %scan3A_1133:2 = scf.for %scan3A_1495 = %scan3A_1129 to %scan3A_1131 step %scan3A_1132 iter_args(%scan3A_1496 = %broadcast_in_dim3A_1126, %scan3A_1497 = %broadcast_in_dim3A_1128) -> (vector<16xf32>, vector<16xi32>)  : i32 {
          %mul3A_1498 = arith.constant 16 : i32
          %mul3A_1499 = arith.muli %scan3A_1495, %mul3A_1498 : i32
          %get3A = arith.index_cast %mul3A_1499 : i32 to index
          %get3A_1500 = tpu.vector_load %arg9[%get3A] {strides = array<i32>} : memref<128xf32, #tpu.memory_space<vmem>>, vector<16xf32>,
          %get3A_1501 = vector.shape_cast %get3A_1500 : vector<16xf32> to vector<16xf32>
          %mul3A_1502 = arith.constant 16 : i32
          %mul3A_1503 = arith.muli %scan3A_1495, %mul3A_1502 : i32
          %get3A_1504 = arith.index_cast %mul3A_1503 : i32 to index
          %get3A_1505 = tpu.vector_load %arg10[%get3A_1504] {strides = array<i32>} : memref<128xi32, #tpu.memory_space<vmem>>, vector<16xi32>,
          %get3A_1506 = vector.shape_cast %get3A_1505 : vector<16xi32> to vector<16xi32>
          %gt3A = arith.cmpf ogt, %get3A_1501, %scan3A_1496 : vector<16xf32>
          %eq3A_1507 = arith.cmpf oeq, %get3A_1501, %scan3A_1496 : vector<16xf32>
          %lt3A_1508 = arith.cmpi slt, %get3A_1506, %scan3A_1497 : vector<16xi32>
          %and3A = arith.andi %eq3A_1507, %lt3A_1508 : vector<16xi1>
          %or3A = arith.ori %gt3A, %and3A : vector<16xi1>
          %select_n3A_1509 = arith.select %or3A, %get3A_1501, %scan3A_1496 : vector<16xi1>, vector<16xf32>
          %select_n3A_1510 = arith.select %or3A, %get3A_1506, %scan3A_1497 : vector<16xi1>, vector<16xi32>
          scf.yield %select_n3A_1509, %select_n3A_1510 : vector<16xf32>, vector<16xi32>
        }
        %scan3A_1134 = arith.constant 8 : i32
        %iota3A_1135 = tpu.iota {dimensions = array<i32: 0>} : vector<16xi32>
        %xor3A_1136 = arith.constant 8 : i32
        %xor3A_1137 = vector.broadcast %xor3A_1136 : i32 to vector<16xi32>
        %xor3A_1138 = arith.xori %iota3A_1135, %xor3A_1137 : vector<16xi32>
        %broadcast_in_dim3A_1139 = vector.shape_cast %xor3A_1138 : vector<16xi32> to vector<16x1xi32>
        %gather3A_1140 = vector.shape_cast %broadcast_in_dim3A_1139 : vector<16x1xi32> to vector<16xi32>
        %gather3A_1141 = tpu.dynamic_gather %scan3A_1133#0[%gather3A_1140] in [0] : vector<16xf32>, vector<16xi32> -> vector<16xf32>
        %max3A_1142 = arith.maximumf %scan3A_1133#0, %gather3A_1141 : vector<16xf32>
        %xor3A_1143 = arith.constant 4 : i32
        %xor3A_1144 = vector.broadcast %xor3A_1143 : i32 to vector<16xi32>
        %xor3A_1145 = arith.xori %iota3A_1135, %xor3A_1144 : vector<16xi32>
        %broadcast_in_dim3A_1146 = vector.shape_cast %xor3A_1145 : vector<16xi32> to vector<16x1xi32>
        %gather3A_1147 = vector.shape_cast %broadcast_in_dim3A_1146 : vector<16x1xi32> to vector<16xi32>
        %gather3A_1148 = tpu.dynamic_gather %max3A_1142[%gather3A_1147] in [0] : vector<16xf32>, vector<16xi32> -> vector<16xf32>
        %max3A_1149 = arith.maximumf %max3A_1142, %gather3A_1148 : vector<16xf32>
        %xor3A_1150 = arith.constant 2 : i32
        %xor3A_1151 = vector.broadcast %xor3A_1150 : i32 to vector<16xi32>
        %xor3A_1152 = arith.xori %iota3A_1135, %xor3A_1151 : vector<16xi32>
        %broadcast_in_dim3A_1153 = vector.shape_cast %xor3A_1152 : vector<16xi32> to vector<16x1xi32>
        %gather3A_1154 = vector.shape_cast %broadcast_in_dim3A_1153 : vector<16x1xi32> to vector<16xi32>
        %gather3A_1155 = tpu.dynamic_gather %max3A_1149[%gather3A_1154] in [0] : vector<16xf32>, vector<16xi32> -> vector<16xf32>
        %max3A_1156 = arith.maximumf %max3A_1149, %gather3A_1155 : vector<16xf32>
        %xor3A_1157 = arith.constant 1 : i32
        %xor3A_1158 = vector.broadcast %xor3A_1157 : i32 to vector<16xi32>
        %xor3A_1159 = arith.xori %iota3A_1135, %xor3A_1158 : vector<16xi32>
        %broadcast_in_dim3A_1160 = vector.shape_cast %xor3A_1159 : vector<16xi32> to vector<16x1xi32>
        %gather3A_1161 = vector.shape_cast %broadcast_in_dim3A_1160 : vector<16x1xi32> to vector<16xi32>
        %gather3A_1162 = tpu.dynamic_gather %max3A_1156[%gather3A_1161] in [0] : vector<16xf32>, vector<16xi32> -> vector<16xf32>
        %max3A_1163 = arith.maximumf %max3A_1156, %gather3A_1162 : vector<16xf32>
        %eq3A_1164 = arith.cmpf oeq, %scan3A_1133#0, %max3A_1163 : vector<16xf32>
        %jit3A_1165 = arith.constant 1073741824 : i32
        %broadcast_in_dim3A_1166 = vector.broadcast %jit3A_1165 : i32 to vector<16xi32>
        %select_n3A_1167 = arith.select %eq3A_1164, %scan3A_1133#1, %broadcast_in_dim3A_1166 : vector<16xi1>, vector<16xi32>
        %neg3A_1168 = arith.constant 0 : i32
        %neg3A_1169 = vector.broadcast %neg3A_1168 : i32 to vector<16xi32>
        %neg3A_1170 = arith.subi %neg3A_1169, %select_n3A_1167 : vector<16xi32>
        %iota3A_1171 = tpu.iota {dimensions = array<i32: 0>} : vector<16xi32>
        %xor3A_1172 = arith.constant 8 : i32
        %xor3A_1173 = vector.broadcast %xor3A_1172 : i32 to vector<16xi32>
        %xor3A_1174 = arith.xori %iota3A_1171, %xor3A_1173 : vector<16xi32>
        %broadcast_in_dim3A_1175 = vector.shape_cast %xor3A_1174 : vector<16xi32> to vector<16x1xi32>
        %gather3A_1176 = vector.shape_cast %broadcast_in_dim3A_1175 : vector<16x1xi32> to vector<16xi32>
        %gather3A_1177 = tpu.dynamic_gather %neg3A_1170[%gather3A_1176] in [0] : vector<16xi32>, vector<16xi32> -> vector<16xi32>
        %max3A_1178 = arith.maxsi %neg3A_1170, %gather3A_1177 : vector<16xi32>
        %xor3A_1179 = arith.constant 4 : i32
        %xor3A_1180 = vector.broadcast %xor3A_1179 : i32 to vector<16xi32>
        %xor3A_1181 = arith.xori %iota3A_1171, %xor3A_1180 : vector<16xi32>
        %broadcast_in_dim3A_1182 = vector.shape_cast %xor3A_1181 : vector<16xi32> to vector<16x1xi32>
        %gather3A_1183 = vector.shape_cast %broadcast_in_dim3A_1182 : vector<16x1xi32> to vector<16xi32>
        %gather3A_1184 = tpu.dynamic_gather %max3A_1178[%gather3A_1183] in [0] : vector<16xi32>, vector<16xi32> -> vector<16xi32>
        %max3A_1185 = arith.maxsi %max3A_1178, %gather3A_1184 : vector<16xi32>
        %xor3A_1186 = arith.constant 2 : i32
        %xor3A_1187 = vector.broadcast %xor3A_1186 : i32 to vector<16xi32>
        %xor3A_1188 = arith.xori %iota3A_1171, %xor3A_1187 : vector<16xi32>
        %broadcast_in_dim3A_1189 = vector.shape_cast %xor3A_1188 : vector<16xi32> to vector<16x1xi32>
        %gather3A_1190 = vector.shape_cast %broadcast_in_dim3A_1189 : vector<16x1xi32> to vector<16xi32>
        %gather3A_1191 = tpu.dynamic_gather %max3A_1185[%gather3A_1190] in [0] : vector<16xi32>, vector<16xi32> -> vector<16xi32>
        %max3A_1192 = arith.maxsi %max3A_1185, %gather3A_1191 : vector<16xi32>
        %xor3A_1193 = arith.constant 1 : i32
        %xor3A_1194 = vector.broadcast %xor3A_1193 : i32 to vector<16xi32>
        %xor3A_1195 = arith.xori %iota3A_1171, %xor3A_1194 : vector<16xi32>
        %broadcast_in_dim3A_1196 = vector.shape_cast %xor3A_1195 : vector<16xi32> to vector<16x1xi32>
        %gather3A_1197 = vector.shape_cast %broadcast_in_dim3A_1196 : vector<16x1xi32> to vector<16xi32>
        %gather3A_1198 = tpu.dynamic_gather %max3A_1192[%gather3A_1197] in [0] : vector<16xi32>, vector<16xi32> -> vector<16xi32>
        %max3A_1199 = arith.maxsi %max3A_1192, %gather3A_1198 : vector<16xi32>
        %neg3A_1200 = arith.constant 0 : i32
        %neg3A_1201 = vector.broadcast %neg3A_1200 : i32 to vector<16xi32>
        %neg3A_1202 = arith.subi %neg3A_1201, %max3A_1199 : vector<16xi32>
        %mul3A_1203 = arith.constant 8 : i32
        %mul3A_1204 = arith.muli %arg1, %mul3A_1203 : i32
        %add3A_1205 = arith.constant 4 : i32
        %add3A_1206 = arith.addi %mul3A_1204, %add3A_1205 : i32
        %eq3A_1207 = vector.broadcast %add3A_1206 : i32 to vector<16xi32>
        %eq3A_1208 = arith.cmpi eq, %iota3A, %eq3A_1207 : vector<16xi32>
        %select_n3A_1209 = arith.select %eq3A_1208, %neg3A_1202, %select_n3A_1118 : vector<16xi1>, vector<16xi32>
        %scan3A_1210 = arith.constant 0 : i32
        %scan3A_1211 = arith.constant 0 : i32
        %scan3A_1212 = arith.constant 8 : i32
        %scan3A_1213 = arith.addi %scan3A_1211, %scan3A_1212 : i32
        %scan3A_1214 = arith.constant 1 : i32
        scf.for %scan3A_1495 = %scan3A_1211 to %scan3A_1213 step %scan3A_1214  : i32 {
          %mul3A_1496 = arith.constant 16 : i32
          %mul3A_1497 = arith.muli %scan3A_1495, %mul3A_1496 : i32
          %get3A = arith.index_cast %mul3A_1497 : i32 to index
          %get3A_1498 = tpu.vector_load %arg9[%get3A] {strides = array<i32>} : memref<128xf32, #tpu.memory_space<vmem>>, vector<16xf32>,
          %get3A_1499 = vector.shape_cast %get3A_1498 : vector<16xf32> to vector<16xf32>
          %mul3A_1500 = arith.constant 16 : i32
          %mul3A_1501 = arith.muli %scan3A_1495, %mul3A_1500 : i32
          %get3A_1502 = arith.index_cast %mul3A_1501 : i32 to index
          %get3A_1503 = tpu.vector_load %arg10[%get3A_1502] {strides = array<i32>} : memref<128xi32, #tpu.memory_space<vmem>>, vector<16xi32>,
          %get3A_1504 = vector.shape_cast %get3A_1503 : vector<16xi32> to vector<16xi32>
          %eq3A_1505 = arith.cmpi eq, %get3A_1504, %neg3A_1202 : vector<16xi32>
          %jit3A_1506 = arith.constant 0xFF800000 : f32
          %broadcast_in_dim3A_1507 = vector.broadcast %jit3A_1506 : f32 to vector<16xf32>
          %select_n3A_1508 = arith.select %eq3A_1505, %broadcast_in_dim3A_1507, %get3A_1499 : vector<16xi1>, vector<16xf32>
          %mul3A_1509 = arith.constant 16 : i32
          %mul3A_1510 = arith.muli %scan3A_1495, %mul3A_1509 : i32
          %swap3A_1511 = arith.index_cast %mul3A_1510 : i32 to index
          %swap3A_1512 = tpu.vector_load %arg9[%swap3A_1511] {strides = array<i32>} : memref<128xf32, #tpu.memory_space<vmem>>, vector<16xf32>,
          %swap3A_1513 = vector.shape_cast %swap3A_1512 : vector<16xf32> to vector<16xf32>
          %swap3A_1514 = vector.shape_cast %select_n3A_1508 : vector<16xf32> to vector<16xf32>
          tpu.vector_store %arg9[%swap3A_1511], %swap3A_1514 {strides = array<i32>} : memref<128xf32, #tpu.memory_space<vmem>>, vector<16xf32>,
        }
        %scan3A_1215 = arith.constant 8 : i32
        %broadcast_in_dim3A_1216 = arith.constant 0xFF800000 : f32
        %broadcast_in_dim3A_1217 = vector.broadcast %broadcast_in_dim3A_1216 : f32 to vector<16xf32>
        %broadcast_in_dim3A_1218 = arith.constant 1073741824 : i32
        %broadcast_in_dim3A_1219 = vector.broadcast %broadcast_in_dim3A_1218 : i32 to vector<16xi32>
        %scan3A_1220 = arith.constant 0 : i32
        %scan3A_1221 = arith.constant 8 : i32
        %scan3A_1222 = arith.addi %scan3A_1220, %scan3A_1221 : i32
        %scan3A_1223 = arith.constant 1 : i32
        %scan3A_1224:2 = scf.for %scan3A_1495 = %scan3A_1220 to %scan3A_1222 step %scan3A_1223 iter_args(%scan3A_1496 = %broadcast_in_dim3A_1217, %scan3A_1497 = %broadcast_in_dim3A_1219) -> (vector<16xf32>, vector<16xi32>)  : i32 {
          %mul3A_1498 = arith.constant 16 : i32
          %mul3A_1499 = arith.muli %scan3A_1495, %mul3A_1498 : i32
          %get3A = arith.index_cast %mul3A_1499 : i32 to index
          %get3A_1500 = tpu.vector_load %arg9[%get3A] {strides = array<i32>} : memref<128xf32, #tpu.memory_space<vmem>>, vector<16xf32>,
          %get3A_1501 = vector.shape_cast %get3A_1500 : vector<16xf32> to vector<16xf32>
          %mul3A_1502 = arith.constant 16 : i32
          %mul3A_1503 = arith.muli %scan3A_1495, %mul3A_1502 : i32
          %get3A_1504 = arith.index_cast %mul3A_1503 : i32 to index
          %get3A_1505 = tpu.vector_load %arg10[%get3A_1504] {strides = array<i32>} : memref<128xi32, #tpu.memory_space<vmem>>, vector<16xi32>,
          %get3A_1506 = vector.shape_cast %get3A_1505 : vector<16xi32> to vector<16xi32>
          %gt3A = arith.cmpf ogt, %get3A_1501, %scan3A_1496 : vector<16xf32>
          %eq3A_1507 = arith.cmpf oeq, %get3A_1501, %scan3A_1496 : vector<16xf32>
          %lt3A_1508 = arith.cmpi slt, %get3A_1506, %scan3A_1497 : vector<16xi32>
          %and3A = arith.andi %eq3A_1507, %lt3A_1508 : vector<16xi1>
          %or3A = arith.ori %gt3A, %and3A : vector<16xi1>
          %select_n3A_1509 = arith.select %or3A, %get3A_1501, %scan3A_1496 : vector<16xi1>, vector<16xf32>
          %select_n3A_1510 = arith.select %or3A, %get3A_1506, %scan3A_1497 : vector<16xi1>, vector<16xi32>
          scf.yield %select_n3A_1509, %select_n3A_1510 : vector<16xf32>, vector<16xi32>
        }
        %scan3A_1225 = arith.constant 8 : i32
        %iota3A_1226 = tpu.iota {dimensions = array<i32: 0>} : vector<16xi32>
        %xor3A_1227 = arith.constant 8 : i32
        %xor3A_1228 = vector.broadcast %xor3A_1227 : i32 to vector<16xi32>
        %xor3A_1229 = arith.xori %iota3A_1226, %xor3A_1228 : vector<16xi32>
        %broadcast_in_dim3A_1230 = vector.shape_cast %xor3A_1229 : vector<16xi32> to vector<16x1xi32>
        %gather3A_1231 = vector.shape_cast %broadcast_in_dim3A_1230 : vector<16x1xi32> to vector<16xi32>
        %gather3A_1232 = tpu.dynamic_gather %scan3A_1224#0[%gather3A_1231] in [0] : vector<16xf32>, vector<16xi32> -> vector<16xf32>
        %max3A_1233 = arith.maximumf %scan3A_1224#0, %gather3A_1232 : vector<16xf32>
        %xor3A_1234 = arith.constant 4 : i32
        %xor3A_1235 = vector.broadcast %xor3A_1234 : i32 to vector<16xi32>
        %xor3A_1236 = arith.xori %iota3A_1226, %xor3A_1235 : vector<16xi32>
        %broadcast_in_dim3A_1237 = vector.shape_cast %xor3A_1236 : vector<16xi32> to vector<16x1xi32>
        %gather3A_1238 = vector.shape_cast %broadcast_in_dim3A_1237 : vector<16x1xi32> to vector<16xi32>
        %gather3A_1239 = tpu.dynamic_gather %max3A_1233[%gather3A_1238] in [0] : vector<16xf32>, vector<16xi32> -> vector<16xf32>
        %max3A_1240 = arith.maximumf %max3A_1233, %gather3A_1239 : vector<16xf32>
        %xor3A_1241 = arith.constant 2 : i32
        %xor3A_1242 = vector.broadcast %xor3A_1241 : i32 to vector<16xi32>
        %xor3A_1243 = arith.xori %iota3A_1226, %xor3A_1242 : vector<16xi32>
        %broadcast_in_dim3A_1244 = vector.shape_cast %xor3A_1243 : vector<16xi32> to vector<16x1xi32>
        %gather3A_1245 = vector.shape_cast %broadcast_in_dim3A_1244 : vector<16x1xi32> to vector<16xi32>
        %gather3A_1246 = tpu.dynamic_gather %max3A_1240[%gather3A_1245] in [0] : vector<16xf32>, vector<16xi32> -> vector<16xf32>
        %max3A_1247 = arith.maximumf %max3A_1240, %gather3A_1246 : vector<16xf32>
        %xor3A_1248 = arith.constant 1 : i32
        %xor3A_1249 = vector.broadcast %xor3A_1248 : i32 to vector<16xi32>
        %xor3A_1250 = arith.xori %iota3A_1226, %xor3A_1249 : vector<16xi32>
        %broadcast_in_dim3A_1251 = vector.shape_cast %xor3A_1250 : vector<16xi32> to vector<16x1xi32>
        %gather3A_1252 = vector.shape_cast %broadcast_in_dim3A_1251 : vector<16x1xi32> to vector<16xi32>
        %gather3A_1253 = tpu.dynamic_gather %max3A_1247[%gather3A_1252] in [0] : vector<16xf32>, vector<16xi32> -> vector<16xf32>
        %max3A_1254 = arith.maximumf %max3A_1247, %gather3A_1253 : vector<16xf32>
        %eq3A_1255 = arith.cmpf oeq, %scan3A_1224#0, %max3A_1254 : vector<16xf32>
        %jit3A_1256 = arith.constant 1073741824 : i32
        %broadcast_in_dim3A_1257 = vector.broadcast %jit3A_1256 : i32 to vector<16xi32>
        %select_n3A_1258 = arith.select %eq3A_1255, %scan3A_1224#1, %broadcast_in_dim3A_1257 : vector<16xi1>, vector<16xi32>
        %neg3A_1259 = arith.constant 0 : i32
        %neg3A_1260 = vector.broadcast %neg3A_1259 : i32 to vector<16xi32>
        %neg3A_1261 = arith.subi %neg3A_1260, %select_n3A_1258 : vector<16xi32>
        %iota3A_1262 = tpu.iota {dimensions = array<i32: 0>} : vector<16xi32>
        %xor3A_1263 = arith.constant 8 : i32
        %xor3A_1264 = vector.broadcast %xor3A_1263 : i32 to vector<16xi32>
        %xor3A_1265 = arith.xori %iota3A_1262, %xor3A_1264 : vector<16xi32>
        %broadcast_in_dim3A_1266 = vector.shape_cast %xor3A_1265 : vector<16xi32> to vector<16x1xi32>
        %gather3A_1267 = vector.shape_cast %broadcast_in_dim3A_1266 : vector<16x1xi32> to vector<16xi32>
        %gather3A_1268 = tpu.dynamic_gather %neg3A_1261[%gather3A_1267] in [0] : vector<16xi32>, vector<16xi32> -> vector<16xi32>
        %max3A_1269 = arith.maxsi %neg3A_1261, %gather3A_1268 : vector<16xi32>
        %xor3A_1270 = arith.constant 4 : i32
        %xor3A_1271 = vector.broadcast %xor3A_1270 : i32 to vector<16xi32>
        %xor3A_1272 = arith.xori %iota3A_1262, %xor3A_1271 : vector<16xi32>
        %broadcast_in_dim3A_1273 = vector.shape_cast %xor3A_1272 : vector<16xi32> to vector<16x1xi32>
        %gather3A_1274 = vector.shape_cast %broadcast_in_dim3A_1273 : vector<16x1xi32> to vector<16xi32>
        %gather3A_1275 = tpu.dynamic_gather %max3A_1269[%gather3A_1274] in [0] : vector<16xi32>, vector<16xi32> -> vector<16xi32>
        %max3A_1276 = arith.maxsi %max3A_1269, %gather3A_1275 : vector<16xi32>
        %xor3A_1277 = arith.constant 2 : i32
        %xor3A_1278 = vector.broadcast %xor3A_1277 : i32 to vector<16xi32>
        %xor3A_1279 = arith.xori %iota3A_1262, %xor3A_1278 : vector<16xi32>
        %broadcast_in_dim3A_1280 = vector.shape_cast %xor3A_1279 : vector<16xi32> to vector<16x1xi32>
        %gather3A_1281 = vector.shape_cast %broadcast_in_dim3A_1280 : vector<16x1xi32> to vector<16xi32>
        %gather3A_1282 = tpu.dynamic_gather %max3A_1276[%gather3A_1281] in [0] : vector<16xi32>, vector<16xi32> -> vector<16xi32>
        %max3A_1283 = arith.maxsi %max3A_1276, %gather3A_1282 : vector<16xi32>
        %xor3A_1284 = arith.constant 1 : i32
        %xor3A_1285 = vector.broadcast %xor3A_1284 : i32 to vector<16xi32>
        %xor3A_1286 = arith.xori %iota3A_1262, %xor3A_1285 : vector<16xi32>
        %broadcast_in_dim3A_1287 = vector.shape_cast %xor3A_1286 : vector<16xi32> to vector<16x1xi32>
        %gather3A_1288 = vector.shape_cast %broadcast_in_dim3A_1287 : vector<16x1xi32> to vector<16xi32>
        %gather3A_1289 = tpu.dynamic_gather %max3A_1283[%gather3A_1288] in [0] : vector<16xi32>, vector<16xi32> -> vector<16xi32>
        %max3A_1290 = arith.maxsi %max3A_1283, %gather3A_1289 : vector<16xi32>
        %neg3A_1291 = arith.constant 0 : i32
        %neg3A_1292 = vector.broadcast %neg3A_1291 : i32 to vector<16xi32>
        %neg3A_1293 = arith.subi %neg3A_1292, %max3A_1290 : vector<16xi32>
        %mul3A_1294 = arith.constant 8 : i32
        %mul3A_1295 = arith.muli %arg1, %mul3A_1294 : i32
        %add3A_1296 = arith.constant 5 : i32
        %add3A_1297 = arith.addi %mul3A_1295, %add3A_1296 : i32
        %eq3A_1298 = vector.broadcast %add3A_1297 : i32 to vector<16xi32>
        %eq3A_1299 = arith.cmpi eq, %iota3A, %eq3A_1298 : vector<16xi32>
        %select_n3A_1300 = arith.select %eq3A_1299, %neg3A_1293, %select_n3A_1209 : vector<16xi1>, vector<16xi32>
        %scan3A_1301 = arith.constant 0 : i32
        %scan3A_1302 = arith.constant 0 : i32
        %scan3A_1303 = arith.constant 8 : i32
        %scan3A_1304 = arith.addi %scan3A_1302, %scan3A_1303 : i32
        %scan3A_1305 = arith.constant 1 : i32
        scf.for %scan3A_1495 = %scan3A_1302 to %scan3A_1304 step %scan3A_1305  : i32 {
          %mul3A_1496 = arith.constant 16 : i32
          %mul3A_1497 = arith.muli %scan3A_1495, %mul3A_1496 : i32
          %get3A = arith.index_cast %mul3A_1497 : i32 to index
          %get3A_1498 = tpu.vector_load %arg9[%get3A] {strides = array<i32>} : memref<128xf32, #tpu.memory_space<vmem>>, vector<16xf32>,
          %get3A_1499 = vector.shape_cast %get3A_1498 : vector<16xf32> to vector<16xf32>
          %mul3A_1500 = arith.constant 16 : i32
          %mul3A_1501 = arith.muli %scan3A_1495, %mul3A_1500 : i32
          %get3A_1502 = arith.index_cast %mul3A_1501 : i32 to index
          %get3A_1503 = tpu.vector_load %arg10[%get3A_1502] {strides = array<i32>} : memref<128xi32, #tpu.memory_space<vmem>>, vector<16xi32>,
          %get3A_1504 = vector.shape_cast %get3A_1503 : vector<16xi32> to vector<16xi32>
          %eq3A_1505 = arith.cmpi eq, %get3A_1504, %neg3A_1293 : vector<16xi32>
          %jit3A_1506 = arith.constant 0xFF800000 : f32
          %broadcast_in_dim3A_1507 = vector.broadcast %jit3A_1506 : f32 to vector<16xf32>
          %select_n3A_1508 = arith.select %eq3A_1505, %broadcast_in_dim3A_1507, %get3A_1499 : vector<16xi1>, vector<16xf32>
          %mul3A_1509 = arith.constant 16 : i32
          %mul3A_1510 = arith.muli %scan3A_1495, %mul3A_1509 : i32
          %swap3A_1511 = arith.index_cast %mul3A_1510 : i32 to index
          %swap3A_1512 = tpu.vector_load %arg9[%swap3A_1511] {strides = array<i32>} : memref<128xf32, #tpu.memory_space<vmem>>, vector<16xf32>,
          %swap3A_1513 = vector.shape_cast %swap3A_1512 : vector<16xf32> to vector<16xf32>
          %swap3A_1514 = vector.shape_cast %select_n3A_1508 : vector<16xf32> to vector<16xf32>
          tpu.vector_store %arg9[%swap3A_1511], %swap3A_1514 {strides = array<i32>} : memref<128xf32, #tpu.memory_space<vmem>>, vector<16xf32>,
        }
        %scan3A_1306 = arith.constant 8 : i32
        %broadcast_in_dim3A_1307 = arith.constant 0xFF800000 : f32
        %broadcast_in_dim3A_1308 = vector.broadcast %broadcast_in_dim3A_1307 : f32 to vector<16xf32>
        %broadcast_in_dim3A_1309 = arith.constant 1073741824 : i32
        %broadcast_in_dim3A_1310 = vector.broadcast %broadcast_in_dim3A_1309 : i32 to vector<16xi32>
        %scan3A_1311 = arith.constant 0 : i32
        %scan3A_1312 = arith.constant 8 : i32
        %scan3A_1313 = arith.addi %scan3A_1311, %scan3A_1312 : i32
        %scan3A_1314 = arith.constant 1 : i32
        %scan3A_1315:2 = scf.for %scan3A_1495 = %scan3A_1311 to %scan3A_1313 step %scan3A_1314 iter_args(%scan3A_1496 = %broadcast_in_dim3A_1308, %scan3A_1497 = %broadcast_in_dim3A_1310) -> (vector<16xf32>, vector<16xi32>)  : i32 {
          %mul3A_1498 = arith.constant 16 : i32
          %mul3A_1499 = arith.muli %scan3A_1495, %mul3A_1498 : i32
          %get3A = arith.index_cast %mul3A_1499 : i32 to index
          %get3A_1500 = tpu.vector_load %arg9[%get3A] {strides = array<i32>} : memref<128xf32, #tpu.memory_space<vmem>>, vector<16xf32>,
          %get3A_1501 = vector.shape_cast %get3A_1500 : vector<16xf32> to vector<16xf32>
          %mul3A_1502 = arith.constant 16 : i32
          %mul3A_1503 = arith.muli %scan3A_1495, %mul3A_1502 : i32
          %get3A_1504 = arith.index_cast %mul3A_1503 : i32 to index
          %get3A_1505 = tpu.vector_load %arg10[%get3A_1504] {strides = array<i32>} : memref<128xi32, #tpu.memory_space<vmem>>, vector<16xi32>,
          %get3A_1506 = vector.shape_cast %get3A_1505 : vector<16xi32> to vector<16xi32>
          %gt3A = arith.cmpf ogt, %get3A_1501, %scan3A_1496 : vector<16xf32>
          %eq3A_1507 = arith.cmpf oeq, %get3A_1501, %scan3A_1496 : vector<16xf32>
          %lt3A_1508 = arith.cmpi slt, %get3A_1506, %scan3A_1497 : vector<16xi32>
          %and3A = arith.andi %eq3A_1507, %lt3A_1508 : vector<16xi1>
          %or3A = arith.ori %gt3A, %and3A : vector<16xi1>
          %select_n3A_1509 = arith.select %or3A, %get3A_1501, %scan3A_1496 : vector<16xi1>, vector<16xf32>
          %select_n3A_1510 = arith.select %or3A, %get3A_1506, %scan3A_1497 : vector<16xi1>, vector<16xi32>
          scf.yield %select_n3A_1509, %select_n3A_1510 : vector<16xf32>, vector<16xi32>
        }
        %scan3A_1316 = arith.constant 8 : i32
        %iota3A_1317 = tpu.iota {dimensions = array<i32: 0>} : vector<16xi32>
        %xor3A_1318 = arith.constant 8 : i32
        %xor3A_1319 = vector.broadcast %xor3A_1318 : i32 to vector<16xi32>
        %xor3A_1320 = arith.xori %iota3A_1317, %xor3A_1319 : vector<16xi32>
        %broadcast_in_dim3A_1321 = vector.shape_cast %xor3A_1320 : vector<16xi32> to vector<16x1xi32>
        %gather3A_1322 = vector.shape_cast %broadcast_in_dim3A_1321 : vector<16x1xi32> to vector<16xi32>
        %gather3A_1323 = tpu.dynamic_gather %scan3A_1315#0[%gather3A_1322] in [0] : vector<16xf32>, vector<16xi32> -> vector<16xf32>
        %max3A_1324 = arith.maximumf %scan3A_1315#0, %gather3A_1323 : vector<16xf32>
        %xor3A_1325 = arith.constant 4 : i32
        %xor3A_1326 = vector.broadcast %xor3A_1325 : i32 to vector<16xi32>
        %xor3A_1327 = arith.xori %iota3A_1317, %xor3A_1326 : vector<16xi32>
        %broadcast_in_dim3A_1328 = vector.shape_cast %xor3A_1327 : vector<16xi32> to vector<16x1xi32>
        %gather3A_1329 = vector.shape_cast %broadcast_in_dim3A_1328 : vector<16x1xi32> to vector<16xi32>
        %gather3A_1330 = tpu.dynamic_gather %max3A_1324[%gather3A_1329] in [0] : vector<16xf32>, vector<16xi32> -> vector<16xf32>
        %max3A_1331 = arith.maximumf %max3A_1324, %gather3A_1330 : vector<16xf32>
        %xor3A_1332 = arith.constant 2 : i32
        %xor3A_1333 = vector.broadcast %xor3A_1332 : i32 to vector<16xi32>
        %xor3A_1334 = arith.xori %iota3A_1317, %xor3A_1333 : vector<16xi32>
        %broadcast_in_dim3A_1335 = vector.shape_cast %xor3A_1334 : vector<16xi32> to vector<16x1xi32>
        %gather3A_1336 = vector.shape_cast %broadcast_in_dim3A_1335 : vector<16x1xi32> to vector<16xi32>
        %gather3A_1337 = tpu.dynamic_gather %max3A_1331[%gather3A_1336] in [0] : vector<16xf32>, vector<16xi32> -> vector<16xf32>
        %max3A_1338 = arith.maximumf %max3A_1331, %gather3A_1337 : vector<16xf32>
        %xor3A_1339 = arith.constant 1 : i32
        %xor3A_1340 = vector.broadcast %xor3A_1339 : i32 to vector<16xi32>
        %xor3A_1341 = arith.xori %iota3A_1317, %xor3A_1340 : vector<16xi32>
        %broadcast_in_dim3A_1342 = vector.shape_cast %xor3A_1341 : vector<16xi32> to vector<16x1xi32>
        %gather3A_1343 = vector.shape_cast %broadcast_in_dim3A_1342 : vector<16x1xi32> to vector<16xi32>
        %gather3A_1344 = tpu.dynamic_gather %max3A_1338[%gather3A_1343] in [0] : vector<16xf32>, vector<16xi32> -> vector<16xf32>
        %max3A_1345 = arith.maximumf %max3A_1338, %gather3A_1344 : vector<16xf32>
        %eq3A_1346 = arith.cmpf oeq, %scan3A_1315#0, %max3A_1345 : vector<16xf32>
        %jit3A_1347 = arith.constant 1073741824 : i32
        %broadcast_in_dim3A_1348 = vector.broadcast %jit3A_1347 : i32 to vector<16xi32>
        %select_n3A_1349 = arith.select %eq3A_1346, %scan3A_1315#1, %broadcast_in_dim3A_1348 : vector<16xi1>, vector<16xi32>
        %neg3A_1350 = arith.constant 0 : i32
        %neg3A_1351 = vector.broadcast %neg3A_1350 : i32 to vector<16xi32>
        %neg3A_1352 = arith.subi %neg3A_1351, %select_n3A_1349 : vector<16xi32>
        %iota3A_1353 = tpu.iota {dimensions = array<i32: 0>} : vector<16xi32>
        %xor3A_1354 = arith.constant 8 : i32
        %xor3A_1355 = vector.broadcast %xor3A_1354 : i32 to vector<16xi32>
        %xor3A_1356 = arith.xori %iota3A_1353, %xor3A_1355 : vector<16xi32>
        %broadcast_in_dim3A_1357 = vector.shape_cast %xor3A_1356 : vector<16xi32> to vector<16x1xi32>
        %gather3A_1358 = vector.shape_cast %broadcast_in_dim3A_1357 : vector<16x1xi32> to vector<16xi32>
        %gather3A_1359 = tpu.dynamic_gather %neg3A_1352[%gather3A_1358] in [0] : vector<16xi32>, vector<16xi32> -> vector<16xi32>
        %max3A_1360 = arith.maxsi %neg3A_1352, %gather3A_1359 : vector<16xi32>
        %xor3A_1361 = arith.constant 4 : i32
        %xor3A_1362 = vector.broadcast %xor3A_1361 : i32 to vector<16xi32>
        %xor3A_1363 = arith.xori %iota3A_1353, %xor3A_1362 : vector<16xi32>
        %broadcast_in_dim3A_1364 = vector.shape_cast %xor3A_1363 : vector<16xi32> to vector<16x1xi32>
        %gather3A_1365 = vector.shape_cast %broadcast_in_dim3A_1364 : vector<16x1xi32> to vector<16xi32>
        %gather3A_1366 = tpu.dynamic_gather %max3A_1360[%gather3A_1365] in [0] : vector<16xi32>, vector<16xi32> -> vector<16xi32>
        %max3A_1367 = arith.maxsi %max3A_1360, %gather3A_1366 : vector<16xi32>
        %xor3A_1368 = arith.constant 2 : i32
        %xor3A_1369 = vector.broadcast %xor3A_1368 : i32 to vector<16xi32>
        %xor3A_1370 = arith.xori %iota3A_1353, %xor3A_1369 : vector<16xi32>
        %broadcast_in_dim3A_1371 = vector.shape_cast %xor3A_1370 : vector<16xi32> to vector<16x1xi32>
        %gather3A_1372 = vector.shape_cast %broadcast_in_dim3A_1371 : vector<16x1xi32> to vector<16xi32>
        %gather3A_1373 = tpu.dynamic_gather %max3A_1367[%gather3A_1372] in [0] : vector<16xi32>, vector<16xi32> -> vector<16xi32>
        %max3A_1374 = arith.maxsi %max3A_1367, %gather3A_1373 : vector<16xi32>
        %xor3A_1375 = arith.constant 1 : i32
        %xor3A_1376 = vector.broadcast %xor3A_1375 : i32 to vector<16xi32>
        %xor3A_1377 = arith.xori %iota3A_1353, %xor3A_1376 : vector<16xi32>
        %broadcast_in_dim3A_1378 = vector.shape_cast %xor3A_1377 : vector<16xi32> to vector<16x1xi32>
        %gather3A_1379 = vector.shape_cast %broadcast_in_dim3A_1378 : vector<16x1xi32> to vector<16xi32>
        %gather3A_1380 = tpu.dynamic_gather %max3A_1374[%gather3A_1379] in [0] : vector<16xi32>, vector<16xi32> -> vector<16xi32>
        %max3A_1381 = arith.maxsi %max3A_1374, %gather3A_1380 : vector<16xi32>
        %neg3A_1382 = arith.constant 0 : i32
        %neg3A_1383 = vector.broadcast %neg3A_1382 : i32 to vector<16xi32>
        %neg3A_1384 = arith.subi %neg3A_1383, %max3A_1381 : vector<16xi32>
        %mul3A_1385 = arith.constant 8 : i32
        %mul3A_1386 = arith.muli %arg1, %mul3A_1385 : i32
        %add3A_1387 = arith.constant 6 : i32
        %add3A_1388 = arith.addi %mul3A_1386, %add3A_1387 : i32
        %eq3A_1389 = vector.broadcast %add3A_1388 : i32 to vector<16xi32>
        %eq3A_1390 = arith.cmpi eq, %iota3A, %eq3A_1389 : vector<16xi32>
        %select_n3A_1391 = arith.select %eq3A_1390, %neg3A_1384, %select_n3A_1300 : vector<16xi1>, vector<16xi32>
        %scan3A_1392 = arith.constant 0 : i32
        %scan3A_1393 = arith.constant 0 : i32
        %scan3A_1394 = arith.constant 8 : i32
        %scan3A_1395 = arith.addi %scan3A_1393, %scan3A_1394 : i32
        %scan3A_1396 = arith.constant 1 : i32
        scf.for %scan3A_1495 = %scan3A_1393 to %scan3A_1395 step %scan3A_1396  : i32 {
          %mul3A_1496 = arith.constant 16 : i32
          %mul3A_1497 = arith.muli %scan3A_1495, %mul3A_1496 : i32
          %get3A = arith.index_cast %mul3A_1497 : i32 to index
          %get3A_1498 = tpu.vector_load %arg9[%get3A] {strides = array<i32>} : memref<128xf32, #tpu.memory_space<vmem>>, vector<16xf32>,
          %get3A_1499 = vector.shape_cast %get3A_1498 : vector<16xf32> to vector<16xf32>
          %mul3A_1500 = arith.constant 16 : i32
          %mul3A_1501 = arith.muli %scan3A_1495, %mul3A_1500 : i32
          %get3A_1502 = arith.index_cast %mul3A_1501 : i32 to index
          %get3A_1503 = tpu.vector_load %arg10[%get3A_1502] {strides = array<i32>} : memref<128xi32, #tpu.memory_space<vmem>>, vector<16xi32>,
          %get3A_1504 = vector.shape_cast %get3A_1503 : vector<16xi32> to vector<16xi32>
          %eq3A_1505 = arith.cmpi eq, %get3A_1504, %neg3A_1384 : vector<16xi32>
          %jit3A_1506 = arith.constant 0xFF800000 : f32
          %broadcast_in_dim3A_1507 = vector.broadcast %jit3A_1506 : f32 to vector<16xf32>
          %select_n3A_1508 = arith.select %eq3A_1505, %broadcast_in_dim3A_1507, %get3A_1499 : vector<16xi1>, vector<16xf32>
          %mul3A_1509 = arith.constant 16 : i32
          %mul3A_1510 = arith.muli %scan3A_1495, %mul3A_1509 : i32
          %swap3A_1511 = arith.index_cast %mul3A_1510 : i32 to index
          %swap3A_1512 = tpu.vector_load %arg9[%swap3A_1511] {strides = array<i32>} : memref<128xf32, #tpu.memory_space<vmem>>, vector<16xf32>,
          %swap3A_1513 = vector.shape_cast %swap3A_1512 : vector<16xf32> to vector<16xf32>
          %swap3A_1514 = vector.shape_cast %select_n3A_1508 : vector<16xf32> to vector<16xf32>
          tpu.vector_store %arg9[%swap3A_1511], %swap3A_1514 {strides = array<i32>} : memref<128xf32, #tpu.memory_space<vmem>>, vector<16xf32>,
        }
        %scan3A_1397 = arith.constant 8 : i32
        %broadcast_in_dim3A_1398 = arith.constant 0xFF800000 : f32
        %broadcast_in_dim3A_1399 = vector.broadcast %broadcast_in_dim3A_1398 : f32 to vector<16xf32>
        %broadcast_in_dim3A_1400 = arith.constant 1073741824 : i32
        %broadcast_in_dim3A_1401 = vector.broadcast %broadcast_in_dim3A_1400 : i32 to vector<16xi32>
        %scan3A_1402 = arith.constant 0 : i32
        %scan3A_1403 = arith.constant 8 : i32
        %scan3A_1404 = arith.addi %scan3A_1402, %scan3A_1403 : i32
        %scan3A_1405 = arith.constant 1 : i32
        %scan3A_1406:2 = scf.for %scan3A_1495 = %scan3A_1402 to %scan3A_1404 step %scan3A_1405 iter_args(%scan3A_1496 = %broadcast_in_dim3A_1399, %scan3A_1497 = %broadcast_in_dim3A_1401) -> (vector<16xf32>, vector<16xi32>)  : i32 {
          %mul3A_1498 = arith.constant 16 : i32
          %mul3A_1499 = arith.muli %scan3A_1495, %mul3A_1498 : i32
          %get3A = arith.index_cast %mul3A_1499 : i32 to index
          %get3A_1500 = tpu.vector_load %arg9[%get3A] {strides = array<i32>} : memref<128xf32, #tpu.memory_space<vmem>>, vector<16xf32>,
          %get3A_1501 = vector.shape_cast %get3A_1500 : vector<16xf32> to vector<16xf32>
          %mul3A_1502 = arith.constant 16 : i32
          %mul3A_1503 = arith.muli %scan3A_1495, %mul3A_1502 : i32
          %get3A_1504 = arith.index_cast %mul3A_1503 : i32 to index
          %get3A_1505 = tpu.vector_load %arg10[%get3A_1504] {strides = array<i32>} : memref<128xi32, #tpu.memory_space<vmem>>, vector<16xi32>,
          %get3A_1506 = vector.shape_cast %get3A_1505 : vector<16xi32> to vector<16xi32>
          %gt3A = arith.cmpf ogt, %get3A_1501, %scan3A_1496 : vector<16xf32>
          %eq3A_1507 = arith.cmpf oeq, %get3A_1501, %scan3A_1496 : vector<16xf32>
          %lt3A_1508 = arith.cmpi slt, %get3A_1506, %scan3A_1497 : vector<16xi32>
          %and3A = arith.andi %eq3A_1507, %lt3A_1508 : vector<16xi1>
          %or3A = arith.ori %gt3A, %and3A : vector<16xi1>
          %select_n3A_1509 = arith.select %or3A, %get3A_1501, %scan3A_1496 : vector<16xi1>, vector<16xf32>
          %select_n3A_1510 = arith.select %or3A, %get3A_1506, %scan3A_1497 : vector<16xi1>, vector<16xi32>
          scf.yield %select_n3A_1509, %select_n3A_1510 : vector<16xf32>, vector<16xi32>
        }
        %scan3A_1407 = arith.constant 8 : i32
        %iota3A_1408 = tpu.iota {dimensions = array<i32: 0>} : vector<16xi32>
        %xor3A_1409 = arith.constant 8 : i32
        %xor3A_1410 = vector.broadcast %xor3A_1409 : i32 to vector<16xi32>
        %xor3A_1411 = arith.xori %iota3A_1408, %xor3A_1410 : vector<16xi32>
        %broadcast_in_dim3A_1412 = vector.shape_cast %xor3A_1411 : vector<16xi32> to vector<16x1xi32>
        %gather3A_1413 = vector.shape_cast %broadcast_in_dim3A_1412 : vector<16x1xi32> to vector<16xi32>
        %gather3A_1414 = tpu.dynamic_gather %scan3A_1406#0[%gather3A_1413] in [0] : vector<16xf32>, vector<16xi32> -> vector<16xf32>
        %max3A_1415 = arith.maximumf %scan3A_1406#0, %gather3A_1414 : vector<16xf32>
        %xor3A_1416 = arith.constant 4 : i32
        %xor3A_1417 = vector.broadcast %xor3A_1416 : i32 to vector<16xi32>
        %xor3A_1418 = arith.xori %iota3A_1408, %xor3A_1417 : vector<16xi32>
        %broadcast_in_dim3A_1419 = vector.shape_cast %xor3A_1418 : vector<16xi32> to vector<16x1xi32>
        %gather3A_1420 = vector.shape_cast %broadcast_in_dim3A_1419 : vector<16x1xi32> to vector<16xi32>
        %gather3A_1421 = tpu.dynamic_gather %max3A_1415[%gather3A_1420] in [0] : vector<16xf32>, vector<16xi32> -> vector<16xf32>
        %max3A_1422 = arith.maximumf %max3A_1415, %gather3A_1421 : vector<16xf32>
        %xor3A_1423 = arith.constant 2 : i32
        %xor3A_1424 = vector.broadcast %xor3A_1423 : i32 to vector<16xi32>
        %xor3A_1425 = arith.xori %iota3A_1408, %xor3A_1424 : vector<16xi32>
        %broadcast_in_dim3A_1426 = vector.shape_cast %xor3A_1425 : vector<16xi32> to vector<16x1xi32>
        %gather3A_1427 = vector.shape_cast %broadcast_in_dim3A_1426 : vector<16x1xi32> to vector<16xi32>
        %gather3A_1428 = tpu.dynamic_gather %max3A_1422[%gather3A_1427] in [0] : vector<16xf32>, vector<16xi32> -> vector<16xf32>
        %max3A_1429 = arith.maximumf %max3A_1422, %gather3A_1428 : vector<16xf32>
        %xor3A_1430 = arith.constant 1 : i32
        %xor3A_1431 = vector.broadcast %xor3A_1430 : i32 to vector<16xi32>
        %xor3A_1432 = arith.xori %iota3A_1408, %xor3A_1431 : vector<16xi32>
        %broadcast_in_dim3A_1433 = vector.shape_cast %xor3A_1432 : vector<16xi32> to vector<16x1xi32>
        %gather3A_1434 = vector.shape_cast %broadcast_in_dim3A_1433 : vector<16x1xi32> to vector<16xi32>
        %gather3A_1435 = tpu.dynamic_gather %max3A_1429[%gather3A_1434] in [0] : vector<16xf32>, vector<16xi32> -> vector<16xf32>
        %max3A_1436 = arith.maximumf %max3A_1429, %gather3A_1435 : vector<16xf32>
        %eq3A_1437 = arith.cmpf oeq, %scan3A_1406#0, %max3A_1436 : vector<16xf32>
        %jit3A_1438 = arith.constant 1073741824 : i32
        %broadcast_in_dim3A_1439 = vector.broadcast %jit3A_1438 : i32 to vector<16xi32>
        %select_n3A_1440 = arith.select %eq3A_1437, %scan3A_1406#1, %broadcast_in_dim3A_1439 : vector<16xi1>, vector<16xi32>
        %neg3A_1441 = arith.constant 0 : i32
        %neg3A_1442 = vector.broadcast %neg3A_1441 : i32 to vector<16xi32>
        %neg3A_1443 = arith.subi %neg3A_1442, %select_n3A_1440 : vector<16xi32>
        %iota3A_1444 = tpu.iota {dimensions = array<i32: 0>} : vector<16xi32>
        %xor3A_1445 = arith.constant 8 : i32
        %xor3A_1446 = vector.broadcast %xor3A_1445 : i32 to vector<16xi32>
        %xor3A_1447 = arith.xori %iota3A_1444, %xor3A_1446 : vector<16xi32>
        %broadcast_in_dim3A_1448 = vector.shape_cast %xor3A_1447 : vector<16xi32> to vector<16x1xi32>
        %gather3A_1449 = vector.shape_cast %broadcast_in_dim3A_1448 : vector<16x1xi32> to vector<16xi32>
        %gather3A_1450 = tpu.dynamic_gather %neg3A_1443[%gather3A_1449] in [0] : vector<16xi32>, vector<16xi32> -> vector<16xi32>
        %max3A_1451 = arith.maxsi %neg3A_1443, %gather3A_1450 : vector<16xi32>
        %xor3A_1452 = arith.constant 4 : i32
        %xor3A_1453 = vector.broadcast %xor3A_1452 : i32 to vector<16xi32>
        %xor3A_1454 = arith.xori %iota3A_1444, %xor3A_1453 : vector<16xi32>
        %broadcast_in_dim3A_1455 = vector.shape_cast %xor3A_1454 : vector<16xi32> to vector<16x1xi32>
        %gather3A_1456 = vector.shape_cast %broadcast_in_dim3A_1455 : vector<16x1xi32> to vector<16xi32>
        %gather3A_1457 = tpu.dynamic_gather %max3A_1451[%gather3A_1456] in [0] : vector<16xi32>, vector<16xi32> -> vector<16xi32>
        %max3A_1458 = arith.maxsi %max3A_1451, %gather3A_1457 : vector<16xi32>
        %xor3A_1459 = arith.constant 2 : i32
        %xor3A_1460 = vector.broadcast %xor3A_1459 : i32 to vector<16xi32>
        %xor3A_1461 = arith.xori %iota3A_1444, %xor3A_1460 : vector<16xi32>
        %broadcast_in_dim3A_1462 = vector.shape_cast %xor3A_1461 : vector<16xi32> to vector<16x1xi32>
        %gather3A_1463 = vector.shape_cast %broadcast_in_dim3A_1462 : vector<16x1xi32> to vector<16xi32>
        %gather3A_1464 = tpu.dynamic_gather %max3A_1458[%gather3A_1463] in [0] : vector<16xi32>, vector<16xi32> -> vector<16xi32>
        %max3A_1465 = arith.maxsi %max3A_1458, %gather3A_1464 : vector<16xi32>
        %xor3A_1466 = arith.constant 1 : i32
        %xor3A_1467 = vector.broadcast %xor3A_1466 : i32 to vector<16xi32>
        %xor3A_1468 = arith.xori %iota3A_1444, %xor3A_1467 : vector<16xi32>
        %broadcast_in_dim3A_1469 = vector.shape_cast %xor3A_1468 : vector<16xi32> to vector<16x1xi32>
        %gather3A_1470 = vector.shape_cast %broadcast_in_dim3A_1469 : vector<16x1xi32> to vector<16xi32>
        %gather3A_1471 = tpu.dynamic_gather %max3A_1465[%gather3A_1470] in [0] : vector<16xi32>, vector<16xi32> -> vector<16xi32>
        %max3A_1472 = arith.maxsi %max3A_1465, %gather3A_1471 : vector<16xi32>
        %neg3A_1473 = arith.constant 0 : i32
        %neg3A_1474 = vector.broadcast %neg3A_1473 : i32 to vector<16xi32>
        %neg3A_1475 = arith.subi %neg3A_1474, %max3A_1472 : vector<16xi32>
        %mul3A_1476 = arith.constant 8 : i32
        %mul3A_1477 = arith.muli %arg1, %mul3A_1476 : i32
        %add3A_1478 = arith.constant 7 : i32
        %add3A_1479 = arith.addi %mul3A_1477, %add3A_1478 : i32
        %eq3A_1480 = vector.broadcast %add3A_1479 : i32 to vector<16xi32>
        %eq3A_1481 = arith.cmpi eq, %iota3A, %eq3A_1480 : vector<16xi32>
        %select_n3A_1482 = arith.select %eq3A_1481, %neg3A_1475, %select_n3A_1391 : vector<16xi1>, vector<16xi32>
        %scan3A_1483 = arith.constant 0 : i32
        %scan3A_1484 = arith.constant 0 : i32
        %scan3A_1485 = arith.constant 8 : i32
        %scan3A_1486 = arith.addi %scan3A_1484, %scan3A_1485 : i32
        %scan3A_1487 = arith.constant 1 : i32
        scf.for %scan3A_1495 = %scan3A_1484 to %scan3A_1486 step %scan3A_1487  : i32 {
          %mul3A_1496 = arith.constant 16 : i32
          %mul3A_1497 = arith.muli %scan3A_1495, %mul3A_1496 : i32
          %get3A = arith.index_cast %mul3A_1497 : i32 to index
          %get3A_1498 = tpu.vector_load %arg9[%get3A] {strides = array<i32>} : memref<128xf32, #tpu.memory_space<vmem>>, vector<16xf32>,
          %get3A_1499 = vector.shape_cast %get3A_1498 : vector<16xf32> to vector<16xf32>
          %mul3A_1500 = arith.constant 16 : i32
          %mul3A_1501 = arith.muli %scan3A_1495, %mul3A_1500 : i32
          %get3A_1502 = arith.index_cast %mul3A_1501 : i32 to index
          %get3A_1503 = tpu.vector_load %arg10[%get3A_1502] {strides = array<i32>} : memref<128xi32, #tpu.memory_space<vmem>>, vector<16xi32>,
          %get3A_1504 = vector.shape_cast %get3A_1503 : vector<16xi32> to vector<16xi32>
          %eq3A_1505 = arith.cmpi eq, %get3A_1504, %neg3A_1475 : vector<16xi32>
          %jit3A_1506 = arith.constant 0xFF800000 : f32
          %broadcast_in_dim3A_1507 = vector.broadcast %jit3A_1506 : f32 to vector<16xf32>
          %select_n3A_1508 = arith.select %eq3A_1505, %broadcast_in_dim3A_1507, %get3A_1499 : vector<16xi1>, vector<16xf32>
          %mul3A_1509 = arith.constant 16 : i32
          %mul3A_1510 = arith.muli %scan3A_1495, %mul3A_1509 : i32
          %swap3A_1511 = arith.index_cast %mul3A_1510 : i32 to index
          %swap3A_1512 = tpu.vector_load %arg9[%swap3A_1511] {strides = array<i32>} : memref<128xf32, #tpu.memory_space<vmem>>, vector<16xf32>,
          %swap3A_1513 = vector.shape_cast %swap3A_1512 : vector<16xf32> to vector<16xf32>
          %swap3A_1514 = vector.shape_cast %select_n3A_1508 : vector<16xf32> to vector<16xf32>
          tpu.vector_store %arg9[%swap3A_1511], %swap3A_1514 {strides = array<i32>} : memref<128xf32, #tpu.memory_space<vmem>>, vector<16xf32>,
        }
        %scan3A_1488 = arith.constant 8 : i32
        %swap3A_1489 = arith.constant 0 : index
        %swap3A_1490 = tpu.vector_load %arg8[%swap3A_1489] {strides = array<i32>} : memref<16xi32, #tpu.memory_space<vmem>>, vector<16xi32>,
        %swap3A_1491 = vector.shape_cast %swap3A_1490 : vector<16xi32> to vector<16xi32>
        %swap3A_1492 = vector.shape_cast %select_n3A_1482 : vector<16xi32> to vector<16xi32>
        tpu.vector_store %arg8[%swap3A_1489], %swap3A_1492 {strides = array<i32>} : memref<16xi32, #tpu.memory_space<vmem>>, vector<16xi32>,
        %mul3A_1493 = arith.constant 16 : i32
        %mul3A_1494 = arith.muli %arg1, %mul3A_1493 : i32
        "tpu.region"() ({
          %run_scoped3A = tpu.sem_alloc : memref<!tpu.dma_semaphore, #tpu.memory_space<semaphore_mem>>
          %dma_start3A = tpu.memref_slice %arg17[%mul3A_1494] : memref<32xi32, #tpu.memory_space<vmem_shared>> -> memref<16xi32, #tpu.memory_space<vmem_shared>>
          %dma_start3A_1495 = tpu.memref_slice %arg17[%mul3A_1494] : memref<32xi32, #tpu.memory_space<vmem_shared>> -> memref<16xi32, #tpu.memory_space<vmem_shared>>
          tpu.enqueue_dma source(%arg8 : memref<16xi32, #tpu.memory_space<vmem>>) target(%dma_start3A_1495 : memref<16xi32, #tpu.memory_space<vmem_shared>>) target_semaphore(%run_scoped3A : memref<!tpu.dma_semaphore, #tpu.memory_space<semaphore_mem>>)
          %dma_wait3A = tpu.memref_slice %arg17[%mul3A_1494] : memref<32xi32, #tpu.memory_space<vmem_shared>> -> memref<16xi32, #tpu.memory_space<vmem_shared>>
          %dma_wait3A_1496 = tpu.memref_slice %arg17[%mul3A_1494] : memref<32xi32, #tpu.memory_space<vmem_shared>> -> memref<16xi32, #tpu.memory_space<vmem_shared>>
          tpu.wait_dma2 semaphore(%run_scoped3A : memref<!tpu.dma_semaphore, #tpu.memory_space<semaphore_mem>>) src(%arg8 : memref<16xi32, #tpu.memory_space<vmem>>) dst(%dma_wait3A_1496 : memref<16xi32, #tpu.memory_space<vmem_shared>>)
          tpu.yield
        }) : () -> ()
      } else {
      }
      %barrier3A_750 = arith.constant 0 : index
      tpu.barrier barrier_id(%barrier3A_750)
      %eq3A_751 = arith.constant 0 : i32
      %eq3A_752 = arith.cmpi eq, %arg1, %eq3A_751 : i32
      %convert_element_type3A_753 = arith.extui %eq3A_752 : i1 to i32
      %cond3A_754 = arith.constant 0 : i32
      %cond3A_755 = arith.cmpi ne, %convert_element_type3A_753, %cond3A_754 : i32
      scf.if %cond3A_755 {
        "tpu.region"() ({
          %run_scoped3A = tpu.sem_alloc : memref<!tpu.dma_semaphore, #tpu.memory_space<semaphore_mem>>
          %dma_start3A_773 = arith.constant 0 : i32
          %dma_start3A_774 = tpu.memref_slice %arg17[%dma_start3A_773] : memref<32xi32, #tpu.memory_space<vmem_shared>> -> memref<16xi32, #tpu.memory_space<vmem_shared>>
          %dma_start3A_775 = arith.constant 0 : i32
          %dma_start3A_776 = tpu.memref_slice %arg17[%dma_start3A_775] : memref<32xi32, #tpu.memory_space<vmem_shared>> -> memref<16xi32, #tpu.memory_space<vmem_shared>>
          tpu.enqueue_dma source(%dma_start3A_776 : memref<16xi32, #tpu.memory_space<vmem_shared>>) target(%arg11 : memref<16xi32, #tpu.memory_space<vmem>>) target_semaphore(%run_scoped3A : memref<!tpu.dma_semaphore, #tpu.memory_space<semaphore_mem>>)
          %dma_wait3A_777 = arith.constant 0 : i32
          %dma_wait3A_778 = tpu.memref_slice %arg17[%dma_wait3A_777] : memref<32xi32, #tpu.memory_space<vmem_shared>> -> memref<16xi32, #tpu.memory_space<vmem_shared>>
          %dma_wait3A_779 = arith.constant 0 : i32
          %dma_wait3A_780 = tpu.memref_slice %arg17[%dma_wait3A_779] : memref<32xi32, #tpu.memory_space<vmem_shared>> -> memref<16xi32, #tpu.memory_space<vmem_shared>>
          tpu.wait_dma2 semaphore(%run_scoped3A : memref<!tpu.dma_semaphore, #tpu.memory_space<semaphore_mem>>) src(%dma_wait3A_780 : memref<16xi32, #tpu.memory_space<vmem_shared>>) dst(%arg11 : memref<16xi32, #tpu.memory_space<vmem>>)
          tpu.yield
        }) : () -> ()
        "tpu.region"() ({
          %run_scoped3A = tpu.sem_alloc : memref<!tpu.dma_semaphore, #tpu.memory_space<semaphore_mem>>
          %dma_start3A_773 = arith.constant 16 : i32
          %dma_start3A_774 = tpu.memref_slice %arg17[%dma_start3A_773] : memref<32xi32, #tpu.memory_space<vmem_shared>> -> memref<16xi32, #tpu.memory_space<vmem_shared>>
          %dma_start3A_775 = arith.constant 16 : i32
          %dma_start3A_776 = tpu.memref_slice %arg17[%dma_start3A_775] : memref<32xi32, #tpu.memory_space<vmem_shared>> -> memref<16xi32, #tpu.memory_space<vmem_shared>>
          tpu.enqueue_dma source(%dma_start3A_776 : memref<16xi32, #tpu.memory_space<vmem_shared>>) target(%arg12 : memref<16xi32, #tpu.memory_space<vmem>>) target_semaphore(%run_scoped3A : memref<!tpu.dma_semaphore, #tpu.memory_space<semaphore_mem>>)
          %dma_wait3A_777 = arith.constant 16 : i32
          %dma_wait3A_778 = tpu.memref_slice %arg17[%dma_wait3A_777] : memref<32xi32, #tpu.memory_space<vmem_shared>> -> memref<16xi32, #tpu.memory_space<vmem_shared>>
          %dma_wait3A_779 = arith.constant 16 : i32
          %dma_wait3A_780 = tpu.memref_slice %arg17[%dma_wait3A_779] : memref<32xi32, #tpu.memory_space<vmem_shared>> -> memref<16xi32, #tpu.memory_space<vmem_shared>>
          tpu.wait_dma2 semaphore(%run_scoped3A : memref<!tpu.dma_semaphore, #tpu.memory_space<semaphore_mem>>) src(%dma_wait3A_780 : memref<16xi32, #tpu.memory_space<vmem_shared>>) dst(%arg12 : memref<16xi32, #tpu.memory_space<vmem>>)
          tpu.yield
        }) : () -> ()
        %lt3A_756 = arith.constant 8 : i32
        %lt3A_757 = vector.broadcast %lt3A_756 : i32 to vector<16xi32>
        %lt3A_758 = arith.cmpi slt, %iota3A, %lt3A_757 : vector<16xi32>
        %get3A = arith.constant 0 : index
        %get3A_759 = tpu.vector_load %arg11[%get3A] {strides = array<i32>} : memref<16xi32, #tpu.memory_space<vmem>>, vector<16xi32>,
        %get3A_760 = vector.shape_cast %get3A_759 : vector<16xi32> to vector<16xi32>
        %get3A_761 = arith.constant 0 : index
        %get3A_762 = tpu.vector_load %arg12[%get3A_761] {strides = array<i32>} : memref<16xi32, #tpu.memory_space<vmem>>, vector<16xi32>,
        %get3A_763 = vector.shape_cast %get3A_762 : vector<16xi32> to vector<16xi32>
        %select_n3A_764 = arith.select %lt3A_758, %get3A_760, %get3A_763 : vector<16xi1>, vector<16xi32>
        %swap3A_765 = arith.constant 0 : index
        %swap3A_766 = tpu.vector_load %arg13[%swap3A_765] {strides = array<i32>} : memref<16xi32, #tpu.memory_space<vmem>>, vector<16xi32>,
        %swap3A_767 = vector.shape_cast %swap3A_766 : vector<16xi32> to vector<16xi32>
        %swap3A_768 = vector.shape_cast %select_n3A_764 : vector<16xi32> to vector<16xi32>
        tpu.vector_store %arg13[%swap3A_765], %swap3A_768 {strides = array<i32>} : memref<16xi32, #tpu.memory_space<vmem>>, vector<16xi32>,
        "tpu.region"() ({
          %run_scoped3A = tpu.sem_alloc : memref<!tpu.dma_semaphore, #tpu.memory_space<semaphore_mem>>
          tpu.enqueue_dma source(%arg13 : memref<16xi32, #tpu.memory_space<vmem>>) target(%arg4 : memref<16xi32, #tpu.memory_space<hbm>>) target_semaphore(%run_scoped3A : memref<!tpu.dma_semaphore, #tpu.memory_space<semaphore_mem>>)
          tpu.wait_dma2 semaphore(%run_scoped3A : memref<!tpu.dma_semaphore, #tpu.memory_space<semaphore_mem>>) src(%arg13 : memref<16xi32, #tpu.memory_space<vmem>>) dst(%arg4 : memref<16xi32, #tpu.memory_space<hbm>>)
          tpu.yield
        }) : () -> ()
        %dma_start3A = arith.constant 0 : i32
        %dma_start3A_769 = arith.constant 0 : i32
        %dma_start3A_770 = tpu.memref_slice %arg3[%dma_start3A, %dma_start3A_769] : memref<4096x1024xf32, #tpu.memory_space<hbm>> -> memref<4096x1024xf32, #tpu.memory_space<hbm>>
        tpu.enqueue_indirect_dma source(%dma_start3A_770 : memref<4096x1024xf32, #tpu.memory_space<hbm>>) target(%arg14 : memref<16x1024xf32, #tpu.memory_space<vmem>>) offsets(%arg13 : memref<16xi32, #tpu.memory_space<vmem>>) semaphore(%arg18 : memref<!tpu.dma_semaphore, #tpu.memory_space<semaphore_mem>>)
        %dma_wait3A = arith.constant 0 : i32
        %dma_wait3A_771 = arith.constant 0 : i32
        %dma_wait3A_772 = tpu.memref_slice %arg3[%dma_wait3A, %dma_wait3A_771] : memref<4096x1024xf32, #tpu.memory_space<hbm>> -> memref<4096x1024xf32, #tpu.memory_space<hbm>>
        tpu.wait_indirect_dma semaphore(%arg18 : memref<!tpu.dma_semaphore, #tpu.memory_space<semaphore_mem>>) src(%dma_wait3A_772 : memref<4096x1024xf32, #tpu.memory_space<hbm>>) dst(%arg14 : memref<16x1024xf32, #tpu.memory_space<vmem>>)
        "tpu.region"() ({
          %run_scoped3A = tpu.sem_alloc : memref<!tpu.dma_semaphore, #tpu.memory_space<semaphore_mem>>
          tpu.enqueue_dma source(%arg14 : memref<16x1024xf32, #tpu.memory_space<vmem>>) target(%arg5 : memref<16x1024xf32, #tpu.memory_space<hbm>>) target_semaphore(%run_scoped3A : memref<!tpu.dma_semaphore, #tpu.memory_space<semaphore_mem>>)
          tpu.wait_dma2 semaphore(%run_scoped3A : memref<!tpu.dma_semaphore, #tpu.memory_space<semaphore_mem>>) src(%arg14 : memref<16x1024xf32, #tpu.memory_space<vmem>>) dst(%arg5 : memref<16x1024xf32, #tpu.memory_space<hbm>>)
          tpu.yield
        }) : () -> ()
      } else {
      }
    } else {
    }
    return
  }
}

module attributes {stable_mosaic.version = 14 : i64} {
  func.func @_gate_body(%arg0: i32, %arg1: memref<1024x1024xf32, #tpu.memory_space<vmem>>, %arg2: memref<1024x8xf32, #tpu.memory_space<vmem>>, %arg3: memref<1x8xf32, #tpu.memory_space<vmem>>, %arg4: memref<1024x1xf32, #tpu.memory_space<vmem>>, %arg5: memref<1x1xf32, #tpu.memory_space<vmem>>, %arg6: memref<1024x8xf32, #tpu.memory_space<vmem>>, %arg7: memref<1024x1xf32, #tpu.memory_space<vmem>>) attributes {dimension_semantics = [#tpu.dimension_semantics<arbitrary>], iteration_bounds = array<i64: 4>, scalar_prefetch = 0 : i64, scratch_operands = 0 : i64, tpu.core_type = #tpu.core_type<tc>, window_params = [{transform_indices = @transform_0, window_bounds = array<i64: 1024, 1024>}, {pipeline_mode = #tpu.pipeline_mode<synchronous>, transform_indices = @transform_1, window_bounds = array<i64: 1024, 8>}, {pipeline_mode = #tpu.pipeline_mode<synchronous>, transform_indices = @transform_2, window_bounds = array<i64: 1, 8>}, {pipeline_mode = #tpu.pipeline_mode<synchronous>, transform_indices = @transform_3, window_bounds = array<i64: 1024, 1>}, {pipeline_mode = #tpu.pipeline_mode<synchronous>, transform_indices = @transform_4, window_bounds = array<i64: 1, 1>}, {transform_indices = @transform_5, window_bounds = array<i64: 1024, 8>}, {transform_indices = @transform_6, window_bounds = array<i64: 1024, 1>}]} {
    %get3A = arith.constant 0 : index
    %get3A_0 = arith.constant 0 : index
    %get3A_1 = vector.load %arg1[%get3A, %get3A_0] : memref<1024x1024xf32, #tpu.memory_space<vmem>>, vector<1024x1024xf32>
    %get3A_2 = arith.constant 0 : index
    %get3A_3 = arith.constant 0 : index
    %get3A_4 = vector.load %arg2[%get3A_2, %get3A_3] : memref<1024x8xf32, #tpu.memory_space<vmem>>, vector<1024x8xf32>
    %dot_general3A = arith.constant dense<0.000000e+00> : vector<1024x8xf32>
    %dot_general3A_5 = tpu.matmul %get3A_1, %get3A_4, %dot_general3A {dimension_numbers = #tpu.dot_dimension_numbers<[1], [0], [0], [1], [0, 0, 1, 1], [], []>, transpose_lhs_hint = false} : vector<1024x1024xf32>, vector<1024x8xf32>, vector<1024x8xf32> -> vector<1024x8xf32>
    %get3A_6 = arith.constant 0 : index
    %get3A_7 = arith.constant 0 : index
    %get3A_8 = vector.load %arg3[%get3A_6, %get3A_7] : memref<1x8xf32, #tpu.memory_space<vmem>>, vector<1x8xf32>
    %add3A = vector.broadcast %get3A_8 : vector<1x8xf32> to vector<1024x8xf32>
    %add3A_9 = arith.addf %dot_general3A_5, %add3A : vector<1024x8xf32>
    %reduce_max3A = arith.constant dense<0xFF800000> : vector<1024xf32>
    %reduce_max3A_10 = vector.multi_reduction <maximumf>, %add3A_9, %reduce_max3A [1] : vector<1024x8xf32> to vector<1024xf32>
    %broadcast_in_dim3A = vector.shape_cast %reduce_max3A_10 : vector<1024xf32> to vector<1024x1xf32>
    %sub3A = vector.broadcast %broadcast_in_dim3A : vector<1024x1xf32> to vector<1024x8xf32>
    %sub3A_11 = arith.subf %add3A_9, %sub3A : vector<1024x8xf32>
    %exp3A = math.exp %sub3A_11 : vector<1024x8xf32>
    %reduce_sum3A = arith.constant dense<0.000000e+00> : vector<1024xf32>
    %reduce_sum3A_12 = vector.multi_reduction <add>, %exp3A, %reduce_sum3A [1] : vector<1024x8xf32> to vector<1024xf32>
    %broadcast_in_dim3A_13 = vector.shape_cast %reduce_sum3A_12 : vector<1024xf32> to vector<1024x1xf32>
    %div3A = vector.broadcast %broadcast_in_dim3A_13 : vector<1024x1xf32> to vector<1024x8xf32>
    %div3A_14 = arith.divf %exp3A, %div3A : vector<1024x8xf32>
    %iota3A = tpu.iota {dimensions = array<i32: 1>} : vector<1024x8xi32>
    %reduce_max3A_15 = arith.constant dense<0xFF800000> : vector<1024xf32>
    %reduce_max3A_16 = vector.multi_reduction <maximumf>, %div3A_14, %reduce_max3A_15 [1] : vector<1024x8xf32> to vector<1024xf32>
    %broadcast_in_dim3A_17 = vector.shape_cast %reduce_max3A_16 : vector<1024xf32> to vector<1024x1xf32>
    %eq3A = vector.broadcast %broadcast_in_dim3A_17 : vector<1024x1xf32> to vector<1024x8xf32>
    %eq3A_18 = arith.cmpf oeq, %div3A_14, %eq3A : vector<1024x8xf32>
    %jit3A = arith.constant 8 : i32
    %broadcast_in_dim3A_19 = vector.broadcast %jit3A : i32 to vector<1024x8xi32>
    %select_n3A = arith.select %eq3A_18, %iota3A, %broadcast_in_dim3A_19 : vector<1024x8xi1>, vector<1024x8xi32>
    %reduce_min3A = arith.constant dense<2147483647> : vector<1024xi32>
    %reduce_min3A_20 = vector.multi_reduction <minsi>, %select_n3A, %reduce_min3A [1] : vector<1024x8xi32> to vector<1024xi32>
    %broadcast_in_dim3A_21 = vector.shape_cast %reduce_min3A_20 : vector<1024xi32> to vector<1024x1xi32>
    %eq3A_22 = vector.broadcast %broadcast_in_dim3A_21 : vector<1024x1xi32> to vector<1024x8xi32>
    %eq3A_23 = arith.cmpi eq, %iota3A, %eq3A_22 : vector<1024x8xi32>
    %jit3A_24 = arith.constant 0xFF800000 : f32
    %broadcast_in_dim3A_25 = vector.broadcast %jit3A_24 : f32 to vector<1024x8xf32>
    %select_n3A_26 = arith.select %eq3A_23, %broadcast_in_dim3A_25, %div3A_14 : vector<1024x8xi1>, vector<1024x8xf32>
    %reduce_max3A_27 = arith.constant dense<0xFF800000> : vector<1024xf32>
    %reduce_max3A_28 = vector.multi_reduction <maximumf>, %select_n3A_26, %reduce_max3A_27 [1] : vector<1024x8xf32> to vector<1024xf32>
    %broadcast_in_dim3A_29 = vector.shape_cast %reduce_max3A_28 : vector<1024xf32> to vector<1024x1xf32>
    %eq3A_30 = vector.broadcast %broadcast_in_dim3A_29 : vector<1024x1xf32> to vector<1024x8xf32>
    %eq3A_31 = arith.cmpf oeq, %select_n3A_26, %eq3A_30 : vector<1024x8xf32>
    %jit3A_32 = arith.constant 8 : i32
    %broadcast_in_dim3A_33 = vector.broadcast %jit3A_32 : i32 to vector<1024x8xi32>
    %select_n3A_34 = arith.select %eq3A_31, %iota3A, %broadcast_in_dim3A_33 : vector<1024x8xi1>, vector<1024x8xi32>
    %reduce_min3A_35 = arith.constant dense<2147483647> : vector<1024xi32>
    %reduce_min3A_36 = vector.multi_reduction <minsi>, %select_n3A_34, %reduce_min3A_35 [1] : vector<1024x8xi32> to vector<1024xi32>
    %broadcast_in_dim3A_37 = vector.shape_cast %reduce_min3A_36 : vector<1024xi32> to vector<1024x1xi32>
    %eq3A_38 = vector.broadcast %broadcast_in_dim3A_21 : vector<1024x1xi32> to vector<1024x8xi32>
    %eq3A_39 = arith.cmpi eq, %iota3A, %eq3A_38 : vector<1024x8xi32>
    %eq3A_40 = vector.broadcast %broadcast_in_dim3A_37 : vector<1024x1xi32> to vector<1024x8xi32>
    %eq3A_41 = arith.cmpi eq, %iota3A, %eq3A_40 : vector<1024x8xi32>
    %or3A = arith.ori %eq3A_39, %eq3A_41 : vector<1024x8xi1>
    %jit3A_42 = arith.constant 0.000000e+00 : f32
    %broadcast_in_dim3A_43 = vector.broadcast %jit3A_42 : f32 to vector<1024x8xf32>
    %select_n3A_44 = arith.select %or3A, %div3A_14, %broadcast_in_dim3A_43 : vector<1024x8xi1>, vector<1024x8xf32>
    %add3A_45 = arith.addf %broadcast_in_dim3A_17, %broadcast_in_dim3A_29 : vector<1024x1xf32>
    %add3A_46 = arith.constant 9.99999971E-10 : f32
    %add3A_47 = vector.broadcast %add3A_46 : f32 to vector<1024x1xf32>
    %add3A_48 = arith.addf %add3A_45, %add3A_47 : vector<1024x1xf32>
    %div3A_49 = vector.broadcast %add3A_48 : vector<1024x1xf32> to vector<1024x8xf32>
    %div3A_50 = arith.divf %select_n3A_44, %div3A_49 : vector<1024x8xf32>
    %swap3A = arith.constant 0 : index
    %swap3A_51 = arith.constant 0 : index
    %swap3A_52 = vector.load %arg6[%swap3A, %swap3A_51] : memref<1024x8xf32, #tpu.memory_space<vmem>>, vector<1024x8xf32>
    tpu.vector_store %arg6[%swap3A, %swap3A_51], %div3A_50 {strides = array<i32>} : memref<1024x8xf32, #tpu.memory_space<vmem>>, vector<1024x8xf32>,
    %get3A_53 = arith.constant 0 : index
    %get3A_54 = arith.constant 0 : index
    %get3A_55 = vector.load %arg4[%get3A_53, %get3A_54] : memref<1024x1xf32, #tpu.memory_space<vmem>>, vector<1024x1xf32>
    %dot_general3A_56 = arith.constant dense<0.000000e+00> : vector<1024x1xf32>
    %dot_general3A_57 = tpu.matmul %get3A_1, %get3A_55, %dot_general3A_56 {dimension_numbers = #tpu.dot_dimension_numbers<[1], [0], [0], [1], [0, 0, 1, 1], [], []>, transpose_lhs_hint = false} : vector<1024x1024xf32>, vector<1024x1xf32>, vector<1024x1xf32> -> vector<1024x1xf32>
    %get3A_58 = arith.constant 0 : index
    %get3A_59 = arith.constant 0 : index
    %get3A_60 = vector.load %arg5[%get3A_58, %get3A_59] : memref<1x1xf32, #tpu.memory_space<vmem>>, vector<1x1xf32>
    %add3A_61 = vector.broadcast %get3A_60 : vector<1x1xf32> to vector<1024x1xf32>
    %add3A_62 = arith.addf %dot_general3A_57, %add3A_61 : vector<1024x1xf32>
    %swap3A_63 = arith.constant 0 : index
    %swap3A_64 = arith.constant 0 : index
    %swap3A_65 = vector.load %arg7[%swap3A_63, %swap3A_64] : memref<1024x1xf32, #tpu.memory_space<vmem>>, vector<1024x1xf32>
    tpu.vector_store %arg7[%swap3A_63, %swap3A_64], %add3A_62 {strides = array<i32>} : memref<1024x1xf32, #tpu.memory_space<vmem>>, vector<1024x1xf32>,
    return
  }
  func.func @transform_0(%arg0: i32) -> (i32, i32) {
    %c0_i32 = arith.constant 0 : i32
    %c0_i32_0 = arith.constant 0 : i32
    return %arg0, %c0_i32 : i32, i32
  }
  func.func @transform_1(%arg0: i32) -> (i32, i32) {
    %c0_i32 = arith.constant 0 : i32
    %c0_i32_0 = arith.constant 0 : i32
    %c0_i32_1 = arith.constant 0 : i32
    return %c0_i32, %c0_i32_0 : i32, i32
  }
  func.func @transform_2(%arg0: i32) -> (i32, i32) {
    %c0_i32 = arith.constant 0 : i32
    %c0_i32_0 = arith.constant 0 : i32
    %c0_i32_1 = arith.constant 0 : i32
    return %c0_i32, %c0_i32_0 : i32, i32
  }
  func.func @transform_3(%arg0: i32) -> (i32, i32) {
    %c0_i32 = arith.constant 0 : i32
    %c0_i32_0 = arith.constant 0 : i32
    %c0_i32_1 = arith.constant 0 : i32
    return %c0_i32, %c0_i32_0 : i32, i32
  }
  func.func @transform_4(%arg0: i32) -> (i32, i32) {
    %c0_i32 = arith.constant 0 : i32
    %c0_i32_0 = arith.constant 0 : i32
    %c0_i32_1 = arith.constant 0 : i32
    return %c0_i32, %c0_i32_0 : i32, i32
  }
  func.func @transform_5(%arg0: i32) -> (i32, i32) {
    %c0_i32 = arith.constant 0 : i32
    %c0_i32_0 = arith.constant 0 : i32
    return %arg0, %c0_i32 : i32, i32
  }
  func.func @transform_6(%arg0: i32) -> (i32, i32) {
    %c0_i32 = arith.constant 0 : i32
    %c0_i32_0 = arith.constant 0 : i32
    return %arg0, %c0_i32 : i32, i32
  }
}

module attributes {stable_mosaic.version = 14 : i64} {
  func.func @_exp_body(%arg0: i32, %arg1: memref<16x1024xf32, #tpu.memory_space<vmem>>, %arg2: memref<1x16xi32, #tpu.memory_space<vmem>>, %arg3: memref<1024x8xf32, #tpu.memory_space<vmem>>, %arg4: memref<1x8xf32, #tpu.memory_space<vmem>>, %arg5: memref<8x1024x1024xf32, #tpu.memory_space<any>>, %arg6: memref<8x1x1024xf32, #tpu.memory_space<vmem>>, %arg7: memref<8x1024x1024xf32, #tpu.memory_space<any>>, %arg8: memref<8x1x1024xf32, #tpu.memory_space<vmem>>, %arg9: memref<512x1024xf32, #tpu.memory_space<vmem>>, %arg10: memref<16x8xf32, #tpu.memory_space<vmem>>, %arg11: memref<16x1024xf32, #tpu.memory_space<vmem>>, %arg12: memref<16x1024xf32, #tpu.memory_space<vmem>>, %arg13: memref<16x1024xf32, #tpu.memory_space<vmem>>, %arg14: memref<8x512x1024xf32, #tpu.memory_space<vmem>>, %arg15: memref<8x!tpu.dma_semaphore, #tpu.memory_space<semaphore_mem>>) attributes {dimension_semantics = [#tpu.dimension_semantics<arbitrary>], iteration_bounds = array<i64: 40>, scalar_prefetch = 0 : i64, scratch_operands = 6 : i64, tpu.core_type = #tpu.core_type<tc>, window_params = [{pipeline_mode = #tpu.pipeline_mode<synchronous>, transform_indices = @transform_0, window_bounds = array<i64: 16, 1024>}, {pipeline_mode = #tpu.pipeline_mode<synchronous>, transform_indices = @transform_1, window_bounds = array<i64: 1, 16>}, {pipeline_mode = #tpu.pipeline_mode<synchronous>, transform_indices = @transform_2, window_bounds = array<i64: 1024, 8>}, {pipeline_mode = #tpu.pipeline_mode<synchronous>, transform_indices = @transform_3, window_bounds = array<i64: 1, 8>}, {}, {pipeline_mode = #tpu.pipeline_mode<synchronous>, transform_indices = @transform_5, window_bounds = array<i64: 8, 1, 1024>}, {}, {pipeline_mode = #tpu.pipeline_mode<synchronous>, transform_indices = @transform_7, window_bounds = array<i64: 8, 1, 1024>}, {transform_indices = @transform_8, window_bounds = array<i64: 512, 1024>}]} {
    %eq3A = arith.constant 0 : i32
    %eq3A_0 = arith.cmpi eq, %arg0, %eq3A : i32
    %convert_element_type3A = arith.extui %eq3A_0 : i1 to i32
    %cond3A = arith.constant 0 : i32
    %cond3A_1 = arith.cmpi ne, %convert_element_type3A, %cond3A : i32
    scf.if %cond3A_1 {
      %rem3A = arith.constant 0 : i32
      %rem3A_19 = arith.constant 4 : i32
      %rem3A_20 = arith.remsi %rem3A, %rem3A_19 : i32
      %rem3A_21 = arith.constant 0 : i32
      %rem3A_22 = arith.constant 8 : i32
      %rem3A_23 = arith.remsi %rem3A_21, %rem3A_22 : i32
      %lt3A_24 = arith.constant 2 : i32
      %lt3A_25 = arith.cmpi slt, %rem3A_20, %lt3A_24 : i32
      %convert_element_type3A_26 = arith.extui %lt3A_25 : i1 to i32
      %cond3A_27 = arith.constant 0 : i32
      %cond3A_28 = arith.cmpi ne, %convert_element_type3A_26, %cond3A_27 : i32
      scf.if %cond3A_28 {
        %mul3A = arith.constant 512 : i32
        %mul3A_138 = arith.muli %rem3A_20, %mul3A : i32
        %dma_start3A = arith.constant 0 : i32
        %dma_start3A_139 = tpu.memref_slice %arg15[%rem3A_23] : memref<8x!tpu.dma_semaphore, #tpu.memory_space<semaphore_mem>> -> memref<1x!tpu.dma_semaphore, #tpu.memory_space<semaphore_mem>>
        %dma_start3A_140 = tpu.memref_squeeze %dma_start3A_139 : memref<1x!tpu.dma_semaphore, #tpu.memory_space<semaphore_mem>> -> memref<!tpu.dma_semaphore, #tpu.memory_space<semaphore_mem>>
        %dma_start3A_141 = arith.constant 0 : i32
        %dma_start3A_142 = arith.constant 0 : i32
        %dma_start3A_143 = tpu.memref_slice %arg14[%rem3A_23, %dma_start3A_141, %dma_start3A_142] : memref<8x512x1024xf32, #tpu.memory_space<vmem>> -> memref<1x512x1024xf32, #tpu.memory_space<vmem>>
        %dma_start3A_144 = tpu.memref_squeeze %dma_start3A_143 : memref<1x512x1024xf32, #tpu.memory_space<vmem>> -> memref<512x1024xf32, #tpu.memory_space<vmem>>
        %dma_start3A_145 = arith.constant 0 : i32
        %dma_start3A_146 = tpu.memref_slice %arg5[%dma_start3A, %mul3A_138, %dma_start3A_145] : memref<8x1024x1024xf32, #tpu.memory_space<any>> -> memref<1x512x1024xf32, #tpu.memory_space<any>>
        %dma_start3A_147 = tpu.memref_squeeze %dma_start3A_146 : memref<1x512x1024xf32, #tpu.memory_space<any>> -> memref<512x1024xf32, #tpu.memory_space<any>>
        tpu.enqueue_dma source(%dma_start3A_147 : memref<512x1024xf32, #tpu.memory_space<any>>) target(%dma_start3A_144 : memref<512x1024xf32, #tpu.memory_space<vmem>>) target_semaphore(%dma_start3A_140 : memref<!tpu.dma_semaphore, #tpu.memory_space<semaphore_mem>>)
      } else {
      }
      %ge3A_29 = arith.constant 2 : i32
      %ge3A_30 = arith.cmpi sge, %rem3A_20, %ge3A_29 : i32
      %convert_element_type3A_31 = arith.extui %ge3A_30 : i1 to i32
      %cond3A_32 = arith.constant 0 : i32
      %cond3A_33 = arith.cmpi ne, %convert_element_type3A_31, %cond3A_32 : i32
      scf.if %cond3A_33 {
        %sub3A_138 = arith.constant 2 : i32
        %sub3A_139 = arith.subi %rem3A_20, %sub3A_138 : i32
        %mul3A = arith.constant 512 : i32
        %mul3A_140 = arith.muli %sub3A_139, %mul3A : i32
        %dma_start3A = arith.constant 0 : i32
        %dma_start3A_141 = tpu.memref_slice %arg15[%rem3A_23] : memref<8x!tpu.dma_semaphore, #tpu.memory_space<semaphore_mem>> -> memref<1x!tpu.dma_semaphore, #tpu.memory_space<semaphore_mem>>
        %dma_start3A_142 = tpu.memref_squeeze %dma_start3A_141 : memref<1x!tpu.dma_semaphore, #tpu.memory_space<semaphore_mem>> -> memref<!tpu.dma_semaphore, #tpu.memory_space<semaphore_mem>>
        %dma_start3A_143 = arith.constant 0 : i32
        %dma_start3A_144 = arith.constant 0 : i32
        %dma_start3A_145 = tpu.memref_slice %arg14[%rem3A_23, %dma_start3A_143, %dma_start3A_144] : memref<8x512x1024xf32, #tpu.memory_space<vmem>> -> memref<1x512x1024xf32, #tpu.memory_space<vmem>>
        %dma_start3A_146 = tpu.memref_squeeze %dma_start3A_145 : memref<1x512x1024xf32, #tpu.memory_space<vmem>> -> memref<512x1024xf32, #tpu.memory_space<vmem>>
        %dma_start3A_147 = arith.constant 0 : i32
        %dma_start3A_148 = tpu.memref_slice %arg7[%dma_start3A, %mul3A_140, %dma_start3A_147] : memref<8x1024x1024xf32, #tpu.memory_space<any>> -> memref<1x512x1024xf32, #tpu.memory_space<any>>
        %dma_start3A_149 = tpu.memref_squeeze %dma_start3A_148 : memref<1x512x1024xf32, #tpu.memory_space<any>> -> memref<512x1024xf32, #tpu.memory_space<any>>
        tpu.enqueue_dma source(%dma_start3A_149 : memref<512x1024xf32, #tpu.memory_space<any>>) target(%dma_start3A_146 : memref<512x1024xf32, #tpu.memory_space<vmem>>) target_semaphore(%dma_start3A_142 : memref<!tpu.dma_semaphore, #tpu.memory_space<semaphore_mem>>)
      } else {
      }
      %rem3A_34 = arith.constant 1 : i32
      %rem3A_35 = arith.constant 4 : i32
      %rem3A_36 = arith.remsi %rem3A_34, %rem3A_35 : i32
      %rem3A_37 = arith.constant 1 : i32
      %rem3A_38 = arith.constant 8 : i32
      %rem3A_39 = arith.remsi %rem3A_37, %rem3A_38 : i32
      %lt3A_40 = arith.constant 2 : i32
      %lt3A_41 = arith.cmpi slt, %rem3A_36, %lt3A_40 : i32
      %convert_element_type3A_42 = arith.extui %lt3A_41 : i1 to i32
      %cond3A_43 = arith.constant 0 : i32
      %cond3A_44 = arith.cmpi ne, %convert_element_type3A_42, %cond3A_43 : i32
      scf.if %cond3A_44 {
        %mul3A = arith.constant 512 : i32
        %mul3A_138 = arith.muli %rem3A_36, %mul3A : i32
        %dma_start3A = arith.constant 0 : i32
        %dma_start3A_139 = tpu.memref_slice %arg15[%rem3A_39] : memref<8x!tpu.dma_semaphore, #tpu.memory_space<semaphore_mem>> -> memref<1x!tpu.dma_semaphore, #tpu.memory_space<semaphore_mem>>
        %dma_start3A_140 = tpu.memref_squeeze %dma_start3A_139 : memref<1x!tpu.dma_semaphore, #tpu.memory_space<semaphore_mem>> -> memref<!tpu.dma_semaphore, #tpu.memory_space<semaphore_mem>>
        %dma_start3A_141 = arith.constant 0 : i32
        %dma_start3A_142 = arith.constant 0 : i32
        %dma_start3A_143 = tpu.memref_slice %arg14[%rem3A_39, %dma_start3A_141, %dma_start3A_142] : memref<8x512x1024xf32, #tpu.memory_space<vmem>> -> memref<1x512x1024xf32, #tpu.memory_space<vmem>>
        %dma_start3A_144 = tpu.memref_squeeze %dma_start3A_143 : memref<1x512x1024xf32, #tpu.memory_space<vmem>> -> memref<512x1024xf32, #tpu.memory_space<vmem>>
        %dma_start3A_145 = arith.constant 0 : i32
        %dma_start3A_146 = tpu.memref_slice %arg5[%dma_start3A, %mul3A_138, %dma_start3A_145] : memref<8x1024x1024xf32, #tpu.memory_space<any>> -> memref<1x512x1024xf32, #tpu.memory_space<any>>
        %dma_start3A_147 = tpu.memref_squeeze %dma_start3A_146 : memref<1x512x1024xf32, #tpu.memory_space<any>> -> memref<512x1024xf32, #tpu.memory_space<any>>
        tpu.enqueue_dma source(%dma_start3A_147 : memref<512x1024xf32, #tpu.memory_space<any>>) target(%dma_start3A_144 : memref<512x1024xf32, #tpu.memory_space<vmem>>) target_semaphore(%dma_start3A_140 : memref<!tpu.dma_semaphore, #tpu.memory_space<semaphore_mem>>)
      } else {
      }
      %ge3A_45 = arith.constant 2 : i32
      %ge3A_46 = arith.cmpi sge, %rem3A_36, %ge3A_45 : i32
      %convert_element_type3A_47 = arith.extui %ge3A_46 : i1 to i32
      %cond3A_48 = arith.constant 0 : i32
      %cond3A_49 = arith.cmpi ne, %convert_element_type3A_47, %cond3A_48 : i32
      scf.if %cond3A_49 {
        %sub3A_138 = arith.constant 2 : i32
        %sub3A_139 = arith.subi %rem3A_36, %sub3A_138 : i32
        %mul3A = arith.constant 512 : i32
        %mul3A_140 = arith.muli %sub3A_139, %mul3A : i32
        %dma_start3A = arith.constant 0 : i32
        %dma_start3A_141 = tpu.memref_slice %arg15[%rem3A_39] : memref<8x!tpu.dma_semaphore, #tpu.memory_space<semaphore_mem>> -> memref<1x!tpu.dma_semaphore, #tpu.memory_space<semaphore_mem>>
        %dma_start3A_142 = tpu.memref_squeeze %dma_start3A_141 : memref<1x!tpu.dma_semaphore, #tpu.memory_space<semaphore_mem>> -> memref<!tpu.dma_semaphore, #tpu.memory_space<semaphore_mem>>
        %dma_start3A_143 = arith.constant 0 : i32
        %dma_start3A_144 = arith.constant 0 : i32
        %dma_start3A_145 = tpu.memref_slice %arg14[%rem3A_39, %dma_start3A_143, %dma_start3A_144] : memref<8x512x1024xf32, #tpu.memory_space<vmem>> -> memref<1x512x1024xf32, #tpu.memory_space<vmem>>
        %dma_start3A_146 = tpu.memref_squeeze %dma_start3A_145 : memref<1x512x1024xf32, #tpu.memory_space<vmem>> -> memref<512x1024xf32, #tpu.memory_space<vmem>>
        %dma_start3A_147 = arith.constant 0 : i32
        %dma_start3A_148 = tpu.memref_slice %arg7[%dma_start3A, %mul3A_140, %dma_start3A_147] : memref<8x1024x1024xf32, #tpu.memory_space<any>> -> memref<1x512x1024xf32, #tpu.memory_space<any>>
        %dma_start3A_149 = tpu.memref_squeeze %dma_start3A_148 : memref<1x512x1024xf32, #tpu.memory_space<any>> -> memref<512x1024xf32, #tpu.memory_space<any>>
        tpu.enqueue_dma source(%dma_start3A_149 : memref<512x1024xf32, #tpu.memory_space<any>>) target(%dma_start3A_146 : memref<512x1024xf32, #tpu.memory_space<vmem>>) target_semaphore(%dma_start3A_142 : memref<!tpu.dma_semaphore, #tpu.memory_space<semaphore_mem>>)
      } else {
      }
      %rem3A_50 = arith.constant 2 : i32
      %rem3A_51 = arith.constant 4 : i32
      %rem3A_52 = arith.remsi %rem3A_50, %rem3A_51 : i32
      %rem3A_53 = arith.constant 2 : i32
      %rem3A_54 = arith.constant 8 : i32
      %rem3A_55 = arith.remsi %rem3A_53, %rem3A_54 : i32
      %lt3A_56 = arith.constant 2 : i32
      %lt3A_57 = arith.cmpi slt, %rem3A_52, %lt3A_56 : i32
      %convert_element_type3A_58 = arith.extui %lt3A_57 : i1 to i32
      %cond3A_59 = arith.constant 0 : i32
      %cond3A_60 = arith.cmpi ne, %convert_element_type3A_58, %cond3A_59 : i32
      scf.if %cond3A_60 {
        %mul3A = arith.constant 512 : i32
        %mul3A_138 = arith.muli %rem3A_52, %mul3A : i32
        %dma_start3A = arith.constant 0 : i32
        %dma_start3A_139 = tpu.memref_slice %arg15[%rem3A_55] : memref<8x!tpu.dma_semaphore, #tpu.memory_space<semaphore_mem>> -> memref<1x!tpu.dma_semaphore, #tpu.memory_space<semaphore_mem>>
        %dma_start3A_140 = tpu.memref_squeeze %dma_start3A_139 : memref<1x!tpu.dma_semaphore, #tpu.memory_space<semaphore_mem>> -> memref<!tpu.dma_semaphore, #tpu.memory_space<semaphore_mem>>
        %dma_start3A_141 = arith.constant 0 : i32
        %dma_start3A_142 = arith.constant 0 : i32
        %dma_start3A_143 = tpu.memref_slice %arg14[%rem3A_55, %dma_start3A_141, %dma_start3A_142] : memref<8x512x1024xf32, #tpu.memory_space<vmem>> -> memref<1x512x1024xf32, #tpu.memory_space<vmem>>
        %dma_start3A_144 = tpu.memref_squeeze %dma_start3A_143 : memref<1x512x1024xf32, #tpu.memory_space<vmem>> -> memref<512x1024xf32, #tpu.memory_space<vmem>>
        %dma_start3A_145 = arith.constant 0 : i32
        %dma_start3A_146 = tpu.memref_slice %arg5[%dma_start3A, %mul3A_138, %dma_start3A_145] : memref<8x1024x1024xf32, #tpu.memory_space<any>> -> memref<1x512x1024xf32, #tpu.memory_space<any>>
        %dma_start3A_147 = tpu.memref_squeeze %dma_start3A_146 : memref<1x512x1024xf32, #tpu.memory_space<any>> -> memref<512x1024xf32, #tpu.memory_space<any>>
        tpu.enqueue_dma source(%dma_start3A_147 : memref<512x1024xf32, #tpu.memory_space<any>>) target(%dma_start3A_144 : memref<512x1024xf32, #tpu.memory_space<vmem>>) target_semaphore(%dma_start3A_140 : memref<!tpu.dma_semaphore, #tpu.memory_space<semaphore_mem>>)
      } else {
      }
      %ge3A_61 = arith.constant 2 : i32
      %ge3A_62 = arith.cmpi sge, %rem3A_52, %ge3A_61 : i32
      %convert_element_type3A_63 = arith.extui %ge3A_62 : i1 to i32
      %cond3A_64 = arith.constant 0 : i32
      %cond3A_65 = arith.cmpi ne, %convert_element_type3A_63, %cond3A_64 : i32
      scf.if %cond3A_65 {
        %sub3A_138 = arith.constant 2 : i32
        %sub3A_139 = arith.subi %rem3A_52, %sub3A_138 : i32
        %mul3A = arith.constant 512 : i32
        %mul3A_140 = arith.muli %sub3A_139, %mul3A : i32
        %dma_start3A = arith.constant 0 : i32
        %dma_start3A_141 = tpu.memref_slice %arg15[%rem3A_55] : memref<8x!tpu.dma_semaphore, #tpu.memory_space<semaphore_mem>> -> memref<1x!tpu.dma_semaphore, #tpu.memory_space<semaphore_mem>>
        %dma_start3A_142 = tpu.memref_squeeze %dma_start3A_141 : memref<1x!tpu.dma_semaphore, #tpu.memory_space<semaphore_mem>> -> memref<!tpu.dma_semaphore, #tpu.memory_space<semaphore_mem>>
        %dma_start3A_143 = arith.constant 0 : i32
        %dma_start3A_144 = arith.constant 0 : i32
        %dma_start3A_145 = tpu.memref_slice %arg14[%rem3A_55, %dma_start3A_143, %dma_start3A_144] : memref<8x512x1024xf32, #tpu.memory_space<vmem>> -> memref<1x512x1024xf32, #tpu.memory_space<vmem>>
        %dma_start3A_146 = tpu.memref_squeeze %dma_start3A_145 : memref<1x512x1024xf32, #tpu.memory_space<vmem>> -> memref<512x1024xf32, #tpu.memory_space<vmem>>
        %dma_start3A_147 = arith.constant 0 : i32
        %dma_start3A_148 = tpu.memref_slice %arg7[%dma_start3A, %mul3A_140, %dma_start3A_147] : memref<8x1024x1024xf32, #tpu.memory_space<any>> -> memref<1x512x1024xf32, #tpu.memory_space<any>>
        %dma_start3A_149 = tpu.memref_squeeze %dma_start3A_148 : memref<1x512x1024xf32, #tpu.memory_space<any>> -> memref<512x1024xf32, #tpu.memory_space<any>>
        tpu.enqueue_dma source(%dma_start3A_149 : memref<512x1024xf32, #tpu.memory_space<any>>) target(%dma_start3A_146 : memref<512x1024xf32, #tpu.memory_space<vmem>>) target_semaphore(%dma_start3A_142 : memref<!tpu.dma_semaphore, #tpu.memory_space<semaphore_mem>>)
      } else {
      }
      %rem3A_66 = arith.constant 3 : i32
      %rem3A_67 = arith.constant 4 : i32
      %rem3A_68 = arith.remsi %rem3A_66, %rem3A_67 : i32
      %rem3A_69 = arith.constant 3 : i32
      %rem3A_70 = arith.constant 8 : i32
      %rem3A_71 = arith.remsi %rem3A_69, %rem3A_70 : i32
      %lt3A_72 = arith.constant 2 : i32
      %lt3A_73 = arith.cmpi slt, %rem3A_68, %lt3A_72 : i32
      %convert_element_type3A_74 = arith.extui %lt3A_73 : i1 to i32
      %cond3A_75 = arith.constant 0 : i32
      %cond3A_76 = arith.cmpi ne, %convert_element_type3A_74, %cond3A_75 : i32
      scf.if %cond3A_76 {
        %mul3A = arith.constant 512 : i32
        %mul3A_138 = arith.muli %rem3A_68, %mul3A : i32
        %dma_start3A = arith.constant 0 : i32
        %dma_start3A_139 = tpu.memref_slice %arg15[%rem3A_71] : memref<8x!tpu.dma_semaphore, #tpu.memory_space<semaphore_mem>> -> memref<1x!tpu.dma_semaphore, #tpu.memory_space<semaphore_mem>>
        %dma_start3A_140 = tpu.memref_squeeze %dma_start3A_139 : memref<1x!tpu.dma_semaphore, #tpu.memory_space<semaphore_mem>> -> memref<!tpu.dma_semaphore, #tpu.memory_space<semaphore_mem>>
        %dma_start3A_141 = arith.constant 0 : i32
        %dma_start3A_142 = arith.constant 0 : i32
        %dma_start3A_143 = tpu.memref_slice %arg14[%rem3A_71, %dma_start3A_141, %dma_start3A_142] : memref<8x512x1024xf32, #tpu.memory_space<vmem>> -> memref<1x512x1024xf32, #tpu.memory_space<vmem>>
        %dma_start3A_144 = tpu.memref_squeeze %dma_start3A_143 : memref<1x512x1024xf32, #tpu.memory_space<vmem>> -> memref<512x1024xf32, #tpu.memory_space<vmem>>
        %dma_start3A_145 = arith.constant 0 : i32
        %dma_start3A_146 = tpu.memref_slice %arg5[%dma_start3A, %mul3A_138, %dma_start3A_145] : memref<8x1024x1024xf32, #tpu.memory_space<any>> -> memref<1x512x1024xf32, #tpu.memory_space<any>>
        %dma_start3A_147 = tpu.memref_squeeze %dma_start3A_146 : memref<1x512x1024xf32, #tpu.memory_space<any>> -> memref<512x1024xf32, #tpu.memory_space<any>>
        tpu.enqueue_dma source(%dma_start3A_147 : memref<512x1024xf32, #tpu.memory_space<any>>) target(%dma_start3A_144 : memref<512x1024xf32, #tpu.memory_space<vmem>>) target_semaphore(%dma_start3A_140 : memref<!tpu.dma_semaphore, #tpu.memory_space<semaphore_mem>>)
      } else {
      }
      %ge3A_77 = arith.constant 2 : i32
      %ge3A_78 = arith.cmpi sge, %rem3A_68, %ge3A_77 : i32
      %convert_element_type3A_79 = arith.extui %ge3A_78 : i1 to i32
      %cond3A_80 = arith.constant 0 : i32
      %cond3A_81 = arith.cmpi ne, %convert_element_type3A_79, %cond3A_80 : i32
      scf.if %cond3A_81 {
        %sub3A_138 = arith.constant 2 : i32
        %sub3A_139 = arith.subi %rem3A_68, %sub3A_138 : i32
        %mul3A = arith.constant 512 : i32
        %mul3A_140 = arith.muli %sub3A_139, %mul3A : i32
        %dma_start3A = arith.constant 0 : i32
        %dma_start3A_141 = tpu.memref_slice %arg15[%rem3A_71] : memref<8x!tpu.dma_semaphore, #tpu.memory_space<semaphore_mem>> -> memref<1x!tpu.dma_semaphore, #tpu.memory_space<semaphore_mem>>
        %dma_start3A_142 = tpu.memref_squeeze %dma_start3A_141 : memref<1x!tpu.dma_semaphore, #tpu.memory_space<semaphore_mem>> -> memref<!tpu.dma_semaphore, #tpu.memory_space<semaphore_mem>>
        %dma_start3A_143 = arith.constant 0 : i32
        %dma_start3A_144 = arith.constant 0 : i32
        %dma_start3A_145 = tpu.memref_slice %arg14[%rem3A_71, %dma_start3A_143, %dma_start3A_144] : memref<8x512x1024xf32, #tpu.memory_space<vmem>> -> memref<1x512x1024xf32, #tpu.memory_space<vmem>>
        %dma_start3A_146 = tpu.memref_squeeze %dma_start3A_145 : memref<1x512x1024xf32, #tpu.memory_space<vmem>> -> memref<512x1024xf32, #tpu.memory_space<vmem>>
        %dma_start3A_147 = arith.constant 0 : i32
        %dma_start3A_148 = tpu.memref_slice %arg7[%dma_start3A, %mul3A_140, %dma_start3A_147] : memref<8x1024x1024xf32, #tpu.memory_space<any>> -> memref<1x512x1024xf32, #tpu.memory_space<any>>
        %dma_start3A_149 = tpu.memref_squeeze %dma_start3A_148 : memref<1x512x1024xf32, #tpu.memory_space<any>> -> memref<512x1024xf32, #tpu.memory_space<any>>
        tpu.enqueue_dma source(%dma_start3A_149 : memref<512x1024xf32, #tpu.memory_space<any>>) target(%dma_start3A_146 : memref<512x1024xf32, #tpu.memory_space<vmem>>) target_semaphore(%dma_start3A_142 : memref<!tpu.dma_semaphore, #tpu.memory_space<semaphore_mem>>)
      } else {
      }
      %get3A = arith.constant 0 : index
      %get3A_82 = arith.constant 0 : index
      %get3A_83 = vector.load %arg1[%get3A, %get3A_82] : memref<16x1024xf32, #tpu.memory_space<vmem>>, vector<16x1024xf32>
      %get3A_84 = arith.constant 0 : index
      %get3A_85 = arith.constant 0 : index
      %get3A_86 = vector.load %arg3[%get3A_84, %get3A_85] : memref<1024x8xf32, #tpu.memory_space<vmem>>, vector<1024x8xf32>
      %dot_general3A = arith.constant dense<0.000000e+00> : vector<16x8xf32>
      %dot_general3A_87 = tpu.matmul %get3A_83, %get3A_86, %dot_general3A {dimension_numbers = #tpu.dot_dimension_numbers<[1], [0], [0], [1], [0, 0, 1, 1], [], []>, transpose_lhs_hint = false} : vector<16x1024xf32>, vector<1024x8xf32>, vector<16x8xf32> -> vector<16x8xf32>
      %get3A_88 = arith.constant 0 : index
      %get3A_89 = arith.constant 0 : index
      %get3A_90 = vector.load %arg4[%get3A_88, %get3A_89] : memref<1x8xf32, #tpu.memory_space<vmem>>, vector<1x8xf32>
      %add3A_91 = vector.broadcast %get3A_90 : vector<1x8xf32> to vector<16x8xf32>
      %add3A_92 = arith.addf %dot_general3A_87, %add3A_91 : vector<16x8xf32>
      %reduce_max3A = arith.constant dense<0xFF800000> : vector<16xf32>
      %reduce_max3A_93 = vector.multi_reduction <maximumf>, %add3A_92, %reduce_max3A [1] : vector<16x8xf32> to vector<16xf32>
      %broadcast_in_dim3A = vector.shape_cast %reduce_max3A_93 : vector<16xf32> to vector<16x1xf32>
      %sub3A_94 = vector.broadcast %broadcast_in_dim3A : vector<16x1xf32> to vector<16x8xf32>
      %sub3A_95 = arith.subf %add3A_92, %sub3A_94 : vector<16x8xf32>
      %exp3A = math.exp %sub3A_95 : vector<16x8xf32>
      %reduce_sum3A = arith.constant dense<0.000000e+00> : vector<16xf32>
      %reduce_sum3A_96 = vector.multi_reduction <add>, %exp3A, %reduce_sum3A [1] : vector<16x8xf32> to vector<16xf32>
      %broadcast_in_dim3A_97 = vector.shape_cast %reduce_sum3A_96 : vector<16xf32> to vector<16x1xf32>
      %div3A = vector.broadcast %broadcast_in_dim3A_97 : vector<16x1xf32> to vector<16x8xf32>
      %div3A_98 = arith.divf %exp3A, %div3A : vector<16x8xf32>
      %iota3A = tpu.iota {dimensions = array<i32: 1>} : vector<16x8xi32>
      %reduce_max3A_99 = arith.constant dense<0xFF800000> : vector<16xf32>
      %reduce_max3A_100 = vector.multi_reduction <maximumf>, %div3A_98, %reduce_max3A_99 [1] : vector<16x8xf32> to vector<16xf32>
      %broadcast_in_dim3A_101 = vector.shape_cast %reduce_max3A_100 : vector<16xf32> to vector<16x1xf32>
      %eq3A_102 = vector.broadcast %broadcast_in_dim3A_101 : vector<16x1xf32> to vector<16x8xf32>
      %eq3A_103 = arith.cmpf oeq, %div3A_98, %eq3A_102 : vector<16x8xf32>
      %jit3A = arith.constant 8 : i32
      %broadcast_in_dim3A_104 = vector.broadcast %jit3A : i32 to vector<16x8xi32>
      %select_n3A = arith.select %eq3A_103, %iota3A, %broadcast_in_dim3A_104 : vector<16x8xi1>, vector<16x8xi32>
      %reduce_min3A = arith.constant dense<2147483647> : vector<16xi32>
      %reduce_min3A_105 = vector.multi_reduction <minsi>, %select_n3A, %reduce_min3A [1] : vector<16x8xi32> to vector<16xi32>
      %broadcast_in_dim3A_106 = vector.shape_cast %reduce_min3A_105 : vector<16xi32> to vector<16x1xi32>
      %eq3A_107 = vector.broadcast %broadcast_in_dim3A_106 : vector<16x1xi32> to vector<16x8xi32>
      %eq3A_108 = arith.cmpi eq, %iota3A, %eq3A_107 : vector<16x8xi32>
      %jit3A_109 = arith.constant 0xFF800000 : f32
      %broadcast_in_dim3A_110 = vector.broadcast %jit3A_109 : f32 to vector<16x8xf32>
      %select_n3A_111 = arith.select %eq3A_108, %broadcast_in_dim3A_110, %div3A_98 : vector<16x8xi1>, vector<16x8xf32>
      %reduce_max3A_112 = arith.constant dense<0xFF800000> : vector<16xf32>
      %reduce_max3A_113 = vector.multi_reduction <maximumf>, %select_n3A_111, %reduce_max3A_112 [1] : vector<16x8xf32> to vector<16xf32>
      %broadcast_in_dim3A_114 = vector.shape_cast %reduce_max3A_113 : vector<16xf32> to vector<16x1xf32>
      %eq3A_115 = vector.broadcast %broadcast_in_dim3A_114 : vector<16x1xf32> to vector<16x8xf32>
      %eq3A_116 = arith.cmpf oeq, %select_n3A_111, %eq3A_115 : vector<16x8xf32>
      %jit3A_117 = arith.constant 8 : i32
      %broadcast_in_dim3A_118 = vector.broadcast %jit3A_117 : i32 to vector<16x8xi32>
      %select_n3A_119 = arith.select %eq3A_116, %iota3A, %broadcast_in_dim3A_118 : vector<16x8xi1>, vector<16x8xi32>
      %reduce_min3A_120 = arith.constant dense<2147483647> : vector<16xi32>
      %reduce_min3A_121 = vector.multi_reduction <minsi>, %select_n3A_119, %reduce_min3A_120 [1] : vector<16x8xi32> to vector<16xi32>
      %broadcast_in_dim3A_122 = vector.shape_cast %reduce_min3A_121 : vector<16xi32> to vector<16x1xi32>
      %eq3A_123 = vector.broadcast %broadcast_in_dim3A_106 : vector<16x1xi32> to vector<16x8xi32>
      %eq3A_124 = arith.cmpi eq, %iota3A, %eq3A_123 : vector<16x8xi32>
      %eq3A_125 = vector.broadcast %broadcast_in_dim3A_122 : vector<16x1xi32> to vector<16x8xi32>
      %eq3A_126 = arith.cmpi eq, %iota3A, %eq3A_125 : vector<16x8xi32>
      %or3A = arith.ori %eq3A_124, %eq3A_126 : vector<16x8xi1>
      %jit3A_127 = arith.constant 0.000000e+00 : f32
      %broadcast_in_dim3A_128 = vector.broadcast %jit3A_127 : f32 to vector<16x8xf32>
      %select_n3A_129 = arith.select %or3A, %div3A_98, %broadcast_in_dim3A_128 : vector<16x8xi1>, vector<16x8xf32>
      %add3A_130 = arith.addf %broadcast_in_dim3A_101, %broadcast_in_dim3A_114 : vector<16x1xf32>
      %add3A_131 = arith.constant 9.99999971E-10 : f32
      %add3A_132 = vector.broadcast %add3A_131 : f32 to vector<16x1xf32>
      %add3A_133 = arith.addf %add3A_130, %add3A_132 : vector<16x1xf32>
      %div3A_134 = vector.broadcast %add3A_133 : vector<16x1xf32> to vector<16x8xf32>
      %div3A_135 = arith.divf %select_n3A_129, %div3A_134 : vector<16x8xf32>
      %swap3A = arith.constant 0 : index
      %swap3A_136 = arith.constant 0 : index
      %swap3A_137 = vector.load %arg10[%swap3A, %swap3A_136] : memref<16x8xf32, #tpu.memory_space<vmem>>, vector<16x8xf32>
      tpu.vector_store %arg10[%swap3A, %swap3A_136], %div3A_135 {strides = array<i32>} : memref<16x8xf32, #tpu.memory_space<vmem>>, vector<16x8xf32>,
    } else {
    }
    %ge3A = arith.constant 1 : i32
    %ge3A_2 = arith.cmpi sge, %arg0, %ge3A : i32
    %add3A = arith.constant 4 : i32
    %add3A_3 = arith.addi %arg0, %add3A : i32
    %sub3A = arith.constant 1 : i32
    %sub3A_4 = arith.subi %add3A_3, %sub3A : i32
    %lt3A = arith.constant 32 : i32
    %lt3A_5 = arith.cmpi slt, %sub3A_4, %lt3A : i32
    %and3A = arith.andi %ge3A_2, %lt3A_5 : i1
    %convert_element_type3A_6 = arith.extui %and3A : i1 to i32
    %cond3A_7 = arith.constant 0 : i32
    %cond3A_8 = arith.cmpi ne, %convert_element_type3A_6, %cond3A_7 : i32
    scf.if %cond3A_8 {
      %add3A_19 = arith.constant 4 : i32
      %add3A_20 = arith.addi %arg0, %add3A_19 : i32
      %sub3A_21 = arith.constant 1 : i32
      %sub3A_22 = arith.subi %add3A_20, %sub3A_21 : i32
      %jit3A = arith.constant 4 : i32
      %div3A = arith.divsi %sub3A_22, %jit3A : i32
      %sign3A = arith.constant 0 : i32
      %sign3A_23 = arith.cmpi sgt, %sub3A_22, %sign3A : i32
      %sign3A_24 = arith.extui %sign3A_23 : i1 to i32
      %sign3A_25 = arith.constant 0 : i32
      %sign3A_26 = arith.cmpi slt, %sub3A_22, %sign3A_25 : i32
      %sign3A_27 = arith.extui %sign3A_26 : i1 to i32
      %sign3A_28 = arith.subi %sign3A_24, %sign3A_27 : i32
      %sign3A_29 = arith.constant 0 : i32
      %sign3A_30 = arith.cmpi sgt, %jit3A, %sign3A_29 : i32
      %sign3A_31 = arith.extui %sign3A_30 : i1 to i32
      %sign3A_32 = arith.constant 0 : i32
      %sign3A_33 = arith.cmpi slt, %jit3A, %sign3A_32 : i32
      %sign3A_34 = arith.extui %sign3A_33 : i1 to i32
      %sign3A_35 = arith.subi %sign3A_31, %sign3A_34 : i32
      %ne3A = arith.cmpi ne, %sign3A_28, %sign3A_35 : i32
      %rem3A = arith.remsi %sub3A_22, %jit3A : i32
      %ne3A_36 = arith.constant 0 : i32
      %ne3A_37 = arith.cmpi ne, %rem3A, %ne3A_36 : i32
      %and3A_38 = arith.andi %ne3A, %ne3A_37 : i1
      %sub3A_39 = arith.constant 1 : i32
      %sub3A_40 = arith.subi %div3A, %sub3A_39 : i32
      %select_n3A = arith.select %and3A_38, %sub3A_40, %div3A : i32
      %rem3A_41 = arith.constant 4 : i32
      %rem3A_42 = arith.remsi %sub3A_22, %rem3A_41 : i32
      %rem3A_43 = arith.constant 8 : i32
      %rem3A_44 = arith.remsi %sub3A_22, %rem3A_43 : i32
      %lt3A_45 = arith.constant 2 : i32
      %lt3A_46 = arith.cmpi slt, %rem3A_42, %lt3A_45 : i32
      %convert_element_type3A_47 = arith.extui %lt3A_46 : i1 to i32
      %cond3A_48 = arith.constant 0 : i32
      %cond3A_49 = arith.cmpi ne, %convert_element_type3A_47, %cond3A_48 : i32
      scf.if %cond3A_49 {
        %mul3A = arith.constant 512 : i32
        %mul3A_55 = arith.muli %rem3A_42, %mul3A : i32
        %dma_start3A = tpu.memref_slice %arg15[%rem3A_44] : memref<8x!tpu.dma_semaphore, #tpu.memory_space<semaphore_mem>> -> memref<1x!tpu.dma_semaphore, #tpu.memory_space<semaphore_mem>>
        %dma_start3A_56 = tpu.memref_squeeze %dma_start3A : memref<1x!tpu.dma_semaphore, #tpu.memory_space<semaphore_mem>> -> memref<!tpu.dma_semaphore, #tpu.memory_space<semaphore_mem>>
        %dma_start3A_57 = arith.constant 0 : i32
        %dma_start3A_58 = arith.constant 0 : i32
        %dma_start3A_59 = tpu.memref_slice %arg14[%rem3A_44, %dma_start3A_57, %dma_start3A_58] : memref<8x512x1024xf32, #tpu.memory_space<vmem>> -> memref<1x512x1024xf32, #tpu.memory_space<vmem>>
        %dma_start3A_60 = tpu.memref_squeeze %dma_start3A_59 : memref<1x512x1024xf32, #tpu.memory_space<vmem>> -> memref<512x1024xf32, #tpu.memory_space<vmem>>
        %dma_start3A_61 = arith.constant 0 : i32
        %dma_start3A_62 = tpu.memref_slice %arg5[%select_n3A, %mul3A_55, %dma_start3A_61] : memref<8x1024x1024xf32, #tpu.memory_space<any>> -> memref<1x512x1024xf32, #tpu.memory_space<any>>
        %dma_start3A_63 = tpu.memref_squeeze %dma_start3A_62 : memref<1x512x1024xf32, #tpu.memory_space<any>> -> memref<512x1024xf32, #tpu.memory_space<any>>
        tpu.enqueue_dma source(%dma_start3A_63 : memref<512x1024xf32, #tpu.memory_space<any>>) target(%dma_start3A_60 : memref<512x1024xf32, #tpu.memory_space<vmem>>) target_semaphore(%dma_start3A_56 : memref<!tpu.dma_semaphore, #tpu.memory_space<semaphore_mem>>)
      } else {
      }
      %ge3A_50 = arith.constant 2 : i32
      %ge3A_51 = arith.cmpi sge, %rem3A_42, %ge3A_50 : i32
      %convert_element_type3A_52 = arith.extui %ge3A_51 : i1 to i32
      %cond3A_53 = arith.constant 0 : i32
      %cond3A_54 = arith.cmpi ne, %convert_element_type3A_52, %cond3A_53 : i32
      scf.if %cond3A_54 {
        %sub3A_55 = arith.constant 2 : i32
        %sub3A_56 = arith.subi %rem3A_42, %sub3A_55 : i32
        %mul3A = arith.constant 512 : i32
        %mul3A_57 = arith.muli %sub3A_56, %mul3A : i32
        %dma_start3A = tpu.memref_slice %arg15[%rem3A_44] : memref<8x!tpu.dma_semaphore, #tpu.memory_space<semaphore_mem>> -> memref<1x!tpu.dma_semaphore, #tpu.memory_space<semaphore_mem>>
        %dma_start3A_58 = tpu.memref_squeeze %dma_start3A : memref<1x!tpu.dma_semaphore, #tpu.memory_space<semaphore_mem>> -> memref<!tpu.dma_semaphore, #tpu.memory_space<semaphore_mem>>
        %dma_start3A_59 = arith.constant 0 : i32
        %dma_start3A_60 = arith.constant 0 : i32
        %dma_start3A_61 = tpu.memref_slice %arg14[%rem3A_44, %dma_start3A_59, %dma_start3A_60] : memref<8x512x1024xf32, #tpu.memory_space<vmem>> -> memref<1x512x1024xf32, #tpu.memory_space<vmem>>
        %dma_start3A_62 = tpu.memref_squeeze %dma_start3A_61 : memref<1x512x1024xf32, #tpu.memory_space<vmem>> -> memref<512x1024xf32, #tpu.memory_space<vmem>>
        %dma_start3A_63 = arith.constant 0 : i32
        %dma_start3A_64 = tpu.memref_slice %arg7[%select_n3A, %mul3A_57, %dma_start3A_63] : memref<8x1024x1024xf32, #tpu.memory_space<any>> -> memref<1x512x1024xf32, #tpu.memory_space<any>>
        %dma_start3A_65 = tpu.memref_squeeze %dma_start3A_64 : memref<1x512x1024xf32, #tpu.memory_space<any>> -> memref<512x1024xf32, #tpu.memory_space<any>>
        tpu.enqueue_dma source(%dma_start3A_65 : memref<512x1024xf32, #tpu.memory_space<any>>) target(%dma_start3A_62 : memref<512x1024xf32, #tpu.memory_space<vmem>>) target_semaphore(%dma_start3A_58 : memref<!tpu.dma_semaphore, #tpu.memory_space<semaphore_mem>>)
      } else {
      }
    } else {
    }
    %lt3A_9 = arith.constant 32 : i32
    %lt3A_10 = arith.cmpi slt, %arg0, %lt3A_9 : i32
    %convert_element_type3A_11 = arith.extui %lt3A_10 : i1 to i32
    %cond3A_12 = arith.constant 0 : i32
    %cond3A_13 = arith.cmpi ne, %convert_element_type3A_11, %cond3A_12 : i32
    scf.if %cond3A_13 {
      %jit3A = arith.constant 4 : i32
      %div3A = arith.divsi %arg0, %jit3A : i32
      %sign3A = arith.constant 0 : i32
      %sign3A_19 = arith.cmpi sgt, %arg0, %sign3A : i32
      %sign3A_20 = arith.extui %sign3A_19 : i1 to i32
      %sign3A_21 = arith.constant 0 : i32
      %sign3A_22 = arith.cmpi slt, %arg0, %sign3A_21 : i32
      %sign3A_23 = arith.extui %sign3A_22 : i1 to i32
      %sign3A_24 = arith.subi %sign3A_20, %sign3A_23 : i32
      %sign3A_25 = arith.constant 0 : i32
      %sign3A_26 = arith.cmpi sgt, %jit3A, %sign3A_25 : i32
      %sign3A_27 = arith.extui %sign3A_26 : i1 to i32
      %sign3A_28 = arith.constant 0 : i32
      %sign3A_29 = arith.cmpi slt, %jit3A, %sign3A_28 : i32
      %sign3A_30 = arith.extui %sign3A_29 : i1 to i32
      %sign3A_31 = arith.subi %sign3A_27, %sign3A_30 : i32
      %ne3A = arith.cmpi ne, %sign3A_24, %sign3A_31 : i32
      %rem3A = arith.remsi %arg0, %jit3A : i32
      %ne3A_32 = arith.constant 0 : i32
      %ne3A_33 = arith.cmpi ne, %rem3A, %ne3A_32 : i32
      %and3A_34 = arith.andi %ne3A, %ne3A_33 : i1
      %sub3A_35 = arith.constant 1 : i32
      %sub3A_36 = arith.subi %div3A, %sub3A_35 : i32
      %select_n3A = arith.select %and3A_34, %sub3A_36, %div3A : i32
      %rem3A_37 = arith.constant 4 : i32
      %rem3A_38 = arith.remsi %arg0, %rem3A_37 : i32
      %rem3A_39 = arith.constant 8 : i32
      %rem3A_40 = arith.remsi %arg0, %rem3A_39 : i32
      %jit3A_41 = arith.constant 4 : i32
      %div3A_42 = arith.divsi %arg0, %jit3A_41 : i32
      %sign3A_43 = arith.constant 0 : i32
      %sign3A_44 = arith.cmpi sgt, %arg0, %sign3A_43 : i32
      %sign3A_45 = arith.extui %sign3A_44 : i1 to i32
      %sign3A_46 = arith.constant 0 : i32
      %sign3A_47 = arith.cmpi slt, %arg0, %sign3A_46 : i32
      %sign3A_48 = arith.extui %sign3A_47 : i1 to i32
      %sign3A_49 = arith.subi %sign3A_45, %sign3A_48 : i32
      %sign3A_50 = arith.constant 0 : i32
      %sign3A_51 = arith.cmpi sgt, %jit3A_41, %sign3A_50 : i32
      %sign3A_52 = arith.extui %sign3A_51 : i1 to i32
      %sign3A_53 = arith.constant 0 : i32
      %sign3A_54 = arith.cmpi slt, %jit3A_41, %sign3A_53 : i32
      %sign3A_55 = arith.extui %sign3A_54 : i1 to i32
      %sign3A_56 = arith.subi %sign3A_52, %sign3A_55 : i32
      %ne3A_57 = arith.cmpi ne, %sign3A_49, %sign3A_56 : i32
      %rem3A_58 = arith.remsi %arg0, %jit3A_41 : i32
      %ne3A_59 = arith.constant 0 : i32
      %ne3A_60 = arith.cmpi ne, %rem3A_58, %ne3A_59 : i32
      %and3A_61 = arith.andi %ne3A_57, %ne3A_60 : i1
      %sub3A_62 = arith.constant 1 : i32
      %sub3A_63 = arith.subi %div3A_42, %sub3A_62 : i32
      %select_n3A_64 = arith.select %and3A_61, %sub3A_63, %div3A_42 : i32
      %rem3A_65 = arith.constant 4 : i32
      %rem3A_66 = arith.remsi %arg0, %rem3A_65 : i32
      %rem3A_67 = arith.constant 8 : i32
      %rem3A_68 = arith.remsi %arg0, %rem3A_67 : i32
      %lt3A_69 = arith.constant 2 : i32
      %lt3A_70 = arith.cmpi slt, %rem3A_66, %lt3A_69 : i32
      %convert_element_type3A_71 = arith.extui %lt3A_70 : i1 to i32
      %cond3A_72 = arith.constant 0 : i32
      %cond3A_73 = arith.cmpi ne, %convert_element_type3A_71, %cond3A_72 : i32
      scf.if %cond3A_73 {
        %mul3A = arith.constant 512 : i32
        %mul3A_111 = arith.muli %rem3A_66, %mul3A : i32
        %dma_wait3A = tpu.memref_slice %arg15[%rem3A_68] : memref<8x!tpu.dma_semaphore, #tpu.memory_space<semaphore_mem>> -> memref<1x!tpu.dma_semaphore, #tpu.memory_space<semaphore_mem>>
        %dma_wait3A_112 = tpu.memref_squeeze %dma_wait3A : memref<1x!tpu.dma_semaphore, #tpu.memory_space<semaphore_mem>> -> memref<!tpu.dma_semaphore, #tpu.memory_space<semaphore_mem>>
        %dma_wait3A_113 = arith.constant 0 : i32
        %dma_wait3A_114 = arith.constant 0 : i32
        %dma_wait3A_115 = tpu.memref_slice %arg14[%rem3A_68, %dma_wait3A_113, %dma_wait3A_114] : memref<8x512x1024xf32, #tpu.memory_space<vmem>> -> memref<1x512x1024xf32, #tpu.memory_space<vmem>>
        %dma_wait3A_116 = tpu.memref_squeeze %dma_wait3A_115 : memref<1x512x1024xf32, #tpu.memory_space<vmem>> -> memref<512x1024xf32, #tpu.memory_space<vmem>>
        %dma_wait3A_117 = arith.constant 0 : i32
        %dma_wait3A_118 = tpu.memref_slice %arg5[%select_n3A_64, %mul3A_111, %dma_wait3A_117] : memref<8x1024x1024xf32, #tpu.memory_space<any>> -> memref<1x512x1024xf32, #tpu.memory_space<any>>
        %dma_wait3A_119 = tpu.memref_squeeze %dma_wait3A_118 : memref<1x512x1024xf32, #tpu.memory_space<any>> -> memref<512x1024xf32, #tpu.memory_space<any>>
        tpu.wait_dma2 semaphore(%dma_wait3A_112 : memref<!tpu.dma_semaphore, #tpu.memory_space<semaphore_mem>>) src(%dma_wait3A_119 : memref<512x1024xf32, #tpu.memory_space<any>>) dst(%dma_wait3A_116 : memref<512x1024xf32, #tpu.memory_space<vmem>>)
      } else {
      }
      %ge3A_74 = arith.constant 2 : i32
      %ge3A_75 = arith.cmpi sge, %rem3A_66, %ge3A_74 : i32
      %convert_element_type3A_76 = arith.extui %ge3A_75 : i1 to i32
      %cond3A_77 = arith.constant 0 : i32
      %cond3A_78 = arith.cmpi ne, %convert_element_type3A_76, %cond3A_77 : i32
      scf.if %cond3A_78 {
        %sub3A_111 = arith.constant 2 : i32
        %sub3A_112 = arith.subi %rem3A_66, %sub3A_111 : i32
        %mul3A = arith.constant 512 : i32
        %mul3A_113 = arith.muli %sub3A_112, %mul3A : i32
        %dma_wait3A = tpu.memref_slice %arg15[%rem3A_68] : memref<8x!tpu.dma_semaphore, #tpu.memory_space<semaphore_mem>> -> memref<1x!tpu.dma_semaphore, #tpu.memory_space<semaphore_mem>>
        %dma_wait3A_114 = tpu.memref_squeeze %dma_wait3A : memref<1x!tpu.dma_semaphore, #tpu.memory_space<semaphore_mem>> -> memref<!tpu.dma_semaphore, #tpu.memory_space<semaphore_mem>>
        %dma_wait3A_115 = arith.constant 0 : i32
        %dma_wait3A_116 = arith.constant 0 : i32
        %dma_wait3A_117 = tpu.memref_slice %arg14[%rem3A_68, %dma_wait3A_115, %dma_wait3A_116] : memref<8x512x1024xf32, #tpu.memory_space<vmem>> -> memref<1x512x1024xf32, #tpu.memory_space<vmem>>
        %dma_wait3A_118 = tpu.memref_squeeze %dma_wait3A_117 : memref<1x512x1024xf32, #tpu.memory_space<vmem>> -> memref<512x1024xf32, #tpu.memory_space<vmem>>
        %dma_wait3A_119 = arith.constant 0 : i32
        %dma_wait3A_120 = tpu.memref_slice %arg7[%select_n3A_64, %mul3A_113, %dma_wait3A_119] : memref<8x1024x1024xf32, #tpu.memory_space<any>> -> memref<1x512x1024xf32, #tpu.memory_space<any>>
        %dma_wait3A_121 = tpu.memref_squeeze %dma_wait3A_120 : memref<1x512x1024xf32, #tpu.memory_space<any>> -> memref<512x1024xf32, #tpu.memory_space<any>>
        tpu.wait_dma2 semaphore(%dma_wait3A_114 : memref<!tpu.dma_semaphore, #tpu.memory_space<semaphore_mem>>) src(%dma_wait3A_121 : memref<512x1024xf32, #tpu.memory_space<any>>) dst(%dma_wait3A_118 : memref<512x1024xf32, #tpu.memory_space<vmem>>)
      } else {
      }
      %get3A = arith.index_cast %rem3A_40 : i32 to index
      %get3A_79 = arith.constant 0 : index
      %get3A_80 = arith.constant 0 : index
      %get3A_81 = vector.load %arg14[%get3A, %get3A_79, %get3A_80] : memref<8x512x1024xf32, #tpu.memory_space<vmem>>, vector<1x512x1024xf32>
      %squeeze3A = vector.shape_cast %get3A_81 : vector<1x512x1024xf32> to vector<512x1024xf32>
      %eq3A_82 = arith.constant 0 : i32
      %eq3A_83 = arith.cmpi eq, %rem3A_38, %eq3A_82 : i32
      %convert_element_type3A_84 = arith.extui %eq3A_83 : i1 to i32
      %cond3A_85 = arith.constant 0 : i32
      %cond3A_86 = arith.cmpi ne, %convert_element_type3A_84, %cond3A_85 : i32
      scf.if %cond3A_86 {
        %get3A_111 = arith.constant 0 : index
        %get3A_112 = arith.constant 0 : index
        %get3A_113 = vector.load %arg1[%get3A_111, %get3A_112] : memref<16x1024xf32, #tpu.memory_space<vmem>>, vector<16x512xf32>
        %dot_general3A = arith.constant dense<0.000000e+00> : vector<16x1024xf32>
        %dot_general3A_114 = tpu.matmul %get3A_113, %squeeze3A, %dot_general3A {dimension_numbers = #tpu.dot_dimension_numbers<[1], [0], [0], [1], [0, 0, 1, 1], [], []>, transpose_lhs_hint = false} : vector<16x512xf32>, vector<512x1024xf32>, vector<16x1024xf32> -> vector<16x1024xf32>
        %swap3A = arith.constant 0 : index
        %swap3A_115 = arith.constant 0 : index
        %swap3A_116 = vector.load %arg12[%swap3A, %swap3A_115] : memref<16x1024xf32, #tpu.memory_space<vmem>>, vector<16x1024xf32>
        tpu.vector_store %arg12[%swap3A, %swap3A_115], %dot_general3A_114 {strides = array<i32>} : memref<16x1024xf32, #tpu.memory_space<vmem>>, vector<16x1024xf32>,
      } else {
      }
      %eq3A_87 = arith.constant 1 : i32
      %eq3A_88 = arith.cmpi eq, %rem3A_38, %eq3A_87 : i32
      %convert_element_type3A_89 = arith.extui %eq3A_88 : i1 to i32
      %cond3A_90 = arith.constant 0 : i32
      %cond3A_91 = arith.cmpi ne, %convert_element_type3A_89, %cond3A_90 : i32
      scf.if %cond3A_91 {
        %get3A_111 = arith.constant 0 : index
        %get3A_112 = arith.constant 0 : index
        %get3A_113 = vector.load %arg12[%get3A_111, %get3A_112] : memref<16x1024xf32, #tpu.memory_space<vmem>>, vector<16x1024xf32>
        %get3A_114 = arith.constant 0 : index
        %get3A_115 = arith.constant 512 : index
        %get3A_116 = vector.load %arg1[%get3A_114, %get3A_115] : memref<16x1024xf32, #tpu.memory_space<vmem>>, vector<16x512xf32>
        %dot_general3A = arith.constant dense<0.000000e+00> : vector<16x1024xf32>
        %dot_general3A_117 = tpu.matmul %get3A_116, %squeeze3A, %dot_general3A {dimension_numbers = #tpu.dot_dimension_numbers<[1], [0], [0], [1], [0, 0, 1, 1], [], []>, transpose_lhs_hint = false} : vector<16x512xf32>, vector<512x1024xf32>, vector<16x1024xf32> -> vector<16x1024xf32>
        %add3A_118 = arith.addf %get3A_113, %dot_general3A_117 : vector<16x1024xf32>
        %swap3A = arith.constant 0 : index
        %swap3A_119 = arith.constant 0 : index
        %swap3A_120 = vector.load %arg12[%swap3A, %swap3A_119] : memref<16x1024xf32, #tpu.memory_space<vmem>>, vector<16x1024xf32>
        tpu.vector_store %arg12[%swap3A, %swap3A_119], %add3A_118 {strides = array<i32>} : memref<16x1024xf32, #tpu.memory_space<vmem>>, vector<16x1024xf32>,
      } else {
      }
      %get3A_92 = arith.constant 0 : index
      %get3A_93 = arith.constant 0 : index
      %get3A_94 = vector.load %arg10[%get3A_92, %get3A_93] : memref<16x8xf32, #tpu.memory_space<vmem>>, vector<16x8xf32>
      %iota3A = tpu.iota {dimensions = array<i32: 1>} : vector<16x8xi32>
      %eq3A_95 = vector.broadcast %select_n3A : i32 to vector<16x8xi32>
      %eq3A_96 = arith.cmpi eq, %iota3A, %eq3A_95 : vector<16x8xi32>
      %jit3A_97 = arith.constant 0.000000e+00 : f32
      %broadcast_in_dim3A = vector.broadcast %jit3A_97 : f32 to vector<16x8xf32>
      %select_n3A_98 = arith.select %eq3A_96, %get3A_94, %broadcast_in_dim3A : vector<16x8xi1>, vector<16x8xf32>
      %reduce_sum3A = arith.constant dense<0.000000e+00> : vector<16xf32>
      %reduce_sum3A_99 = vector.multi_reduction <add>, %select_n3A_98, %reduce_sum3A [1] : vector<16x8xf32> to vector<16xf32>
      %broadcast_in_dim3A_100 = vector.shape_cast %reduce_sum3A_99 : vector<16xf32> to vector<16x1xf32>
      %eq3A_101 = arith.constant 2 : i32
      %eq3A_102 = arith.cmpi eq, %rem3A_38, %eq3A_101 : i32
      %convert_element_type3A_103 = arith.extui %eq3A_102 : i1 to i32
      %cond3A_104 = arith.constant 0 : i32
      %cond3A_105 = arith.cmpi ne, %convert_element_type3A_103, %cond3A_104 : i32
      scf.if %cond3A_105 {
        %get3A_111 = arith.index_cast %select_n3A : i32 to index
        %get3A_112 = arith.constant 0 : index
        %get3A_113 = arith.constant 0 : index
        %get3A_114 = vector.load %arg6[%get3A_111, %get3A_112, %get3A_113] : memref<8x1x1024xf32, #tpu.memory_space<vmem>>, vector<1x1x1024xf32>
        %squeeze3A_115 = vector.shape_cast %get3A_114 : vector<1x1x1024xf32> to vector<1x1024xf32>
        %get3A_116 = arith.constant 0 : index
        %get3A_117 = arith.constant 0 : index
        %get3A_118 = vector.load %arg12[%get3A_116, %get3A_117] : memref<16x1024xf32, #tpu.memory_space<vmem>>, vector<16x1024xf32>
        %add3A_119 = vector.broadcast %squeeze3A_115 : vector<1x1024xf32> to vector<16x1024xf32>
        %add3A_120 = arith.addf %get3A_118, %add3A_119 : vector<16x1024xf32>
        %max3A = arith.constant 0.000000e+00 : f32
        %max3A_121 = vector.broadcast %max3A : f32 to vector<16x1024xf32>
        %max3A_122 = arith.maximumf %add3A_120, %max3A_121 : vector<16x1024xf32>
        %swap3A = arith.constant 0 : index
        %swap3A_123 = arith.constant 0 : index
        %swap3A_124 = vector.load %arg13[%swap3A, %swap3A_123] : memref<16x1024xf32, #tpu.memory_space<vmem>>, vector<16x1024xf32>
        tpu.vector_store %arg13[%swap3A, %swap3A_123], %max3A_122 {strides = array<i32>} : memref<16x1024xf32, #tpu.memory_space<vmem>>, vector<16x1024xf32>,
        %eq3A_125 = arith.constant 2 : i32
        %eq3A_126 = arith.cmpi eq, %arg0, %eq3A_125 : i32
        %convert_element_type3A_127 = arith.extui %eq3A_126 : i1 to i32
        %cond3A_128 = arith.constant 0 : i32
        %cond3A_129 = arith.cmpi ne, %convert_element_type3A_127, %cond3A_128 : i32
        scf.if %cond3A_129 {
          %broadcast_in_dim3A_146 = arith.constant 0.000000e+00 : f32
          %broadcast_in_dim3A_147 = vector.broadcast %broadcast_in_dim3A_146 : f32 to vector<16x1024xf32>
          %swap3A_148 = arith.constant 0 : index
          %swap3A_149 = arith.constant 0 : index
          %swap3A_150 = vector.load %arg11[%swap3A_148, %swap3A_149] : memref<16x1024xf32, #tpu.memory_space<vmem>>, vector<16x1024xf32>
          tpu.vector_store %arg11[%swap3A_148, %swap3A_149], %broadcast_in_dim3A_147 {strides = array<i32>} : memref<16x1024xf32, #tpu.memory_space<vmem>>, vector<16x1024xf32>,
        } else {
        }
        %get3A_130 = arith.index_cast %select_n3A : i32 to index
        %get3A_131 = arith.constant 0 : index
        %get3A_132 = arith.constant 0 : index
        %get3A_133 = vector.load %arg8[%get3A_130, %get3A_131, %get3A_132] : memref<8x1x1024xf32, #tpu.memory_space<vmem>>, vector<1x1x1024xf32>
        %squeeze3A_134 = vector.shape_cast %get3A_133 : vector<1x1x1024xf32> to vector<1x1024xf32>
        %get3A_135 = arith.constant 0 : index
        %get3A_136 = arith.constant 0 : index
        %get3A_137 = vector.load %arg11[%get3A_135, %get3A_136] : memref<16x1024xf32, #tpu.memory_space<vmem>>, vector<16x1024xf32>
        %slice3A = vector.extract_strided_slice %max3A_122 {offsets = [0, 0], sizes = [16, 512], strides = [1, 1]} : vector<16x1024xf32> to vector<16x512xf32>
        %dot_general3A = arith.constant dense<0.000000e+00> : vector<16x1024xf32>
        %dot_general3A_138 = tpu.matmul %slice3A, %squeeze3A, %dot_general3A {dimension_numbers = #tpu.dot_dimension_numbers<[1], [0], [0], [1], [0, 0, 1, 1], [], []>, transpose_lhs_hint = false} : vector<16x512xf32>, vector<512x1024xf32>, vector<16x1024xf32> -> vector<16x1024xf32>
        %add3A_139 = vector.broadcast %squeeze3A_134 : vector<1x1024xf32> to vector<16x1024xf32>
        %add3A_140 = arith.addf %dot_general3A_138, %add3A_139 : vector<16x1024xf32>
        %mul3A = vector.broadcast %broadcast_in_dim3A_100 : vector<16x1xf32> to vector<16x1024xf32>
        %mul3A_141 = arith.mulf %mul3A, %add3A_140 : vector<16x1024xf32>
        %add3A_142 = arith.addf %get3A_137, %mul3A_141 : vector<16x1024xf32>
        %swap3A_143 = arith.constant 0 : index
        %swap3A_144 = arith.constant 0 : index
        %swap3A_145 = vector.load %arg11[%swap3A_143, %swap3A_144] : memref<16x1024xf32, #tpu.memory_space<vmem>>, vector<16x1024xf32>
        tpu.vector_store %arg11[%swap3A_143, %swap3A_144], %add3A_142 {strides = array<i32>} : memref<16x1024xf32, #tpu.memory_space<vmem>>, vector<16x1024xf32>,
      } else {
      }
      %eq3A_106 = arith.constant 3 : i32
      %eq3A_107 = arith.cmpi eq, %rem3A_38, %eq3A_106 : i32
      %convert_element_type3A_108 = arith.extui %eq3A_107 : i1 to i32
      %cond3A_109 = arith.constant 0 : i32
      %cond3A_110 = arith.cmpi ne, %convert_element_type3A_108, %cond3A_109 : i32
      scf.if %cond3A_110 {
        %get3A_111 = arith.constant 0 : index
        %get3A_112 = arith.constant 0 : index
        %get3A_113 = vector.load %arg11[%get3A_111, %get3A_112] : memref<16x1024xf32, #tpu.memory_space<vmem>>, vector<16x1024xf32>
        %get3A_114 = arith.constant 0 : index
        %get3A_115 = arith.constant 512 : index
        %get3A_116 = vector.load %arg13[%get3A_114, %get3A_115] : memref<16x1024xf32, #tpu.memory_space<vmem>>, vector<16x512xf32>
        %dot_general3A = arith.constant dense<0.000000e+00> : vector<16x1024xf32>
        %dot_general3A_117 = tpu.matmul %get3A_116, %squeeze3A, %dot_general3A {dimension_numbers = #tpu.dot_dimension_numbers<[1], [0], [0], [1], [0, 0, 1, 1], [], []>, transpose_lhs_hint = false} : vector<16x512xf32>, vector<512x1024xf32>, vector<16x1024xf32> -> vector<16x1024xf32>
        %mul3A = vector.broadcast %broadcast_in_dim3A_100 : vector<16x1xf32> to vector<16x1024xf32>
        %mul3A_118 = arith.mulf %mul3A, %dot_general3A_117 : vector<16x1024xf32>
        %add3A_119 = arith.addf %get3A_113, %mul3A_118 : vector<16x1024xf32>
        %swap3A = arith.constant 0 : index
        %swap3A_120 = arith.constant 0 : index
        %swap3A_121 = vector.load %arg11[%swap3A, %swap3A_120] : memref<16x1024xf32, #tpu.memory_space<vmem>>, vector<16x1024xf32>
        tpu.vector_store %arg11[%swap3A, %swap3A_120], %add3A_119 {strides = array<i32>} : memref<16x1024xf32, #tpu.memory_space<vmem>>, vector<16x1024xf32>,
      } else {
      }
    } else {
    }
    %ge3A_14 = arith.constant 32 : i32
    %ge3A_15 = arith.cmpi sge, %arg0, %ge3A_14 : i32
    %convert_element_type3A_16 = arith.extui %ge3A_15 : i1 to i32
    %cond3A_17 = arith.constant 0 : i32
    %cond3A_18 = arith.cmpi ne, %convert_element_type3A_16, %cond3A_17 : i32
    scf.if %cond3A_18 {
      %sub3A_19 = arith.constant 32 : i32
      %sub3A_20 = arith.subi %arg0, %sub3A_19 : i32
      %mul3A = arith.constant 512 : i32
      %mul3A_21 = arith.muli %sub3A_20, %mul3A : i32
      %iota3A = tpu.iota {dimensions = array<i32: 0>} : vector<512x16xi32>
      %add3A_22 = vector.broadcast %mul3A_21 : i32 to vector<512x16xi32>
      %add3A_23 = arith.addi %add3A_22, %iota3A : vector<512x16xi32>
      %get3A = arith.constant 0 : index
      %get3A_24 = arith.constant 0 : index
      %get3A_25 = vector.load %arg2[%get3A, %get3A_24] : memref<1x16xi32, #tpu.memory_space<vmem>>, vector<1x16xi32>
      %eq3A_26 = vector.broadcast %get3A_25 : vector<1x16xi32> to vector<512x16xi32>
      %eq3A_27 = arith.cmpi eq, %add3A_23, %eq3A_26 : vector<512x16xi32>
      %convert_element_type3A_28 = arith.extui %eq3A_27 : vector<512x16xi1> to vector<512x16xi32>
      %convert_element_type3A_29 = arith.sitofp %convert_element_type3A_28 : vector<512x16xi32> to vector<512x16xf32>
      %get3A_30 = arith.constant 0 : index
      %get3A_31 = arith.constant 0 : index
      %get3A_32 = vector.load %arg11[%get3A_30, %get3A_31] : memref<16x1024xf32, #tpu.memory_space<vmem>>, vector<16x1024xf32>
      %dot_general3A = arith.constant dense<0.000000e+00> : vector<512x1024xf32>
      %dot_general3A_33 = tpu.matmul %convert_element_type3A_29, %get3A_32, %dot_general3A {dimension_numbers = #tpu.dot_dimension_numbers<[1], [0], [0], [1], [0, 0, 1, 1], [], []>, transpose_lhs_hint = false} : vector<512x16xf32>, vector<16x1024xf32>, vector<512x1024xf32> -> vector<512x1024xf32>
      %swap3A = arith.constant 0 : index
      %swap3A_34 = arith.constant 0 : index
      %swap3A_35 = vector.load %arg9[%swap3A, %swap3A_34] : memref<512x1024xf32, #tpu.memory_space<vmem>>, vector<512x1024xf32>
      tpu.vector_store %arg9[%swap3A, %swap3A_34], %dot_general3A_33 {strides = array<i32>} : memref<512x1024xf32, #tpu.memory_space<vmem>>, vector<512x1024xf32>,
    } else {
    }
    return
  }
  func.func @transform_0(%arg0: i32) -> (i32, i32) {
    %c0_i32 = arith.constant 0 : i32
    %c0_i32_0 = arith.constant 0 : i32
    %c0_i32_1 = arith.constant 0 : i32
    return %c0_i32, %c0_i32_0 : i32, i32
  }
  func.func @transform_1(%arg0: i32) -> (i32, i32) {
    %c0_i32 = arith.constant 0 : i32
    %c0_i32_0 = arith.constant 0 : i32
    %c0_i32_1 = arith.constant 0 : i32
    return %c0_i32, %c0_i32_0 : i32, i32
  }
  func.func @transform_2(%arg0: i32) -> (i32, i32) {
    %c0_i32 = arith.constant 0 : i32
    %c0_i32_0 = arith.constant 0 : i32
    %c0_i32_1 = arith.constant 0 : i32
    return %c0_i32, %c0_i32_0 : i32, i32
  }
  func.func @transform_3(%arg0: i32) -> (i32, i32) {
    %c0_i32 = arith.constant 0 : i32
    %c0_i32_0 = arith.constant 0 : i32
    %c0_i32_1 = arith.constant 0 : i32
    return %c0_i32, %c0_i32_0 : i32, i32
  }
  func.func @transform_5(%arg0: i32) -> (i32, i32, i32) {
    %c0_i32 = arith.constant 0 : i32
    %c0_i32_0 = arith.constant 0 : i32
    %c0_i32_1 = arith.constant 0 : i32
    %c0_i32_2 = arith.constant 0 : i32
    return %c0_i32, %c0_i32_0, %c0_i32_1 : i32, i32, i32
  }
  func.func @transform_7(%arg0: i32) -> (i32, i32, i32) {
    %c0_i32 = arith.constant 0 : i32
    %c0_i32_0 = arith.constant 0 : i32
    %c0_i32_1 = arith.constant 0 : i32
    %c0_i32_2 = arith.constant 0 : i32
    return %c0_i32, %c0_i32_0, %c0_i32_1 : i32, i32, i32
  }
  func.func @transform_8(%arg0: i32) -> (i32, i32) {
    %sub3A = arith.constant 32 : i32
    %sub3A_0 = arith.subi %arg0, %sub3A : i32
    %jit3A = arith.constant 0 : i32
    %jit3A_1 = arith.constant 7 : i32
    %max3A = arith.maxsi %jit3A, %sub3A_0 : i32
    %min3A = arith.minsi %jit3A_1, %max3A : i32
    %c0_i32 = arith.constant 0 : i32
    %c0_i32_2 = arith.constant 0 : i32
    return %min3A, %c0_i32 : i32, i32
  }
}

</mosaic_0001>

<sc_bundles>
// kernel: kernel.5.cloned.1.call-start
scs
__scs_entry_jumppad:
0x0: {  	(pc) =	sbr.rel $0x88, $3  }
0x1: {  	(tag) =	ssettag $0x0;
	lr =	simm.s32 $0x1  }
0x2: {  	[smem:$0x3F98] =	sst lr;
	_ =	strace $0xD0000000  }
0x3: {  	_ = 	snop  }
0x4: {  	_ = 	snop  }
0x5: {  	_ = 	snop  }
0x6: {  	_ = 	snop  }
0x7: {  	_ = 	snop  }
__scs_overlays_trampoline_lowered:
0x8: {  	[smem:$0x3FA7] =	sst s0  }
0x9: {  	[smem:$0x3FA8] =	sst s1  }
0xa: {  	[smem:$0x3FA9] =	sst s2  }
0xb: {  	[smem:$0x3FAA] =	sst s3  }
0xc: {  	[smem:$0x3FAB] =	sst s4  }
0xd: {  	[smem:$0x3FAC] =	sst s5  }
0xe: {  	[smem:$0x3FAD] =	sst s6  }
0xf: {  	[smem:$0x3FAE] =	sst s7  }
0x10: {  	[smem:$0x3FAF] =	sst s8  }
0x11: {  	[smem:$0x3FB0] =	sst s9;
	s0 =	simm.s32 @!p0 $0x0  }
0x12: {  	s1 =	sld [smem:$0x3F96];
	s0 =	simm.s32 @p0 $0x1  }
0x13: {  	[smem:$0x3FB1] =	sst s0;
	s0 =	simm.s32 @!p1 $0x0  }
0x14: {  	s2 =	sld [smem:$0x3F95];
	s0 =	simm.s32 @p1 $0x1  }
0x15: {  	[smem:$0x3FB2] =	sst s0;
	s0 =	simm.s32 @!p2 $0x0  }
0x16: {  	s3 =	sld [smem:$0x3FDB];
	s0 =	simm.s32 @p2 $0x1  }
0x17: {  	s4 =	simm.s32 $0x1BF5;
	[smem:$0x3FB4] =	sst s0  }
0x18: {  	s0 =	sld [smem:$0x3F97];
	_ =	swait.ge [sflag:s4], $0x0  }
0x19: {  	s7 =	sld [smem:$0x3F98]  }
0x1a: {  	s8 =	sadd.s32 $0xFFFFE003, lr  }
0x1b: {  	s9 =	sadd.s32 $0xFFFFFEF7, lr;
	s5 =	simm.s32 $0xFFFFFFFF;
	p2 =	slt.u32 s8, $0xFFFFF086  }
0x1c: {  	p1 =	slt.u32 s9, $0xF7A;
	s5 =	simm.s32 @!p2 $0x0  }
0x1d: {  	s5 =	simm.s32 @p1 $0x1;
	p0 =	seq.s32 s7, s2  }
0x1e: {  	s7 =	smul.u32 @!p0 $0xF7A, s2;
	p2 =	seq.s32 @!p0 s5, $0x0  }
0x1f: {  	s9 =	smul.u32 $0xF7A, s1;
	s8 =	simm.s32 @!p0 $0x1BF5;
	p2 =	por !p2, p0  }
0x20: {  	[sflag:s8] =	ssyncset.s32 @!p0 $0xFFFFF086;
	s6 =	sadd.s32 @!p0 s3, s7;
	s7 =	simm.s32 @!p0 $0x108  }
0x21: {  	s3 =	sadd.s32 s3, s9;
	s6 =	sadd.s32 @!p0 $0x88, s6;
	s7 =	simm.s32 @p2 $0x1082  }
0x22: {  	[simem:s7], [sflag:s8] =	dma.local @!p0 [hbm:s6], $0xF7A  }
0x23: {  	s9 =	sor.u32 $0xD0000000, s2;
	s6 =	simm.s32 $0x108;
	_ =	swait.ge @!p0 [sflag:s8], $0x0  }
0x24: {  	s3 =	sadd.s32 $0x88, s3;
	s6 =	simm.s32 @!p1 $0x1082;
	[sflag:s4] =	ssyncset.s32 $0xFFFFF086  }
0x25: {  	[simem:s6], [sflag:s4] =	dma.local [hbm:s3], $0xF7A  }
0x26: {  	[smem:$0x3F98] =	sst s1;
	(tag) =	ssettag s2;
	_ =	strace s9  }
0x27: {  	s1 =	sld [smem:$0x3FA8]  }
0x28: {  	s2 =	sld [smem:$0x3FA9]  }
0x29: {  	s4 =	sld [smem:$0x3FAB]  }
0x2a: {  	p0 =	seq.s32 s5, $0x0;
	s5 =	sld [smem:$0x3FAC]  }
0x2b: {  	s6 =	sld [smem:$0x3FAD]  }
0x2c: {  	s7 =	sld [smem:$0x3FAE]  }
0x2d: {  	s3 =	simm.s32 $0x108;
	s8 =	sld [smem:$0x3FAF]  }
0x2e: {  	s3 =	simm.s32 @!p0 $0x1082;
	s9 =	sld [smem:$0x3FB0]  }
0x2f: {  	lr =	sadd.s32 s0, s3;
	s0 =	sld [smem:$0x3FA7]  }
0x30: {  	s3 =	sld [smem:$0x3FAA]  }
0x31: {  	[smem:$0x3FB3] =	sst s10  }
0x32: {  	s10 =	sld [smem:$0x3FB1];
	_ =	sdelay $0x3  }
0x33: {  	p0 =	seq.s32 s10, $0x1;
	s10 =	sld [smem:$0x3FB3];
	_ =	sdelay $0x3  }
0x34: {  	[smem:$0x3FB3] =	sst s10  }
0x35: {  	s10 =	sld [smem:$0x3FB2];
	_ =	sdelay $0x3  }
0x36: {  	p1 =	seq.s32 s10, $0x1;
	s10 =	sld [smem:$0x3FB3];
	_ =	sdelay $0x3  }
0x37: {  	[smem:$0x3FB3] =	sst s10  }
0x38: {  	s10 =	sld [smem:$0x3FB4]  }
0x39: {  	_ = 	snop;
	(pc) =	sbr.ind lr, $3  }
0x3a: {  	_ = 	snop  }
0x3b: {  	_ = 	snop  }
0x3c: {  	p2 =	seq.s32 s10, $0x1;
	s10 =	sld [smem:$0x3FB3]  }
0x3d: {  	_ =	shalt  }
0x3e: {  	_ =	shalt  }
0x3f: {  	_ =	shalt  }
0x40: {  	_ =	shalt  }
0x41: {  	_ =	shalt  }
0x42: {  	_ =	shalt  }
0x43: {  	_ =	shalt  }
0x44: {  	_ =	shalt  }
0x45: {  	_ =	shalt  }
0x46: {  	_ =	shalt  }
0x47: {  	_ =	shalt  }
0x48: {  	_ =	shalt  }
0x49: {  	_ =	shalt  }
0x4a: {  	_ =	shalt  }
0x4b: {  	_ =	shalt  }
0x4c: {  	_ =	shalt  }
0x4d: {  	_ =	shalt  }
0x4e: {  	_ =	shalt  }
0x4f: {  	_ =	shalt  }
0x50: {  	_ =	shalt  }
0x51: {  	_ =	shalt  }
0x52: {  	_ =	shalt  }
0x53: {  	_ =	shalt  }
0x54: {  	_ =	shalt  }
0x55: {  	_ =	shalt  }
0x56: {  	_ =	shalt  }
0x57: {  	_ =	shalt  }
0x58: {  	_ =	shalt  }
0x59: {  	_ =	shalt  }
0x5a: {  	_ =	shalt  }
0x5b: {  	_ =	shalt  }
0x5c: {  	_ =	shalt  }
0x5d: {  	_ =	shalt  }
0x5e: {  	_ =	shalt  }
0x5f: {  	_ =	shalt  }
0x60: {  	_ =	shalt  }
0x61: {  	_ =	shalt  }
0x62: {  	_ =	shalt  }
0x63: {  	_ =	shalt  }
0x64: {  	_ =	shalt  }
0x65: {  	_ =	shalt  }
0x66: {  	_ =	shalt  }
0x67: {  	_ =	shalt  }
0x68: {  	_ =	shalt  }
0x69: {  	_ =	shalt  }
0x6a: {  	_ =	shalt  }
0x6b: {  	_ =	shalt  }
0x6c: {  	_ =	shalt  }
0x6d: {  	_ =	shalt  }
0x6e: {  	_ =	shalt  }
0x6f: {  	_ =	shalt  }
0x70: {  	_ =	shalt  }
0x71: {  	_ =	shalt  }
0x72: {  	_ =	shalt  }
0x73: {  	_ =	shalt  }
0x74: {  	_ =	shalt  }
0x75: {  	_ =	shalt  }
0x76: {  	_ =	shalt  }
0x77: {  	_ =	shalt  }
0x78: {  	_ =	shalt  }
0x79: {  	_ =	shalt  }
0x7a: {  	_ =	shalt  }
0x7b: {  	_ =	shalt  }
0x7c: {  	_ =	shalt  }
0x7d: {  	_ =	shalt  }
0x7e: {  	_ =	shalt  }
0x7f: {  	_ =	shalt  }
0x80: {  	_ =	shalt  }
0x81: {  	_ =	shalt  }
0x82: {  	_ =	shalt  }
0x83: {  	_ =	shalt  }
0x84: {  	_ =	shalt  }
0x85: {  	_ =	shalt  }
0x86: {  	_ =	shalt  }
0x87: {  	_ =	shalt  }
.Lfunc_end0:
.L_simem_size_0:
called_computation_lowered:
.L_overlay_start_0:
0x88: {  	s2 =	sld [smem:$0x3FD9]  }
0x89: {  	s3 =	sld [smem:$0x3FFE];
	_ =	sdelay $0x1  }
0x8a: {  	s1 =	srdreg.scid  }
0x8b: {  	s0 =	sand.u32 $0x1, s1  }
0x8c: {  	s14 =	sshll.u32 s0, $0xA;
	s2 =	sadd.s32 s3, s2  }
0x8d: {  	s2 =	sadd.s32 s2, s14  }
0x8e: {  	[smem:$0x3FBF] =	sst s2  }
0x8f: {  	_ = 	snop  }
0x90: {  	s2 =	sld [smem:$0x3FD0];
	_ =	sdelay $0x2  }
0x91: {  	s4 =	simm.s32 $0xA;
	s5 =	simm.s32 $0x10;
	s15 =	sld [smem:$0x3FC9]  }
0x92: {  	[smem:s5], [sflag:s4] =	dma.local [hbm:s2], $0x1  }
0x93: {  	_ =	swait.eq [sflag:s4], $0x1  }
0x94: {  	[sflag:s4] =	ssyncset.done $0x0  }
0x95: {  	[sflag:s4] =	ssyncadd.s32 $0xFFFFFFFF  }
0x96: {  	s16 =	sld [smem:$0x10];
	(tm) =	ssettm $0x1  }
0x97: {  	s17 =	sld [smem:$0x3FFB];
	_ =	sdelay $0x3  }
0x98: {  	_ =	strace s17  }
0x99: {  	s4 =	sld [smem:$0x3FFC];
	_ =	sdelay $0x3  }
0x9a: {  	_ =	strace s4  }
0x9b: {  	s4 =	sld [smem:$0x3FFD];
	_ =	sdelay $0x3  }
0x9c: {  	_ =	strace s4  }
0x9d: {  	_ =	strace $0x8FFFFFFF  }
0x9e: {  	s18 =	sld [smem:$0x3FDB];
	_ =	sdelay $0x1  }
0x9f: {  	s19 =	simm.s32 $_scs_section_size  }
0xa0: {  	s6 =	simm.s32 $_size__tile_overlayer_lowered;
	s7 =	simm.s32 $_tile_overlayer_lowered  }
0xa1: {  	s22 =	simm.s32 $0x1BFF;
	s21 =	sshll.u32 s7, $0x1;
	s4 =	sadd.s32 s19, s18  }
0xa2: {  	s8 =	simm.s32 $0x0;
	s20 =	sshll.u32 s6, $0x1;
	s6 =	sadd.s32 s21, s4  }
0xa3: {  	[timem:s8], [sflag:s22] =	dma.local [hbm:s6], s20  }
0xa4: {  	_ =	swait.ge [sflag:s22], s20  }
0xa5: {  	s5 =	ssub.s32 $0x0, s20;
	[sflag:s22] =	ssyncset.done $0x0  }
0xa6: {  	[sflag:s22] =	ssyncadd.s32 s5;
	_ =	sdelay $0x1  }
0xa7: {  	s23 =	simm.s32 $0x1B8B  }
0xa8: {  	_ =	swait.ge [sflag:s23], $0x1  }
0xa9: {  	[sflag:s23] =	ssyncset.done $0x0  }
0xaa: {  	s25 =	simm.s32 $0x1B8E;
	s24 =	sld [smem:$0x3FFE];
	[sflag:s23] =	ssyncadd.s32 $0xFFFFFFFF  }
0xab: {  	s26 =	simm.s32 $execute0_lowered;
	[smem:$0x3FD2] =	sst s25  }
0xac: {  	s6 =	sshll.u32 s26, $0x1;
	_ =	strace $0x80000046;
	[dreg:$0x1] =	wrdreg $0xFFFFFFFF  }
0xad: {  	s28 =	simm.s32 $_size_execute0_lowered;
	s4 =	sadd.s32 s4, s6;
	[dreg:$0x0] =	wrdreg $0x0  }
0xae: {  	s6 =	sshll.u32 s28, $0x1;
	[dreg:$0x2] =	wrdreg s4  }
0xaf: {  	[dreg:$0x3] =	wrdreg s6  }
0xb0: {  	[dreg:$0x4] =	wrdreg $0xC0  }
0xb1: {  	_ =	task [dreg:s8], $0x5FFFF  }
0xb2: {  	[dreg:$0x1] =	wrdreg $0xFFFFFFFF  }
0xb3: {  	[dreg:$0x0] =	wrdreg $0x60  }
0xb4: {  	[dreg:$0x2] =	wrdreg s24  }
0xb5: {  	[dreg:$0x3] =	wrdreg s15  }
0xb6: {  	[dreg:$0x4] =	wrdreg s16  }
0xb7: {  	[dreg:$0x5] =	wrdreg $0x44800  }
0xb8: {  	[dreg:$0x6] =	wrdreg $0x44900  }
0xb9: {  	[dreg:$0x7] =	wrdreg $0x44A00  }
0xba: {  	[dreg:$0x8] =	wrdreg $0x9  }
0xbb: {  	_ =	task.clear_ibuf [dreg:s8], $0x9FFFF;
	_ =	strace $0x90000046  }
0xbc: {  	s29 =	simm.s32 $0x9;
	_ =	strace $0x80000048  }
0xbd: {  	_ =	swait.ge [sflag:s29], $0x1  }
0xbe: {  	[sflag:s29] =	ssyncadd.s32 $0xFFFFFFFF  }
0xbf: {  	_ =	strace $0x90000048  }
0xc0: {  	_ =	sfence  }
0xc1: {  	s30 =	sld [smem:$0x0];
	_ =	sdelay $0x2  }
0xc2: {  	s31 =	sshll.u32 s1, $0xD;
	s1 =	sshrl.u32 s1, $0x2  }
0xc3: {  	s3 =	sand.u32 $0x4000, s31;
	s1 =	sadd.s32 s1, s30  }
0xc4: {  	s0 =	sor.u32 s3, s0;
	s1 =	sshll.u32 s1, $0x11  }
0xc5: {  	s0 =	sor.u32 s1, s0  }
0xc6: {  	s0 =	sadd.s32 $0x8F2B, s0  }
0xc7: {  	[sflag:s0] =	ssyncadd.remote.s32 $0x1  }
0xc8: {  	_ =	sfence.sel $0xFFFF  }
0xc9: {  	[dreg:$0x0] =	wrdreg $0xFFFFFFFF;
	(pc) =	sbr.abs _section_cstart, $3  }
0xca: {  	[dreg:$0x1] =	wrdreg $0xFFFFFFFF  }
0xcb: {  	_ =	task.clear_ibuf [dreg:s8], $0x2FFFF;
	_ =	strace $0x9FFFFFFF  }
0xcc: {  	(tm) =	ssettm $0x7FFFFFFF  }
0xcd: {  	_ =	shalt  }
tec
execute0_lowered:
.L_overlay_start_1:
0x0: {  	(tag) =	ssettag $0x1  }
0x1: {  	s4 =	rddreg [dreg:$0x0];
	s2 =	srdreg.scid  }
0x2: {  	s3 =	rddreg [dreg:$0x1];
	s2 =	sand.u32 $0x1, s2  }
0x3: {  	s1 =	rddreg [dreg:$0x2];
	p0 =	seq.s32 s2, $0x1  }
.Ltmp0:
0x4: {  	s7 =	rddreg [dreg:$0x3];
	(pc) =	sbr.rel @p0 .LBB2_36-.Ltmp0, $4  }
0x5: {  	s6 =	rddreg [dreg:$0x4]  }
0x6: {  	s8 =	rddreg [dreg:$0x5];
	s5 =	simm.s32 $0x0  }
0x7: {  	[smem:$0x7FF] =	sst s5  }
0x8: {  	s0 =	rddreg [dreg:$0x6];
	_ =	strace $0x80000047;
	s2 =	stileid.u32  }
0x9: {  	s9 =	sadd.s32 $0x1200, s4  }
0xa: {  	s4 =	sadd.s32 $0x1400, s4;
	s10 =	sshll.u32 s2, $0x4;
	s16 =	sshll.u32 s2, $0x5  }
0xb: {  	s12 =	sshll.u32 s2, $0x8;
	s19 =	simm.s32 $0x2;
	s9 =	sadd.s32 s9, s16  }
0xc: {  	[tilespmem:s5], [sflag:$0x2] =	stream.linear.gather [hbm4b:s9+s5], $0x100, $0x38;
	[tilespmem:$0x44A8] =	vst v63  }
0xd: {  	s13 =	sshll.u32 s2, $0x7;
	s24 =	sshll.u32 s2, $0x3;
	_ =	swait.ge [sflag:s19], $0x100  }
0xe: {  	s30 =	sshllo.u32 s2, $0x3;
	s31 =	simm.s32 $0x0;
	[sflag:s19] =	ssyncset.done $0x0  }
0xf: {  	s11 =	sadd.s32 s10, s7;
	s15 =	sadd.s32 s10, s6;
	[sflag:s19] =	ssyncadd.s32 $0xFFFFFF00  }
0x10: {  	s14 =	sadd.s32 s13, s7;
	s13 =	sadd.s32 s13, s6;
	s25 =	sor.u32 $0x1, s24;
	v11 =	vld [tilespmem:s31+$0x0]  }
0x11: {  	v8 =	vimm.f32 $-Inf;
	v9 =	vimm.s32 $0x40000000;
	s17 =	sor.u32 $0x2, s24;
	s18 =	sor.u32 $0x3, s24;
	s26 =	sor.u32 $0x4, s24  }
0x12: {  	v10 =	vlaneseq.u32;
	s28 =	sor.u32 $0x5, s24;
	v1 =	vmov s24;
	s29 =	sor.u32 $0x6, s24;
	s10 =	sadd.s32 s10, s8;
	v0 =	vmov s30  }
0x13: {  	s7 =	sadd.s32 $0x200, s3;
	s6 =	sadd.s32 $0x300, s3;
	s16 =	smov.u32 s12;
	v2 =	vmov s25;
	v3 =	vmov s17;
	v4 =	vmov s18  }
0x14: {  	v5 =	vmov s26;
	s9 =	sadd.s32 $0x10, s8;
	v6 =	vmov s28;
	v7 =	vmov s29;
	s5 =	sadd.s32 $0x100, s3;
	s17 =	simm.s32 $0x40  }
.LBB2_2:
0x15: {  	s18 =	sshra.s32 s17, $0x2;
	p0 =	sne.s32 s17, $0x3C0;
	s17 =	sadd.s32 $0x40, s17;
	v12 =	vor.u32 s16, v10;
	vm0 =	vgt.f32 v11, v8  }
.Ltmp1:
0x16: {  	v8 =	vsel vm0, v11, v8;
	v11 =	vld [tilespmem:s18+$0x0];
	v9 =	vsel vm0, v12, v9;
	(pc) =	sbr.rel @p0 .LBB2_2-.Ltmp1, $2  }
0x17: {  	_ =	sdelay $0x2  }
0x18: {  	s16 =	sadd.s32 $0x10, s16  }
0x19: {  	v12 =	vimm.s32 $0xFEDCBA98  }
0x1a: {  	v13 =	vimm.s32 $0x76543210;
	v12 =	vunpack.c.l.s4.s8 v12  }
0x1b: {  	vm0 =	vgt.f32 v11, v8;
	v14 =	vimm.s32 $0xBA98FEDC;
	v13 =	vunpack.c.l.s4.s8 v13  }
0x1c: {  	v55 =	vimm.s32 $0x32107654;
	v54 =	vunpack.c.l.s4.s8 v14;
	v12 =	vunpack.c.0.s8.s32 v12  }
0x1d: {  	v11 =	vsel vm0, v11, v8;
	v8 =	vunpack.c.l.s4.s8 v55;
	v13 =	vunpack.c.0.s8.s32 v13  }
0x1e: {  	v15 =	vimm.s32 $0xDCFE98BA;
	v16 =	vimm.s32 $0x54761032;
	v12 =	vand.u32 $0xF, v12  }
0x1f: {  	v8 =	vunpack.c.0.s8.s32 v8;
	v12 =	vcombine.low v12, v13;
	v13 =	vunpack.c.0.s8.s32 v54  }
0x20: {  	v59 =	vimm.s32 $0xEFCDAB89;
	v15 =	vunpack.c.l.s4.s8 v15;
	v16 =	vunpack.c.l.s4.s8 v16  }
0x21: {  	v17 =	vimm.s32 $0x67452301;
	v56 =	vperm.xlane v11, v12;
	v8 =	vcombine.low v8, v13  }
0x22: {  	v60 =	vunpack.c.l.s4.s8 v17;
	v57 =	vunpack.c.0.s8.s32 v15;
	v58 =	vunpack.c.0.s8.s32 v16  }
0x23: {  	v14 =	vmax.f32 v11, v56;
	v18 =	vand.u32 $0xF, v8;
	v8 =	vunpack.c.l.s4.s8 v59  }
0x24: {  	v13 =	vcombine.low v58, v57;
	v61 =	vperm.xlane v14, v18  }
0x25: {  	v16 =	vunpack.c.0.s8.s32 v60;
	v8 =	vunpack.c.0.s8.s32 v8  }
0x26: {  	v13 =	vand.u32 $0xF, v13;
	v14 =	vmax.f32 v14, v61  }
0x27: {  	v8 =	vcombine.low v16, v8;
	v15 =	vperm.xlane v14, v13;
	_ =	sdelay $0x1  }
0x28: {  	v14 =	vmax.f32 v14, v15;
	v62 =	vand.u32 $0xF, v8  }
0x29: {  	v8 =	vperm.xlane v14, v62;
	_ =	sdelay $0x1  }
0x2a: {  	v10 =	vor.u32 s16, v10;
	v8 =	vmax.f32 v14, v8  }
0x2b: {  	v9 =	vsel vm0, v10, v9;
	vm13 =	veq.f32 v11, v8  }
0x2c: {  	v9 =	vnsel vm13, $0x40000000, v9  }
0x2d: {  	v9 =	vsub.s32 $0x0, v9  }
0x2e: {  	v10 =	vperm.xlane v9, v12;
	_ =	sdelay $0x1  }
0x2f: {  	vm14 =	vgt.s32 v9, v10  }
0x30: {  	v9 =	vsel vm14, v9, v10  }
0x31: {  	v10 =	vperm.xlane v9, v18;
	_ =	sdelay $0x1  }
0x32: {  	vm0 =	vgt.s32 v9, v10  }
0x33: {  	v9 =	vsel vm0, v9, v10  }
0x34: {  	v10 =	vperm.xlane v9, v13;
	_ =	sdelay $0x1  }
0x35: {  	vm0 =	vgt.s32 v9, v10  }
0x36: {  	v9 =	vsel vm0, v9, v10  }
0x37: {  	s16 =	simm.s32 $0x0;
	v10 =	vperm.xlane v9, v62  }
0x38: {  	v11 =	vld [tilespmem:s16+$0x0]  }
0x39: {  	vm0 =	vgt.s32 v9, v10  }
0x3a: {  	v9 =	vsel vm0, v9, v10;
	v10 =	vlaneseq.u32  }
0x3b: {  	v9 =	vsub.s32 $0x0, v9;
	v63 =	vor.u32 s12, v10  }
0x3c: {  	vm15 =	veq.s32 v63, v9  }
0x3d: {  	s17 =	simm.s32 $0x40;
	v11 =	vsel vm15, $0xFF800000, v11  }
0x3e: {  	s18 =	simm.s32 $0x10;
	s20 =	simm.s32 $0x80;
	s19 =	smov.u32 s12;
	[tilespmem:s16+$0x0] =	vst v11  }
.LBB2_4:
0x3f: {  	p0 =	sne.s32 s20, $0x3C0;
	v11 =	vld [tilespmem:s18+$0x0];
	_ =	sdelay $0x1  }
.Ltmp2:
0x40: {  	s19 =	sadd.s32 $0x10, s19;
	(pc) =	sbr.rel @p0 .LBB2_4-.Ltmp2, $4  }
0x41: {  	v12 =	vor.u32 s19, v10  }
0x42: {  	vm0 =	veq.s32 v12, v9  }
0x43: {  	v11 =	vsel vm0, $0xFF800000, v11  }
0x44: {  	[tilespmem:s18+$0x0] =	vst v11;
	s18 =	sshra.s32 s20, $0x2;
	s20 =	sadd.s32 $0x40, s20  }
0x45: {  	v11 =	vld [tilespmem:s18+$0x0];
	_ =	sdelay $0x1  }
0x46: {  	s19 =	sadd.s32 $0x10, s19  }
0x47: {  	v10 =	vor.u32 s19, v10  }
0x48: {  	vm0 =	veq.s32 v10, v9  }
0x49: {  	v10 =	vsel vm0, $0xFF800000, v11  }
0x4a: {  	[tilespmem:s18+$0x0] =	vst v10  }
0x4b: {  	v13 =	vld [tilespmem:s16+$0x0];
	_ =	sdelay $0x3  }
0x4c: {  	v12 =	vlaneseq.u32;
	v11 =	vimm.s32 $0x40000000;
	v10 =	vimm.f32 $-Inf;
	s16 =	smov.u32 s12  }
.LBB2_6:
0x4d: {  	s18 =	sshra.s32 s17, $0x2;
	p0 =	sne.s32 s17, $0x3C0;
	s17 =	sadd.s32 $0x40, s17;
	v14 =	vor.u32 s16, v12;
	vm0 =	vgt.f32 v13, v10  }
.Ltmp3:
0x4e: {  	v10 =	vsel vm0, v13, v10;
	v13 =	vld [tilespmem:s18+$0x0];
	v11 =	vsel vm0, v14, v11;
	(pc) =	sbr.rel @p0 .LBB2_6-.Ltmp3, $2  }
0x4f: {  	_ =	sdelay $0x2  }
0x50: {  	s16 =	sadd.s32 $0x10, s16  }
0x51: {  	v14 =	vimm.s32 $0xFEDCBA98  }
0x52: {  	v15 =	vimm.s32 $0x76543210;
	v14 =	vunpack.c.l.s4.s8 v14  }
0x53: {  	v15 =	vunpack.c.l.s4.s8 v15  }
0x54: {  	v14 =	vunpack.c.0.s8.s32 v14  }
0x55: {  	vm0 =	vgt.f32 v13, v10;
	v16 =	vimm.s32 $0xBA98FEDC;
	v15 =	vunpack.c.0.s8.s32 v15  }
0x56: {  	v57 =	vimm.s32 $0x32107654;
	v13 =	vsel vm0, v13, v10;
	v14 =	vand.u32 $0xF, v14  }
0x57: {  	v10 =	vunpack.c.l.s4.s8 v57;
	v14 =	vcombine.low v14, v15;
	v15 =	vunpack.c.l.s4.s8 v16  }
0x58: {  	v17 =	vimm.s32 $0xDCFE98BA  }
0x59: {  	v18 =	vimm.s32 $0x54761032;
	v10 =	vunpack.c.0.s8.s32 v10;
	v15 =	vunpack.c.0.s8.s32 v15  }
0x5a: {  	v60 =	vimm.s32 $0xEFCDAB89;
	v17 =	vunpack.c.l.s4.s8 v17;
	v18 =	vunpack.c.l.s4.s8 v18  }
0x5b: {  	v19 =	vimm.s32 $0x67452301;
	v58 =	vperm.xlane v13, v14;
	v10 =	vcombine.low v10, v15  }
0x5c: {  	v61 =	vunpack.c.l.s4.s8 v19;
	v59 =	vunpack.c.0.s8.s32 v18;
	v15 =	vunpack.c.0.s8.s32 v17  }
0x5d: {  	v16 =	vmax.f32 v13, v58;
	v20 =	vand.u32 $0xF, v10;
	v10 =	vunpack.c.l.s4.s8 v60  }
0x5e: {  	v15 =	vcombine.low v59, v15;
	v62 =	vperm.xlane v16, v20  }
0x5f: {  	v18 =	vunpack.c.0.s8.s32 v61;
	v10 =	vunpack.c.0.s8.s32 v10  }
0x60: {  	v15 =	vand.u32 $0xF, v15;
	v16 =	vmax.f32 v16, v62  }
0x61: {  	v10 =	vcombine.low v18, v10;
	v17 =	vperm.xlane v16, v15;
	_ =	sdelay $0x1  }
0x62: {  	v16 =	vmax.f32 v16, v17;
	v63 =	vand.u32 $0xF, v10  }
0x63: {  	v10 =	vperm.xlane v16, v63;
	_ =	sdelay $0x1  }
0x64: {  	v12 =	vor.u32 s16, v12;
	v10 =	vmax.f32 v16, v10  }
0x65: {  	v11 =	vsel vm0, v12, v11;
	vm13 =	veq.f32 v13, v10  }
0x66: {  	v11 =	vnsel vm13, $0x40000000, v11  }
0x67: {  	v11 =	vsub.s32 $0x0, v11  }
0x68: {  	v12 =	vperm.xlane v11, v14;
	_ =	sdelay $0x1  }
0x69: {  	vm14 =	vgt.s32 v11, v12  }
0x6a: {  	v11 =	vsel vm14, v11, v12  }
0x6b: {  	v12 =	vperm.xlane v11, v20;
	_ =	sdelay $0x1  }
0x6c: {  	vm0 =	vgt.s32 v11, v12  }
0x6d: {  	v11 =	vsel vm0, v11, v12  }
0x6e: {  	v12 =	vperm.xlane v11, v15;
	_ =	sdelay $0x1  }
0x6f: {  	vm0 =	vgt.s32 v11, v12  }
0x70: {  	v11 =	vsel vm0, v11, v12  }
0x71: {  	s16 =	simm.s32 $0x0;
	v12 =	vperm.xlane v11, v63  }
0x72: {  	v13 =	vld [tilespmem:s16+$0x0]  }
0x73: {  	vm0 =	vgt.s32 v11, v12  }
0x74: {  	v11 =	vsel vm0, v11, v12;
	v12 =	vlaneseq.u32  }
0x75: {  	v11 =	vsub.s32 $0x0, v11;
	v14 =	vor.u32 s12, v12  }
0x76: {  	vm15 =	veq.s32 v14, v11  }
0x77: {  	s17 =	simm.s32 $0x40;
	v13 =	vsel vm15, $0xFF800000, v13  }
0x78: {  	s18 =	simm.s32 $0x10;
	s20 =	simm.s32 $0x80;
	s19 =	smov.u32 s12;
	[tilespmem:s16+$0x0] =	vst v13  }
.LBB2_8:
0x79: {  	p0 =	sne.s32 s20, $0x3C0;
	v13 =	vld [tilespmem:s18+$0x0];
	_ =	sdelay $0x1  }
.Ltmp4:
0x7a: {  	s19 =	sadd.s32 $0x10, s19;
	(pc) =	sbr.rel @p0 .LBB2_8-.Ltmp4, $4  }
0x7b: {  	v14 =	vor.u32 s19, v12  }
0x7c: {  	vm0 =	veq.s32 v14, v11  }
0x7d: {  	v13 =	vsel vm0, $0xFF800000, v13  }
0x7e: {  	[tilespmem:s18+$0x0] =	vst v13;
	s18 =	sshra.s32 s20, $0x2;
	s20 =	sadd.s32 $0x40, s20  }
0x7f: {  	v13 =	vld [tilespmem:s18+$0x0];
	_ =	sdelay $0x1  }
0x80: {  	s19 =	sadd.s32 $0x10, s19  }
0x81: {  	v12 =	vor.u32 s19, v12  }
0x82: {  	vm0 =	veq.s32 v12, v11  }
0x83: {  	v12 =	vsel vm0, $0xFF800000, v13  }
0x84: {  	[tilespmem:s18+$0x0] =	vst v12  }
0x85: {  	v15 =	vld [tilespmem:s16+$0x0];
	_ =	sdelay $0x3  }
0x86: {  	v14 =	vlaneseq.u32;
	v13 =	vimm.s32 $0x40000000;
	v12 =	vimm.f32 $-Inf;
	s16 =	smov.u32 s12  }
.LBB2_10:
0x87: {  	s18 =	sshra.s32 s17, $0x2;
	p0 =	sne.s32 s17, $0x3C0;
	s17 =	sadd.s32 $0x40, s17;
	v16 =	vor.u32 s16, v14;
	vm0 =	vgt.f32 v15, v12  }
.Ltmp5:
0x88: {  	v12 =	vsel vm0, v15, v12;
	v15 =	vld [tilespmem:s18+$0x0];
	v13 =	vsel vm0, v16, v13;
	(pc) =	sbr.rel @p0 .LBB2_10-.Ltmp5, $2  }
0x89: {  	_ =	sdelay $0x2  }
0x8a: {  	s16 =	sadd.s32 $0x10, s16  }
0x8b: {  	v16 =	vimm.s32 $0xFEDCBA98  }
0x8c: {  	v17 =	vimm.s32 $0x76543210;
	v16 =	vunpack.c.l.s4.s8 v16  }
0x8d: {  	vm0 =	vgt.f32 v15, v12;
	v18 =	vimm.s32 $0xBA98FEDC;
	v17 =	vunpack.c.l.s4.s8 v17  }
0x8e: {  	v55 =	vimm.s32 $0x32107654;
	v54 =	vunpack.c.l.s4.s8 v18;
	v16 =	vunpack.c.0.s8.s32 v16  }
0x8f: {  	v15 =	vsel vm0, v15, v12;
	v12 =	vunpack.c.l.s4.s8 v55;
	v17 =	vunpack.c.0.s8.s32 v17  }
0x90: {  	v19 =	vimm.s32 $0xDCFE98BA;
	v20 =	vimm.s32 $0x54761032;
	v16 =	vand.u32 $0xF, v16  }
0x91: {  	v12 =	vunpack.c.0.s8.s32 v12;
	v16 =	vcombine.low v16, v17;
	v17 =	vunpack.c.0.s8.s32 v54  }
0x92: {  	v59 =	vimm.s32 $0xEFCDAB89;
	v19 =	vunpack.c.l.s4.s8 v19;
	v20 =	vunpack.c.l.s4.s8 v20  }
0x93: {  	v21 =	vimm.s32 $0x67452301;
	v56 =	vperm.xlane v15, v16;
	v12 =	vcombine.low v12, v17  }
0x94: {  	v60 =	vunpack.c.l.s4.s8 v21;
	v57 =	vunpack.c.0.s8.s32 v19;
	v58 =	vunpack.c.0.s8.s32 v20  }
0x95: {  	v18 =	vmax.f32 v15, v56;
	v22 =	vand.u32 $0xF, v12;
	v12 =	vunpack.c.l.s4.s8 v59  }
0x96: {  	v17 =	vcombine.low v58, v57;
	v61 =	vperm.xlane v18, v22  }
0x97: {  	v20 =	vunpack.c.0.s8.s32 v60;
	v12 =	vunpack.c.0.s8.s32 v12  }
0x98: {  	v17 =	vand.u32 $0xF, v17;
	v18 =	vmax.f32 v18, v61  }
0x99: {  	v12 =	vcombine.low v20, v12;
	v19 =	vperm.xlane v18, v17;
	_ =	sdelay $0x1  }
0x9a: {  	v18 =	vmax.f32 v18, v19;
	v62 =	vand.u32 $0xF, v12  }
0x9b: {  	v12 =	vperm.xlane v18, v62;
	_ =	sdelay $0x1  }
0x9c: {  	v14 =	vor.u32 s16, v14;
	v12 =	vmax.f32 v18, v12  }
0x9d: {  	v13 =	vsel vm0, v14, v13;
	vm13 =	veq.f32 v15, v12  }
0x9e: {  	v13 =	vnsel vm13, $0x40000000, v13  }
0x9f: {  	v13 =	vsub.s32 $0x0, v13  }
0xa0: {  	v14 =	vperm.xlane v13, v16;
	_ =	sdelay $0x1  }
0xa1: {  	vm14 =	vgt.s32 v13, v14  }
0xa2: {  	v13 =	vsel vm14, v13, v14  }
0xa3: {  	v14 =	vperm.xlane v13, v22;
	_ =	sdelay $0x1  }
0xa4: {  	vm0 =	vgt.s32 v13, v14  }
0xa5: {  	v13 =	vsel vm0, v13, v14  }
0xa6: {  	v14 =	vperm.xlane v13, v17;
	_ =	sdelay $0x1  }
0xa7: {  	vm0 =	vgt.s32 v13, v14  }
0xa8: {  	v13 =	vsel vm0, v13, v14  }
0xa9: {  	s16 =	simm.s32 $0x0;
	v14 =	vperm.xlane v13, v62  }
0xaa: {  	v15 =	vld [tilespmem:s16+$0x0]  }
0xab: {  	vm0 =	vgt.s32 v13, v14  }
0xac: {  	v13 =	vsel vm0, v13, v14;
	v14 =	vlaneseq.u32  }
0xad: {  	v13 =	vsub.s32 $0x0, v13;
	v63 =	vor.u32 s12, v14  }
0xae: {  	vm15 =	veq.s32 v63, v13  }
0xaf: {  	s17 =	simm.s32 $0x40;
	v15 =	vsel vm15, $0xFF800000, v15  }
0xb0: {  	s18 =	simm.s32 $0x10;
	s20 =	simm.s32 $0x80;
	s19 =	smov.u32 s12;
	[tilespmem:s16+$0x0] =	vst v15  }
.LBB2_12:
0xb1: {  	p0 =	sne.s32 s20, $0x3C0;
	v15 =	vld [tilespmem:s18+$0x0];
	_ =	sdelay $0x1  }
.Ltmp6:
0xb2: {  	s19 =	sadd.s32 $0x10, s19;
	(pc) =	sbr.rel @p0 .LBB2_12-.Ltmp6, $4  }
0xb3: {  	v16 =	vor.u32 s19, v14  }
0xb4: {  	vm0 =	veq.s32 v16, v13  }
0xb5: {  	v15 =	vsel vm0, $0xFF800000, v15  }
0xb6: {  	[tilespmem:s18+$0x0] =	vst v15;
	s18 =	sshra.s32 s20, $0x2;
	s20 =	sadd.s32 $0x40, s20  }
0xb7: {  	v15 =	vld [tilespmem:s18+$0x0];
	_ =	sdelay $0x1  }
0xb8: {  	s19 =	sadd.s32 $0x10, s19  }
0xb9: {  	v14 =	vor.u32 s19, v14  }
0xba: {  	vm0 =	veq.s32 v14, v13  }
0xbb: {  	v14 =	vsel vm0, $0xFF800000, v15  }
0xbc: {  	[tilespmem:s18+$0x0] =	vst v14  }
0xbd: {  	v17 =	vld [tilespmem:s16+$0x0];
	_ =	sdelay $0x3  }
0xbe: {  	v16 =	vlaneseq.u32;
	v15 =	vimm.s32 $0x40000000;
	v14 =	vimm.f32 $-Inf;
	s16 =	smov.u32 s12  }
.LBB2_14:
0xbf: {  	s18 =	sshra.s32 s17, $0x2;
	p0 =	sne.s32 s17, $0x3C0;
	s17 =	sadd.s32 $0x40, s17;
	v18 =	vor.u32 s16, v16;
	vm0 =	vgt.f32 v17, v14  }
.Ltmp7:
0xc0: {  	v14 =	vsel vm0, v17, v14;
	v17 =	vld [tilespmem:s18+$0x0];
	v15 =	vsel vm0, v18, v15;
	(pc) =	sbr.rel @p0 .LBB2_14-.Ltmp7, $2  }
0xc1: {  	_ =	sdelay $0x2  }
0xc2: {  	s16 =	sadd.s32 $0x10, s16  }
0xc3: {  	v18 =	vimm.s32 $0xFEDCBA98  }
0xc4: {  	v19 =	vimm.s32 $0x76543210;
	v18 =	vunpack.c.l.s4.s8 v18  }
0xc5: {  	v19 =	vunpack.c.l.s4.s8 v19  }
0xc6: {  	v18 =	vunpack.c.0.s8.s32 v18  }
0xc7: {  	vm0 =	vgt.f32 v17, v14;
	v20 =	vimm.s32 $0xBA98FEDC;
	v19 =	vunpack.c.0.s8.s32 v19  }
0xc8: {  	v57 =	vimm.s32 $0x32107654;
	v17 =	vsel vm0, v17, v14;
	v18 =	vand.u32 $0xF, v18  }
0xc9: {  	v14 =	vunpack.c.l.s4.s8 v57;
	v18 =	vcombine.low v18, v19;
	v19 =	vunpack.c.l.s4.s8 v20  }
0xca: {  	v21 =	vimm.s32 $0xDCFE98BA  }
0xcb: {  	v22 =	vimm.s32 $0x54761032;
	v14 =	vunpack.c.0.s8.s32 v14;
	v19 =	vunpack.c.0.s8.s32 v19  }
0xcc: {  	v60 =	vimm.s32 $0xEFCDAB89;
	v21 =	vunpack.c.l.s4.s8 v21;
	v22 =	vunpack.c.l.s4.s8 v22  }
0xcd: {  	v23 =	vimm.s32 $0x67452301;
	v58 =	vperm.xlane v17, v18;
	v14 =	vcombine.low v14, v19  }
0xce: {  	v61 =	vunpack.c.l.s4.s8 v23;
	v59 =	vunpack.c.0.s8.s32 v22;
	v19 =	vunpack.c.0.s8.s32 v21  }
0xcf: {  	v20 =	vmax.f32 v17, v58;
	v24 =	vand.u32 $0xF, v14;
	v14 =	vunpack.c.l.s4.s8 v60  }
0xd0: {  	v19 =	vcombine.low v59, v19;
	v62 =	vperm.xlane v20, v24  }
0xd1: {  	v22 =	vunpack.c.0.s8.s32 v61;
	v14 =	vunpack.c.0.s8.s32 v14  }
0xd2: {  	v19 =	vand.u32 $0xF, v19;
	v20 =	vmax.f32 v20, v62  }
0xd3: {  	v14 =	vcombine.low v22, v14;
	v21 =	vperm.xlane v20, v19;
	_ =	sdelay $0x1  }
0xd4: {  	v20 =	vmax.f32 v20, v21;
	v63 =	vand.u32 $0xF, v14  }
0xd5: {  	v14 =	vperm.xlane v20, v63;
	_ =	sdelay $0x1  }
0xd6: {  	v16 =	vor.u32 s16, v16;
	v14 =	vmax.f32 v20, v14  }
0xd7: {  	v15 =	vsel vm0, v16, v15;
	vm13 =	veq.f32 v17, v14  }
0xd8: {  	v15 =	vnsel vm13, $0x40000000, v15  }
0xd9: {  	v15 =	vsub.s32 $0x0, v15  }
0xda: {  	v16 =	vperm.xlane v15, v18;
	_ =	sdelay $0x1  }
0xdb: {  	vm14 =	vgt.s32 v15, v16  }
0xdc: {  	v15 =	vsel vm14, v15, v16  }
0xdd: {  	v16 =	vperm.xlane v15, v24;
	_ =	sdelay $0x1  }
0xde: {  	vm0 =	vgt.s32 v15, v16  }
0xdf: {  	v15 =	vsel vm0, v15, v16  }
0xe0: {  	v16 =	vperm.xlane v15, v19;
	_ =	sdelay $0x1  }
0xe1: {  	vm0 =	vgt.s32 v15, v16  }
0xe2: {  	v15 =	vsel vm0, v15, v16  }
0xe3: {  	s16 =	simm.s32 $0x0;
	v16 =	vperm.xlane v15, v63  }
0xe4: {  	v17 =	vld [tilespmem:s16+$0x0]  }
0xe5: {  	vm0 =	vgt.s32 v15, v16  }
0xe6: {  	v15 =	vsel vm0, v15, v16;
	v16 =	vlaneseq.u32  }
0xe7: {  	v15 =	vsub.s32 $0x0, v15;
	v18 =	vor.u32 s12, v16  }
0xe8: {  	vm15 =	veq.s32 v18, v15  }
0xe9: {  	s17 =	simm.s32 $0x40;
	v17 =	vsel vm15, $0xFF800000, v17  }
0xea: {  	s18 =	simm.s32 $0x10;
	s20 =	simm.s32 $0x80;
	s19 =	smov.u32 s12;
	[tilespmem:s16+$0x0] =	vst v17  }
.LBB2_16:
0xeb: {  	p0 =	sne.s32 s20, $0x3C0;
	v17 =	vld [tilespmem:s18+$0x0];
	_ =	sdelay $0x1  }
.Ltmp8:
0xec: {  	s19 =	sadd.s32 $0x10, s19;
	(pc) =	sbr.rel @p0 .LBB2_16-.Ltmp8, $4  }
0xed: {  	v18 =	vor.u32 s19, v16  }
0xee: {  	vm0 =	veq.s32 v18, v15  }
0xef: {  	v17 =	vsel vm0, $0xFF800000, v17  }
0xf0: {  	[tilespmem:s18+$0x0] =	vst v17;
	s18 =	sshra.s32 s20, $0x2;
	s20 =	sadd.s32 $0x40, s20  }
0xf1: {  	v17 =	vld [tilespmem:s18+$0x0];
	_ =	sdelay $0x1  }
0xf2: {  	s19 =	sadd.s32 $0x10, s19  }
0xf3: {  	v16 =	vor.u32 s19, v16  }
0xf4: {  	vm0 =	veq.s32 v16, v15  }
0xf5: {  	v16 =	vsel vm0, $0xFF800000, v17  }
0xf6: {  	[tilespmem:s18+$0x0] =	vst v16  }
0xf7: {  	v19 =	vld [tilespmem:s16+$0x0];
	_ =	sdelay $0x3  }
0xf8: {  	v18 =	vlaneseq.u32;
	v17 =	vimm.s32 $0x40000000;
	v16 =	vimm.f32 $-Inf;
	s16 =	smov.u32 s12  }
.LBB2_18:
0xf9: {  	s18 =	sshra.s32 s17, $0x2;
	p0 =	sne.s32 s17, $0x3C0;
	s17 =	sadd.s32 $0x40, s17;
	v20 =	vor.u32 s16, v18;
	vm0 =	vgt.f32 v19, v16  }
.Ltmp9:
0xfa: {  	v16 =	vsel vm0, v19, v16;
	v19 =	vld [tilespmem:s18+$0x0];
	v17 =	vsel vm0, v20, v17;
	(pc) =	sbr.rel @p0 .LBB2_18-.Ltmp9, $2  }
0xfb: {  	_ =	sdelay $0x2  }
0xfc: {  	s16 =	sadd.s32 $0x10, s16  }
0xfd: {  	v20 =	vimm.s32 $0xFEDCBA98  }
0xfe: {  	v21 =	vimm.s32 $0x76543210;
	v20 =	vunpack.c.l.s4.s8 v20  }
0xff: {  	vm0 =	vgt.f32 v19, v16;
	v22 =	vimm.s32 $0xBA98FEDC;
	v21 =	vunpack.c.l.s4.s8 v21  }
0x100: {  	v56 =	vimm.s32 $0x32107654;
	v55 =	vunpack.c.l.s4.s8 v22;
	v20 =	vunpack.c.0.s8.s32 v20  }
0x101: {  	v19 =	vsel vm0, v19, v16;
	v16 =	vunpack.c.l.s4.s8 v56;
	v21 =	vunpack.c.0.s8.s32 v21  }
0x102: {  	v23 =	vimm.s32 $0xDCFE98BA;
	v24 =	vimm.s32 $0x54761032;
	v20 =	vand.u32 $0xF, v20  }
0x103: {  	v16 =	vunpack.c.0.s8.s32 v16;
	v20 =	vcombine.low v20, v21;
	v21 =	vunpack.c.0.s8.s32 v55  }
0x104: {  	v60 =	vimm.s32 $0xEFCDAB89;
	v23 =	vunpack.c.l.s4.s8 v23;
	v24 =	vunpack.c.l.s4.s8 v24  }
0x105: {  	v25 =	vimm.s32 $0x67452301;
	v57 =	vperm.xlane v19, v20;
	v16 =	vcombine.low v16, v21  }
0x106: {  	v61 =	vunpack.c.l.s4.s8 v25;
	v58 =	vunpack.c.0.s8.s32 v23;
	v59 =	vunpack.c.0.s8.s32 v24  }
0x107: {  	v22 =	vmax.f32 v19, v57;
	v26 =	vand.u32 $0xF, v16;
	v16 =	vunpack.c.l.s4.s8 v60  }
0x108: {  	v21 =	vcombine.low v59, v58;
	v62 =	vperm.xlane v22, v26  }
0x109: {  	v24 =	vunpack.c.0.s8.s32 v61;
	v16 =	vunpack.c.0.s8.s32 v16  }
0x10a: {  	v21 =	vand.u32 $0xF, v21;
	v22 =	vmax.f32 v22, v62  }
0x10b: {  	v16 =	vcombine.low v24, v16;
	v23 =	vperm.xlane v22, v21;
	_ =	sdelay $0x1  }
0x10c: {  	v22 =	vmax.f32 v22, v23;
	v63 =	vand.u32 $0xF, v16  }
0x10d: {  	v16 =	vperm.xlane v22, v63;
	_ =	sdelay $0x1  }
0x10e: {  	v18 =	vor.u32 s16, v18;
	v16 =	vmax.f32 v22, v16  }
0x10f: {  	v17 =	vsel vm0, v18, v17;
	vm13 =	veq.f32 v19, v16  }
0x110: {  	v17 =	vnsel vm13, $0x40000000, v17  }
0x111: {  	v17 =	vsub.s32 $0x0, v17  }
0x112: {  	v18 =	vperm.xlane v17, v20;
	_ =	sdelay $0x1  }
0x113: {  	vm14 =	vgt.s32 v17, v18  }
0x114: {  	v17 =	vsel vm14, v17, v18  }
0x115: {  	v18 =	vperm.xlane v17, v26;
	_ =	sdelay $0x1  }
0x116: {  	vm0 =	vgt.s32 v17, v18  }
0x117: {  	v17 =	vsel vm0, v17, v18  }
0x118: {  	v18 =	vperm.xlane v17, v21;
	_ =	sdelay $0x1  }
0x119: {  	vm0 =	vgt.s32 v17, v18  }
0x11a: {  	v17 =	vsel vm0, v17, v18  }
0x11b: {  	s16 =	simm.s32 $0x0;
	v18 =	vperm.xlane v17, v63  }
0x11c: {  	v19 =	vld [tilespmem:s16+$0x0]  }
0x11d: {  	vm0 =	vgt.s32 v17, v18  }
0x11e: {  	v17 =	vsel vm0, v17, v18;
	v18 =	vlaneseq.u32  }
0x11f: {  	v17 =	vsub.s32 $0x0, v17;
	v20 =	vor.u32 s12, v18  }
0x120: {  	vm15 =	veq.s32 v20, v17  }
0x121: {  	s17 =	simm.s32 $0x40;
	v19 =	vsel vm15, $0xFF800000, v19  }
0x122: {  	s18 =	simm.s32 $0x10;
	s20 =	simm.s32 $0x80;
	s19 =	smov.u32 s12;
	[tilespmem:s16+$0x0] =	vst v19  }
.LBB2_20:
0x123: {  	p0 =	sne.s32 s20, $0x3C0;
	v19 =	vld [tilespmem:s18+$0x0];
	_ =	sdelay $0x1  }
.Ltmp10:
0x124: {  	s19 =	sadd.s32 $0x10, s19;
	(pc) =	sbr.rel @p0 .LBB2_20-.Ltmp10, $4  }
0x125: {  	v20 =	vor.u32 s19, v18  }
0x126: {  	vm0 =	veq.s32 v20, v17  }
0x127: {  	v19 =	vsel vm0, $0xFF800000, v19  }
0x128: {  	[tilespmem:s18+$0x0] =	vst v19;
	s18 =	sshra.s32 s20, $0x2;
	s20 =	sadd.s32 $0x40, s20  }
0x129: {  	v19 =	vld [tilespmem:s18+$0x0];
	_ =	sdelay $0x1  }
0x12a: {  	s19 =	sadd.s32 $0x10, s19  }
0x12b: {  	v18 =	vor.u32 s19, v18  }
0x12c: {  	vm0 =	veq.s32 v18, v17  }
0x12d: {  	v18 =	vsel vm0, $0xFF800000, v19  }
0x12e: {  	[tilespmem:s18+$0x0] =	vst v18  }
0x12f: {  	v21 =	vld [tilespmem:s16+$0x0];
	_ =	sdelay $0x3  }
0x130: {  	v20 =	vlaneseq.u32;
	v19 =	vimm.s32 $0x40000000;
	v18 =	vimm.f32 $-Inf;
	s16 =	smov.u32 s12  }
.LBB2_22:
0x131: {  	s18 =	sshra.s32 s17, $0x2;
	p0 =	sne.s32 s17, $0x3C0;
	s17 =	sadd.s32 $0x40, s17;
	v22 =	vor.u32 s16, v20;
	vm0 =	vgt.f32 v21, v18  }
.Ltmp11:
0x132: {  	v18 =	vsel vm0, v21, v18;
	v21 =	vld [tilespmem:s18+$0x0];
	v19 =	vsel vm0, v22, v19;
	(pc) =	sbr.rel @p0 .LBB2_22-.Ltmp11, $2  }
0x133: {  	_ =	sdelay $0x2  }
0x134: {  	s16 =	sadd.s32 $0x10, s16  }
0x135: {  	v22 =	vimm.s32 $0xFEDCBA98  }
0x136: {  	v23 =	vimm.s32 $0x76543210;
	v22 =	vunpack.c.l.s4.s8 v22  }
0x137: {  	v23 =	vunpack.c.l.s4.s8 v23  }
0x138: {  	v22 =	vunpack.c.0.s8.s32 v22  }
0x139: {  	vm0 =	vgt.f32 v21, v18;
	v24 =	vimm.s32 $0xBA98FEDC;
	v23 =	vunpack.c.0.s8.s32 v23  }
0x13a: {  	v57 =	vimm.s32 $0x32107654;
	v21 =	vsel vm0, v21, v18;
	v22 =	vand.u32 $0xF, v22  }
0x13b: {  	v18 =	vunpack.c.l.s4.s8 v57;
	v22 =	vcombine.low v22, v23;
	v23 =	vunpack.c.l.s4.s8 v24  }
0x13c: {  	v25 =	vimm.s32 $0xDCFE98BA  }
0x13d: {  	v26 =	vimm.s32 $0x54761032;
	v18 =	vunpack.c.0.s8.s32 v18;
	v23 =	vunpack.c.0.s8.s32 v23  }
0x13e: {  	v60 =	vimm.s32 $0xEFCDAB89;
	v25 =	vunpack.c.l.s4.s8 v25;
	v26 =	vunpack.c.l.s4.s8 v26  }
0x13f: {  	v27 =	vimm.s32 $0x67452301;
	v58 =	vperm.xlane v21, v22;
	v18 =	vcombine.low v18, v23  }
0x140: {  	v61 =	vunpack.c.l.s4.s8 v27;
	v59 =	vunpack.c.0.s8.s32 v26;
	v23 =	vunpack.c.0.s8.s32 v25  }
0x141: {  	v24 =	vmax.f32 v21, v58;
	v28 =	vand.u32 $0xF, v18;
	v18 =	vunpack.c.l.s4.s8 v60  }
0x142: {  	v23 =	vcombine.low v59, v23;
	v62 =	vperm.xlane v24, v28  }
0x143: {  	v26 =	vunpack.c.0.s8.s32 v61;
	v18 =	vunpack.c.0.s8.s32 v18  }
0x144: {  	v23 =	vand.u32 $0xF, v23;
	v24 =	vmax.f32 v24, v62  }
0x145: {  	v18 =	vcombine.low v26, v18;
	v25 =	vperm.xlane v24, v23;
	_ =	sdelay $0x1  }
0x146: {  	v24 =	vmax.f32 v24, v25;
	v63 =	vand.u32 $0xF, v18  }
0x147: {  	v18 =	vperm.xlane v24, v63;
	_ =	sdelay $0x1  }
0x148: {  	v20 =	vor.u32 s16, v20;
	v18 =	vmax.f32 v24, v18  }
0x149: {  	v19 =	vsel vm0, v20, v19;
	vm13 =	veq.f32 v21, v18  }
0x14a: {  	v19 =	vnsel vm13, $0x40000000, v19  }
0x14b: {  	v19 =	vsub.s32 $0x0, v19  }
0x14c: {  	v20 =	vperm.xlane v19, v22;
	_ =	sdelay $0x1  }
0x14d: {  	vm14 =	vgt.s32 v19, v20  }
0x14e: {  	v19 =	vsel vm14, v19, v20  }
0x14f: {  	v20 =	vperm.xlane v19, v28;
	_ =	sdelay $0x1  }
0x150: {  	vm0 =	vgt.s32 v19, v20  }
0x151: {  	v19 =	vsel vm0, v19, v20  }
0x152: {  	v20 =	vperm.xlane v19, v23;
	_ =	sdelay $0x1  }
0x153: {  	vm0 =	vgt.s32 v19, v20  }
0x154: {  	v19 =	vsel vm0, v19, v20  }
0x155: {  	s16 =	simm.s32 $0x0;
	v20 =	vperm.xlane v19, v63  }
0x156: {  	v21 =	vld [tilespmem:s16+$0x0]  }
0x157: {  	vm0 =	vgt.s32 v19, v20  }
0x158: {  	v19 =	vsel vm0, v19, v20;
	v20 =	vlaneseq.u32  }
0x159: {  	v19 =	vsub.s32 $0x0, v19;
	v22 =	vor.u32 s12, v20  }
0x15a: {  	vm15 =	veq.s32 v22, v19  }
0x15b: {  	s17 =	simm.s32 $0x40;
	v21 =	vsel vm15, $0xFF800000, v21  }
0x15c: {  	s18 =	simm.s32 $0x10;
	s20 =	simm.s32 $0x80;
	s19 =	smov.u32 s12;
	[tilespmem:s16+$0x0] =	vst v21  }
.LBB2_24:
0x15d: {  	p0 =	sne.s32 s20, $0x3C0;
	v21 =	vld [tilespmem:s18+$0x0];
	_ =	sdelay $0x1  }
.Ltmp12:
0x15e: {  	s19 =	sadd.s32 $0x10, s19;
	(pc) =	sbr.rel @p0 .LBB2_24-.Ltmp12, $4  }
0x15f: {  	v22 =	vor.u32 s19, v20  }
0x160: {  	vm0 =	veq.s32 v22, v19  }
0x161: {  	v21 =	vsel vm0, $0xFF800000, v21  }
0x162: {  	[tilespmem:s18+$0x0] =	vst v21;
	s18 =	sshra.s32 s20, $0x2;
	s20 =	sadd.s32 $0x40, s20  }
0x163: {  	v21 =	vld [tilespmem:s18+$0x0];
	_ =	sdelay $0x1  }
0x164: {  	s19 =	sadd.s32 $0x10, s19  }
0x165: {  	v20 =	vor.u32 s19, v20  }
0x166: {  	vm0 =	veq.s32 v20, v19  }
0x167: {  	v20 =	vsel vm0, $0xFF800000, v21  }
0x168: {  	[tilespmem:s18+$0x0] =	vst v20  }
0x169: {  	v23 =	vld [tilespmem:s16+$0x0];
	_ =	sdelay $0x3  }
0x16a: {  	v22 =	vlaneseq.u32;
	v21 =	vimm.s32 $0x40000000;
	v20 =	vimm.f32 $-Inf;
	s16 =	smov.u32 s12  }
.LBB2_26:
0x16b: {  	s18 =	sshra.s32 s17, $0x2;
	p0 =	sne.s32 s17, $0x3C0;
	s17 =	sadd.s32 $0x40, s17;
	v24 =	vor.u32 s16, v22;
	vm0 =	vgt.f32 v23, v20  }
.Ltmp13:
0x16c: {  	v20 =	vsel vm0, v23, v20;
	v23 =	vld [tilespmem:s18+$0x0];
	v21 =	vsel vm0, v24, v21;
	(pc) =	sbr.rel @p0 .LBB2_26-.Ltmp13, $2  }
0x16d: {  	_ =	sdelay $0x2  }
0x16e: {  	s16 =	sadd.s32 $0x10, s16  }
0x16f: {  	v24 =	vimm.s32 $0xFEDCBA98  }
0x170: {  	v25 =	vimm.s32 $0x76543210;
	v24 =	vunpack.c.l.s4.s8 v24  }
0x171: {  	vm0 =	vgt.f32 v23, v20;
	v26 =	vimm.s32 $0xBA98FEDC;
	v25 =	vunpack.c.l.s4.s8 v25  }
0x172: {  	v55 =	vimm.s32 $0x32107654;
	v54 =	vunpack.c.l.s4.s8 v26;
	v24 =	vunpack.c.0.s8.s32 v24  }
0x173: {  	v23 =	vsel vm0, v23, v20;
	v20 =	vunpack.c.l.s4.s8 v55;
	v25 =	vunpack.c.0.s8.s32 v25  }
0x174: {  	v27 =	vimm.s32 $0xDCFE98BA;
	v28 =	vimm.s32 $0x54761032;
	v24 =	vand.u32 $0xF, v24  }
0x175: {  	v20 =	vunpack.c.0.s8.s32 v20;
	v24 =	vcombine.low v24, v25;
	v25 =	vunpack.c.0.s8.s32 v54  }
0x176: {  	v59 =	vimm.s32 $0xEFCDAB89;
	v27 =	vunpack.c.l.s4.s8 v27;
	v28 =	vunpack.c.l.s4.s8 v28  }
0x177: {  	v29 =	vimm.s32 $0x67452301;
	v56 =	vperm.xlane v23, v24;
	v20 =	vcombine.low v20, v25  }
0x178: {  	v60 =	vunpack.c.l.s4.s8 v29;
	v57 =	vunpack.c.0.s8.s32 v27;
	v58 =	vunpack.c.0.s8.s32 v28  }
0x179: {  	v26 =	vmax.f32 v23, v56;
	v30 =	vand.u32 $0xF, v20;
	v20 =	vunpack.c.l.s4.s8 v59  }
0x17a: {  	v25 =	vcombine.low v58, v57;
	v61 =	vperm.xlane v26, v30  }
0x17b: {  	v28 =	vunpack.c.0.s8.s32 v60;
	v20 =	vunpack.c.0.s8.s32 v20  }
0x17c: {  	v25 =	vand.u32 $0xF, v25;
	v26 =	vmax.f32 v26, v61  }
0x17d: {  	v20 =	vcombine.low v28, v20;
	v27 =	vperm.xlane v26, v25;
	_ =	sdelay $0x1  }
0x17e: {  	v26 =	vmax.f32 v26, v27;
	v62 =	vand.u32 $0xF, v20  }
0x17f: {  	v20 =	vperm.xlane v26, v62;
	_ =	sdelay $0x1  }
0x180: {  	v22 =	vor.u32 s16, v22;
	v20 =	vmax.f32 v26, v20  }
0x181: {  	v21 =	vsel vm0, v22, v21;
	vm13 =	veq.f32 v23, v20  }
0x182: {  	v21 =	vnsel vm13, $0x40000000, v21  }
0x183: {  	v21 =	vsub.s32 $0x0, v21  }
0x184: {  	v22 =	vperm.xlane v21, v24;
	_ =	sdelay $0x1  }
0x185: {  	vm14 =	vgt.s32 v21, v22  }
0x186: {  	v21 =	vsel vm14, v21, v22  }
0x187: {  	v22 =	vperm.xlane v21, v30;
	_ =	sdelay $0x1  }
0x188: {  	vm0 =	vgt.s32 v21, v22  }
0x189: {  	v21 =	vsel vm0, v21, v22  }
0x18a: {  	v22 =	vperm.xlane v21, v25;
	_ =	sdelay $0x1  }
0x18b: {  	vm0 =	vgt.s32 v21, v22  }
0x18c: {  	v21 =	vsel vm0, v21, v22  }
0x18d: {  	s16 =	simm.s32 $0x0;
	v22 =	vperm.xlane v21, v62  }
0x18e: {  	v23 =	vld [tilespmem:s16+$0x0]  }
0x18f: {  	vm0 =	vgt.s32 v21, v22  }
0x190: {  	v21 =	vsel vm0, v21, v22;
	v22 =	vlaneseq.u32  }
0x191: {  	v21 =	vsub.s32 $0x0, v21;
	v63 =	vor.u32 s12, v22  }
0x192: {  	vm15 =	veq.s32 v63, v21  }
0x193: {  	s17 =	simm.s32 $0x40;
	v23 =	vsel vm15, $0xFF800000, v23  }
0x194: {  	s18 =	simm.s32 $0x10;
	s20 =	simm.s32 $0x80;
	s19 =	smov.u32 s12;
	[tilespmem:s16+$0x0] =	vst v23  }
.LBB2_28:
0x195: {  	p0 =	sne.s32 s20, $0x3C0;
	v23 =	vld [tilespmem:s18+$0x0];
	_ =	sdelay $0x1  }
.Ltmp14:
0x196: {  	s19 =	sadd.s32 $0x10, s19;
	(pc) =	sbr.rel @p0 .LBB2_28-.Ltmp14, $4  }
0x197: {  	v24 =	vor.u32 s19, v22  }
0x198: {  	vm0 =	veq.s32 v24, v21  }
0x199: {  	v23 =	vsel vm0, $0xFF800000, v23  }
0x19a: {  	[tilespmem:s18+$0x0] =	vst v23;
	s18 =	sshra.s32 s20, $0x2;
	s20 =	sadd.s32 $0x40, s20  }
0x19b: {  	v23 =	vld [tilespmem:s18+$0x0];
	_ =	sdelay $0x1  }
0x19c: {  	s19 =	sadd.s32 $0x10, s19  }
0x19d: {  	v22 =	vor.u32 s19, v22  }
0x19e: {  	vm0 =	veq.s32 v22, v21  }
0x19f: {  	v22 =	vsel vm0, $0xFF800000, v23  }
0x1a0: {  	[tilespmem:s18+$0x0] =	vst v22  }
0x1a1: {  	v25 =	vld [tilespmem:s16+$0x0];
	_ =	sdelay $0x3  }
0x1a2: {  	v24 =	vlaneseq.u32;
	v23 =	vimm.s32 $0x40000000;
	v22 =	vimm.f32 $-Inf;
	s16 =	smov.u32 s12  }
.LBB2_30:
0x1a3: {  	s18 =	sshra.s32 s17, $0x2;
	p0 =	sne.s32 s17, $0x3C0;
	s17 =	sadd.s32 $0x40, s17;
	v26 =	vor.u32 s16, v24;
	vm0 =	vgt.f32 v25, v22  }
.Ltmp15:
0x1a4: {  	v22 =	vsel vm0, v25, v22;
	v25 =	vld [tilespmem:s18+$0x0];
	v23 =	vsel vm0, v26, v23;
	(pc) =	sbr.rel @p0 .LBB2_30-.Ltmp15, $2  }
0x1a5: {  	_ =	sdelay $0x2  }
0x1a6: {  	s16 =	sadd.s32 $0x10, s16  }
0x1a7: {  	v26 =	vimm.s32 $0xFEDCBA98  }
0x1a8: {  	v27 =	vimm.s32 $0x76543210;
	v26 =	vunpack.c.l.s4.s8 v26  }
0x1a9: {  	v27 =	vunpack.c.l.s4.s8 v27  }
0x1aa: {  	v26 =	vunpack.c.0.s8.s32 v26  }
0x1ab: {  	vm0 =	vgt.f32 v25, v22;
	v28 =	vimm.s32 $0xBA98FEDC;
	v27 =	vunpack.c.0.s8.s32 v27  }
0x1ac: {  	v57 =	vimm.s32 $0x32107654;
	v25 =	vsel vm0, v25, v22;
	v26 =	vand.u32 $0xF, v26  }
0x1ad: {  	v22 =	vunpack.c.l.s4.s8 v57;
	v26 =	vcombine.low v26, v27;
	v27 =	vunpack.c.l.s4.s8 v28  }
0x1ae: {  	v29 =	vimm.s32 $0xDCFE98BA  }
0x1af: {  	v30 =	vimm.s32 $0x54761032;
	v22 =	vunpack.c.0.s8.s32 v22;
	v27 =	vunpack.c.0.s8.s32 v27  }
0x1b0: {  	v60 =	vimm.s32 $0xEFCDAB89;
	v29 =	vunpack.c.l.s4.s8 v29;
	v30 =	vunpack.c.l.s4.s8 v30  }
0x1b1: {  	v31 =	vimm.s32 $0x67452301;
	v58 =	vperm.xlane v25, v26;
	v22 =	vcombine.low v22, v27  }
0x1b2: {  	v61 =	vunpack.c.l.s4.s8 v31;
	v59 =	vunpack.c.0.s8.s32 v30;
	v27 =	vunpack.c.0.s8.s32 v29  }
0x1b3: {  	v28 =	vmax.f32 v25, v58;
	v32 =	vand.u32 $0xF, v22;
	v22 =	vunpack.c.l.s4.s8 v60  }
0x1b4: {  	v27 =	vcombine.low v59, v27;
	v62 =	vperm.xlane v28, v32  }
0x1b5: {  	v30 =	vunpack.c.0.s8.s32 v61;
	v22 =	vunpack.c.0.s8.s32 v22  }
0x1b6: {  	v27 =	vand.u32 $0xF, v27;
	v28 =	vmax.f32 v28, v62  }
0x1b7: {  	v22 =	vcombine.low v30, v22;
	v29 =	vperm.xlane v28, v27;
	_ =	sdelay $0x1  }
0x1b8: {  	v28 =	vmax.f32 v28, v29;
	v63 =	vand.u32 $0xF, v22  }
0x1b9: {  	v22 =	vperm.xlane v28, v63;
	_ =	sdelay $0x1  }
0x1ba: {  	v24 =	vor.u32 s16, v24;
	v22 =	vmax.f32 v28, v22  }
0x1bb: {  	v23 =	vsel vm0, v24, v23;
	vm13 =	veq.f32 v25, v22  }
0x1bc: {  	v23 =	vnsel vm13, $0x40000000, v23  }
0x1bd: {  	v23 =	vsub.s32 $0x0, v23  }
0x1be: {  	v24 =	vperm.xlane v23, v26;
	_ =	sdelay $0x1  }
0x1bf: {  	vm14 =	vgt.s32 v23, v24  }
0x1c0: {  	v23 =	vsel vm14, v23, v24  }
0x1c1: {  	v24 =	vperm.xlane v23, v32;
	_ =	sdelay $0x1  }
0x1c2: {  	vm0 =	vgt.s32 v23, v24  }
0x1c3: {  	v23 =	vsel vm0, v23, v24  }
0x1c4: {  	v24 =	vperm.xlane v23, v27;
	_ =	sdelay $0x1  }
0x1c5: {  	vm0 =	vgt.s32 v23, v24  }
0x1c6: {  	v23 =	vsel vm0, v23, v24  }
0x1c7: {  	s18 =	simm.s32 $0x0;
	v24 =	vperm.xlane v23, v63  }
0x1c8: {  	v25 =	vld [tilespmem:s18+$0x0]  }
0x1c9: {  	vm0 =	vgt.s32 v23, v24  }
0x1ca: {  	v23 =	vsel vm0, v23, v24;
	v24 =	vlaneseq.u32  }
0x1cb: {  	v23 =	vsub.s32 $0x0, v23;
	v26 =	vor.u32 s12, v24  }
0x1cc: {  	vm15 =	veq.s32 v26, v23  }
0x1cd: {  	v25 =	vsel vm15, $0xFF800000, v25  }
0x1ce: {  	s16 =	simm.s32 $0x10;
	s17 =	simm.s32 $0x80;
	[tilespmem:s18+$0x0] =	vst v25  }
.LBB2_32:
0x1cf: {  	p0 =	sne.s32 s17, $0x3C0;
	v25 =	vld [tilespmem:s16+$0x0];
	_ =	sdelay $0x1  }
.Ltmp16:
0x1d0: {  	s12 =	sadd.s32 $0x10, s12;
	(pc) =	sbr.rel @p0 .LBB2_32-.Ltmp16, $4  }
0x1d1: {  	v26 =	vor.u32 s12, v24  }
0x1d2: {  	vm0 =	veq.s32 v26, v23  }
0x1d3: {  	v25 =	vsel vm0, $0xFF800000, v25  }
0x1d4: {  	[tilespmem:s16+$0x0] =	vst v25;
	s16 =	sshra.s32 s17, $0x2;
	s17 =	sadd.s32 $0x40, s17  }
0x1d5: {  	vm1 =	vmmov $0x1;
	vm9 =	vcmask $0x320;
	vm10 =	vcmask $0x720  }
0x1d6: {  	vm11 =	vcmask $0xB20;
	vm12 =	vcmask $0xF20;
	v8 =	vnsel vm1, $0xFF800000, v8  }
0x1d7: {  	v25 =	vld [tilespmem:s16+$0x0];
	vm13 =	vcmask $0x1320;
	v9 =	vnsel vm1, $0x40000000, v9;
	v8 =	vsel vm9, v8, v10  }
0x1d8: {  	vm14 =	vcmask $0x1720;
	v9 =	vsel vm9, v9, v11;
	v8 =	vsel vm10, v8, v12  }
0x1d9: {  	s12 =	sadd.s32 $0x10, s12;
	vm15 =	vcmask $0x1B20;
	v9 =	vsel vm10, v9, v13;
	v8 =	vsel vm11, v8, v14  }
0x1da: {  	v24 =	vor.u32 s12, v24;
	v9 =	vsel vm11, v9, v15;
	v8 =	vsel vm12, v8, v16  }
0x1db: {  	vm0 =	veq.s32 v24, v23;
	v9 =	vsel vm12, v9, v17;
	v8 =	vsel vm13, v8, v18  }
0x1dc: {  	v24 =	vsel vm0, $0xFF800000, v25;
	v9 =	vsel vm13, v9, v19;
	v8 =	vsel vm14, v8, v20  }
0x1dd: {  	[tilespmem:s16+$0x0] =	vst v24;
	v9 =	vsel vm14, v9, v21;
	v8 =	vsel vm15, v8, v22  }
0x1de: {  	v9 =	vsel vm15, v9, v23;
	[tilespmem:$0x100] =	vst v8  }
0x1df: {  	s31 =	simm.s32 $0x100;
	[tilespmem:$0x180] =	vst v9  }
0x1e0: {  	[spmem:s11] =	stream.linear.scatter [tilespmem:s31], [sflag:$0x2], $0x10, $0x38;
	[tilespmem:$0x44A8] =	vst v63  }
0x1e1: {  	s11 =	simm.s32 $0x2  }
0x1e2: {  	_ =	swait.ge [sflag:s11], $0x10  }
0x1e3: {  	[sflag:s11] =	ssyncset.done $0x0  }
0x1e4: {  	p0 =	slt.u32 s2, $0x2;
	s12 =	simm.s32 $0x180;
	[sflag:s11] =	ssyncadd.s32 $0xFFFFFFF0  }
0x1e5: {  	[spmem:s15] =	stream.linear.scatter [tilespmem:s12], [sflag:$0x2], $0x10, $0x38;
	[tilespmem:$0x44A8] =	vst v63  }
.Ltmp17:
0x1e6: {  	_ =	swait.ge [sflag:s11], $0x10;
	(pc) =	sbr.rel @!p0 .LBB2_34-.Ltmp17, $3  }
0x1e7: {  	[sflag:s11] =	ssyncset.done $0x0  }
0x1e8: {  	[sflag:s11] =	ssyncadd.s32 $0xFFFFFFF0  }
0x1e9: {  	[bflag:$0x0] =	sbarrier.arrive $0xFFFF;
	_ =	sdelay $0x1  }
0x1ea: {  	s15 =	simm.s32 $0x200  }
0x1eb: {  	[tilespmem:s15], [sflag:$0x2] =	stream.linear.gather [spmem:s14], $0x80, $0x38;
	[tilespmem:$0x44A8] =	vst v63  }
0x1ec: {  	_ =	swait.ge [sflag:s11], $0x80  }
0x1ed: {  	[sflag:s11] =	ssyncset.done $0x0  }
0x1ee: {  	s31 =	simm.s32 $0x280;
	[sflag:s11] =	ssyncadd.s32 $0xFFFFFF80  }
0x1ef: {  	[tilespmem:s31], [sflag:$0x2] =	stream.linear.gather [spmem:s13], $0x80, $0x38;
	[tilespmem:$0x44A8] =	vst v63  }
0x1f0: {  	_ =	swait.ge [sflag:s11], $0x80  }
0x1f1: {  	[sflag:s11] =	ssyncset.done $0x0  }
0x1f2: {  	[sflag:s11] =	ssyncadd.s32 $0xFFFFFF80  }
0x1f3: {  	v19 =	vld [tilespmem:$0x200]  }
0x1f4: {  	v20 =	vld [tilespmem:$0x280];
	_ =	sdelay $0x2  }
0x1f5: {  	v8 =	vld [tilespmem:$0x210]  }
0x1f6: {  	v9 =	vld [tilespmem:$0x290];
	vm0 =	vlt.f32 v19, $-Inf  }
0x1f7: {  	vm1 =	vgt.f32 v19, $-Inf;
	vm2 =	veq.f32 v19, $-Inf;
	vm3 =	vlt.s32 v20, $0x40000000  }
0x1f8: {  	vm0 =	vmor vm1, vm0;
	vm12 =	vmand vm2, vm3  }
0x1f9: {  	v18 =	vld [tilespmem:$0x220];
	vm0 =	vmor vm0, vm12  }
0x1fa: {  	v12 =	vld [tilespmem:$0x2A0];
	v10 =	vnsel vm0, $0xFF800000, v19;
	v11 =	vnsel vm0, $0x40000000, v20  }
0x1fb: {  	vm13 =	veq.f32 v8, v10;
	vm14 =	vlt.s32 v9, v11  }
0x1fc: {  	vm15 =	vgt.f32 v8, v10;
	vm0 =	vmand vm13, vm14  }
0x1fd: {  	v17 =	vld [tilespmem:$0x230];
	vm0 =	vmor vm15, vm0  }
0x1fe: {  	v40 =	vld [tilespmem:$0x2B0];
	v8 =	vsel vm0, v8, v10;
	v9 =	vsel vm0, v9, v11  }
0x1ff: {  	vm4 =	veq.f32 v18, v8;
	vm5 =	vlt.s32 v12, v9  }
0x200: {  	vm6 =	vgt.f32 v18, v8;
	vm0 =	vmand vm4, vm5  }
0x201: {  	v16 =	vld [tilespmem:$0x240];
	vm0 =	vmor vm6, vm0  }
0x202: {  	v41 =	vld [tilespmem:$0x2C0];
	v8 =	vsel vm0, v18, v8;
	v9 =	vsel vm0, v12, v9  }
0x203: {  	vm7 =	veq.f32 v17, v8;
	vm8 =	vlt.s32 v40, v9  }
0x204: {  	vm9 =	vgt.f32 v17, v8;
	vm0 =	vmand vm7, vm8  }
0x205: {  	v15 =	vld [tilespmem:$0x250];
	vm0 =	vmor vm9, vm0  }
0x206: {  	v42 =	vld [tilespmem:$0x2D0];
	v8 =	vsel vm0, v17, v8;
	v9 =	vsel vm0, v40, v9  }
0x207: {  	vm10 =	veq.f32 v16, v8;
	vm11 =	vlt.s32 v41, v9  }
0x208: {  	vm12 =	vgt.f32 v16, v8;
	vm0 =	vmand vm10, vm11  }
0x209: {  	v44 =	vimm.s32 $0xFEDCBA98;
	v45 =	vimm.s32 $0x76543210;
	v14 =	vld [tilespmem:$0x260];
	vm0 =	vmor vm12, vm0  }
0x20a: {  	v47 =	vimm.s32 $0xBA98FEDC;
	v43 =	vld [tilespmem:$0x2E0];
	v8 =	vsel vm0, v16, v8;
	v9 =	vsel vm0, v41, v9  }
0x20b: {  	v49 =	vimm.s32 $0x32107654;
	vm13 =	veq.f32 v15, v8;
	vm14 =	vlt.s32 v42, v9  }
0x20c: {  	v23 =	vimm.s32 $0xDCFE98BA;
	vm15 =	vgt.f32 v15, v8;
	vm0 =	vmand vm13, vm14  }
0x20d: {  	v24 =	vimm.s32 $0x54761032;
	v25 =	vimm.s32 $0xEFCDAB89;
	v13 =	vld [tilespmem:$0x270];
	vm0 =	vmor vm15, vm0  }
0x20e: {  	v46 =	vunpack.c.l.s4.s8 v45;
	v21 =	vld [tilespmem:$0x2F0];
	v8 =	vsel vm0, v15, v8;
	v9 =	vsel vm0, v42, v9  }
0x20f: {  	v10 =	vunpack.c.l.s4.s8 v44;
	vm4 =	veq.f32 v14, v8;
	vm5 =	vlt.s32 v43, v9  }
0x210: {  	v11 =	vunpack.c.l.s4.s8 v49;
	vm6 =	vgt.f32 v14, v8;
	vm0 =	vmand vm4, vm5  }
0x211: {  	v48 =	vunpack.c.l.s4.s8 v47;
	v10 =	vunpack.c.0.s8.s32 v10;
	vm0 =	vmor vm6, vm0  }
0x212: {  	v11 =	vunpack.c.0.s8.s32 v11;
	v22 =	vsel vm0, v14, v8;
	v9 =	vsel vm0, v43, v9  }
0x213: {  	v8 =	vunpack.c.0.s8.s32 v46;
	vm7 =	veq.f32 v13, v22;
	vm8 =	vlt.s32 v21, v9  }
0x214: {  	v10 =	vand.u32 $0xF, v10;
	vm9 =	vgt.f32 v13, v22;
	vm0 =	vmand vm7, vm8  }
0x215: {  	v8 =	vcombine.low v10, v8;
	v10 =	vunpack.c.0.s8.s32 v48;
	vm0 =	vmor vm9, vm0  }
0x216: {  	v23 =	vunpack.c.l.s4.s8 v23;
	v24 =	vunpack.c.l.s4.s8 v24;
	v22 =	vsel vm0, v13, v22  }
0x217: {  	v26 =	vimm.s32 $0x67452301;
	v10 =	vcombine.low v11, v10;
	v50 =	vperm.xlane v22, v8  }
0x218: {  	v51 =	vunpack.c.l.s4.s8 v25;
	v23 =	vunpack.c.0.s8.s32 v23;
	v24 =	vunpack.c.0.s8.s32 v24  }
0x219: {  	v52 =	vunpack.c.l.s4.s8 v26;
	v11 =	vand.u32 $0xF, v10;
	v12 =	vmax.f32 v22, v50  }
0x21a: {  	v23 =	vcombine.low v24, v23;
	v53 =	vperm.xlane v12, v11  }
0x21b: {  	v54 =	vunpack.c.0.s8.s32 v52;
	v10 =	vunpack.c.0.s8.s32 v51  }
0x21c: {  	v55 =	vmax.f32 v12, v53;
	v12 =	vand.u32 $0xF, v23  }
0x21d: {  	v10 =	vcombine.low v54, v10;
	v23 =	vperm.xlane v55, v12;
	_ =	sdelay $0x1  }
0x21e: {  	v10 =	vand.u32 $0xF, v10;
	v23 =	vmax.f32 v55, v23  }
0x21f: {  	v56 =	vperm.xlane v23, v10;
	_ =	sdelay $0x1  }
0x220: {  	v23 =	vmax.f32 v23, v56  }
0x221: {  	v9 =	vsel vm0, v21, v9;
	vm10 =	veq.f32 v22, v23  }
0x222: {  	v9 =	vnsel vm10, $0x40000000, v9  }
0x223: {  	v9 =	vsub.s32 $0x0, v9  }
0x224: {  	v57 =	vperm.xlane v9, v8;
	_ =	sdelay $0x1  }
0x225: {  	vm11 =	vgt.s32 v9, v57  }
0x226: {  	v9 =	vsel vm11, v9, v57  }
0x227: {  	v21 =	vperm.xlane v9, v11;
	_ =	sdelay $0x1  }
0x228: {  	vm0 =	vgt.s32 v9, v21  }
0x229: {  	v9 =	vsel vm0, v9, v21  }
0x22a: {  	v21 =	vperm.xlane v9, v12;
	_ =	sdelay $0x1  }
0x22b: {  	vm0 =	vgt.s32 v9, v21  }
0x22c: {  	v9 =	vsel vm0, v9, v21  }
0x22d: {  	v21 =	vperm.xlane v9, v10  }
0x22e: {  	v58 =	vld [tilespmem:$0x280]  }
0x22f: {  	vm0 =	vgt.s32 v9, v21  }
0x230: {  	v9 =	vsel vm0, v9, v21  }
0x231: {  	v59 =	vld [tilespmem:$0x290];
	v9 =	vsub.s32 $0x0, v9  }
0x232: {  	v60 =	vld [tilespmem:$0x210];
	vm12 =	veq.s32 v20, v9  }
0x233: {  	v61 =	vld [tilespmem:$0x290];
	vm15 =	vlt.s32 v58, $0x40000000;
	v19 =	vsel vm12, $0xFF800000, v19  }
0x234: {  	vm0 =	vlt.f32 v19, $-Inf;
	vm13 =	vgt.f32 v19, $-Inf;
	vm14 =	veq.f32 v19, $-Inf  }
0x235: {  	v62 =	vld [tilespmem:$0x2A0];
	vm0 =	vmor vm13, vm0;
	vm6 =	vmand vm14, vm15  }
0x236: {  	vm7 =	veq.s32 v59, v9;
	vm0 =	vmor vm0, vm6  }
0x237: {  	v31 =	vld [tilespmem:$0x2A0];
	v20 =	vsel vm7, $0xFF800000, v60;
	v63 =	vnsel vm0, $0xFF800000, v19;
	v30 =	vnsel vm0, $0x40000000, v58  }
0x238: {  	vm8 =	veq.f32 v20, v63;
	vm9 =	vlt.s32 v61, v30  }
0x239: {  	v27 =	vld [tilespmem:$0x2B0];
	vm2 =	vgt.f32 v20, v63;
	vm0 =	vmand vm8, vm9  }
0x23a: {  	vm10 =	veq.s32 v62, v9;
	vm0 =	vmor vm2, vm0  }
0x23b: {  	v32 =	vld [tilespmem:$0x2B0];
	v18 =	vsel vm10, $0xFF800000, v18;
	v22 =	vsel vm0, v20, v63;
	v23 =	vsel vm0, v61, v30  }
0x23c: {  	vm11 =	veq.f32 v18, v22;
	vm12 =	vlt.s32 v31, v23  }
0x23d: {  	v33 =	vld [tilespmem:$0x2C0];
	vm13 =	vgt.f32 v18, v22;
	vm0 =	vmand vm11, vm12  }
0x23e: {  	vm14 =	veq.s32 v27, v9;
	vm0 =	vmor vm13, vm0  }
0x23f: {  	v34 =	vld [tilespmem:$0x2C0];
	v17 =	vsel vm14, $0xFF800000, v17;
	v22 =	vsel vm0, v18, v22;
	v23 =	vsel vm0, v31, v23  }
0x240: {  	vm15 =	veq.f32 v17, v22;
	vm4 =	vlt.s32 v32, v23  }
0x241: {  	v35 =	vld [tilespmem:$0x2D0];
	vm5 =	vgt.f32 v17, v22;
	vm0 =	vmand vm15, vm4  }
0x242: {  	vm6 =	veq.s32 v33, v9;
	vm0 =	vmor vm5, vm0  }
0x243: {  	v36 =	vld [tilespmem:$0x2D0];
	v16 =	vsel vm6, $0xFF800000, v16;
	v22 =	vsel vm0, v17, v22;
	v23 =	vsel vm0, v32, v23  }
0x244: {  	vm7 =	veq.f32 v16, v22;
	vm8 =	vlt.s32 v34, v23  }
0x245: {  	v37 =	vld [tilespmem:$0x2E0];
	vm9 =	vgt.f32 v16, v22;
	vm0 =	vmand vm7, vm8  }
0x246: {  	vm10 =	veq.s32 v35, v9;
	vm0 =	vmor vm9, vm0  }
0x247: {  	v40 =	vld [tilespmem:$0x2E0];
	v27 =	vsel vm10, $0xFF800000, v15;
	v38 =	vsel vm0, v16, v22;
	v39 =	vsel vm0, v34, v23  }
0x248: {  	vm11 =	veq.f32 v27, v38;
	vm12 =	vlt.s32 v36, v39  }
0x249: {  	v41 =	vld [tilespmem:$0x2F0];
	vm13 =	vgt.f32 v27, v38;
	vm0 =	vmand vm11, vm12  }
0x24a: {  	vm14 =	veq.s32 v37, v9;
	vm0 =	vmor vm13, vm0  }
0x24b: {  	v42 =	vld [tilespmem:$0x2F0];
	v14 =	vsel vm14, $0xFF800000, v14;
	v15 =	vsel vm0, v27, v38;
	v22 =	vsel vm0, v36, v39  }
0x24c: {  	vm15 =	veq.f32 v14, v15;
	vm4 =	vlt.s32 v40, v22  }
0x24d: {  	vm5 =	vgt.f32 v14, v15;
	vm0 =	vmand vm15, vm4  }
0x24e: {  	vm6 =	veq.s32 v41, v9;
	vm0 =	vmor vm5, vm0  }
0x24f: {  	v43 =	vsel vm6, $0xFF800000, v13;
	v44 =	vsel vm0, v14, v15;
	v45 =	vsel vm0, v40, v22  }
0x250: {  	vm7 =	veq.f32 v43, v44;
	vm8 =	vlt.s32 v42, v45  }
0x251: {  	vm9 =	vgt.f32 v43, v44;
	vm0 =	vmand vm7, vm8  }
0x252: {  	vm0 =	vmor vm9, vm0  }
0x253: {  	v13 =	vsel vm0, v43, v44  }
0x254: {  	v46 =	vperm.xlane v13, v8;
	_ =	sdelay $0x1  }
0x255: {  	v22 =	vmax.f32 v13, v46  }
0x256: {  	v47 =	vperm.xlane v22, v11;
	_ =	sdelay $0x1  }
0x257: {  	v22 =	vmax.f32 v22, v47  }
0x258: {  	v23 =	vperm.xlane v22, v12;
	_ =	sdelay $0x1  }
0x259: {  	v22 =	vmax.f32 v22, v23  }
0x25a: {  	v23 =	vperm.xlane v22, v10;
	_ =	sdelay $0x1  }
0x25b: {  	v22 =	vmax.f32 v22, v23  }
0x25c: {  	v15 =	vsel vm0, v42, v45;
	vm10 =	veq.f32 v13, v22  }
0x25d: {  	v13 =	vnsel vm10, $0x40000000, v15  }
0x25e: {  	v13 =	vsub.s32 $0x0, v13  }
0x25f: {  	v48 =	vperm.xlane v13, v8;
	_ =	sdelay $0x1  }
0x260: {  	vm11 =	vgt.s32 v13, v48  }
0x261: {  	v13 =	vsel vm11, v13, v48  }
0x262: {  	v15 =	vperm.xlane v13, v11;
	_ =	sdelay $0x1  }
0x263: {  	vm0 =	vgt.s32 v13, v15  }
0x264: {  	v13 =	vsel vm0, v13, v15  }
0x265: {  	v15 =	vperm.xlane v13, v12;
	_ =	sdelay $0x1  }
0x266: {  	vm0 =	vgt.s32 v13, v15  }
0x267: {  	v13 =	vsel vm0, v13, v15  }
0x268: {  	v49 =	vld [tilespmem:$0x280];
	[tilespmem:$0x200] =	vst v19;
	v15 =	vperm.xlane v13, v10  }
0x269: {  	v19 =	vld [tilespmem:$0x200]  }
0x26a: {  	vm0 =	vgt.s32 v13, v15  }
0x26b: {  	v13 =	vsel vm0, v13, v15  }
0x26c: {  	v50 =	vld [tilespmem:$0x290];
	[tilespmem:$0x210] =	vst v20;
	v13 =	vsub.s32 $0x0, v13  }
0x26d: {  	v51 =	vld [tilespmem:$0x210];
	vm12 =	veq.s32 v58, v13  }
0x26e: {  	v52 =	vld [tilespmem:$0x290];
	vm15 =	vlt.s32 v49, $0x40000000;
	v19 =	vsel vm12, $0xFF800000, v19  }
0x26f: {  	vm0 =	vlt.f32 v19, $-Inf;
	vm13 =	vgt.f32 v19, $-Inf;
	vm14 =	veq.f32 v19, $-Inf  }
0x270: {  	v53 =	vld [tilespmem:$0x2A0];
	[tilespmem:$0x220] =	vst v18;
	vm0 =	vmor vm13, vm0;
	vm6 =	vmand vm14, vm15  }
0x271: {  	v54 =	vld [tilespmem:$0x220];
	vm7 =	veq.s32 v50, v13;
	vm0 =	vmor vm0, vm6  }
0x272: {  	v57 =	vld [tilespmem:$0x2A0];
	v21 =	vsel vm7, $0xFF800000, v51;
	v55 =	vnsel vm0, $0xFF800000, v19;
	v56 =	vnsel vm0, $0x40000000, v49  }
0x273: {  	vm8 =	veq.f32 v21, v55;
	vm9 =	vlt.s32 v52, v56  }
0x274: {  	[tilespmem:$0x230] =	vst v17;
	v58 =	vld [tilespmem:$0x2B0];
	vm2 =	vgt.f32 v21, v55;
	vm0 =	vmand vm8, vm9  }
0x275: {  	v59 =	vld [tilespmem:$0x230];
	vm10 =	veq.s32 v53, v13;
	vm0 =	vmor vm2, vm0  }
0x276: {  	v60 =	vld [tilespmem:$0x2B0];
	v20 =	vsel vm10, $0xFF800000, v54;
	v23 =	vsel vm0, v21, v55;
	v22 =	vsel vm0, v52, v56  }
0x277: {  	vm11 =	veq.f32 v20, v23;
	vm12 =	vlt.s32 v57, v22  }
0x278: {  	[tilespmem:$0x240] =	vst v16;
	v61 =	vld [tilespmem:$0x2C0];
	vm13 =	vgt.f32 v20, v23;
	vm0 =	vmand vm11, vm12  }
0x279: {  	v62 =	vld [tilespmem:$0x240];
	vm14 =	veq.s32 v58, v13;
	vm0 =	vmor vm13, vm0  }
0x27a: {  	v63 =	vld [tilespmem:$0x2C0];
	v18 =	vsel vm14, $0xFF800000, v59;
	v23 =	vsel vm0, v20, v23;
	v22 =	vsel vm0, v57, v22  }
0x27b: {  	vm15 =	veq.f32 v18, v23;
	vm4 =	vlt.s32 v60, v22  }
0x27c: {  	[tilespmem:$0x250] =	vst v27;
	v30 =	vld [tilespmem:$0x2D0];
	vm5 =	vgt.f32 v18, v23;
	vm0 =	vmand vm15, vm4  }
0x27d: {  	v31 =	vld [tilespmem:$0x250];
	vm6 =	veq.s32 v61, v13;
	vm0 =	vmor vm5, vm0  }
0x27e: {  	v32 =	vld [tilespmem:$0x2D0];
	v17 =	vsel vm6, $0xFF800000, v62;
	v23 =	vsel vm0, v18, v23;
	v22 =	vsel vm0, v60, v22  }
0x27f: {  	vm7 =	veq.f32 v17, v23;
	vm8 =	vlt.s32 v63, v22  }
0x280: {  	v33 =	vld [tilespmem:$0x2E0];
	[tilespmem:$0x260] =	vst v14;
	vm9 =	vgt.f32 v17, v23;
	vm0 =	vmand vm7, vm8  }
0x281: {  	v34 =	vld [tilespmem:$0x260];
	vm10 =	veq.s32 v30, v13;
	vm0 =	vmor vm9, vm0  }
0x282: {  	v36 =	vld [tilespmem:$0x2E0];
	v28 =	vsel vm10, $0xFF800000, v31;
	v35 =	vsel vm0, v17, v23;
	v22 =	vsel vm0, v63, v22  }
0x283: {  	vm11 =	veq.f32 v28, v35;
	vm12 =	vlt.s32 v32, v22  }
0x284: {  	v37 =	vld [tilespmem:$0x2F0];
	[tilespmem:$0x270] =	vst v43;
	vm13 =	vgt.f32 v28, v35;
	vm0 =	vmand vm11, vm12  }
0x285: {  	v38 =	vld [tilespmem:$0x270];
	vm14 =	veq.s32 v33, v13;
	vm0 =	vmor vm13, vm0  }
0x286: {  	v40 =	vld [tilespmem:$0x2F0];
	v39 =	vsel vm14, $0xFF800000, v34;
	v16 =	vsel vm0, v28, v35;
	v22 =	vsel vm0, v32, v22  }
0x287: {  	vm15 =	veq.f32 v39, v16;
	vm4 =	vlt.s32 v36, v22  }
0x288: {  	vm5 =	vgt.f32 v39, v16;
	vm0 =	vmand vm15, vm4  }
0x289: {  	vm6 =	veq.s32 v37, v13;
	vm0 =	vmor vm5, vm0  }
0x28a: {  	v25 =	vsel vm6, $0xFF800000, v38;
	v41 =	vsel vm0, v39, v16;
	v42 =	vsel vm0, v36, v22  }
0x28b: {  	vm7 =	veq.f32 v25, v41;
	vm8 =	vlt.s32 v40, v42  }
0x28c: {  	vm9 =	vgt.f32 v25, v41;
	vm0 =	vmand vm7, vm8  }
0x28d: {  	vm0 =	vmor vm9, vm0  }
0x28e: {  	v14 =	vsel vm0, v25, v41  }
0x28f: {  	v43 =	vperm.xlane v14, v8;
	_ =	sdelay $0x1  }
0x290: {  	v22 =	vmax.f32 v14, v43  }
0x291: {  	v44 =	vperm.xlane v22, v11;
	_ =	sdelay $0x1  }
0x292: {  	v22 =	vmax.f32 v22, v44  }
0x293: {  	v23 =	vperm.xlane v22, v12;
	_ =	sdelay $0x1  }
0x294: {  	v22 =	vmax.f32 v22, v23  }
0x295: {  	v23 =	vperm.xlane v22, v10;
	_ =	sdelay $0x1  }
0x296: {  	v22 =	vmax.f32 v22, v23  }
0x297: {  	v16 =	vsel vm0, v40, v42;
	vm10 =	veq.f32 v14, v22  }
0x298: {  	v14 =	vnsel vm10, $0x40000000, v16  }
0x299: {  	v14 =	vsub.s32 $0x0, v14  }
0x29a: {  	v45 =	vperm.xlane v14, v8;
	_ =	sdelay $0x1  }
0x29b: {  	vm11 =	vgt.s32 v14, v45  }
0x29c: {  	v14 =	vsel vm11, v14, v45  }
0x29d: {  	v16 =	vperm.xlane v14, v11;
	_ =	sdelay $0x1  }
0x29e: {  	vm0 =	vgt.s32 v14, v16  }
0x29f: {  	v14 =	vsel vm0, v14, v16  }
0x2a0: {  	v16 =	vperm.xlane v14, v12;
	_ =	sdelay $0x1  }
0x2a1: {  	vm0 =	vgt.s32 v14, v16  }
0x2a2: {  	v14 =	vsel vm0, v14, v16  }
0x2a3: {  	v46 =	vld [tilespmem:$0x280];
	[tilespmem:$0x200] =	vst v19;
	v16 =	vperm.xlane v14, v10  }
0x2a4: {  	v19 =	vld [tilespmem:$0x200]  }
0x2a5: {  	vm0 =	vgt.s32 v14, v16  }
0x2a6: {  	v14 =	vsel vm0, v14, v16  }
0x2a7: {  	v47 =	vld [tilespmem:$0x290];
	[tilespmem:$0x210] =	vst v21;
	v14 =	vsub.s32 $0x0, v14  }
0x2a8: {  	v21 =	vld [tilespmem:$0x210];
	vm12 =	veq.s32 v49, v14  }
0x2a9: {  	v48 =	vld [tilespmem:$0x290];
	vm15 =	vlt.s32 v46, $0x40000000;
	v19 =	vsel vm12, $0xFF800000, v19  }
0x2aa: {  	vm0 =	vlt.f32 v19, $-Inf;
	vm13 =	vgt.f32 v19, $-Inf;
	vm14 =	veq.f32 v19, $-Inf  }
0x2ab: {  	[tilespmem:$0x220] =	vst v20;
	v49 =	vld [tilespmem:$0x2A0];
	vm0 =	vmor vm13, vm0;
	vm6 =	vmand vm14, vm15  }
0x2ac: {  	v50 =	vld [tilespmem:$0x220];
	vm7 =	veq.s32 v47, v14;
	vm0 =	vmor vm0, vm6  }
0x2ad: {  	v53 =	vld [tilespmem:$0x2A0];
	v21 =	vsel vm7, $0xFF800000, v21;
	v51 =	vnsel vm0, $0xFF800000, v19;
	v52 =	vnsel vm0, $0x40000000, v46  }
0x2ae: {  	vm8 =	veq.f32 v21, v51;
	vm9 =	vlt.s32 v48, v52  }
0x2af: {  	v54 =	vld [tilespmem:$0x2B0];
	[tilespmem:$0x230] =	vst v18;
	vm2 =	vgt.f32 v21, v51;
	vm0 =	vmand vm8, vm9  }
0x2b0: {  	v55 =	vld [tilespmem:$0x230];
	vm10 =	veq.s32 v49, v14;
	vm0 =	vmor vm2, vm0  }
0x2b1: {  	v57 =	vld [tilespmem:$0x2B0];
	v29 =	vsel vm10, $0xFF800000, v50;
	v56 =	vsel vm0, v21, v51;
	v22 =	vsel vm0, v48, v52  }
0x2b2: {  	vm11 =	veq.f32 v29, v56;
	vm12 =	vlt.s32 v53, v22  }
0x2b3: {  	v58 =	vld [tilespmem:$0x2C0];
	[tilespmem:$0x240] =	vst v17;
	vm13 =	vgt.f32 v29, v56;
	vm0 =	vmand vm11, vm12  }
0x2b4: {  	v59 =	vld [tilespmem:$0x240];
	vm14 =	veq.s32 v54, v14;
	vm0 =	vmor vm13, vm0  }
0x2b5: {  	v60 =	vld [tilespmem:$0x2C0];
	v20 =	vsel vm14, $0xFF800000, v55;
	v15 =	vsel vm0, v29, v56;
	v22 =	vsel vm0, v53, v22  }
0x2b6: {  	vm15 =	veq.f32 v20, v15;
	vm4 =	vlt.s32 v57, v22  }
0x2b7: {  	[tilespmem:$0x250] =	vst v28;
	v61 =	vld [tilespmem:$0x2D0];
	vm5 =	vgt.f32 v20, v15;
	vm0 =	vmand vm15, vm4  }
0x2b8: {  	v62 =	vld [tilespmem:$0x250];
	vm6 =	veq.s32 v58, v14;
	vm0 =	vmor vm5, vm0  }
0x2b9: {  	v63 =	vld [tilespmem:$0x2D0];
	v18 =	vsel vm6, $0xFF800000, v59;
	v15 =	vsel vm0, v20, v15;
	v22 =	vsel vm0, v57, v22  }
0x2ba: {  	vm7 =	veq.f32 v18, v15;
	vm8 =	vlt.s32 v60, v22  }
0x2bb: {  	[tilespmem:$0x260] =	vst v39;
	v32 =	vld [tilespmem:$0x2E0];
	vm9 =	vgt.f32 v18, v15;
	vm0 =	vmand vm7, vm8  }
0x2bc: {  	v33 =	vld [tilespmem:$0x260];
	vm10 =	veq.s32 v61, v14;
	vm0 =	vmor vm9, vm0  }
0x2bd: {  	v36 =	vld [tilespmem:$0x2E0];
	v34 =	vsel vm10, $0xFF800000, v62;
	v15 =	vsel vm0, v18, v15;
	v35 =	vsel vm0, v60, v22  }
0x2be: {  	vm11 =	veq.f32 v34, v15;
	vm12 =	vlt.s32 v63, v35  }
0x2bf: {  	v37 =	vld [tilespmem:$0x2F0];
	[tilespmem:$0x270] =	vst v25;
	vm13 =	vgt.f32 v34, v15;
	vm0 =	vmand vm11, vm12  }
0x2c0: {  	v25 =	vld [tilespmem:$0x270];
	vm14 =	veq.s32 v32, v14;
	vm0 =	vmor vm13, vm0  }
0x2c1: {  	v38 =	vld [tilespmem:$0x2F0];
	v26 =	vsel vm14, $0xFF800000, v33;
	v15 =	vsel vm0, v34, v15;
	v17 =	vsel vm0, v63, v35  }
0x2c2: {  	vm15 =	veq.f32 v26, v15;
	vm4 =	vlt.s32 v36, v17  }
0x2c3: {  	vm5 =	vgt.f32 v26, v15;
	vm0 =	vmand vm15, vm4  }
0x2c4: {  	vm6 =	veq.s32 v37, v14;
	vm0 =	vmor vm5, vm0  }
0x2c5: {  	v24 =	vsel vm6, $0xFF800000, v25;
	v15 =	vsel vm0, v26, v15;
	v17 =	vsel vm0, v36, v17  }
0x2c6: {  	vm7 =	veq.f32 v24, v15;
	vm8 =	vlt.s32 v38, v17  }
0x2c7: {  	vm9 =	vgt.f32 v24, v15;
	vm0 =	vmand vm7, vm8  }
0x2c8: {  	vm0 =	vmor vm9, vm0  }
0x2c9: {  	v15 =	vsel vm0, v24, v15  }
0x2ca: {  	v39 =	vperm.xlane v15, v8;
	_ =	sdelay $0x1  }
0x2cb: {  	v22 =	vmax.f32 v15, v39  }
0x2cc: {  	v40 =	vperm.xlane v22, v11;
	_ =	sdelay $0x1  }
0x2cd: {  	v22 =	vmax.f32 v22, v40  }
0x2ce: {  	v25 =	vperm.xlane v22, v12;
	_ =	sdelay $0x1  }
0x2cf: {  	v22 =	vmax.f32 v22, v25  }
0x2d0: {  	v25 =	vperm.xlane v22, v10;
	_ =	sdelay $0x1  }
0x2d1: {  	v22 =	vmax.f32 v22, v25  }
0x2d2: {  	v17 =	vsel vm0, v38, v17;
	vm10 =	veq.f32 v15, v22  }
0x2d3: {  	v15 =	vnsel vm10, $0x40000000, v17  }
0x2d4: {  	v15 =	vsub.s32 $0x0, v15  }
0x2d5: {  	v41 =	vperm.xlane v15, v8;
	_ =	sdelay $0x1  }
0x2d6: {  	vm11 =	vgt.s32 v15, v41  }
0x2d7: {  	v15 =	vsel vm11, v15, v41  }
0x2d8: {  	v17 =	vperm.xlane v15, v11;
	_ =	sdelay $0x1  }
0x2d9: {  	vm0 =	vgt.s32 v15, v17  }
0x2da: {  	v15 =	vsel vm0, v15, v17  }
0x2db: {  	v17 =	vperm.xlane v15, v12;
	_ =	sdelay $0x1  }
0x2dc: {  	vm0 =	vgt.s32 v15, v17  }
0x2dd: {  	v15 =	vsel vm0, v15, v17  }
0x2de: {  	v42 =	vld [tilespmem:$0x280];
	[tilespmem:$0x200] =	vst v19;
	v17 =	vperm.xlane v15, v10  }
0x2df: {  	v19 =	vld [tilespmem:$0x200]  }
0x2e0: {  	vm0 =	vgt.s32 v15, v17  }
0x2e1: {  	v15 =	vsel vm0, v15, v17  }
0x2e2: {  	v43 =	vld [tilespmem:$0x290];
	[tilespmem:$0x210] =	vst v21;
	v15 =	vsub.s32 $0x0, v15  }
0x2e3: {  	v21 =	vld [tilespmem:$0x210];
	vm12 =	veq.s32 v46, v15  }
0x2e4: {  	v44 =	vld [tilespmem:$0x290];
	vm15 =	vlt.s32 v42, $0x40000000;
	v19 =	vsel vm12, $0xFF800000, v19  }
0x2e5: {  	vm0 =	vlt.f32 v19, $-Inf;
	vm13 =	vgt.f32 v19, $-Inf;
	vm14 =	veq.f32 v19, $-Inf  }
0x2e6: {  	v45 =	vld [tilespmem:$0x2A0];
	[tilespmem:$0x220] =	vst v29;
	vm0 =	vmor vm13, vm0;
	vm6 =	vmand vm14, vm15  }
0x2e7: {  	vm7 =	veq.s32 v43, v15;
	v46 =	vld [tilespmem:$0x220];
	vm0 =	vmor vm0, vm6  }
0x2e8: {  	v49 =	vld [tilespmem:$0x2A0];
	v21 =	vsel vm7, $0xFF800000, v21;
	v47 =	vnsel vm0, $0xFF800000, v19;
	v48 =	vnsel vm0, $0x40000000, v42  }
0x2e9: {  	vm8 =	veq.f32 v21, v47;
	vm9 =	vlt.s32 v44, v48  }
0x2ea: {  	[tilespmem:$0x230] =	vst v20;
	v50 =	vld [tilespmem:$0x2B0];
	vm2 =	vgt.f32 v21, v47;
	vm0 =	vmand vm8, vm9  }
0x2eb: {  	v51 =	vld [tilespmem:$0x230];
	vm10 =	veq.s32 v45, v15;
	vm0 =	vmor vm2, vm0  }
0x2ec: {  	v53 =	vld [tilespmem:$0x2B0];
	v30 =	vsel vm10, $0xFF800000, v46;
	v52 =	vsel vm0, v21, v47;
	v22 =	vsel vm0, v44, v48  }
0x2ed: {  	vm11 =	veq.f32 v30, v52;
	vm12 =	vlt.s32 v49, v22  }
0x2ee: {  	v54 =	vld [tilespmem:$0x2C0];
	[tilespmem:$0x240] =	vst v18;
	vm13 =	vgt.f32 v30, v52;
	vm0 =	vmand vm11, vm12  }
0x2ef: {  	v55 =	vld [tilespmem:$0x240];
	vm14 =	veq.s32 v50, v15;
	vm0 =	vmor vm13, vm0  }
0x2f0: {  	v56 =	vld [tilespmem:$0x2C0];
	v23 =	vsel vm14, $0xFF800000, v51;
	v16 =	vsel vm0, v30, v52;
	v22 =	vsel vm0, v49, v22  }
0x2f1: {  	vm15 =	veq.f32 v23, v16;
	vm4 =	vlt.s32 v53, v22  }
0x2f2: {  	[tilespmem:$0x250] =	vst v34;
	v57 =	vld [tilespmem:$0x2D0];
	vm5 =	vgt.f32 v23, v16;
	vm0 =	vmand vm15, vm4  }
0x2f3: {  	v58 =	vld [tilespmem:$0x250];
	vm6 =	veq.s32 v54, v15;
	vm0 =	vmor vm5, vm0  }
0x2f4: {  	v59 =	vld [tilespmem:$0x2D0];
	v20 =	vsel vm6, $0xFF800000, v55;
	v16 =	vsel vm0, v23, v16;
	v22 =	vsel vm0, v53, v22  }
0x2f5: {  	vm7 =	veq.f32 v20, v16;
	vm8 =	vlt.s32 v56, v22  }
0x2f6: {  	[tilespmem:$0x260] =	vst v26;
	v60 =	vld [tilespmem:$0x2E0];
	vm9 =	vgt.f32 v20, v16;
	vm0 =	vmand vm7, vm8  }
0x2f7: {  	v61 =	vld [tilespmem:$0x260];
	vm10 =	veq.s32 v57, v15;
	vm0 =	vmor vm9, vm0  }
0x2f8: {  	v31 =	vld [tilespmem:$0x2E0];
	v62 =	vsel vm10, $0xFF800000, v58;
	v16 =	vsel vm0, v20, v16;
	v63 =	vsel vm0, v56, v22  }
0x2f9: {  	vm11 =	veq.f32 v62, v16;
	vm12 =	vlt.s32 v59, v63  }
0x2fa: {  	v32 =	vld [tilespmem:$0x2F0];
	[tilespmem:$0x270] =	vst v24;
	vm13 =	vgt.f32 v62, v16;
	vm0 =	vmand vm11, vm12  }
0x2fb: {  	v33 =	vld [tilespmem:$0x270];
	vm14 =	veq.s32 v60, v15;
	vm0 =	vmor vm13, vm0  }
0x2fc: {  	v35 =	vld [tilespmem:$0x2F0];
	v34 =	vsel vm14, $0xFF800000, v61;
	v16 =	vsel vm0, v62, v16;
	v18 =	vsel vm0, v59, v63  }
0x2fd: {  	vm15 =	veq.f32 v34, v16;
	vm4 =	vlt.s32 v31, v18  }
0x2fe: {  	vm5 =	vgt.f32 v34, v16;
	vm0 =	vmand vm15, vm4  }
0x2ff: {  	vm6 =	veq.s32 v32, v15;
	vm0 =	vmor vm5, vm0  }
0x300: {  	v24 =	vsel vm6, $0xFF800000, v33;
	v16 =	vsel vm0, v34, v16;
	v18 =	vsel vm0, v31, v18  }
0x301: {  	vm7 =	veq.f32 v24, v16;
	vm8 =	vlt.s32 v35, v18  }
0x302: {  	vm9 =	vgt.f32 v24, v16;
	vm0 =	vmand vm7, vm8  }
0x303: {  	vm0 =	vmor vm9, vm0  }
0x304: {  	v16 =	vsel vm0, v24, v16  }
0x305: {  	v36 =	vperm.xlane v16, v8;
	_ =	sdelay $0x1  }
0x306: {  	v22 =	vmax.f32 v16, v36  }
0x307: {  	v37 =	vperm.xlane v22, v11;
	_ =	sdelay $0x1  }
0x308: {  	v22 =	vmax.f32 v22, v37  }
0x309: {  	v26 =	vperm.xlane v22, v12;
	_ =	sdelay $0x1  }
0x30a: {  	v22 =	vmax.f32 v22, v26  }
0x30b: {  	v26 =	vperm.xlane v22, v10;
	_ =	sdelay $0x1  }
0x30c: {  	v22 =	vmax.f32 v22, v26  }
0x30d: {  	v18 =	vsel vm0, v35, v18;
	vm10 =	veq.f32 v16, v22  }
0x30e: {  	v16 =	vnsel vm10, $0x40000000, v18  }
0x30f: {  	v16 =	vsub.s32 $0x0, v16  }
0x310: {  	v38 =	vperm.xlane v16, v8;
	_ =	sdelay $0x1  }
0x311: {  	vm11 =	vgt.s32 v16, v38  }
0x312: {  	v16 =	vsel vm11, v16, v38  }
0x313: {  	v18 =	vperm.xlane v16, v11;
	_ =	sdelay $0x1  }
0x314: {  	vm0 =	vgt.s32 v16, v18  }
0x315: {  	v16 =	vsel vm0, v16, v18  }
0x316: {  	v18 =	vperm.xlane v16, v12;
	_ =	sdelay $0x1  }
0x317: {  	vm0 =	vgt.s32 v16, v18  }
0x318: {  	v16 =	vsel vm0, v16, v18  }
0x319: {  	[tilespmem:$0x200] =	vst v19;
	v18 =	vperm.xlane v16, v10  }
0x31a: {  	v19 =	vld [tilespmem:$0x200]  }
0x31b: {  	vm0 =	vgt.s32 v16, v18  }
0x31c: {  	v16 =	vsel vm0, v16, v18;
	v18 =	vld [tilespmem:$0x280]  }
0x31d: {  	v16 =	vsub.s32 $0x0, v16  }
0x31e: {  	v39 =	vld [tilespmem:$0x290];
	[tilespmem:$0x210] =	vst v21;
	vm12 =	veq.s32 v42, v16  }
0x31f: {  	v21 =	vld [tilespmem:$0x210];
	v19 =	vsel vm12, $0xFF800000, v19  }
0x320: {  	v40 =	vld [tilespmem:$0x290];
	vm0 =	vlt.f32 v19, $-Inf  }
0x321: {  	vm13 =	vgt.f32 v19, $-Inf;
	vm14 =	veq.f32 v19, $-Inf;
	vm15 =	vlt.s32 v18, $0x40000000  }
0x322: {  	v41 =	vld [tilespmem:$0x2A0];
	[tilespmem:$0x220] =	vst v30;
	vm0 =	vmor vm13, vm0;
	vm6 =	vmand vm14, vm15  }
0x323: {  	vm7 =	veq.s32 v39, v16;
	v42 =	vld [tilespmem:$0x220];
	vm0 =	vmor vm0, vm6  }
0x324: {  	v45 =	vld [tilespmem:$0x2A0];
	v21 =	vsel vm7, $0xFF800000, v21;
	v43 =	vnsel vm0, $0xFF800000, v19;
	v44 =	vnsel vm0, $0x40000000, v18  }
0x325: {  	vm8 =	veq.f32 v21, v43;
	vm9 =	vlt.s32 v40, v44  }
0x326: {  	[tilespmem:$0x230] =	vst v23;
	v46 =	vld [tilespmem:$0x2B0];
	vm2 =	vgt.f32 v21, v43;
	vm0 =	vmand vm8, vm9  }
0x327: {  	v47 =	vld [tilespmem:$0x230];
	vm10 =	veq.s32 v41, v16;
	vm0 =	vmor vm2, vm0  }
0x328: {  	v49 =	vld [tilespmem:$0x2B0];
	v31 =	vsel vm10, $0xFF800000, v42;
	v48 =	vsel vm0, v21, v43;
	v22 =	vsel vm0, v40, v44  }
0x329: {  	vm11 =	veq.f32 v31, v48;
	vm12 =	vlt.s32 v45, v22  }
0x32a: {  	v50 =	vld [tilespmem:$0x2C0];
	[tilespmem:$0x240] =	vst v20;
	vm13 =	vgt.f32 v31, v48;
	vm0 =	vmand vm11, vm12  }
0x32b: {  	v51 =	vld [tilespmem:$0x240];
	vm14 =	veq.s32 v46, v16;
	vm0 =	vmor vm13, vm0  }
0x32c: {  	v52 =	vld [tilespmem:$0x2C0];
	v25 =	vsel vm14, $0xFF800000, v47;
	v17 =	vsel vm0, v31, v48;
	v22 =	vsel vm0, v45, v22  }
0x32d: {  	vm15 =	veq.f32 v25, v17;
	vm4 =	vlt.s32 v49, v22  }
0x32e: {  	[tilespmem:$0x250] =	vst v62;
	v53 =	vld [tilespmem:$0x2D0];
	vm5 =	vgt.f32 v25, v17;
	vm0 =	vmand vm15, vm4  }
0x32f: {  	v54 =	vld [tilespmem:$0x250];
	vm6 =	veq.s32 v50, v16;
	vm0 =	vmor vm5, vm0  }
0x330: {  	v55 =	vld [tilespmem:$0x2D0];
	v23 =	vsel vm6, $0xFF800000, v51;
	v17 =	vsel vm0, v25, v17;
	v22 =	vsel vm0, v49, v22  }
0x331: {  	vm7 =	veq.f32 v23, v17;
	vm8 =	vlt.s32 v52, v22  }
0x332: {  	[tilespmem:$0x260] =	vst v34;
	v56 =	vld [tilespmem:$0x2E0];
	vm9 =	vgt.f32 v23, v17;
	vm0 =	vmand vm7, vm8  }
0x333: {  	v57 =	vld [tilespmem:$0x260];
	vm10 =	veq.s32 v53, v16;
	vm0 =	vmor vm9, vm0  }
0x334: {  	v60 =	vld [tilespmem:$0x2E0];
	v58 =	vsel vm10, $0xFF800000, v54;
	v17 =	vsel vm0, v23, v17;
	v59 =	vsel vm0, v52, v22  }
0x335: {  	vm11 =	veq.f32 v58, v17;
	vm12 =	vlt.s32 v55, v59  }
0x336: {  	v61 =	vld [tilespmem:$0x2F0];
	[tilespmem:$0x270] =	vst v24;
	vm13 =	vgt.f32 v58, v17;
	vm0 =	vmand vm11, vm12  }
0x337: {  	v62 =	vld [tilespmem:$0x270];
	vm14 =	veq.s32 v56, v16;
	vm0 =	vmor vm13, vm0  }
0x338: {  	v33 =	vld [tilespmem:$0x2F0];
	v63 =	vsel vm14, $0xFF800000, v57;
	v17 =	vsel vm0, v58, v17;
	v20 =	vsel vm0, v55, v59  }
0x339: {  	vm15 =	veq.f32 v63, v17;
	vm4 =	vlt.s32 v60, v20  }
0x33a: {  	vm5 =	vgt.f32 v63, v17;
	vm0 =	vmand vm15, vm4  }
0x33b: {  	vm6 =	veq.s32 v61, v16;
	vm0 =	vmor vm5, vm0  }
0x33c: {  	v24 =	vsel vm6, $0xFF800000, v62;
	v17 =	vsel vm0, v63, v17;
	v20 =	vsel vm0, v60, v20  }
0x33d: {  	vm7 =	veq.f32 v24, v17;
	vm8 =	vlt.s32 v33, v20  }
0x33e: {  	vm9 =	vgt.f32 v24, v17;
	vm0 =	vmand vm7, vm8  }
0x33f: {  	vm0 =	vmor vm9, vm0  }
0x340: {  	v17 =	vsel vm0, v24, v17  }
0x341: {  	v34 =	vperm.xlane v17, v8;
	_ =	sdelay $0x1  }
0x342: {  	v22 =	vmax.f32 v17, v34  }
0x343: {  	v35 =	vperm.xlane v22, v11;
	_ =	sdelay $0x1  }
0x344: {  	v22 =	vmax.f32 v22, v35  }
0x345: {  	v27 =	vperm.xlane v22, v12;
	_ =	sdelay $0x1  }
0x346: {  	v22 =	vmax.f32 v22, v27  }
0x347: {  	v27 =	vperm.xlane v22, v10;
	_ =	sdelay $0x1  }
0x348: {  	v22 =	vmax.f32 v22, v27  }
0x349: {  	v20 =	vsel vm0, v33, v20;
	vm10 =	veq.f32 v17, v22  }
0x34a: {  	v17 =	vnsel vm10, $0x40000000, v20  }
0x34b: {  	v17 =	vsub.s32 $0x0, v17  }
0x34c: {  	v36 =	vperm.xlane v17, v8;
	_ =	sdelay $0x1  }
0x34d: {  	vm11 =	vgt.s32 v17, v36  }
0x34e: {  	v17 =	vsel vm11, v17, v36  }
0x34f: {  	v20 =	vperm.xlane v17, v11;
	_ =	sdelay $0x1  }
0x350: {  	vm0 =	vgt.s32 v17, v20  }
0x351: {  	v17 =	vsel vm0, v17, v20  }
0x352: {  	v20 =	vperm.xlane v17, v12;
	_ =	sdelay $0x1  }
0x353: {  	vm0 =	vgt.s32 v17, v20  }
0x354: {  	v17 =	vsel vm0, v17, v20  }
0x355: {  	v39 =	vld [tilespmem:$0x280];
	[tilespmem:$0x200] =	vst v19;
	v37 =	vperm.xlane v17, v10  }
0x356: {  	v38 =	vld [tilespmem:$0x200]  }
0x357: {  	vm0 =	vgt.s32 v17, v37  }
0x358: {  	v17 =	vsel vm0, v17, v37  }
0x359: {  	[tilespmem:$0x210] =	vst v21;
	v40 =	vld [tilespmem:$0x290];
	v17 =	vsub.s32 $0x0, v17  }
0x35a: {  	v21 =	vld [tilespmem:$0x210];
	vm12 =	veq.s32 v18, v17  }
0x35b: {  	v42 =	vld [tilespmem:$0x290];
	vm15 =	vlt.s32 v39, $0x40000000;
	v41 =	vsel vm12, $0xFF800000, v38  }
0x35c: {  	vm0 =	vlt.f32 v41, $-Inf;
	vm13 =	vgt.f32 v41, $-Inf;
	vm14 =	veq.f32 v41, $-Inf  }
0x35d: {  	[tilespmem:$0x220] =	vst v31;
	v43 =	vld [tilespmem:$0x2A0];
	vm0 =	vmor vm13, vm0;
	vm6 =	vmand vm14, vm15  }
0x35e: {  	v44 =	vld [tilespmem:$0x220];
	vm7 =	veq.s32 v40, v17;
	vm0 =	vmor vm0, vm6  }
0x35f: {  	v47 =	vld [tilespmem:$0x2A0];
	v21 =	vsel vm7, $0xFF800000, v21;
	v45 =	vnsel vm0, $0xFF800000, v41;
	v46 =	vnsel vm0, $0x40000000, v39  }
0x360: {  	vm8 =	veq.f32 v21, v45;
	vm9 =	vlt.s32 v42, v46  }
0x361: {  	[tilespmem:$0x230] =	vst v25;
	v48 =	vld [tilespmem:$0x2B0];
	vm2 =	vgt.f32 v21, v45;
	vm0 =	vmand vm8, vm9  }
0x362: {  	v49 =	vld [tilespmem:$0x230];
	vm10 =	veq.s32 v43, v17;
	vm0 =	vmor vm2, vm0  }
0x363: {  	v51 =	vld [tilespmem:$0x2B0];
	v32 =	vsel vm10, $0xFF800000, v44;
	v50 =	vsel vm0, v21, v45;
	v22 =	vsel vm0, v42, v46  }
0x364: {  	vm11 =	veq.f32 v32, v50;
	vm12 =	vlt.s32 v47, v22  }
0x365: {  	[tilespmem:$0x240] =	vst v23;
	v52 =	vld [tilespmem:$0x2C0];
	vm13 =	vgt.f32 v32, v50;
	vm0 =	vmand vm11, vm12  }
0x366: {  	v53 =	vld [tilespmem:$0x240];
	vm14 =	veq.s32 v48, v17;
	vm0 =	vmor vm13, vm0  }
0x367: {  	v54 =	vld [tilespmem:$0x2C0];
	v26 =	vsel vm14, $0xFF800000, v49;
	v18 =	vsel vm0, v32, v50;
	v22 =	vsel vm0, v47, v22  }
0x368: {  	vm15 =	veq.f32 v26, v18;
	vm4 =	vlt.s32 v51, v22  }
0x369: {  	[tilespmem:$0x250] =	vst v58;
	v55 =	vld [tilespmem:$0x2D0];
	vm5 =	vgt.f32 v26, v18;
	vm0 =	vmand vm15, vm4  }
0x36a: {  	v56 =	vld [tilespmem:$0x250];
	vm6 =	veq.s32 v52, v17;
	vm0 =	vmor vm5, vm0  }
0x36b: {  	v57 =	vld [tilespmem:$0x2D0];
	v25 =	vsel vm6, $0xFF800000, v53;
	v18 =	vsel vm0, v26, v18;
	v22 =	vsel vm0, v51, v22  }
0x36c: {  	vm7 =	veq.f32 v25, v18;
	vm8 =	vlt.s32 v54, v22  }
0x36d: {  	[tilespmem:$0x260] =	vst v63;
	v58 =	vld [tilespmem:$0x2E0];
	vm9 =	vgt.f32 v25, v18;
	vm0 =	vmand vm7, vm8  }
0x36e: {  	v59 =	vld [tilespmem:$0x260];
	vm10 =	veq.s32 v55, v17;
	vm0 =	vmor vm9, vm0  }
0x36f: {  	v60 =	vld [tilespmem:$0x2E0];
	v23 =	vsel vm10, $0xFF800000, v56;
	v18 =	vsel vm0, v25, v18;
	v22 =	vsel vm0, v54, v22  }
0x370: {  	vm11 =	veq.f32 v23, v18;
	vm12 =	vlt.s32 v57, v22  }
0x371: {  	v61 =	vld [tilespmem:$0x2F0];
	[tilespmem:$0x270] =	vst v24;
	vm13 =	vgt.f32 v23, v18;
	vm0 =	vmand vm11, vm12  }
0x372: {  	v62 =	vld [tilespmem:$0x270];
	vm14 =	veq.s32 v58, v17;
	vm0 =	vmor vm13, vm0  }
0x373: {  	v63 =	vld [tilespmem:$0x2F0];
	v30 =	vsel vm14, $0xFF800000, v59;
	v18 =	vsel vm0, v23, v18;
	v22 =	vsel vm0, v57, v22  }
0x374: {  	vm15 =	veq.f32 v30, v18;
	vm4 =	vlt.s32 v60, v22  }
0x375: {  	vm5 =	vgt.f32 v30, v18;
	vm0 =	vmand vm15, vm4  }
0x376: {  	vm6 =	veq.s32 v61, v17;
	vm0 =	vmor vm5, vm0  }
0x377: {  	v24 =	vsel vm6, $0xFF800000, v62;
	v18 =	vsel vm0, v30, v18;
	v22 =	vsel vm0, v60, v22  }
0x378: {  	vm7 =	veq.f32 v24, v18;
	vm8 =	vlt.s32 v63, v22  }
0x379: {  	vm9 =	vgt.f32 v24, v18;
	vm0 =	vmand vm7, vm8  }
0x37a: {  	vm0 =	vmor vm9, vm0  }
0x37b: {  	v18 =	vsel vm0, v24, v18  }
0x37c: {  	v33 =	vperm.xlane v18, v8;
	_ =	sdelay $0x1  }
0x37d: {  	v28 =	vmax.f32 v18, v33  }
0x37e: {  	v34 =	vperm.xlane v28, v11;
	_ =	sdelay $0x1  }
0x37f: {  	v28 =	vmax.f32 v28, v34  }
0x380: {  	v29 =	vperm.xlane v28, v12;
	_ =	sdelay $0x1  }
0x381: {  	v28 =	vmax.f32 v28, v29  }
0x382: {  	v29 =	vperm.xlane v28, v10;
	_ =	sdelay $0x1  }
0x383: {  	v28 =	vmax.f32 v28, v29  }
0x384: {  	v22 =	vsel vm0, v63, v22;
	vm10 =	veq.f32 v18, v28  }
0x385: {  	v18 =	vnsel vm10, $0x40000000, v22  }
0x386: {  	v18 =	vsub.s32 $0x0, v18  }
0x387: {  	v35 =	vperm.xlane v18, v8;
	_ =	sdelay $0x1  }
0x388: {  	vm11 =	vgt.s32 v18, v35  }
0x389: {  	v18 =	vsel vm11, v18, v35  }
0x38a: {  	v22 =	vperm.xlane v18, v11;
	_ =	sdelay $0x1  }
0x38b: {  	vm0 =	vgt.s32 v18, v22  }
0x38c: {  	v18 =	vsel vm0, v18, v22  }
0x38d: {  	v22 =	vperm.xlane v18, v12;
	_ =	sdelay $0x1  }
0x38e: {  	vm0 =	vgt.s32 v18, v22  }
0x38f: {  	v18 =	vsel vm0, v18, v22  }
0x390: {  	v19 =	vld [tilespmem:$0x280];
	[tilespmem:$0x200] =	vst v41;
	v36 =	vperm.xlane v18, v10  }
0x391: {  	v37 =	vld [tilespmem:$0x200]  }
0x392: {  	vm0 =	vgt.s32 v18, v36  }
0x393: {  	v18 =	vsel vm0, v18, v36  }
0x394: {  	v38 =	vld [tilespmem:$0x290];
	[tilespmem:$0x210] =	vst v21;
	v18 =	vsub.s32 $0x0, v18  }
0x395: {  	v40 =	vld [tilespmem:$0x210];
	vm12 =	veq.s32 v39, v18  }
0x396: {  	v41 =	vld [tilespmem:$0x290];
	vm15 =	vlt.s32 v19, $0x40000000;
	v39 =	vsel vm12, $0xFF800000, v37  }
0x397: {  	vm0 =	vlt.f32 v39, $-Inf;
	vm13 =	vgt.f32 v39, $-Inf;
	vm14 =	veq.f32 v39, $-Inf  }
0x398: {  	[tilespmem:$0x220] =	vst v32;
	v42 =	vld [tilespmem:$0x2A0];
	vm0 =	vmor vm13, vm0;
	vm6 =	vmand vm14, vm15  }
0x399: {  	v43 =	vld [tilespmem:$0x220];
	vm7 =	veq.s32 v38, v18;
	vm0 =	vmor vm0, vm6  }
0x39a: {  	v46 =	vld [tilespmem:$0x2A0];
	v22 =	vsel vm7, $0xFF800000, v40;
	v44 =	vnsel vm0, $0xFF800000, v39;
	v45 =	vnsel vm0, $0x40000000, v19  }
0x39b: {  	vm8 =	veq.f32 v22, v44;
	vm9 =	vlt.s32 v41, v45  }
0x39c: {  	[tilespmem:$0x230] =	vst v26;
	v47 =	vld [tilespmem:$0x2B0];
	vm10 =	vgt.f32 v22, v44;
	vm0 =	vmand vm8, vm9  }
0x39d: {  	v48 =	vld [tilespmem:$0x230];
	vm11 =	veq.s32 v42, v18;
	vm0 =	vmor vm10, vm0  }
0x39e: {  	v49 =	vld [tilespmem:$0x2B0];
	v20 =	vsel vm11, $0xFF800000, v43;
	v29 =	vsel vm0, v22, v44;
	v27 =	vsel vm0, v41, v45  }
0x39f: {  	vm12 =	veq.f32 v20, v29;
	vm13 =	vlt.s32 v46, v27  }
0x3a0: {  	[tilespmem:$0x240] =	vst v25;
	v50 =	vld [tilespmem:$0x2C0];
	vm14 =	vgt.f32 v20, v29;
	vm0 =	vmand vm12, vm13  }
0x3a1: {  	v51 =	vld [tilespmem:$0x240];
	vm15 =	veq.s32 v47, v18;
	vm0 =	vmor vm14, vm0  }
0x3a2: {  	v52 =	vld [tilespmem:$0x2C0];
	v28 =	vsel vm15, $0xFF800000, v48;
	v29 =	vsel vm0, v20, v29;
	v27 =	vsel vm0, v46, v27  }
0x3a3: {  	vm4 =	veq.f32 v28, v29;
	vm5 =	vlt.s32 v49, v27  }
0x3a4: {  	[tilespmem:$0x250] =	vst v23;
	v53 =	vld [tilespmem:$0x2D0];
	vm6 =	vgt.f32 v28, v29;
	vm0 =	vmand vm4, vm5  }
0x3a5: {  	v54 =	vld [tilespmem:$0x250];
	vm7 =	veq.s32 v50, v18;
	vm0 =	vmor vm6, vm0  }
0x3a6: {  	v55 =	vld [tilespmem:$0x2D0];
	v26 =	vsel vm7, $0xFF800000, v51;
	v29 =	vsel vm0, v28, v29;
	v27 =	vsel vm0, v49, v27  }
0x3a7: {  	vm8 =	veq.f32 v26, v29;
	vm9 =	vlt.s32 v52, v27  }
0x3a8: {  	v56 =	vld [tilespmem:$0x2E0];
	[tilespmem:$0x260] =	vst v30;
	vm10 =	vgt.f32 v26, v29;
	vm0 =	vmand vm8, vm9  }
0x3a9: {  	v57 =	vld [tilespmem:$0x260];
	vm11 =	veq.s32 v53, v18;
	vm0 =	vmor vm10, vm0  }
0x3aa: {  	v58 =	vld [tilespmem:$0x2E0];
	v25 =	vsel vm11, $0xFF800000, v54;
	v29 =	vsel vm0, v26, v29;
	v27 =	vsel vm0, v52, v27  }
0x3ab: {  	vm12 =	veq.f32 v25, v29;
	vm13 =	vlt.s32 v55, v27  }
0x3ac: {  	v59 =	vld [tilespmem:$0x2F0];
	[tilespmem:$0x270] =	vst v24;
	vm14 =	vgt.f32 v25, v29;
	vm0 =	vmand vm12, vm13  }
0x3ad: {  	v60 =	vld [tilespmem:$0x270];
	vm15 =	veq.s32 v56, v18;
	vm0 =	vmor vm14, vm0  }
0x3ae: {  	v61 =	vld [tilespmem:$0x2F0];
	v23 =	vsel vm15, $0xFF800000, v57;
	v29 =	vsel vm0, v25, v29;
	v27 =	vsel vm0, v55, v27  }
0x3af: {  	vm4 =	veq.f32 v23, v29;
	vm5 =	vlt.s32 v58, v27  }
0x3b0: {  	vm6 =	vgt.f32 v23, v29;
	vm0 =	vmand vm4, vm5  }
0x3b1: {  	vm7 =	veq.s32 v59, v18;
	vm0 =	vmor vm6, vm0  }
0x3b2: {  	v24 =	vsel vm7, $0xFF800000, v60;
	v29 =	vsel vm0, v23, v29;
	v27 =	vsel vm0, v58, v27  }
0x3b3: {  	vm8 =	veq.f32 v24, v29;
	vm9 =	vlt.s32 v61, v27  }
0x3b4: {  	vm10 =	vgt.f32 v24, v29;
	vm0 =	vmand vm8, vm9  }
0x3b5: {  	vm0 =	vmor vm10, vm0  }
0x3b6: {  	v29 =	vsel vm0, v24, v29  }
0x3b7: {  	v62 =	vperm.xlane v29, v8;
	_ =	sdelay $0x1  }
0x3b8: {  	v30 =	vmax.f32 v29, v62  }
0x3b9: {  	v63 =	vperm.xlane v30, v11;
	_ =	sdelay $0x1  }
0x3ba: {  	v30 =	vmax.f32 v30, v63  }
0x3bb: {  	v32 =	vperm.xlane v30, v12;
	_ =	sdelay $0x1  }
0x3bc: {  	v30 =	vmax.f32 v30, v32  }
0x3bd: {  	v32 =	vperm.xlane v30, v10;
	_ =	sdelay $0x1  }
0x3be: {  	v30 =	vmax.f32 v30, v32  }
0x3bf: {  	v27 =	vsel vm0, v61, v27;
	vm11 =	veq.f32 v29, v30  }
0x3c0: {  	v27 =	vnsel vm11, $0x40000000, v27  }
0x3c1: {  	v27 =	vsub.s32 $0x0, v27  }
0x3c2: {  	v8 =	vperm.xlane v27, v8;
	_ =	sdelay $0x1  }
0x3c3: {  	vm12 =	vgt.s32 v27, v8  }
0x3c4: {  	v8 =	vsel vm12, v27, v8  }
0x3c5: {  	v11 =	vperm.xlane v8, v11;
	_ =	sdelay $0x1  }
0x3c6: {  	v34 =	vld [tilespmem:$0x290];
	vm0 =	vgt.s32 v8, v11  }
0x3c7: {  	v36 =	vld [tilespmem:$0x2A0];
	v8 =	vsel vm0, v8, v11  }
0x3c8: {  	v38 =	vld [tilespmem:$0x2B0];
	v12 =	vperm.xlane v8, v12  }
0x3c9: {  	v50 =	vld [tilespmem:$0x2F0];
	[tilespmem:$0x200] =	vst v39  }
0x3ca: {  	[tilespmem:$0x210] =	vst v22;
	v21 =	vld [tilespmem:$0x200];
	vm0 =	vgt.s32 v8, v12  }
0x3cb: {  	[tilespmem:$0x220] =	vst v20;
	v33 =	vld [tilespmem:$0x210];
	v8 =	vsel vm0, v8, v12  }
0x3cc: {  	v35 =	vld [tilespmem:$0x220];
	[tilespmem:$0x250] =	vst v25;
	v10 =	vperm.xlane v8, v10  }
0x3cd: {  	[tilespmem:$0x240] =	vst v26;
	v43 =	vld [tilespmem:$0x250]  }
0x3ce: {  	v40 =	vlaneseq.u32;
	[tilespmem:$0x230] =	vst v28;
	v39 =	vld [tilespmem:$0x240];
	vm13 =	vgt.s32 v8, v10  }
0x3cf: {  	vm1 =	veq.s32 v6, v40;
	vm7 =	veq.s32 v1, v40;
	v37 =	vld [tilespmem:$0x230];
	v42 =	vsel vm13, v8, v10  }
0x3d0: {  	vm2 =	veq.s32 v5, v40;
	v51 =	vnsel vm7, $0x40000000, v9;
	v41 =	vld [tilespmem:$0x2C0];
	v44 =	vsub.s32 $0x0, v42  }
0x3d1: {  	[tilespmem:$0x270] =	vst v24;
	v45 =	vld [tilespmem:$0x2D0];
	vm14 =	veq.s32 v4, v40;
	vm4 =	veq.s32 v3, v40;
	vm6 =	veq.s32 v19, v44  }
0x3d2: {  	v48 =	vld [tilespmem:$0x2E0];
	[tilespmem:$0x260] =	vst v23;
	vm5 =	veq.s32 v2, v40;
	vm15 =	veq.s32 v34, v44;
	v47 =	vsel vm6, $0xFF800000, v21  }
0x3d3: {  	v46 =	vld [tilespmem:$0x260];
	vm0 =	veq.s32 v7, v40;
	vm9 =	veq.s32 v36, v44;
	v49 =	vsel vm15, $0xFF800000, v33;
	[tilespmem:$0x200] =	vst v47  }
0x3d4: {  	v53 =	vld [tilespmem:$0x270];
	v8 =	vsel vm5, v13, v51;
	vm10 =	veq.s32 v38, v44;
	v52 =	vsel vm9, $0xFF800000, v35;
	[tilespmem:$0x210] =	vst v49  }
0x3d5: {  	v8 =	vsel vm4, v14, v8;
	vm11 =	veq.s32 v41, v44;
	v54 =	vsel vm10, $0xFF800000, v37;
	[tilespmem:$0x220] =	vst v52  }
0x3d6: {  	vm12 =	veq.s32 v45, v44;
	v56 =	vsel vm14, v15, v8;
	v55 =	vsel vm11, $0xFF800000, v39;
	[tilespmem:$0x230] =	vst v54  }
0x3d7: {  	vm13 =	veq.s32 v48, v44;
	v57 =	vsel vm12, $0xFF800000, v43;
	v58 =	vsel vm2, v16, v56;
	[tilespmem:$0x240] =	vst v55  }
0x3d8: {  	vm14 =	veq.s32 v50, v44;
	v59 =	vsel vm13, $0xFF800000, v46;
	[tilespmem:$0x250] =	vst v57;
	v60 =	vsel vm1, v17, v58  }
0x3d9: {  	vm15 =	veq.s32 v0, v40;
	v61 =	vsel vm14, $0xFF800000, v53;
	[tilespmem:$0x260] =	vst v59;
	v62 =	vsel vm0, v18, v60  }
0x3da: {  	[tilespmem:$0x270] =	vst v61;
	v63 =	vsel vm15, v44, v62  }
0x3db: {  	[tilespmem:$0x180] =	vst v63  }
0x3dc: {  	[spmem:s10] =	stream.linear.scatter [tilespmem:s12], [sflag:$0x2], $0x10, $0x38;
	[tilespmem:$0x44A8] =	vst v63  }
0x3dd: {  	_ =	swait.ge [sflag:s11], $0x10  }
0x3de: {  	[sflag:s11] =	ssyncset.done $0x0  }
0x3df: {  	p0 =	sne.s32 s2, $0x0;
	[sflag:s11] =	ssyncadd.s32 $0xFFFFFFF0  }
0x3e0: {  	s10 =	simm.s32 @!p0 $0x300;
	[bflag:$0x0] =	sbarrier.arrive $0xFFFF  }
0x3e1: {  	[tilespmem:s10], [sflag:$0x2] =	stream.linear.gather @!p0 [spmem:s8], $0x10, $0x38;
	[tilespmem:$0x44A8] =	vst v63  }
0x3e2: {  	s8 =	simm.s32 @!p0 $0x2  }
0x3e3: {  	_ =	swait.ge @!p0 [sflag:s8], $0x10  }
0x3e4: {  	[sflag:s8] =	ssyncset.done @!p0 $0x0  }
0x3e5: {  	s10 =	simm.s32 @!p0 $0x380;
	[sflag:s8] =	ssyncadd.s32 @!p0 $0xFFFFFFF0  }
0x3e6: {  	[tilespmem:s10], [sflag:$0x2] =	stream.linear.gather @!p0 [spmem:s9], $0x10, $0x38;
	[tilespmem:$0x44A8] =	vst v63  }
0x3e7: {  	_ =	swait.ge @!p0 [sflag:s8], $0x10  }
0x3e8: {  	[sflag:s8] =	ssyncset.done @!p0 $0x0  }
0x3e9: {  	[sflag:s8] =	ssyncadd.s32 @!p0 $0xFFFFFFF0  }
0x3ea: {  	v0 =	vld @!p0 [tilespmem:$0x300]  }
0x3eb: {  	v1 =	vld @!p0 [tilespmem:$0x380];
	_ =	sdelay $0x3  }
0x3ec: {  	vm0 =	vmmov @!p0 $0xff  }
0x3ed: {  	v0 =	vsel @!p0 vm0, v0, v1  }
0x3ee: {  	s9 =	simm.s32 @!p0 $0x0;
	s10 =	simm.s32 @!p0 $0x400;
	[tilespmem:$0x400] =	vst @!p0 v0  }
0x3ef: {  	[hbm4b:s4+s9] =	stream.linear.scatter @!p0 [tilespmem:s10], [sflag:$0x2], $0x80, $0x38;
	[tilespmem:$0x44A8] =	vst v63  }
0x3f0: {  	_ =	swait.ge @!p0 [sflag:s8], $0x80  }
0x3f1: {  	[sflag:s8] =	ssyncset.done @!p0 $0x0  }
0x3f2: {  	[sflag:s8] =	ssyncadd.s32 @!p0 $0xFFFFFF80  }
0x3f3: {  	v0 =	vld @!p0 [tilespmem:$0x400];
	_ =	sdelay $0x4  }
0x3f4: {  	v1 =	vshll.u32 @!p0 v0, $0x3  }
0x3f5: {  	v2 =	vlaneseq.u32 @!p0;
	v0 =	vand.u32 @!p0 $0x7, v0;
	v1 =	vand.u32 @!p0 $0xFFFFFFC0, v1  }
0x3f6: {  	v3 =	vshrl.u32 @!p0 v2, $0x3;
	v0 =	vor.u32 @!p0 v0, v1;
	v1 =	vand.u32 @!p0 $0x7, v2  }
0x3f7: {  	v3 =	vmul.u32 @!p0 $0x8, v3;
	v1 =	vperm.xlane @!p0 v0, v1;
	_ =	sdelay $0x1  }
0x3f8: {  	v1 =	vadd.s32 @!p0 v3, v1;
	_ =	sdelay $0x3  }
0x3f9: {  	vm0 =	vmmov @!p0 $0xffff;
	s4 =	simm.s32 @!p0 $0x480  }
0x3fa: {  	v2 =	vor.u32 @!p0 $0x8, v2;
	[tilespmem:s4], [sflag:$0x1] =	stream.indirect_vreg.gather @!p0 [hbm4b:s3+s9], $0x80, v1, vm0, $0xb8;
	[tilespmem:$0x44A8] =	vst v63  }
0x3fb: {  	s10 =	simm.s32 @!p0 $0xC80;
	v0 =	vperm.xlane @!p0 v0, v2  }
0x3fc: {  	[tilespmem:s10], [sflag:$0x1] =	stream.indirect_vreg.gather @!p0 [hbm4b:s5+s9], $0x80, v1, vm0, $0xb8;
	[tilespmem:$0x44A8] =	vst v63  }
0x3fd: {  	v0 =	vadd.s32 @!p0 v3, v0;
	s10 =	simm.s32 @!p0 $0x1480  }
0x3fe: {  	[tilespmem:s10], [sflag:$0x1] =	stream.indirect_vreg.gather @!p0 [hbm4b:s7+s9], $0x80, v1, vm0, $0xb8;
	[tilespmem:$0x44A8] =	vst v63  }
0x3ff: {  	s10 =	simm.s32 @!p0 $0x1C80  }
0x400: {  	[tilespmem:s10], [sflag:$0x1] =	stream.indirect_vreg.gather @!p0 [hbm4b:s6+s9], $0x80, v1, vm0, $0xb8;
	[tilespmem:$0x44A8] =	vst v63  }
0x401: {  	s10 =	simm.s32 @!p0 $0x2480  }
0x402: {  	[tilespmem:s10], [sflag:$0x1] =	stream.indirect_vreg.gather @!p0 [hbm4b:s3+s9], $0x80, v0, vm0, $0xb8;
	[tilespmem:$0x44A8] =	vst v63  }
0x403: {  	s3 =	simm.s32 @!p0 $0x2C80  }
0x404: {  	[tilespmem:s3], [sflag:$0x1] =	stream.indirect_vreg.gather @!p0 [hbm4b:s5+s9], $0x80, v0, vm0, $0xb8;
	[tilespmem:$0x44A8] =	vst v63  }
0x405: {  	s3 =	simm.s32 @!p0 $0x3480  }
0x406: {  	[tilespmem:s3], [sflag:$0x1] =	stream.indirect_vreg.gather @!p0 [hbm4b:s7+s9], $0x80, v0, vm0, $0xb8;
	[tilespmem:$0x44A8] =	vst v63  }
0x407: {  	s3 =	simm.s32 @!p0 $0x3C80  }
0x408: {  	[tilespmem:s3], [sflag:$0x1] =	stream.indirect_vreg.gather @!p0 [hbm4b:s6+s9], $0x80, v0, vm0, $0xb8;
	[tilespmem:$0x44A8] =	vst v63  }
0x409: {  	s3 =	simm.s32 @!p0 $0x1  }
0x40a: {  	_ =	swait.ge @!p0 [sflag:s3], $0x4000  }
0x40b: {  	[sflag:s3] =	ssyncset.done @!p0 $0x0  }
.Ltmp18:
0x40c: {  	[sflag:s3] =	ssyncadd.s32 @!p0 $0xFFFFC000;
	(pc) =	sbr.rel .LBB2_36-.Ltmp18, $4  }
0x40d: {  	[hbm4b:s1+s9] =	stream.linear.scatter @!p0 [tilespmem:s4], [sflag:$0x2], $0x4000, $0x38;
	[tilespmem:$0x44A8] =	vst v63  }
0x40e: {  	_ =	swait.ge @!p0 [sflag:s8], $0x4000  }
0x40f: {  	[sflag:s8] =	ssyncset.done @!p0 $0x0  }
0x410: {  	[sflag:s8] =	ssyncadd.s32 @!p0 $0xFFFFC000  }
.LBB2_34:
0x411: {  	[bflag:$0x0] =	sbarrier.arrive $0xFFFF  }
.LBB2_36:
0x412: {  	_ =	sfence.sel $0x180000  }
0x413: {  	[bflag:$0x0] =	sbarrier.arrive $0xFFFF  }
0x414: {  	p0 =	sne.s32 s2, $0x0;
	_ =	strace $0x90000047  }
0x415: {  	s0 =	sadd.s32 @!p0 $0x100000, s0;
	[bflag:$0x2] =	sbarrier.arrive $0xFFFF  }
0x416: {  	[sflag:s0] =	ssyncadd.tile.s32 @!p0 $0x1;
	_ =	shalt  }
.Lfunc_end2:
_tile_overlayer_lowered:
.L_overlay_start_2:
0x417: {  	(tag) =	ssettag $0x2  }
0x418: {  	s0 =	rddreg [dreg:$0x0];
	s2 =	stileid.u32  }
0x419: {  	s1 =	rddreg [dreg:$0x1];
	p0 =	sne.s32 s2, $0x0  }
0x41a: {  	s3 =	rddreg [dreg:$0x2];
	[bflag:$0x3] =	sbarrier.arrive $0xFFFF;
	s2 =	simm.s32 @!p0 $0x1C02  }
0x41b: {  	[timem:s3], [sflag:s2] =	dma.local @!p0 [hbm:s0], s1  }
0x41c: {  	s0 =	simm.s32 @!p0 $0x2  }
0x41d: {  	_ =	swait.ge @!p0 [sflag:s0], s1  }
0x41e: {  	s1 =	ssub.s32 @!p0 $0x0, s1;
	[sflag:s0] =	ssyncset.done @!p0 $0x0  }
0x41f: {  	[sflag:s0] =	ssyncadd.s32 @!p0 s1  }
0x420: {  	[bflag:$0x3] =	sbarrier.arrive $0xFFFF  }
0x421: {  	_ =	shalt  }

</sc_bundles>
